<compile_context>
chip_gen: v7x
topology: tpu7x:2x2x1
jax: 0.10.2.dev20260603
libtpu: 0.0.44.dev20260713+nightly
codegen_flags: <defaults>
</compile_context>

<pallas_src>
import functools

import jax
import jax.numpy as jnp
from jax import lax
from jax.experimental import pallas as pl
from jax.experimental.pallas import tpu as pltpu
from jax.experimental.pallas import tpu_sc as plsc

_B = 2
_C = 22
_NCLS = _C - 1
_HS, _WS = 120, 160
_P = _HS * _WS
_NSTEP = 8
_NBINS = _P
_ACC_N = _B * _NCLS * _NBINS
_NV = _B * _NSTEP * _P
_NC, _NS = 2, 16
_NW = _NC * _NS
_CHUNK = 128
_NCHUNK = _NV // (_NW * _CHUNK)
_ACC_PAD = 819200
_SLICE = _ACC_PAD // _NS
_ZB = 6400


_HB = 32
_RPS = _HB // 4
_NG = 480 // _HB


def _prep_body(lab_ref, vp_ref, vidx_ref, vval_ref, stats_ref):
    b = pl.program_id(0)
    g = pl.program_id(1)
    ws_acc = jnp.zeros((_NCLS, 1), jnp.float32)
    wz_acc = jnp.zeros((_NCLS, 1), jnp.float32)
    s_i = lax.broadcasted_iota(jnp.int32, (640, _WS), 0)
    s_j = lax.broadcasted_iota(jnp.int32, (640, _WS), 1)
    sel4 = (s_i == 4 * s_j).astype(jnp.float32)
    x_all = jnp.concatenate(
        [lab_ref[0, :, 4 * r, :] for r in range(_RPS)]
        + [vp_ref[0, :, 4 * r, :] for r in range(_RPS)], axis=0)
    xd = lax.dot(x_all, sel4, precision=lax.Precision.HIGHEST,
                 preferred_element_type=jnp.float32)
    row_iota = lax.broadcasted_iota(jnp.int32, (_C, _WS), 0)
    row_iota66 = lax.broadcasted_iota(jnp.int32, (3 * _C, _WS), 0)
    t8 = ((lax.broadcasted_iota(jnp.int32, (_NSTEP, 1), 0) + 1) * 8).astype(jnp.float32)
    x_iota = lax.broadcasted_iota(jnp.int32, (1, _WS), 1)
    xs = (x_iota * 4).astype(jnp.float32)
    cls_iota = lax.broadcasted_iota(jnp.int32, (_NCLS, _WS), 0) + 1
    for r in range(_RPS):
        lab = xd[_C * r:_C * r + _C]
        m = jnp.max(lab, axis=0, keepdims=True)
        esum = jnp.sum(jnp.exp(lab - m), axis=0, keepdims=True)
        prob = 1.0 / esum
        labels = jnp.min(jnp.where(lab == m, row_iota, _C), axis=0, keepdims=True)

        vp = xd[_C * _RPS + 3 * _C * r:_C * _RPS + 3 * _C * (r + 1)]
        lab3 = 3 * labels
        nx = jnp.sum(jnp.where(row_iota66 == lab3, vp, 0.0), axis=0, keepdims=True)
        ny = jnp.sum(jnp.where(row_iota66 == lab3 + 1, vp, 0.0), axis=0, keepdims=True)
        vz = jnp.sum(jnp.where(row_iota66 == lab3 + 2, vp, 0.0), axis=0, keepdims=True)

        nrm = jnp.sqrt(nx * nx + ny * ny) + 1e-6
        nxn = nx / nrm
        nyn = ny / nrm
        z = jnp.exp(jnp.clip(vz, -3.0, 3.0))
        w = jnp.where(labels >= 1, prob, 0.0)

        ys = jnp.zeros((1, _WS), jnp.float32) + (_HB * g + 4 * r).astype(jnp.float32)
        cm = jnp.maximum(labels - 1, 0)
        base = (b * _NCLS + cm) * _NBINS
        ix = jnp.clip(((xs + t8 * nxn) * 0.25).astype(jnp.int32), 0, _WS - 1)
        iy = jnp.clip(((ys + t8 * nyn) * 0.25).astype(jnp.int32), 0, _HS - 1)
        vidx_ref[0, r, :, :] = base + iy * _WS + ix
        vval_ref[0, r, :, :] = jnp.broadcast_to(w, (_NSTEP, _WS))

        selm = jnp.broadcast_to(labels, (_NCLS, _WS)) == cls_iota
        wm = jnp.where(selm, jnp.broadcast_to(prob, (_NCLS, _WS)), 0.0)
        wzm = jnp.where(selm, jnp.broadcast_to(prob * z, (_NCLS, _WS)), 0.0)
        ws_acc = ws_acc + jnp.sum(wm, axis=1, keepdims=True)
        wz_acc = wz_acc + jnp.sum(wzm, axis=1, keepdims=True)

    @pl.when(g == 0)
    def _init():
        stats_ref[0, :, 0:1] = ws_acc
        stats_ref[0, :, 1:2] = wz_acc

    @pl.when(g != 0)
    def _acc():
        stats_ref[0, :, 0:1] += ws_acc
        stats_ref[0, :, 1:2] += wz_acc


def _prep(label_2d, vertex_pred):
    return pl.pallas_call(
        _prep_body,
        grid=(_B, _NG),
        in_specs=[
            pl.BlockSpec((1, _C, _HB, 640), lambda b, g: (b, 0, g, 0)),
            pl.BlockSpec((1, 3 * _C, _HB, 640), lambda b, g: (b, 0, g, 0)),
        ],
        out_specs=[
            pl.BlockSpec((1, _RPS, _NSTEP, _WS), lambda b, g: (b, g, 0, 0)),
            pl.BlockSpec((1, _RPS, _NSTEP, _WS), lambda b, g: (b, g, 0, 0)),
            pl.BlockSpec((1, _NCLS, 2), lambda b, g: (b, 0, 0)),
        ],
        out_shape=[
            jax.ShapeDtypeStruct((_B, _HS, _NSTEP, _WS), jnp.int32),
            jax.ShapeDtypeStruct((_B, _HS, _NSTEP, _WS), jnp.float32),
            jax.ShapeDtypeStruct((_B, _NCLS, 2), jnp.float32),
        ],
    )(label_2d, vertex_pred)


def _scatter_body(vidx_hbm, vval_hbm, out_hbm, idx_v, val_v, zbuf, acc_sh):
    cid = lax.axis_index("c")
    sid = lax.axis_index("s")
    wid = sid * _NC + cid

    def _zb(i, carry):
        zbuf[pl.ds(i * 16, 16)] = jnp.zeros((16,), jnp.float32)
        return carry

    lax.fori_loop(0, _ZB // 16, _zb, 0)
    for k in range(_SLICE // _ZB):
        pltpu.sync_copy(zbuf, acc_sh.at[pl.ds(sid * _SLICE + k * _ZB, _ZB)])
    plsc.subcore_barrier()

    pltpu.sync_copy(vidx_hbm.at[wid], idx_v)
    pltpu.sync_copy(vval_hbm.at[wid], val_v)
    for j in range(_NCHUNK):
        pltpu.sync_copy(val_v.at[j], acc_sh.at[idx_v.at[j]], add=True)
    plsc.subcore_barrier()
    pltpu.sync_copy(acc_sh.at[pl.ds(sid * _SLICE, _SLICE)],
                    out_hbm.at[cid, 0, pl.ds(sid * _SLICE, _SLICE)])


def _make_scatter():
    return functools.partial(
        pl.kernel,
        out_type=jax.ShapeDtypeStruct((_NC, 1, _ACC_PAD), jnp.float32),
        mesh=plsc.VectorSubcoreMesh(core_axis_name="c", subcore_axis_name="s",
                                    num_cores=_NC, num_subcores=_NS),
        scratch_types=[
            pltpu.VMEM((_NCHUNK, _CHUNK), jnp.int32),
            pltpu.VMEM((_NCHUNK, _CHUNK), jnp.float32),
            pltpu.VMEM((_ZB,), jnp.float32),
            pltpu.VMEM_SHARED((_ACC_PAD,), jnp.float32),
        ],
    )(_scatter_body)


def _fin_body(acc_ref, stats_ref, ext_ref, md_ref, roi_ref, pose_ref):
    rows = []
    for b in range(_B):
        for c in range(_NCLS):
            off = (b * _NCLS + c) * _NBINS
            rows.append(acc_ref[0, 0:1, off:off + _NBINS]
                        + acc_ref[1, 0:1, off:off + _NBINS])
    a = jnp.concatenate(rows, axis=0)
    nr = _B * _NCLS
    mx = jnp.max(a, axis=1, keepdims=True)
    lin = lax.broadcasted_iota(jnp.int32, (nr, _NBINS), 1)
    am = jnp.min(jnp.where(a == mx, lin, _NBINS), axis=1, keepdims=True)
    cy = (am // _WS).astype(jnp.float32) * 4.0
    cx = (am % _WS).astype(jnp.float32) * 4.0

    ws = jnp.concatenate([stats_ref[0, :, 0:1], stats_ref[1, :, 0:1]], axis=0) + 1e-6
    wz = jnp.concatenate([stats_ref[0, :, 1:2], stats_ref[1, :, 1:2]], axis=0)
    zbar = wz / ws
    emax = jnp.max(ext_ref[...], axis=1, keepdims=True)[1:_C]
    em2 = jnp.concatenate([emax, emax], axis=0)
    riota = lax.broadcasted_iota(jnp.int32, (nr, 1), 0)
    isb1 = riota >= _NCLS
    fx = jnp.where(isb1, md_ref[1, 0], md_ref[0, 0])
    fy = jnp.where(isb1, md_ref[1, 4], md_ref[0, 4])
    pxc = jnp.where(isb1, md_ref[1, 2], md_ref[0, 2])
    pyc = jnp.where(isb1, md_ref[1, 5], md_ref[0, 5])
    bw = fx * em2 / zbar
    bh = fy * em2 / zbar
    valid = (mx > 100.0).astype(jnp.float32)
    cls = (riota % _NCLS + 1).astype(jnp.float32)

    roi_cols = [cls, cx - bw * 0.5, cy - bh * 0.5, cx + bw * 0.5,
                cy + bh * 0.5, mx, valid]
    pose_cols = [(cx - pxc) * zbar / fx, (cy - pyc) * zbar / fy,
                 zbar, mx / (ws + float(_NSTEP))]
    for k, col in enumerate(roi_cols):
        roi_ref[0, :, k:k + 1] = col[0:_NCLS]
        roi_ref[1, :, k:k + 1] = col[_NCLS:nr]
    for k, col in enumerate(pose_cols):
        pose_ref[0, :, k:k + 1] = col[0:_NCLS]
        pose_ref[1, :, k:k + 1] = col[_NCLS:nr]


def _finalize(acc2, stats, extents, mdata):
    return pl.pallas_call(
        _fin_body,
        out_shape=[
            jax.ShapeDtypeStruct((_B, _NCLS, 7), jnp.float32),
            jax.ShapeDtypeStruct((_B, _NCLS, 4), jnp.float32),
        ],
    )(acc2, stats, extents, mdata)


def kernel(label_2d, vertex_pred, extents, poses, mdata):
    vidx, vval, stats = _prep(label_2d, vertex_pred)
    acc2 = _make_scatter()(vidx.reshape(_NW, _NCHUNK, _CHUNK),
                           vval.reshape(_NW, _NCHUNK, _CHUNK))
    return _finalize(acc2, stats, extents, mdata)

# --- scband reference (transcript-rebuilt; emitter-appended) ---
"""Pipeline reference for scband-hough-vote-layer-23871428231214 (READ-ONLY COPY).

The authoritative reference and input builder live on the scoring server;
editing this copy changes nothing except your own understanding.
"""

import jax, jax.numpy as jnp
import numpy as np

DIM_IN = 22
SKIP = 4
NUM_STEPS = 8
THRESH_VOTE = 100.0


def setup_inputs(seed: int = 0):
    key = jax.random.key(seed)
    k1, k2, k3, k4 = jax.random.split(key, 4)
    B, C, H, W = 2, DIM_IN, 480, 640
    label_2d = jax.random.normal(k1, (B, C, H, W), dtype=jnp.float32)
    vertex_pred = jax.random.normal(k2, (B, 3 * C, H, W), dtype=jnp.float32)
    extents = jax.random.uniform(k3, (C, 3), dtype=jnp.float32) * 0.3 + 0.05
    poses = jax.random.uniform(k4, (C, 13), dtype=jnp.float32)
    Kcam = jnp.array([572.4114, 0.0, 325.2611, 0.0, 573.5704, 242.0489, 0.0, 0.0, 1.0], dtype=jnp.float32)
    mdata = jnp.tile(jnp.concatenate([Kcam, jnp.zeros(39, dtype=jnp.float32)])[None, :], (B, 1))
    return {"label_2d": label_2d, "vertex_pred": vertex_pred, "extents": extents, "poses": poses, "mdata": mdata}


def reference(label_2d, vertex_pred, extents, poses, mdata):
    # Faithful jax translation of PoseCNN-style hough voting.
    # forward permutes vertex_pred (B,3C,H,W) -> (B,H,W,3C) before voting.
    B, C, H, W = label_2d.shape
    vp = jnp.transpose(vertex_pred, (0, 2, 3, 1))
    prob = jax.nn.softmax(label_2d, axis=1)
    labels = jnp.argmax(label_2d, axis=1)
    ys, xs = jnp.meshgrid(jnp.arange(0, H, SKIP, dtype=jnp.float32),
                          jnp.arange(0, W, SKIP, dtype=jnp.float32), indexing='ij')
    Hs, Ws = ys.shape
    sub_labels = labels[:, ::SKIP, ::SKIP]
    sub_prob = prob[:, :, ::SKIP, ::SKIP]
    sub_vp = vp[:, ::SKIP, ::SKIP, :]
    fx = mdata[:, 0]; fy = mdata[:, 4]; pxc = mdata[:, 2]; pyc = mdata[:, 5]
    t = jnp.arange(1, NUM_STEPS + 1, dtype=jnp.float32) * SKIP * 2.0
    bidx = jnp.arange(B)[:, None, None, None]
    rois = []
    outposes = []
    for c in range(1, C):
        nx = sub_vp[..., 3 * c]
        ny = sub_vp[..., 3 * c + 1]
        nrm = jnp.sqrt(nx * nx + ny * ny) + 1e-6
        nx = nx / nrm
        ny = ny / nrm
        z = jnp.exp(jnp.clip(sub_vp[..., 3 * c + 2], -3.0, 3.0))
        w = sub_prob[:, c] * (sub_labels == c).astype(jnp.float32)
        vx = xs[None, None] + t[None, :, None, None] * nx[:, None]
        vy = ys[None, None] + t[None, :, None, None] * ny[:, None]
        ix = jnp.clip((vx / SKIP).astype(jnp.int32), 0, Ws - 1)
        iy = jnp.clip((vy / SKIP).astype(jnp.int32), 0, Hs - 1)
        flat = iy * Ws + ix
        wv = jnp.broadcast_to(w[:, None], flat.shape)
        bb = jnp.broadcast_to(bidx, flat.shape)
        acc = jnp.zeros((B, Hs * Ws), dtype=jnp.float32).at[bb.reshape(-1), flat.reshape(-1)].add(wv.reshape(-1))
        max_votes = jnp.max(acc, axis=1)
        amax = jnp.argmax(acc, axis=1)
        cy = (amax // Ws).astype(jnp.float32) * SKIP
        cx = (amax % Ws).astype(jnp.float32) * SKIP
        wsum = jnp.sum(w, axis=(1, 2)) + 1e-6
        zbar = jnp.sum(w * z, axis=(1, 2)) / wsum
        ext = jnp.max(extents[c])
        bw = fx * ext / zbar
        bh = fy * ext / zbar
        valid = (max_votes > THRESH_VOTE).astype(jnp.float32)
        roi = jnp.stack([jnp.full((B,), float(c)), cx - bw / 2.0, cy - bh / 2.0, cx + bw / 2.0, cy + bh / 2.0, max_votes, valid], axis=1)
        tx = (cx - pxc) * zbar / fx
        ty = (cy - pyc) * zbar / fy
        pose = jnp.stack([tx, ty, zbar, max_votes / (wsum + NUM_STEPS)], axis=1)
        rois.append(roi)
        outposes.append(pose)
    return jnp.stack(rois, axis=1), jnp.stack(outposes, axis=1)

if __name__ == "__main__":
    import jax
    _d = setup_inputs()
    print(jax.jit(kernel)(*tuple(_d.values())))

</pallas_src>

<mosaic_0001>
#map = affine_map<(d0, d1) -> (0, 0, 0)>
module attributes {stable_mosaic.version = 14 : i64} {
  func.func @_scatter_body(%arg0: i32, %arg1: i32, %arg2: memref<32x75x128xi32, #tpu.memory_space<hbm>>, %arg3: memref<32x75x128xf32, #tpu.memory_space<hbm>>, %arg4: memref<2x1x819200xf32, #tpu.memory_space<hbm>>, %arg5: memref<75x128xi32, #tpu.memory_space<vmem>>, %arg6: memref<75x128xf32, #tpu.memory_space<vmem>>, %arg7: memref<6400xf32, #tpu.memory_space<vmem>>, %arg8: memref<819200xf32, #tpu.memory_space<vmem_shared>>) attributes {dimension_semantics = [#tpu.dimension_semantics<core_parallel>, #tpu.dimension_semantics<subcore_parallel>], iteration_bounds = array<i64: 2, 16>, scalar_prefetch = 0 : i64, scratch_operands = 4 : i64, tpu.core_type = #tpu.core_type<sc_vector_subcore>, window_params = [{transform_indices = #map}, {transform_indices = #map}, {transform_indices = #map}]} {
    %mul3A = arith.constant 2 : i32
    %mul3A_0 = arith.muli %arg1, %mul3A : i32
    %add3A = arith.addi %mul3A_0, %arg0 : i32
    %scan3A = arith.constant 0 : i32
    %scan3A_1 = arith.constant 0 : i32
    %scan3A_2 = arith.constant 400 : i32
    %scan3A_3 = arith.addi %scan3A_1, %scan3A_2 : i32
    %scan3A_4 = arith.constant 1 : i32
    scf.for %scan3A_193 = %scan3A_1 to %scan3A_3 step %scan3A_4  : i32 {
      %broadcast_in_dim3A = arith.constant 0.000000e+00 : f32
      %broadcast_in_dim3A_194 = vector.broadcast %broadcast_in_dim3A : f32 to vector<16xf32>
      %mul3A_195 = arith.constant 16 : i32
      %mul3A_196 = arith.muli %scan3A_193, %mul3A_195 : i32
      %swap3A = arith.index_cast %mul3A_196 : i32 to index
      %swap3A_197 = tpu.vector_load %arg7[%swap3A] {strides = array<i32>} : memref<6400xf32, #tpu.memory_space<vmem>>, vector<16xf32>,
      %swap3A_198 = vector.shape_cast %swap3A_197 : vector<16xf32> to vector<16xf32>
      %swap3A_199 = vector.shape_cast %broadcast_in_dim3A_194 : vector<16xf32> to vector<16xf32>
      tpu.vector_store %arg7[%swap3A], %swap3A_199 {strides = array<i32>} : memref<6400xf32, #tpu.memory_space<vmem>>, vector<16xf32>,
    }
    %scan3A_5 = arith.constant 400 : i32
    %mul3A_6 = arith.constant 51200 : i32
    %mul3A_7 = arith.muli %arg1, %mul3A_6 : i32
    %add3A_8 = arith.constant 0 : i32
    %add3A_9 = arith.addi %mul3A_7, %add3A_8 : i32
    "tpu.region"() ({
      %run_scoped3A_193 = tpu.sem_alloc : memref<!tpu.dma_semaphore, #tpu.memory_space<semaphore_mem>>
      %dma_start3A = tpu.memref_slice %arg8[%add3A_9] : memref<819200xf32, #tpu.memory_space<vmem_shared>> -> memref<6400xf32, #tpu.memory_space<vmem_shared>>
      %dma_start3A_194 = tpu.memref_slice %arg8[%add3A_9] : memref<819200xf32, #tpu.memory_space<vmem_shared>> -> memref<6400xf32, #tpu.memory_space<vmem_shared>>
      tpu.enqueue_dma source(%arg7 : memref<6400xf32, #tpu.memory_space<vmem>>) target(%dma_start3A_194 : memref<6400xf32, #tpu.memory_space<vmem_shared>>) target_semaphore(%run_scoped3A_193 : memref<!tpu.dma_semaphore, #tpu.memory_space<semaphore_mem>>)
      %dma_wait3A = tpu.memref_slice %arg8[%add3A_9] : memref<819200xf32, #tpu.memory_space<vmem_shared>> -> memref<6400xf32, #tpu.memory_space<vmem_shared>>
      %dma_wait3A_195 = tpu.memref_slice %arg8[%add3A_9] : memref<819200xf32, #tpu.memory_space<vmem_shared>> -> memref<6400xf32, #tpu.memory_space<vmem_shared>>
      tpu.wait_dma2 semaphore(%run_scoped3A_193 : memref<!tpu.dma_semaphore, #tpu.memory_space<semaphore_mem>>) src(%arg7 : memref<6400xf32, #tpu.memory_space<vmem>>) dst(%dma_wait3A_195 : memref<6400xf32, #tpu.memory_space<vmem_shared>>)
      tpu.yield
    }) : () -> ()
    %mul3A_10 = arith.constant 51200 : i32
    %mul3A_11 = arith.muli %arg1, %mul3A_10 : i32
    %add3A_12 = arith.constant 6400 : i32
    %add3A_13 = arith.addi %mul3A_11, %add3A_12 : i32
    "tpu.region"() ({
      %run_scoped3A_193 = tpu.sem_alloc : memref<!tpu.dma_semaphore, #tpu.memory_space<semaphore_mem>>
      %dma_start3A = tpu.memref_slice %arg8[%add3A_13] : memref<819200xf32, #tpu.memory_space<vmem_shared>> -> memref<6400xf32, #tpu.memory_space<vmem_shared>>
      %dma_start3A_194 = tpu.memref_slice %arg8[%add3A_13] : memref<819200xf32, #tpu.memory_space<vmem_shared>> -> memref<6400xf32, #tpu.memory_space<vmem_shared>>
      tpu.enqueue_dma source(%arg7 : memref<6400xf32, #tpu.memory_space<vmem>>) target(%dma_start3A_194 : memref<6400xf32, #tpu.memory_space<vmem_shared>>) target_semaphore(%run_scoped3A_193 : memref<!tpu.dma_semaphore, #tpu.memory_space<semaphore_mem>>)
      %dma_wait3A = tpu.memref_slice %arg8[%add3A_13] : memref<819200xf32, #tpu.memory_space<vmem_shared>> -> memref<6400xf32, #tpu.memory_space<vmem_shared>>
      %dma_wait3A_195 = tpu.memref_slice %arg8[%add3A_13] : memref<819200xf32, #tpu.memory_space<vmem_shared>> -> memref<6400xf32, #tpu.memory_space<vmem_shared>>
      tpu.wait_dma2 semaphore(%run_scoped3A_193 : memref<!tpu.dma_semaphore, #tpu.memory_space<semaphore_mem>>) src(%arg7 : memref<6400xf32, #tpu.memory_space<vmem>>) dst(%dma_wait3A_195 : memref<6400xf32, #tpu.memory_space<vmem_shared>>)
      tpu.yield
    }) : () -> ()
    %mul3A_14 = arith.constant 51200 : i32
    %mul3A_15 = arith.muli %arg1, %mul3A_14 : i32
    %add3A_16 = arith.constant 12800 : i32
    %add3A_17 = arith.addi %mul3A_15, %add3A_16 : i32
    "tpu.region"() ({
      %run_scoped3A_193 = tpu.sem_alloc : memref<!tpu.dma_semaphore, #tpu.memory_space<semaphore_mem>>
      %dma_start3A = tpu.memref_slice %arg8[%add3A_17] : memref<819200xf32, #tpu.memory_space<vmem_shared>> -> memref<6400xf32, #tpu.memory_space<vmem_shared>>
      %dma_start3A_194 = tpu.memref_slice %arg8[%add3A_17] : memref<819200xf32, #tpu.memory_space<vmem_shared>> -> memref<6400xf32, #tpu.memory_space<vmem_shared>>
      tpu.enqueue_dma source(%arg7 : memref<6400xf32, #tpu.memory_space<vmem>>) target(%dma_start3A_194 : memref<6400xf32, #tpu.memory_space<vmem_shared>>) target_semaphore(%run_scoped3A_193 : memref<!tpu.dma_semaphore, #tpu.memory_space<semaphore_mem>>)
      %dma_wait3A = tpu.memref_slice %arg8[%add3A_17] : memref<819200xf32, #tpu.memory_space<vmem_shared>> -> memref<6400xf32, #tpu.memory_space<vmem_shared>>
      %dma_wait3A_195 = tpu.memref_slice %arg8[%add3A_17] : memref<819200xf32, #tpu.memory_space<vmem_shared>> -> memref<6400xf32, #tpu.memory_space<vmem_shared>>
      tpu.wait_dma2 semaphore(%run_scoped3A_193 : memref<!tpu.dma_semaphore, #tpu.memory_space<semaphore_mem>>) src(%arg7 : memref<6400xf32, #tpu.memory_space<vmem>>) dst(%dma_wait3A_195 : memref<6400xf32, #tpu.memory_space<vmem_shared>>)
      tpu.yield
    }) : () -> ()
    %mul3A_18 = arith.constant 51200 : i32
    %mul3A_19 = arith.muli %arg1, %mul3A_18 : i32
    %add3A_20 = arith.constant 19200 : i32
    %add3A_21 = arith.addi %mul3A_19, %add3A_20 : i32
    "tpu.region"() ({
      %run_scoped3A_193 = tpu.sem_alloc : memref<!tpu.dma_semaphore, #tpu.memory_space<semaphore_mem>>
      %dma_start3A = tpu.memref_slice %arg8[%add3A_21] : memref<819200xf32, #tpu.memory_space<vmem_shared>> -> memref<6400xf32, #tpu.memory_space<vmem_shared>>
      %dma_start3A_194 = tpu.memref_slice %arg8[%add3A_21] : memref<819200xf32, #tpu.memory_space<vmem_shared>> -> memref<6400xf32, #tpu.memory_space<vmem_shared>>
      tpu.enqueue_dma source(%arg7 : memref<6400xf32, #tpu.memory_space<vmem>>) target(%dma_start3A_194 : memref<6400xf32, #tpu.memory_space<vmem_shared>>) target_semaphore(%run_scoped3A_193 : memref<!tpu.dma_semaphore, #tpu.memory_space<semaphore_mem>>)
      %dma_wait3A = tpu.memref_slice %arg8[%add3A_21] : memref<819200xf32, #tpu.memory_space<vmem_shared>> -> memref<6400xf32, #tpu.memory_space<vmem_shared>>
      %dma_wait3A_195 = tpu.memref_slice %arg8[%add3A_21] : memref<819200xf32, #tpu.memory_space<vmem_shared>> -> memref<6400xf32, #tpu.memory_space<vmem_shared>>
      tpu.wait_dma2 semaphore(%run_scoped3A_193 : memref<!tpu.dma_semaphore, #tpu.memory_space<semaphore_mem>>) src(%arg7 : memref<6400xf32, #tpu.memory_space<vmem>>) dst(%dma_wait3A_195 : memref<6400xf32, #tpu.memory_space<vmem_shared>>)
      tpu.yield
    }) : () -> ()
    %mul3A_22 = arith.constant 51200 : i32
    %mul3A_23 = arith.muli %arg1, %mul3A_22 : i32
    %add3A_24 = arith.constant 25600 : i32
    %add3A_25 = arith.addi %mul3A_23, %add3A_24 : i32
    "tpu.region"() ({
      %run_scoped3A_193 = tpu.sem_alloc : memref<!tpu.dma_semaphore, #tpu.memory_space<semaphore_mem>>
      %dma_start3A = tpu.memref_slice %arg8[%add3A_25] : memref<819200xf32, #tpu.memory_space<vmem_shared>> -> memref<6400xf32, #tpu.memory_space<vmem_shared>>
      %dma_start3A_194 = tpu.memref_slice %arg8[%add3A_25] : memref<819200xf32, #tpu.memory_space<vmem_shared>> -> memref<6400xf32, #tpu.memory_space<vmem_shared>>
      tpu.enqueue_dma source(%arg7 : memref<6400xf32, #tpu.memory_space<vmem>>) target(%dma_start3A_194 : memref<6400xf32, #tpu.memory_space<vmem_shared>>) target_semaphore(%run_scoped3A_193 : memref<!tpu.dma_semaphore, #tpu.memory_space<semaphore_mem>>)
      %dma_wait3A = tpu.memref_slice %arg8[%add3A_25] : memref<819200xf32, #tpu.memory_space<vmem_shared>> -> memref<6400xf32, #tpu.memory_space<vmem_shared>>
      %dma_wait3A_195 = tpu.memref_slice %arg8[%add3A_25] : memref<819200xf32, #tpu.memory_space<vmem_shared>> -> memref<6400xf32, #tpu.memory_space<vmem_shared>>
      tpu.wait_dma2 semaphore(%run_scoped3A_193 : memref<!tpu.dma_semaphore, #tpu.memory_space<semaphore_mem>>) src(%arg7 : memref<6400xf32, #tpu.memory_space<vmem>>) dst(%dma_wait3A_195 : memref<6400xf32, #tpu.memory_space<vmem_shared>>)
      tpu.yield
    }) : () -> ()
    %mul3A_26 = arith.constant 51200 : i32
    %mul3A_27 = arith.muli %arg1, %mul3A_26 : i32
    %add3A_28 = arith.constant 32000 : i32
    %add3A_29 = arith.addi %mul3A_27, %add3A_28 : i32
    "tpu.region"() ({
      %run_scoped3A_193 = tpu.sem_alloc : memref<!tpu.dma_semaphore, #tpu.memory_space<semaphore_mem>>
      %dma_start3A = tpu.memref_slice %arg8[%add3A_29] : memref<819200xf32, #tpu.memory_space<vmem_shared>> -> memref<6400xf32, #tpu.memory_space<vmem_shared>>
      %dma_start3A_194 = tpu.memref_slice %arg8[%add3A_29] : memref<819200xf32, #tpu.memory_space<vmem_shared>> -> memref<6400xf32, #tpu.memory_space<vmem_shared>>
      tpu.enqueue_dma source(%arg7 : memref<6400xf32, #tpu.memory_space<vmem>>) target(%dma_start3A_194 : memref<6400xf32, #tpu.memory_space<vmem_shared>>) target_semaphore(%run_scoped3A_193 : memref<!tpu.dma_semaphore, #tpu.memory_space<semaphore_mem>>)
      %dma_wait3A = tpu.memref_slice %arg8[%add3A_29] : memref<819200xf32, #tpu.memory_space<vmem_shared>> -> memref<6400xf32, #tpu.memory_space<vmem_shared>>
      %dma_wait3A_195 = tpu.memref_slice %arg8[%add3A_29] : memref<819200xf32, #tpu.memory_space<vmem_shared>> -> memref<6400xf32, #tpu.memory_space<vmem_shared>>
      tpu.wait_dma2 semaphore(%run_scoped3A_193 : memref<!tpu.dma_semaphore, #tpu.memory_space<semaphore_mem>>) src(%arg7 : memref<6400xf32, #tpu.memory_space<vmem>>) dst(%dma_wait3A_195 : memref<6400xf32, #tpu.memory_space<vmem_shared>>)
      tpu.yield
    }) : () -> ()
    %mul3A_30 = arith.constant 51200 : i32
    %mul3A_31 = arith.muli %arg1, %mul3A_30 : i32
    %add3A_32 = arith.constant 38400 : i32
    %add3A_33 = arith.addi %mul3A_31, %add3A_32 : i32
    "tpu.region"() ({
      %run_scoped3A_193 = tpu.sem_alloc : memref<!tpu.dma_semaphore, #tpu.memory_space<semaphore_mem>>
      %dma_start3A = tpu.memref_slice %arg8[%add3A_33] : memref<819200xf32, #tpu.memory_space<vmem_shared>> -> memref<6400xf32, #tpu.memory_space<vmem_shared>>
      %dma_start3A_194 = tpu.memref_slice %arg8[%add3A_33] : memref<819200xf32, #tpu.memory_space<vmem_shared>> -> memref<6400xf32, #tpu.memory_space<vmem_shared>>
      tpu.enqueue_dma source(%arg7 : memref<6400xf32, #tpu.memory_space<vmem>>) target(%dma_start3A_194 : memref<6400xf32, #tpu.memory_space<vmem_shared>>) target_semaphore(%run_scoped3A_193 : memref<!tpu.dma_semaphore, #tpu.memory_space<semaphore_mem>>)
      %dma_wait3A = tpu.memref_slice %arg8[%add3A_33] : memref<819200xf32, #tpu.memory_space<vmem_shared>> -> memref<6400xf32, #tpu.memory_space<vmem_shared>>
      %dma_wait3A_195 = tpu.memref_slice %arg8[%add3A_33] : memref<819200xf32, #tpu.memory_space<vmem_shared>> -> memref<6400xf32, #tpu.memory_space<vmem_shared>>
      tpu.wait_dma2 semaphore(%run_scoped3A_193 : memref<!tpu.dma_semaphore, #tpu.memory_space<semaphore_mem>>) src(%arg7 : memref<6400xf32, #tpu.memory_space<vmem>>) dst(%dma_wait3A_195 : memref<6400xf32, #tpu.memory_space<vmem_shared>>)
      tpu.yield
    }) : () -> ()
    %mul3A_34 = arith.constant 51200 : i32
    %mul3A_35 = arith.muli %arg1, %mul3A_34 : i32
    %add3A_36 = arith.constant 44800 : i32
    %add3A_37 = arith.addi %mul3A_35, %add3A_36 : i32
    "tpu.region"() ({
      %run_scoped3A_193 = tpu.sem_alloc : memref<!tpu.dma_semaphore, #tpu.memory_space<semaphore_mem>>
      %dma_start3A = tpu.memref_slice %arg8[%add3A_37] : memref<819200xf32, #tpu.memory_space<vmem_shared>> -> memref<6400xf32, #tpu.memory_space<vmem_shared>>
      %dma_start3A_194 = tpu.memref_slice %arg8[%add3A_37] : memref<819200xf32, #tpu.memory_space<vmem_shared>> -> memref<6400xf32, #tpu.memory_space<vmem_shared>>
      tpu.enqueue_dma source(%arg7 : memref<6400xf32, #tpu.memory_space<vmem>>) target(%dma_start3A_194 : memref<6400xf32, #tpu.memory_space<vmem_shared>>) target_semaphore(%run_scoped3A_193 : memref<!tpu.dma_semaphore, #tpu.memory_space<semaphore_mem>>)
      %dma_wait3A = tpu.memref_slice %arg8[%add3A_37] : memref<819200xf32, #tpu.memory_space<vmem_shared>> -> memref<6400xf32, #tpu.memory_space<vmem_shared>>
      %dma_wait3A_195 = tpu.memref_slice %arg8[%add3A_37] : memref<819200xf32, #tpu.memory_space<vmem_shared>> -> memref<6400xf32, #tpu.memory_space<vmem_shared>>
      tpu.wait_dma2 semaphore(%run_scoped3A_193 : memref<!tpu.dma_semaphore, #tpu.memory_space<semaphore_mem>>) src(%arg7 : memref<6400xf32, #tpu.memory_space<vmem>>) dst(%dma_wait3A_195 : memref<6400xf32, #tpu.memory_space<vmem_shared>>)
      tpu.yield
    }) : () -> ()
    %barrier3A = arith.constant 0 : index
    tpu.barrier barrier_id(%barrier3A)
    "tpu.region"() ({
      %run_scoped3A_193 = tpu.sem_alloc : memref<!tpu.dma_semaphore, #tpu.memory_space<semaphore_mem>>
      %dma_start3A = arith.constant 0 : i32
      %dma_start3A_194 = arith.constant 0 : i32
      %dma_start3A_195 = tpu.memref_slice %arg2[%add3A, %dma_start3A, %dma_start3A_194] : memref<32x75x128xi32, #tpu.memory_space<hbm>> -> memref<1x75x128xi32, #tpu.memory_space<hbm>>
      %dma_start3A_196 = tpu.memref_squeeze %dma_start3A_195 : memref<1x75x128xi32, #tpu.memory_space<hbm>> -> memref<75x128xi32, #tpu.memory_space<hbm>>
      %dma_start3A_197 = arith.constant 0 : i32
      %dma_start3A_198 = arith.constant 0 : i32
      %dma_start3A_199 = tpu.memref_slice %arg2[%add3A, %dma_start3A_197, %dma_start3A_198] : memref<32x75x128xi32, #tpu.memory_space<hbm>> -> memref<1x75x128xi32, #tpu.memory_space<hbm>>
      %dma_start3A_200 = tpu.memref_squeeze %dma_start3A_199 : memref<1x75x128xi32, #tpu.memory_space<hbm>> -> memref<75x128xi32, #tpu.memory_space<hbm>>
      tpu.enqueue_dma source(%dma_start3A_200 : memref<75x128xi32, #tpu.memory_space<hbm>>) target(%arg5 : memref<75x128xi32, #tpu.memory_space<vmem>>) target_semaphore(%run_scoped3A_193 : memref<!tpu.dma_semaphore, #tpu.memory_space<semaphore_mem>>)
      %dma_wait3A = arith.constant 0 : i32
      %dma_wait3A_201 = arith.constant 0 : i32
      %dma_wait3A_202 = tpu.memref_slice %arg2[%add3A, %dma_wait3A, %dma_wait3A_201] : memref<32x75x128xi32, #tpu.memory_space<hbm>> -> memref<1x75x128xi32, #tpu.memory_space<hbm>>
      %dma_wait3A_203 = tpu.memref_squeeze %dma_wait3A_202 : memref<1x75x128xi32, #tpu.memory_space<hbm>> -> memref<75x128xi32, #tpu.memory_space<hbm>>
      %dma_wait3A_204 = arith.constant 0 : i32
      %dma_wait3A_205 = arith.constant 0 : i32
      %dma_wait3A_206 = tpu.memref_slice %arg2[%add3A, %dma_wait3A_204, %dma_wait3A_205] : memref<32x75x128xi32, #tpu.memory_space<hbm>> -> memref<1x75x128xi32, #tpu.memory_space<hbm>>
      %dma_wait3A_207 = tpu.memref_squeeze %dma_wait3A_206 : memref<1x75x128xi32, #tpu.memory_space<hbm>> -> memref<75x128xi32, #tpu.memory_space<hbm>>
      tpu.wait_dma2 semaphore(%run_scoped3A_193 : memref<!tpu.dma_semaphore, #tpu.memory_space<semaphore_mem>>) src(%dma_wait3A_207 : memref<75x128xi32, #tpu.memory_space<hbm>>) dst(%arg5 : memref<75x128xi32, #tpu.memory_space<vmem>>)
      tpu.yield
    }) : () -> ()
    "tpu.region"() ({
      %run_scoped3A_193 = tpu.sem_alloc : memref<!tpu.dma_semaphore, #tpu.memory_space<semaphore_mem>>
      %dma_start3A = arith.constant 0 : i32
      %dma_start3A_194 = arith.constant 0 : i32
      %dma_start3A_195 = tpu.memref_slice %arg3[%add3A, %dma_start3A, %dma_start3A_194] : memref<32x75x128xf32, #tpu.memory_space<hbm>> -> memref<1x75x128xf32, #tpu.memory_space<hbm>>
      %dma_start3A_196 = tpu.memref_squeeze %dma_start3A_195 : memref<1x75x128xf32, #tpu.memory_space<hbm>> -> memref<75x128xf32, #tpu.memory_space<hbm>>
      %dma_start3A_197 = arith.constant 0 : i32
      %dma_start3A_198 = arith.constant 0 : i32
      %dma_start3A_199 = tpu.memref_slice %arg3[%add3A, %dma_start3A_197, %dma_start3A_198] : memref<32x75x128xf32, #tpu.memory_space<hbm>> -> memref<1x75x128xf32, #tpu.memory_space<hbm>>
      %dma_start3A_200 = tpu.memref_squeeze %dma_start3A_199 : memref<1x75x128xf32, #tpu.memory_space<hbm>> -> memref<75x128xf32, #tpu.memory_space<hbm>>
      tpu.enqueue_dma source(%dma_start3A_200 : memref<75x128xf32, #tpu.memory_space<hbm>>) target(%arg6 : memref<75x128xf32, #tpu.memory_space<vmem>>) target_semaphore(%run_scoped3A_193 : memref<!tpu.dma_semaphore, #tpu.memory_space<semaphore_mem>>)
      %dma_wait3A = arith.constant 0 : i32
      %dma_wait3A_201 = arith.constant 0 : i32
      %dma_wait3A_202 = tpu.memref_slice %arg3[%add3A, %dma_wait3A, %dma_wait3A_201] : memref<32x75x128xf32, #tpu.memory_space<hbm>> -> memref<1x75x128xf32, #tpu.memory_space<hbm>>
      %dma_wait3A_203 = tpu.memref_squeeze %dma_wait3A_202 : memref<1x75x128xf32, #tpu.memory_space<hbm>> -> memref<75x128xf32, #tpu.memory_space<hbm>>
      %dma_wait3A_204 = arith.constant 0 : i32
      %dma_wait3A_205 = arith.constant 0 : i32
      %dma_wait3A_206 = tpu.memref_slice %arg3[%add3A, %dma_wait3A_204, %dma_wait3A_205] : memref<32x75x128xf32, #tpu.memory_space<hbm>> -> memref<1x75x128xf32, #tpu.memory_space<hbm>>
      %dma_wait3A_207 = tpu.memref_squeeze %dma_wait3A_206 : memref<1x75x128xf32, #tpu.memory_space<hbm>> -> memref<75x128xf32, #tpu.memory_space<hbm>>
      tpu.wait_dma2 semaphore(%run_scoped3A_193 : memref<!tpu.dma_semaphore, #tpu.memory_space<semaphore_mem>>) src(%dma_wait3A_207 : memref<75x128xf32, #tpu.memory_space<hbm>>) dst(%arg6 : memref<75x128xf32, #tpu.memory_space<vmem>>)
      tpu.yield
    }) : () -> ()
    %run_scoped3A = arith.constant 0 : i32
    %run_scoped3A_38 = arith.constant 0 : i32
    "tpu.region"() ({
      %run_scoped3A_193 = tpu.sem_alloc : memref<!tpu.dma_semaphore, #tpu.memory_space<semaphore_mem>>
      %dma_start3A = arith.constant 0 : i32
      %dma_start3A_194 = tpu.memref_slice %arg6[%run_scoped3A, %dma_start3A] : memref<75x128xf32, #tpu.memory_space<vmem>> -> memref<1x128xf32, #tpu.memory_space<vmem>>
      %dma_start3A_195 = tpu.memref_squeeze %dma_start3A_194 : memref<1x128xf32, #tpu.memory_space<vmem>> -> memref<128xf32, #tpu.memory_space<vmem>>
      %dma_start3A_196 = arith.constant 0 : i32
      %dma_start3A_197 = tpu.memref_slice %arg5[%run_scoped3A_38, %dma_start3A_196] : memref<75x128xi32, #tpu.memory_space<vmem>> -> memref<1x128xi32, #tpu.memory_space<vmem>>
      %dma_start3A_198 = tpu.memref_squeeze %dma_start3A_197 : memref<1x128xi32, #tpu.memory_space<vmem>> -> memref<128xi32, #tpu.memory_space<vmem>>
      %dma_start3A_199 = arith.constant 0 : i32
      %dma_start3A_200 = tpu.memref_slice %arg8[%dma_start3A_199] : memref<819200xf32, #tpu.memory_space<vmem_shared>> -> memref<819200xf32, #tpu.memory_space<vmem_shared>>
      tpu.enqueue_indirect_dma source(%dma_start3A_195 : memref<128xf32, #tpu.memory_space<vmem>>) target(%dma_start3A_200 : memref<819200xf32, #tpu.memory_space<vmem_shared>>) offsets(%dma_start3A_198 : memref<128xi32, #tpu.memory_space<vmem>>) semaphore(%run_scoped3A_193 : memref<!tpu.dma_semaphore, #tpu.memory_space<semaphore_mem>>) {add = true}
      %dma_wait3A = arith.constant 0 : i32
      %dma_wait3A_201 = tpu.memref_slice %arg6[%run_scoped3A, %dma_wait3A] : memref<75x128xf32, #tpu.memory_space<vmem>> -> memref<1x128xf32, #tpu.memory_space<vmem>>
      %dma_wait3A_202 = tpu.memref_squeeze %dma_wait3A_201 : memref<1x128xf32, #tpu.memory_space<vmem>> -> memref<128xf32, #tpu.memory_space<vmem>>
      %dma_wait3A_203 = arith.constant 0 : i32
      %dma_wait3A_204 = tpu.memref_slice %arg5[%run_scoped3A_38, %dma_wait3A_203] : memref<75x128xi32, #tpu.memory_space<vmem>> -> memref<1x128xi32, #tpu.memory_space<vmem>>
      %dma_wait3A_205 = tpu.memref_squeeze %dma_wait3A_204 : memref<1x128xi32, #tpu.memory_space<vmem>> -> memref<128xi32, #tpu.memory_space<vmem>>
      %dma_wait3A_206 = arith.constant 0 : i32
      %dma_wait3A_207 = tpu.memref_slice %arg8[%dma_wait3A_206] : memref<819200xf32, #tpu.memory_space<vmem_shared>> -> memref<819200xf32, #tpu.memory_space<vmem_shared>>
      tpu.wait_indirect_dma semaphore(%run_scoped3A_193 : memref<!tpu.dma_semaphore, #tpu.memory_space<semaphore_mem>>) src(%dma_wait3A_202 : memref<128xf32, #tpu.memory_space<vmem>>) dst(%dma_wait3A_207 : memref<819200xf32, #tpu.memory_space<vmem_shared>>)
      tpu.yield
    }) : () -> ()
    %run_scoped3A_39 = arith.constant 1 : i32
    %run_scoped3A_40 = arith.constant 1 : i32
    "tpu.region"() ({
      %run_scoped3A_193 = tpu.sem_alloc : memref<!tpu.dma_semaphore, #tpu.memory_space<semaphore_mem>>
      %dma_start3A = arith.constant 0 : i32
      %dma_start3A_194 = tpu.memref_slice %arg6[%run_scoped3A_39, %dma_start3A] : memref<75x128xf32, #tpu.memory_space<vmem>> -> memref<1x128xf32, #tpu.memory_space<vmem>>
      %dma_start3A_195 = tpu.memref_squeeze %dma_start3A_194 : memref<1x128xf32, #tpu.memory_space<vmem>> -> memref<128xf32, #tpu.memory_space<vmem>>
      %dma_start3A_196 = arith.constant 0 : i32
      %dma_start3A_197 = tpu.memref_slice %arg5[%run_scoped3A_40, %dma_start3A_196] : memref<75x128xi32, #tpu.memory_space<vmem>> -> memref<1x128xi32, #tpu.memory_space<vmem>>
      %dma_start3A_198 = tpu.memref_squeeze %dma_start3A_197 : memref<1x128xi32, #tpu.memory_space<vmem>> -> memref<128xi32, #tpu.memory_space<vmem>>
      %dma_start3A_199 = arith.constant 0 : i32
      %dma_start3A_200 = tpu.memref_slice %arg8[%dma_start3A_199] : memref<819200xf32, #tpu.memory_space<vmem_shared>> -> memref<819200xf32, #tpu.memory_space<vmem_shared>>
      tpu.enqueue_indirect_dma source(%dma_start3A_195 : memref<128xf32, #tpu.memory_space<vmem>>) target(%dma_start3A_200 : memref<819200xf32, #tpu.memory_space<vmem_shared>>) offsets(%dma_start3A_198 : memref<128xi32, #tpu.memory_space<vmem>>) semaphore(%run_scoped3A_193 : memref<!tpu.dma_semaphore, #tpu.memory_space<semaphore_mem>>) {add = true}
      %dma_wait3A = arith.constant 0 : i32
      %dma_wait3A_201 = tpu.memref_slice %arg6[%run_scoped3A_39, %dma_wait3A] : memref<75x128xf32, #tpu.memory_space<vmem>> -> memref<1x128xf32, #tpu.memory_space<vmem>>
      %dma_wait3A_202 = tpu.memref_squeeze %dma_wait3A_201 : memref<1x128xf32, #tpu.memory_space<vmem>> -> memref<128xf32, #tpu.memory_space<vmem>>
      %dma_wait3A_203 = arith.constant 0 : i32
      %dma_wait3A_204 = tpu.memref_slice %arg5[%run_scoped3A_40, %dma_wait3A_203] : memref<75x128xi32, #tpu.memory_space<vmem>> -> memref<1x128xi32, #tpu.memory_space<vmem>>
      %dma_wait3A_205 = tpu.memref_squeeze %dma_wait3A_204 : memref<1x128xi32, #tpu.memory_space<vmem>> -> memref<128xi32, #tpu.memory_space<vmem>>
      %dma_wait3A_206 = arith.constant 0 : i32
      %dma_wait3A_207 = tpu.memref_slice %arg8[%dma_wait3A_206] : memref<819200xf32, #tpu.memory_space<vmem_shared>> -> memref<819200xf32, #tpu.memory_space<vmem_shared>>
      tpu.wait_indirect_dma semaphore(%run_scoped3A_193 : memref<!tpu.dma_semaphore, #tpu.memory_space<semaphore_mem>>) src(%dma_wait3A_202 : memref<128xf32, #tpu.memory_space<vmem>>) dst(%dma_wait3A_207 : memref<819200xf32, #tpu.memory_space<vmem_shared>>)
      tpu.yield
    }) : () -> ()
    %run_scoped3A_41 = arith.constant 2 : i32
    %run_scoped3A_42 = arith.constant 2 : i32
    "tpu.region"() ({
      %run_scoped3A_193 = tpu.sem_alloc : memref<!tpu.dma_semaphore, #tpu.memory_space<semaphore_mem>>
      %dma_start3A = arith.constant 0 : i32
      %dma_start3A_194 = tpu.memref_slice %arg6[%run_scoped3A_41, %dma_start3A] : memref<75x128xf32, #tpu.memory_space<vmem>> -> memref<1x128xf32, #tpu.memory_space<vmem>>
      %dma_start3A_195 = tpu.memref_squeeze %dma_start3A_194 : memref<1x128xf32, #tpu.memory_space<vmem>> -> memref<128xf32, #tpu.memory_space<vmem>>
      %dma_start3A_196 = arith.constant 0 : i32
      %dma_start3A_197 = tpu.memref_slice %arg5[%run_scoped3A_42, %dma_start3A_196] : memref<75x128xi32, #tpu.memory_space<vmem>> -> memref<1x128xi32, #tpu.memory_space<vmem>>
      %dma_start3A_198 = tpu.memref_squeeze %dma_start3A_197 : memref<1x128xi32, #tpu.memory_space<vmem>> -> memref<128xi32, #tpu.memory_space<vmem>>
      %dma_start3A_199 = arith.constant 0 : i32
      %dma_start3A_200 = tpu.memref_slice %arg8[%dma_start3A_199] : memref<819200xf32, #tpu.memory_space<vmem_shared>> -> memref<819200xf32, #tpu.memory_space<vmem_shared>>
      tpu.enqueue_indirect_dma source(%dma_start3A_195 : memref<128xf32, #tpu.memory_space<vmem>>) target(%dma_start3A_200 : memref<819200xf32, #tpu.memory_space<vmem_shared>>) offsets(%dma_start3A_198 : memref<128xi32, #tpu.memory_space<vmem>>) semaphore(%run_scoped3A_193 : memref<!tpu.dma_semaphore, #tpu.memory_space<semaphore_mem>>) {add = true}
      %dma_wait3A = arith.constant 0 : i32
      %dma_wait3A_201 = tpu.memref_slice %arg6[%run_scoped3A_41, %dma_wait3A] : memref<75x128xf32, #tpu.memory_space<vmem>> -> memref<1x128xf32, #tpu.memory_space<vmem>>
      %dma_wait3A_202 = tpu.memref_squeeze %dma_wait3A_201 : memref<1x128xf32, #tpu.memory_space<vmem>> -> memref<128xf32, #tpu.memory_space<vmem>>
      %dma_wait3A_203 = arith.constant 0 : i32
      %dma_wait3A_204 = tpu.memref_slice %arg5[%run_scoped3A_42, %dma_wait3A_203] : memref<75x128xi32, #tpu.memory_space<vmem>> -> memref<1x128xi32, #tpu.memory_space<vmem>>
      %dma_wait3A_205 = tpu.memref_squeeze %dma_wait3A_204 : memref<1x128xi32, #tpu.memory_space<vmem>> -> memref<128xi32, #tpu.memory_space<vmem>>
      %dma_wait3A_206 = arith.constant 0 : i32
      %dma_wait3A_207 = tpu.memref_slice %arg8[%dma_wait3A_206] : memref<819200xf32, #tpu.memory_space<vmem_shared>> -> memref<819200xf32, #tpu.memory_space<vmem_shared>>
      tpu.wait_indirect_dma semaphore(%run_scoped3A_193 : memref<!tpu.dma_semaphore, #tpu.memory_space<semaphore_mem>>) src(%dma_wait3A_202 : memref<128xf32, #tpu.memory_space<vmem>>) dst(%dma_wait3A_207 : memref<819200xf32, #tpu.memory_space<vmem_shared>>)
      tpu.yield
    }) : () -> ()
    %run_scoped3A_43 = arith.constant 3 : i32
    %run_scoped3A_44 = arith.constant 3 : i32
    "tpu.region"() ({
      %run_scoped3A_193 = tpu.sem_alloc : memref<!tpu.dma_semaphore, #tpu.memory_space<semaphore_mem>>
      %dma_start3A = arith.constant 0 : i32
      %dma_start3A_194 = tpu.memref_slice %arg6[%run_scoped3A_43, %dma_start3A] : memref<75x128xf32, #tpu.memory_space<vmem>> -> memref<1x128xf32, #tpu.memory_space<vmem>>
      %dma_start3A_195 = tpu.memref_squeeze %dma_start3A_194 : memref<1x128xf32, #tpu.memory_space<vmem>> -> memref<128xf32, #tpu.memory_space<vmem>>
      %dma_start3A_196 = arith.constant 0 : i32
      %dma_start3A_197 = tpu.memref_slice %arg5[%run_scoped3A_44, %dma_start3A_196] : memref<75x128xi32, #tpu.memory_space<vmem>> -> memref<1x128xi32, #tpu.memory_space<vmem>>
      %dma_start3A_198 = tpu.memref_squeeze %dma_start3A_197 : memref<1x128xi32, #tpu.memory_space<vmem>> -> memref<128xi32, #tpu.memory_space<vmem>>
      %dma_start3A_199 = arith.constant 0 : i32
      %dma_start3A_200 = tpu.memref_slice %arg8[%dma_start3A_199] : memref<819200xf32, #tpu.memory_space<vmem_shared>> -> memref<819200xf32, #tpu.memory_space<vmem_shared>>
      tpu.enqueue_indirect_dma source(%dma_start3A_195 : memref<128xf32, #tpu.memory_space<vmem>>) target(%dma_start3A_200 : memref<819200xf32, #tpu.memory_space<vmem_shared>>) offsets(%dma_start3A_198 : memref<128xi32, #tpu.memory_space<vmem>>) semaphore(%run_scoped3A_193 : memref<!tpu.dma_semaphore, #tpu.memory_space<semaphore_mem>>) {add = true}
      %dma_wait3A = arith.constant 0 : i32
      %dma_wait3A_201 = tpu.memref_slice %arg6[%run_scoped3A_43, %dma_wait3A] : memref<75x128xf32, #tpu.memory_space<vmem>> -> memref<1x128xf32, #tpu.memory_space<vmem>>
      %dma_wait3A_202 = tpu.memref_squeeze %dma_wait3A_201 : memref<1x128xf32, #tpu.memory_space<vmem>> -> memref<128xf32, #tpu.memory_space<vmem>>
      %dma_wait3A_203 = arith.constant 0 : i32
      %dma_wait3A_204 = tpu.memref_slice %arg5[%run_scoped3A_44, %dma_wait3A_203] : memref<75x128xi32, #tpu.memory_space<vmem>> -> memref<1x128xi32, #tpu.memory_space<vmem>>
      %dma_wait3A_205 = tpu.memref_squeeze %dma_wait3A_204 : memref<1x128xi32, #tpu.memory_space<vmem>> -> memref<128xi32, #tpu.memory_space<vmem>>
      %dma_wait3A_206 = arith.constant 0 : i32
      %dma_wait3A_207 = tpu.memref_slice %arg8[%dma_wait3A_206] : memref<819200xf32, #tpu.memory_space<vmem_shared>> -> memref<819200xf32, #tpu.memory_space<vmem_shared>>
      tpu.wait_indirect_dma semaphore(%run_scoped3A_193 : memref<!tpu.dma_semaphore, #tpu.memory_space<semaphore_mem>>) src(%dma_wait3A_202 : memref<128xf32, #tpu.memory_space<vmem>>) dst(%dma_wait3A_207 : memref<819200xf32, #tpu.memory_space<vmem_shared>>)
      tpu.yield
    }) : () -> ()
    %run_scoped3A_45 = arith.constant 4 : i32
    %run_scoped3A_46 = arith.constant 4 : i32
    "tpu.region"() ({
      %run_scoped3A_193 = tpu.sem_alloc : memref<!tpu.dma_semaphore, #tpu.memory_space<semaphore_mem>>
      %dma_start3A = arith.constant 0 : i32
      %dma_start3A_194 = tpu.memref_slice %arg6[%run_scoped3A_45, %dma_start3A] : memref<75x128xf32, #tpu.memory_space<vmem>> -> memref<1x128xf32, #tpu.memory_space<vmem>>
      %dma_start3A_195 = tpu.memref_squeeze %dma_start3A_194 : memref<1x128xf32, #tpu.memory_space<vmem>> -> memref<128xf32, #tpu.memory_space<vmem>>
      %dma_start3A_196 = arith.constant 0 : i32
      %dma_start3A_197 = tpu.memref_slice %arg5[%run_scoped3A_46, %dma_start3A_196] : memref<75x128xi32, #tpu.memory_space<vmem>> -> memref<1x128xi32, #tpu.memory_space<vmem>>
      %dma_start3A_198 = tpu.memref_squeeze %dma_start3A_197 : memref<1x128xi32, #tpu.memory_space<vmem>> -> memref<128xi32, #tpu.memory_space<vmem>>
      %dma_start3A_199 = arith.constant 0 : i32
      %dma_start3A_200 = tpu.memref_slice %arg8[%dma_start3A_199] : memref<819200xf32, #tpu.memory_space<vmem_shared>> -> memref<819200xf32, #tpu.memory_space<vmem_shared>>
      tpu.enqueue_indirect_dma source(%dma_start3A_195 : memref<128xf32, #tpu.memory_space<vmem>>) target(%dma_start3A_200 : memref<819200xf32, #tpu.memory_space<vmem_shared>>) offsets(%dma_start3A_198 : memref<128xi32, #tpu.memory_space<vmem>>) semaphore(%run_scoped3A_193 : memref<!tpu.dma_semaphore, #tpu.memory_space<semaphore_mem>>) {add = true}
      %dma_wait3A = arith.constant 0 : i32
      %dma_wait3A_201 = tpu.memref_slice %arg6[%run_scoped3A_45, %dma_wait3A] : memref<75x128xf32, #tpu.memory_space<vmem>> -> memref<1x128xf32, #tpu.memory_space<vmem>>
      %dma_wait3A_202 = tpu.memref_squeeze %dma_wait3A_201 : memref<1x128xf32, #tpu.memory_space<vmem>> -> memref<128xf32, #tpu.memory_space<vmem>>
      %dma_wait3A_203 = arith.constant 0 : i32
      %dma_wait3A_204 = tpu.memref_slice %arg5[%run_scoped3A_46, %dma_wait3A_203] : memref<75x128xi32, #tpu.memory_space<vmem>> -> memref<1x128xi32, #tpu.memory_space<vmem>>
      %dma_wait3A_205 = tpu.memref_squeeze %dma_wait3A_204 : memref<1x128xi32, #tpu.memory_space<vmem>> -> memref<128xi32, #tpu.memory_space<vmem>>
      %dma_wait3A_206 = arith.constant 0 : i32
      %dma_wait3A_207 = tpu.memref_slice %arg8[%dma_wait3A_206] : memref<819200xf32, #tpu.memory_space<vmem_shared>> -> memref<819200xf32, #tpu.memory_space<vmem_shared>>
      tpu.wait_indirect_dma semaphore(%run_scoped3A_193 : memref<!tpu.dma_semaphore, #tpu.memory_space<semaphore_mem>>) src(%dma_wait3A_202 : memref<128xf32, #tpu.memory_space<vmem>>) dst(%dma_wait3A_207 : memref<819200xf32, #tpu.memory_space<vmem_shared>>)
      tpu.yield
    }) : () -> ()
    %run_scoped3A_47 = arith.constant 5 : i32
    %run_scoped3A_48 = arith.constant 5 : i32
    "tpu.region"() ({
      %run_scoped3A_193 = tpu.sem_alloc : memref<!tpu.dma_semaphore, #tpu.memory_space<semaphore_mem>>
      %dma_start3A = arith.constant 0 : i32
      %dma_start3A_194 = tpu.memref_slice %arg6[%run_scoped3A_47, %dma_start3A] : memref<75x128xf32, #tpu.memory_space<vmem>> -> memref<1x128xf32, #tpu.memory_space<vmem>>
      %dma_start3A_195 = tpu.memref_squeeze %dma_start3A_194 : memref<1x128xf32, #tpu.memory_space<vmem>> -> memref<128xf32, #tpu.memory_space<vmem>>
      %dma_start3A_196 = arith.constant 0 : i32
      %dma_start3A_197 = tpu.memref_slice %arg5[%run_scoped3A_48, %dma_start3A_196] : memref<75x128xi32, #tpu.memory_space<vmem>> -> memref<1x128xi32, #tpu.memory_space<vmem>>
      %dma_start3A_198 = tpu.memref_squeeze %dma_start3A_197 : memref<1x128xi32, #tpu.memory_space<vmem>> -> memref<128xi32, #tpu.memory_space<vmem>>
      %dma_start3A_199 = arith.constant 0 : i32
      %dma_start3A_200 = tpu.memref_slice %arg8[%dma_start3A_199] : memref<819200xf32, #tpu.memory_space<vmem_shared>> -> memref<819200xf32, #tpu.memory_space<vmem_shared>>
      tpu.enqueue_indirect_dma source(%dma_start3A_195 : memref<128xf32, #tpu.memory_space<vmem>>) target(%dma_start3A_200 : memref<819200xf32, #tpu.memory_space<vmem_shared>>) offsets(%dma_start3A_198 : memref<128xi32, #tpu.memory_space<vmem>>) semaphore(%run_scoped3A_193 : memref<!tpu.dma_semaphore, #tpu.memory_space<semaphore_mem>>) {add = true}
      %dma_wait3A = arith.constant 0 : i32
      %dma_wait3A_201 = tpu.memref_slice %arg6[%run_scoped3A_47, %dma_wait3A] : memref<75x128xf32, #tpu.memory_space<vmem>> -> memref<1x128xf32, #tpu.memory_space<vmem>>
      %dma_wait3A_202 = tpu.memref_squeeze %dma_wait3A_201 : memref<1x128xf32, #tpu.memory_space<vmem>> -> memref<128xf32, #tpu.memory_space<vmem>>
      %dma_wait3A_203 = arith.constant 0 : i32
      %dma_wait3A_204 = tpu.memref_slice %arg5[%run_scoped3A_48, %dma_wait3A_203] : memref<75x128xi32, #tpu.memory_space<vmem>> -> memref<1x128xi32, #tpu.memory_space<vmem>>
      %dma_wait3A_205 = tpu.memref_squeeze %dma_wait3A_204 : memref<1x128xi32, #tpu.memory_space<vmem>> -> memref<128xi32, #tpu.memory_space<vmem>>
      %dma_wait3A_206 = arith.constant 0 : i32
      %dma_wait3A_207 = tpu.memref_slice %arg8[%dma_wait3A_206] : memref<819200xf32, #tpu.memory_space<vmem_shared>> -> memref<819200xf32, #tpu.memory_space<vmem_shared>>
      tpu.wait_indirect_dma semaphore(%run_scoped3A_193 : memref<!tpu.dma_semaphore, #tpu.memory_space<semaphore_mem>>) src(%dma_wait3A_202 : memref<128xf32, #tpu.memory_space<vmem>>) dst(%dma_wait3A_207 : memref<819200xf32, #tpu.memory_space<vmem_shared>>)
      tpu.yield
    }) : () -> ()
    %run_scoped3A_49 = arith.constant 6 : i32
    %run_scoped3A_50 = arith.constant 6 : i32
    "tpu.region"() ({
      %run_scoped3A_193 = tpu.sem_alloc : memref<!tpu.dma_semaphore, #tpu.memory_space<semaphore_mem>>
      %dma_start3A = arith.constant 0 : i32
      %dma_start3A_194 = tpu.memref_slice %arg6[%run_scoped3A_49, %dma_start3A] : memref<75x128xf32, #tpu.memory_space<vmem>> -> memref<1x128xf32, #tpu.memory_space<vmem>>
      %dma_start3A_195 = tpu.memref_squeeze %dma_start3A_194 : memref<1x128xf32, #tpu.memory_space<vmem>> -> memref<128xf32, #tpu.memory_space<vmem>>
      %dma_start3A_196 = arith.constant 0 : i32
      %dma_start3A_197 = tpu.memref_slice %arg5[%run_scoped3A_50, %dma_start3A_196] : memref<75x128xi32, #tpu.memory_space<vmem>> -> memref<1x128xi32, #tpu.memory_space<vmem>>
      %dma_start3A_198 = tpu.memref_squeeze %dma_start3A_197 : memref<1x128xi32, #tpu.memory_space<vmem>> -> memref<128xi32, #tpu.memory_space<vmem>>
      %dma_start3A_199 = arith.constant 0 : i32
      %dma_start3A_200 = tpu.memref_slice %arg8[%dma_start3A_199] : memref<819200xf32, #tpu.memory_space<vmem_shared>> -> memref<819200xf32, #tpu.memory_space<vmem_shared>>
      tpu.enqueue_indirect_dma source(%dma_start3A_195 : memref<128xf32, #tpu.memory_space<vmem>>) target(%dma_start3A_200 : memref<819200xf32, #tpu.memory_space<vmem_shared>>) offsets(%dma_start3A_198 : memref<128xi32, #tpu.memory_space<vmem>>) semaphore(%run_scoped3A_193 : memref<!tpu.dma_semaphore, #tpu.memory_space<semaphore_mem>>) {add = true}
      %dma_wait3A = arith.constant 0 : i32
      %dma_wait3A_201 = tpu.memref_slice %arg6[%run_scoped3A_49, %dma_wait3A] : memref<75x128xf32, #tpu.memory_space<vmem>> -> memref<1x128xf32, #tpu.memory_space<vmem>>
      %dma_wait3A_202 = tpu.memref_squeeze %dma_wait3A_201 : memref<1x128xf32, #tpu.memory_space<vmem>> -> memref<128xf32, #tpu.memory_space<vmem>>
      %dma_wait3A_203 = arith.constant 0 : i32
      %dma_wait3A_204 = tpu.memref_slice %arg5[%run_scoped3A_50, %dma_wait3A_203] : memref<75x128xi32, #tpu.memory_space<vmem>> -> memref<1x128xi32, #tpu.memory_space<vmem>>
      %dma_wait3A_205 = tpu.memref_squeeze %dma_wait3A_204 : memref<1x128xi32, #tpu.memory_space<vmem>> -> memref<128xi32, #tpu.memory_space<vmem>>
      %dma_wait3A_206 = arith.constant 0 : i32
      %dma_wait3A_207 = tpu.memref_slice %arg8[%dma_wait3A_206] : memref<819200xf32, #tpu.memory_space<vmem_shared>> -> memref<819200xf32, #tpu.memory_space<vmem_shared>>
      tpu.wait_indirect_dma semaphore(%run_scoped3A_193 : memref<!tpu.dma_semaphore, #tpu.memory_space<semaphore_mem>>) src(%dma_wait3A_202 : memref<128xf32, #tpu.memory_space<vmem>>) dst(%dma_wait3A_207 : memref<819200xf32, #tpu.memory_space<vmem_shared>>)
      tpu.yield
    }) : () -> ()
    %run_scoped3A_51 = arith.constant 7 : i32
    %run_scoped3A_52 = arith.constant 7 : i32
    "tpu.region"() ({
      %run_scoped3A_193 = tpu.sem_alloc : memref<!tpu.dma_semaphore, #tpu.memory_space<semaphore_mem>>
      %dma_start3A = arith.constant 0 : i32
      %dma_start3A_194 = tpu.memref_slice %arg6[%run_scoped3A_51, %dma_start3A] : memref<75x128xf32, #tpu.memory_space<vmem>> -> memref<1x128xf32, #tpu.memory_space<vmem>>
      %dma_start3A_195 = tpu.memref_squeeze %dma_start3A_194 : memref<1x128xf32, #tpu.memory_space<vmem>> -> memref<128xf32, #tpu.memory_space<vmem>>
      %dma_start3A_196 = arith.constant 0 : i32
      %dma_start3A_197 = tpu.memref_slice %arg5[%run_scoped3A_52, %dma_start3A_196] : memref<75x128xi32, #tpu.memory_space<vmem>> -> memref<1x128xi32, #tpu.memory_space<vmem>>
      %dma_start3A_198 = tpu.memref_squeeze %dma_start3A_197 : memref<1x128xi32, #tpu.memory_space<vmem>> -> memref<128xi32, #tpu.memory_space<vmem>>
      %dma_start3A_199 = arith.constant 0 : i32
      %dma_start3A_200 = tpu.memref_slice %arg8[%dma_start3A_199] : memref<819200xf32, #tpu.memory_space<vmem_shared>> -> memref<819200xf32, #tpu.memory_space<vmem_shared>>
      tpu.enqueue_indirect_dma source(%dma_start3A_195 : memref<128xf32, #tpu.memory_space<vmem>>) target(%dma_start3A_200 : memref<819200xf32, #tpu.memory_space<vmem_shared>>) offsets(%dma_start3A_198 : memref<128xi32, #tpu.memory_space<vmem>>) semaphore(%run_scoped3A_193 : memref<!tpu.dma_semaphore, #tpu.memory_space<semaphore_mem>>) {add = true}
      %dma_wait3A = arith.constant 0 : i32
      %dma_wait3A_201 = tpu.memref_slice %arg6[%run_scoped3A_51, %dma_wait3A] : memref<75x128xf32, #tpu.memory_space<vmem>> -> memref<1x128xf32, #tpu.memory_space<vmem>>
      %dma_wait3A_202 = tpu.memref_squeeze %dma_wait3A_201 : memref<1x128xf32, #tpu.memory_space<vmem>> -> memref<128xf32, #tpu.memory_space<vmem>>
      %dma_wait3A_203 = arith.constant 0 : i32
      %dma_wait3A_204 = tpu.memref_slice %arg5[%run_scoped3A_52, %dma_wait3A_203] : memref<75x128xi32, #tpu.memory_space<vmem>> -> memref<1x128xi32, #tpu.memory_space<vmem>>
      %dma_wait3A_205 = tpu.memref_squeeze %dma_wait3A_204 : memref<1x128xi32, #tpu.memory_space<vmem>> -> memref<128xi32, #tpu.memory_space<vmem>>
      %dma_wait3A_206 = arith.constant 0 : i32
      %dma_wait3A_207 = tpu.memref_slice %arg8[%dma_wait3A_206] : memref<819200xf32, #tpu.memory_space<vmem_shared>> -> memref<819200xf32, #tpu.memory_space<vmem_shared>>
      tpu.wait_indirect_dma semaphore(%run_scoped3A_193 : memref<!tpu.dma_semaphore, #tpu.memory_space<semaphore_mem>>) src(%dma_wait3A_202 : memref<128xf32, #tpu.memory_space<vmem>>) dst(%dma_wait3A_207 : memref<819200xf32, #tpu.memory_space<vmem_shared>>)
      tpu.yield
    }) : () -> ()
    %run_scoped3A_53 = arith.constant 8 : i32
    %run_scoped3A_54 = arith.constant 8 : i32
    "tpu.region"() ({
      %run_scoped3A_193 = tpu.sem_alloc : memref<!tpu.dma_semaphore, #tpu.memory_space<semaphore_mem>>
      %dma_start3A = arith.constant 0 : i32
      %dma_start3A_194 = tpu.memref_slice %arg6[%run_scoped3A_53, %dma_start3A] : memref<75x128xf32, #tpu.memory_space<vmem>> -> memref<1x128xf32, #tpu.memory_space<vmem>>
      %dma_start3A_195 = tpu.memref_squeeze %dma_start3A_194 : memref<1x128xf32, #tpu.memory_space<vmem>> -> memref<128xf32, #tpu.memory_space<vmem>>
      %dma_start3A_196 = arith.constant 0 : i32
      %dma_start3A_197 = tpu.memref_slice %arg5[%run_scoped3A_54, %dma_start3A_196] : memref<75x128xi32, #tpu.memory_space<vmem>> -> memref<1x128xi32, #tpu.memory_space<vmem>>
      %dma_start3A_198 = tpu.memref_squeeze %dma_start3A_197 : memref<1x128xi32, #tpu.memory_space<vmem>> -> memref<128xi32, #tpu.memory_space<vmem>>
      %dma_start3A_199 = arith.constant 0 : i32
      %dma_start3A_200 = tpu.memref_slice %arg8[%dma_start3A_199] : memref<819200xf32, #tpu.memory_space<vmem_shared>> -> memref<819200xf32, #tpu.memory_space<vmem_shared>>
      tpu.enqueue_indirect_dma source(%dma_start3A_195 : memref<128xf32, #tpu.memory_space<vmem>>) target(%dma_start3A_200 : memref<819200xf32, #tpu.memory_space<vmem_shared>>) offsets(%dma_start3A_198 : memref<128xi32, #tpu.memory_space<vmem>>) semaphore(%run_scoped3A_193 : memref<!tpu.dma_semaphore, #tpu.memory_space<semaphore_mem>>) {add = true}
      %dma_wait3A = arith.constant 0 : i32
      %dma_wait3A_201 = tpu.memref_slice %arg6[%run_scoped3A_53, %dma_wait3A] : memref<75x128xf32, #tpu.memory_space<vmem>> -> memref<1x128xf32, #tpu.memory_space<vmem>>
      %dma_wait3A_202 = tpu.memref_squeeze %dma_wait3A_201 : memref<1x128xf32, #tpu.memory_space<vmem>> -> memref<128xf32, #tpu.memory_space<vmem>>
      %dma_wait3A_203 = arith.constant 0 : i32
      %dma_wait3A_204 = tpu.memref_slice %arg5[%run_scoped3A_54, %dma_wait3A_203] : memref<75x128xi32, #tpu.memory_space<vmem>> -> memref<1x128xi32, #tpu.memory_space<vmem>>
      %dma_wait3A_205 = tpu.memref_squeeze %dma_wait3A_204 : memref<1x128xi32, #tpu.memory_space<vmem>> -> memref<128xi32, #tpu.memory_space<vmem>>
      %dma_wait3A_206 = arith.constant 0 : i32
      %dma_wait3A_207 = tpu.memref_slice %arg8[%dma_wait3A_206] : memref<819200xf32, #tpu.memory_space<vmem_shared>> -> memref<819200xf32, #tpu.memory_space<vmem_shared>>
      tpu.wait_indirect_dma semaphore(%run_scoped3A_193 : memref<!tpu.dma_semaphore, #tpu.memory_space<semaphore_mem>>) src(%dma_wait3A_202 : memref<128xf32, #tpu.memory_space<vmem>>) dst(%dma_wait3A_207 : memref<819200xf32, #tpu.memory_space<vmem_shared>>)
      tpu.yield
    }) : () -> ()
    %run_scoped3A_55 = arith.constant 9 : i32
    %run_scoped3A_56 = arith.constant 9 : i32
    "tpu.region"() ({
      %run_scoped3A_193 = tpu.sem_alloc : memref<!tpu.dma_semaphore, #tpu.memory_space<semaphore_mem>>
      %dma_start3A = arith.constant 0 : i32
      %dma_start3A_194 = tpu.memref_slice %arg6[%run_scoped3A_55, %dma_start3A] : memref<75x128xf32, #tpu.memory_space<vmem>> -> memref<1x128xf32, #tpu.memory_space<vmem>>
      %dma_start3A_195 = tpu.memref_squeeze %dma_start3A_194 : memref<1x128xf32, #tpu.memory_space<vmem>> -> memref<128xf32, #tpu.memory_space<vmem>>
      %dma_start3A_196 = arith.constant 0 : i32
      %dma_start3A_197 = tpu.memref_slice %arg5[%run_scoped3A_56, %dma_start3A_196] : memref<75x128xi32, #tpu.memory_space<vmem>> -> memref<1x128xi32, #tpu.memory_space<vmem>>
      %dma_start3A_198 = tpu.memref_squeeze %dma_start3A_197 : memref<1x128xi32, #tpu.memory_space<vmem>> -> memref<128xi32, #tpu.memory_space<vmem>>
      %dma_start3A_199 = arith.constant 0 : i32
      %dma_start3A_200 = tpu.memref_slice %arg8[%dma_start3A_199] : memref<819200xf32, #tpu.memory_space<vmem_shared>> -> memref<819200xf32, #tpu.memory_space<vmem_shared>>
      tpu.enqueue_indirect_dma source(%dma_start3A_195 : memref<128xf32, #tpu.memory_space<vmem>>) target(%dma_start3A_200 : memref<819200xf32, #tpu.memory_space<vmem_shared>>) offsets(%dma_start3A_198 : memref<128xi32, #tpu.memory_space<vmem>>) semaphore(%run_scoped3A_193 : memref<!tpu.dma_semaphore, #tpu.memory_space<semaphore_mem>>) {add = true}
      %dma_wait3A = arith.constant 0 : i32
      %dma_wait3A_201 = tpu.memref_slice %arg6[%run_scoped3A_55, %dma_wait3A] : memref<75x128xf32, #tpu.memory_space<vmem>> -> memref<1x128xf32, #tpu.memory_space<vmem>>
      %dma_wait3A_202 = tpu.memref_squeeze %dma_wait3A_201 : memref<1x128xf32, #tpu.memory_space<vmem>> -> memref<128xf32, #tpu.memory_space<vmem>>
      %dma_wait3A_203 = arith.constant 0 : i32
      %dma_wait3A_204 = tpu.memref_slice %arg5[%run_scoped3A_56, %dma_wait3A_203] : memref<75x128xi32, #tpu.memory_space<vmem>> -> memref<1x128xi32, #tpu.memory_space<vmem>>
      %dma_wait3A_205 = tpu.memref_squeeze %dma_wait3A_204 : memref<1x128xi32, #tpu.memory_space<vmem>> -> memref<128xi32, #tpu.memory_space<vmem>>
      %dma_wait3A_206 = arith.constant 0 : i32
      %dma_wait3A_207 = tpu.memref_slice %arg8[%dma_wait3A_206] : memref<819200xf32, #tpu.memory_space<vmem_shared>> -> memref<819200xf32, #tpu.memory_space<vmem_shared>>
      tpu.wait_indirect_dma semaphore(%run_scoped3A_193 : memref<!tpu.dma_semaphore, #tpu.memory_space<semaphore_mem>>) src(%dma_wait3A_202 : memref<128xf32, #tpu.memory_space<vmem>>) dst(%dma_wait3A_207 : memref<819200xf32, #tpu.memory_space<vmem_shared>>)
      tpu.yield
    }) : () -> ()
    %run_scoped3A_57 = arith.constant 10 : i32
    %run_scoped3A_58 = arith.constant 10 : i32
    "tpu.region"() ({
      %run_scoped3A_193 = tpu.sem_alloc : memref<!tpu.dma_semaphore, #tpu.memory_space<semaphore_mem>>
      %dma_start3A = arith.constant 0 : i32
      %dma_start3A_194 = tpu.memref_slice %arg6[%run_scoped3A_57, %dma_start3A] : memref<75x128xf32, #tpu.memory_space<vmem>> -> memref<1x128xf32, #tpu.memory_space<vmem>>
      %dma_start3A_195 = tpu.memref_squeeze %dma_start3A_194 : memref<1x128xf32, #tpu.memory_space<vmem>> -> memref<128xf32, #tpu.memory_space<vmem>>
      %dma_start3A_196 = arith.constant 0 : i32
      %dma_start3A_197 = tpu.memref_slice %arg5[%run_scoped3A_58, %dma_start3A_196] : memref<75x128xi32, #tpu.memory_space<vmem>> -> memref<1x128xi32, #tpu.memory_space<vmem>>
      %dma_start3A_198 = tpu.memref_squeeze %dma_start3A_197 : memref<1x128xi32, #tpu.memory_space<vmem>> -> memref<128xi32, #tpu.memory_space<vmem>>
      %dma_start3A_199 = arith.constant 0 : i32
      %dma_start3A_200 = tpu.memref_slice %arg8[%dma_start3A_199] : memref<819200xf32, #tpu.memory_space<vmem_shared>> -> memref<819200xf32, #tpu.memory_space<vmem_shared>>
      tpu.enqueue_indirect_dma source(%dma_start3A_195 : memref<128xf32, #tpu.memory_space<vmem>>) target(%dma_start3A_200 : memref<819200xf32, #tpu.memory_space<vmem_shared>>) offsets(%dma_start3A_198 : memref<128xi32, #tpu.memory_space<vmem>>) semaphore(%run_scoped3A_193 : memref<!tpu.dma_semaphore, #tpu.memory_space<semaphore_mem>>) {add = true}
      %dma_wait3A = arith.constant 0 : i32
      %dma_wait3A_201 = tpu.memref_slice %arg6[%run_scoped3A_57, %dma_wait3A] : memref<75x128xf32, #tpu.memory_space<vmem>> -> memref<1x128xf32, #tpu.memory_space<vmem>>
      %dma_wait3A_202 = tpu.memref_squeeze %dma_wait3A_201 : memref<1x128xf32, #tpu.memory_space<vmem>> -> memref<128xf32, #tpu.memory_space<vmem>>
      %dma_wait3A_203 = arith.constant 0 : i32
      %dma_wait3A_204 = tpu.memref_slice %arg5[%run_scoped3A_58, %dma_wait3A_203] : memref<75x128xi32, #tpu.memory_space<vmem>> -> memref<1x128xi32, #tpu.memory_space<vmem>>
      %dma_wait3A_205 = tpu.memref_squeeze %dma_wait3A_204 : memref<1x128xi32, #tpu.memory_space<vmem>> -> memref<128xi32, #tpu.memory_space<vmem>>
      %dma_wait3A_206 = arith.constant 0 : i32
      %dma_wait3A_207 = tpu.memref_slice %arg8[%dma_wait3A_206] : memref<819200xf32, #tpu.memory_space<vmem_shared>> -> memref<819200xf32, #tpu.memory_space<vmem_shared>>
      tpu.wait_indirect_dma semaphore(%run_scoped3A_193 : memref<!tpu.dma_semaphore, #tpu.memory_space<semaphore_mem>>) src(%dma_wait3A_202 : memref<128xf32, #tpu.memory_space<vmem>>) dst(%dma_wait3A_207 : memref<819200xf32, #tpu.memory_space<vmem_shared>>)
      tpu.yield
    }) : () -> ()
    %run_scoped3A_59 = arith.constant 11 : i32
    %run_scoped3A_60 = arith.constant 11 : i32
    "tpu.region"() ({
      %run_scoped3A_193 = tpu.sem_alloc : memref<!tpu.dma_semaphore, #tpu.memory_space<semaphore_mem>>
      %dma_start3A = arith.constant 0 : i32
      %dma_start3A_194 = tpu.memref_slice %arg6[%run_scoped3A_59, %dma_start3A] : memref<75x128xf32, #tpu.memory_space<vmem>> -> memref<1x128xf32, #tpu.memory_space<vmem>>
      %dma_start3A_195 = tpu.memref_squeeze %dma_start3A_194 : memref<1x128xf32, #tpu.memory_space<vmem>> -> memref<128xf32, #tpu.memory_space<vmem>>
      %dma_start3A_196 = arith.constant 0 : i32
      %dma_start3A_197 = tpu.memref_slice %arg5[%run_scoped3A_60, %dma_start3A_196] : memref<75x128xi32, #tpu.memory_space<vmem>> -> memref<1x128xi32, #tpu.memory_space<vmem>>
      %dma_start3A_198 = tpu.memref_squeeze %dma_start3A_197 : memref<1x128xi32, #tpu.memory_space<vmem>> -> memref<128xi32, #tpu.memory_space<vmem>>
      %dma_start3A_199 = arith.constant 0 : i32
      %dma_start3A_200 = tpu.memref_slice %arg8[%dma_start3A_199] : memref<819200xf32, #tpu.memory_space<vmem_shared>> -> memref<819200xf32, #tpu.memory_space<vmem_shared>>
      tpu.enqueue_indirect_dma source(%dma_start3A_195 : memref<128xf32, #tpu.memory_space<vmem>>) target(%dma_start3A_200 : memref<819200xf32, #tpu.memory_space<vmem_shared>>) offsets(%dma_start3A_198 : memref<128xi32, #tpu.memory_space<vmem>>) semaphore(%run_scoped3A_193 : memref<!tpu.dma_semaphore, #tpu.memory_space<semaphore_mem>>) {add = true}
      %dma_wait3A = arith.constant 0 : i32
      %dma_wait3A_201 = tpu.memref_slice %arg6[%run_scoped3A_59, %dma_wait3A] : memref<75x128xf32, #tpu.memory_space<vmem>> -> memref<1x128xf32, #tpu.memory_space<vmem>>
      %dma_wait3A_202 = tpu.memref_squeeze %dma_wait3A_201 : memref<1x128xf32, #tpu.memory_space<vmem>> -> memref<128xf32, #tpu.memory_space<vmem>>
      %dma_wait3A_203 = arith.constant 0 : i32
      %dma_wait3A_204 = tpu.memref_slice %arg5[%run_scoped3A_60, %dma_wait3A_203] : memref<75x128xi32, #tpu.memory_space<vmem>> -> memref<1x128xi32, #tpu.memory_space<vmem>>
      %dma_wait3A_205 = tpu.memref_squeeze %dma_wait3A_204 : memref<1x128xi32, #tpu.memory_space<vmem>> -> memref<128xi32, #tpu.memory_space<vmem>>
      %dma_wait3A_206 = arith.constant 0 : i32
      %dma_wait3A_207 = tpu.memref_slice %arg8[%dma_wait3A_206] : memref<819200xf32, #tpu.memory_space<vmem_shared>> -> memref<819200xf32, #tpu.memory_space<vmem_shared>>
      tpu.wait_indirect_dma semaphore(%run_scoped3A_193 : memref<!tpu.dma_semaphore, #tpu.memory_space<semaphore_mem>>) src(%dma_wait3A_202 : memref<128xf32, #tpu.memory_space<vmem>>) dst(%dma_wait3A_207 : memref<819200xf32, #tpu.memory_space<vmem_shared>>)
      tpu.yield
    }) : () -> ()
    %run_scoped3A_61 = arith.constant 12 : i32
    %run_scoped3A_62 = arith.constant 12 : i32
    "tpu.region"() ({
      %run_scoped3A_193 = tpu.sem_alloc : memref<!tpu.dma_semaphore, #tpu.memory_space<semaphore_mem>>
      %dma_start3A = arith.constant 0 : i32
      %dma_start3A_194 = tpu.memref_slice %arg6[%run_scoped3A_61, %dma_start3A] : memref<75x128xf32, #tpu.memory_space<vmem>> -> memref<1x128xf32, #tpu.memory_space<vmem>>
      %dma_start3A_195 = tpu.memref_squeeze %dma_start3A_194 : memref<1x128xf32, #tpu.memory_space<vmem>> -> memref<128xf32, #tpu.memory_space<vmem>>
      %dma_start3A_196 = arith.constant 0 : i32
      %dma_start3A_197 = tpu.memref_slice %arg5[%run_scoped3A_62, %dma_start3A_196] : memref<75x128xi32, #tpu.memory_space<vmem>> -> memref<1x128xi32, #tpu.memory_space<vmem>>
      %dma_start3A_198 = tpu.memref_squeeze %dma_start3A_197 : memref<1x128xi32, #tpu.memory_space<vmem>> -> memref<128xi32, #tpu.memory_space<vmem>>
      %dma_start3A_199 = arith.constant 0 : i32
      %dma_start3A_200 = tpu.memref_slice %arg8[%dma_start3A_199] : memref<819200xf32, #tpu.memory_space<vmem_shared>> -> memref<819200xf32, #tpu.memory_space<vmem_shared>>
      tpu.enqueue_indirect_dma source(%dma_start3A_195 : memref<128xf32, #tpu.memory_space<vmem>>) target(%dma_start3A_200 : memref<819200xf32, #tpu.memory_space<vmem_shared>>) offsets(%dma_start3A_198 : memref<128xi32, #tpu.memory_space<vmem>>) semaphore(%run_scoped3A_193 : memref<!tpu.dma_semaphore, #tpu.memory_space<semaphore_mem>>) {add = true}
      %dma_wait3A = arith.constant 0 : i32
      %dma_wait3A_201 = tpu.memref_slice %arg6[%run_scoped3A_61, %dma_wait3A] : memref<75x128xf32, #tpu.memory_space<vmem>> -> memref<1x128xf32, #tpu.memory_space<vmem>>
      %dma_wait3A_202 = tpu.memref_squeeze %dma_wait3A_201 : memref<1x128xf32, #tpu.memory_space<vmem>> -> memref<128xf32, #tpu.memory_space<vmem>>
      %dma_wait3A_203 = arith.constant 0 : i32
      %dma_wait3A_204 = tpu.memref_slice %arg5[%run_scoped3A_62, %dma_wait3A_203] : memref<75x128xi32, #tpu.memory_space<vmem>> -> memref<1x128xi32, #tpu.memory_space<vmem>>
      %dma_wait3A_205 = tpu.memref_squeeze %dma_wait3A_204 : memref<1x128xi32, #tpu.memory_space<vmem>> -> memref<128xi32, #tpu.memory_space<vmem>>
      %dma_wait3A_206 = arith.constant 0 : i32
      %dma_wait3A_207 = tpu.memref_slice %arg8[%dma_wait3A_206] : memref<819200xf32, #tpu.memory_space<vmem_shared>> -> memref<819200xf32, #tpu.memory_space<vmem_shared>>
      tpu.wait_indirect_dma semaphore(%run_scoped3A_193 : memref<!tpu.dma_semaphore, #tpu.memory_space<semaphore_mem>>) src(%dma_wait3A_202 : memref<128xf32, #tpu.memory_space<vmem>>) dst(%dma_wait3A_207 : memref<819200xf32, #tpu.memory_space<vmem_shared>>)
      tpu.yield
    }) : () -> ()
    %run_scoped3A_63 = arith.constant 13 : i32
    %run_scoped3A_64 = arith.constant 13 : i32
    "tpu.region"() ({
      %run_scoped3A_193 = tpu.sem_alloc : memref<!tpu.dma_semaphore, #tpu.memory_space<semaphore_mem>>
      %dma_start3A = arith.constant 0 : i32
      %dma_start3A_194 = tpu.memref_slice %arg6[%run_scoped3A_63, %dma_start3A] : memref<75x128xf32, #tpu.memory_space<vmem>> -> memref<1x128xf32, #tpu.memory_space<vmem>>
      %dma_start3A_195 = tpu.memref_squeeze %dma_start3A_194 : memref<1x128xf32, #tpu.memory_space<vmem>> -> memref<128xf32, #tpu.memory_space<vmem>>
      %dma_start3A_196 = arith.constant 0 : i32
      %dma_start3A_197 = tpu.memref_slice %arg5[%run_scoped3A_64, %dma_start3A_196] : memref<75x128xi32, #tpu.memory_space<vmem>> -> memref<1x128xi32, #tpu.memory_space<vmem>>
      %dma_start3A_198 = tpu.memref_squeeze %dma_start3A_197 : memref<1x128xi32, #tpu.memory_space<vmem>> -> memref<128xi32, #tpu.memory_space<vmem>>
      %dma_start3A_199 = arith.constant 0 : i32
      %dma_start3A_200 = tpu.memref_slice %arg8[%dma_start3A_199] : memref<819200xf32, #tpu.memory_space<vmem_shared>> -> memref<819200xf32, #tpu.memory_space<vmem_shared>>
      tpu.enqueue_indirect_dma source(%dma_start3A_195 : memref<128xf32, #tpu.memory_space<vmem>>) target(%dma_start3A_200 : memref<819200xf32, #tpu.memory_space<vmem_shared>>) offsets(%dma_start3A_198 : memref<128xi32, #tpu.memory_space<vmem>>) semaphore(%run_scoped3A_193 : memref<!tpu.dma_semaphore, #tpu.memory_space<semaphore_mem>>) {add = true}
      %dma_wait3A = arith.constant 0 : i32
      %dma_wait3A_201 = tpu.memref_slice %arg6[%run_scoped3A_63, %dma_wait3A] : memref<75x128xf32, #tpu.memory_space<vmem>> -> memref<1x128xf32, #tpu.memory_space<vmem>>
      %dma_wait3A_202 = tpu.memref_squeeze %dma_wait3A_201 : memref<1x128xf32, #tpu.memory_space<vmem>> -> memref<128xf32, #tpu.memory_space<vmem>>
      %dma_wait3A_203 = arith.constant 0 : i32
      %dma_wait3A_204 = tpu.memref_slice %arg5[%run_scoped3A_64, %dma_wait3A_203] : memref<75x128xi32, #tpu.memory_space<vmem>> -> memref<1x128xi32, #tpu.memory_space<vmem>>
      %dma_wait3A_205 = tpu.memref_squeeze %dma_wait3A_204 : memref<1x128xi32, #tpu.memory_space<vmem>> -> memref<128xi32, #tpu.memory_space<vmem>>
      %dma_wait3A_206 = arith.constant 0 : i32
      %dma_wait3A_207 = tpu.memref_slice %arg8[%dma_wait3A_206] : memref<819200xf32, #tpu.memory_space<vmem_shared>> -> memref<819200xf32, #tpu.memory_space<vmem_shared>>
      tpu.wait_indirect_dma semaphore(%run_scoped3A_193 : memref<!tpu.dma_semaphore, #tpu.memory_space<semaphore_mem>>) src(%dma_wait3A_202 : memref<128xf32, #tpu.memory_space<vmem>>) dst(%dma_wait3A_207 : memref<819200xf32, #tpu.memory_space<vmem_shared>>)
      tpu.yield
    }) : () -> ()
    %run_scoped3A_65 = arith.constant 14 : i32
    %run_scoped3A_66 = arith.constant 14 : i32
    "tpu.region"() ({
      %run_scoped3A_193 = tpu.sem_alloc : memref<!tpu.dma_semaphore, #tpu.memory_space<semaphore_mem>>
      %dma_start3A = arith.constant 0 : i32
      %dma_start3A_194 = tpu.memref_slice %arg6[%run_scoped3A_65, %dma_start3A] : memref<75x128xf32, #tpu.memory_space<vmem>> -> memref<1x128xf32, #tpu.memory_space<vmem>>
      %dma_start3A_195 = tpu.memref_squeeze %dma_start3A_194 : memref<1x128xf32, #tpu.memory_space<vmem>> -> memref<128xf32, #tpu.memory_space<vmem>>
      %dma_start3A_196 = arith.constant 0 : i32
      %dma_start3A_197 = tpu.memref_slice %arg5[%run_scoped3A_66, %dma_start3A_196] : memref<75x128xi32, #tpu.memory_space<vmem>> -> memref<1x128xi32, #tpu.memory_space<vmem>>
      %dma_start3A_198 = tpu.memref_squeeze %dma_start3A_197 : memref<1x128xi32, #tpu.memory_space<vmem>> -> memref<128xi32, #tpu.memory_space<vmem>>
      %dma_start3A_199 = arith.constant 0 : i32
      %dma_start3A_200 = tpu.memref_slice %arg8[%dma_start3A_199] : memref<819200xf32, #tpu.memory_space<vmem_shared>> -> memref<819200xf32, #tpu.memory_space<vmem_shared>>
      tpu.enqueue_indirect_dma source(%dma_start3A_195 : memref<128xf32, #tpu.memory_space<vmem>>) target(%dma_start3A_200 : memref<819200xf32, #tpu.memory_space<vmem_shared>>) offsets(%dma_start3A_198 : memref<128xi32, #tpu.memory_space<vmem>>) semaphore(%run_scoped3A_193 : memref<!tpu.dma_semaphore, #tpu.memory_space<semaphore_mem>>) {add = true}
      %dma_wait3A = arith.constant 0 : i32
      %dma_wait3A_201 = tpu.memref_slice %arg6[%run_scoped3A_65, %dma_wait3A] : memref<75x128xf32, #tpu.memory_space<vmem>> -> memref<1x128xf32, #tpu.memory_space<vmem>>
      %dma_wait3A_202 = tpu.memref_squeeze %dma_wait3A_201 : memref<1x128xf32, #tpu.memory_space<vmem>> -> memref<128xf32, #tpu.memory_space<vmem>>
      %dma_wait3A_203 = arith.constant 0 : i32
      %dma_wait3A_204 = tpu.memref_slice %arg5[%run_scoped3A_66, %dma_wait3A_203] : memref<75x128xi32, #tpu.memory_space<vmem>> -> memref<1x128xi32, #tpu.memory_space<vmem>>
      %dma_wait3A_205 = tpu.memref_squeeze %dma_wait3A_204 : memref<1x128xi32, #tpu.memory_space<vmem>> -> memref<128xi32, #tpu.memory_space<vmem>>
      %dma_wait3A_206 = arith.constant 0 : i32
      %dma_wait3A_207 = tpu.memref_slice %arg8[%dma_wait3A_206] : memref<819200xf32, #tpu.memory_space<vmem_shared>> -> memref<819200xf32, #tpu.memory_space<vmem_shared>>
      tpu.wait_indirect_dma semaphore(%run_scoped3A_193 : memref<!tpu.dma_semaphore, #tpu.memory_space<semaphore_mem>>) src(%dma_wait3A_202 : memref<128xf32, #tpu.memory_space<vmem>>) dst(%dma_wait3A_207 : memref<819200xf32, #tpu.memory_space<vmem_shared>>)
      tpu.yield
    }) : () -> ()
    %run_scoped3A_67 = arith.constant 15 : i32
    %run_scoped3A_68 = arith.constant 15 : i32
    "tpu.region"() ({
      %run_scoped3A_193 = tpu.sem_alloc : memref<!tpu.dma_semaphore, #tpu.memory_space<semaphore_mem>>
      %dma_start3A = arith.constant 0 : i32
      %dma_start3A_194 = tpu.memref_slice %arg6[%run_scoped3A_67, %dma_start3A] : memref<75x128xf32, #tpu.memory_space<vmem>> -> memref<1x128xf32, #tpu.memory_space<vmem>>
      %dma_start3A_195 = tpu.memref_squeeze %dma_start3A_194 : memref<1x128xf32, #tpu.memory_space<vmem>> -> memref<128xf32, #tpu.memory_space<vmem>>
      %dma_start3A_196 = arith.constant 0 : i32
      %dma_start3A_197 = tpu.memref_slice %arg5[%run_scoped3A_68, %dma_start3A_196] : memref<75x128xi32, #tpu.memory_space<vmem>> -> memref<1x128xi32, #tpu.memory_space<vmem>>
      %dma_start3A_198 = tpu.memref_squeeze %dma_start3A_197 : memref<1x128xi32, #tpu.memory_space<vmem>> -> memref<128xi32, #tpu.memory_space<vmem>>
      %dma_start3A_199 = arith.constant 0 : i32
      %dma_start3A_200 = tpu.memref_slice %arg8[%dma_start3A_199] : memref<819200xf32, #tpu.memory_space<vmem_shared>> -> memref<819200xf32, #tpu.memory_space<vmem_shared>>
      tpu.enqueue_indirect_dma source(%dma_start3A_195 : memref<128xf32, #tpu.memory_space<vmem>>) target(%dma_start3A_200 : memref<819200xf32, #tpu.memory_space<vmem_shared>>) offsets(%dma_start3A_198 : memref<128xi32, #tpu.memory_space<vmem>>) semaphore(%run_scoped3A_193 : memref<!tpu.dma_semaphore, #tpu.memory_space<semaphore_mem>>) {add = true}
      %dma_wait3A = arith.constant 0 : i32
      %dma_wait3A_201 = tpu.memref_slice %arg6[%run_scoped3A_67, %dma_wait3A] : memref<75x128xf32, #tpu.memory_space<vmem>> -> memref<1x128xf32, #tpu.memory_space<vmem>>
      %dma_wait3A_202 = tpu.memref_squeeze %dma_wait3A_201 : memref<1x128xf32, #tpu.memory_space<vmem>> -> memref<128xf32, #tpu.memory_space<vmem>>
      %dma_wait3A_203 = arith.constant 0 : i32
      %dma_wait3A_204 = tpu.memref_slice %arg5[%run_scoped3A_68, %dma_wait3A_203] : memref<75x128xi32, #tpu.memory_space<vmem>> -> memref<1x128xi32, #tpu.memory_space<vmem>>
      %dma_wait3A_205 = tpu.memref_squeeze %dma_wait3A_204 : memref<1x128xi32, #tpu.memory_space<vmem>> -> memref<128xi32, #tpu.memory_space<vmem>>
      %dma_wait3A_206 = arith.constant 0 : i32
      %dma_wait3A_207 = tpu.memref_slice %arg8[%dma_wait3A_206] : memref<819200xf32, #tpu.memory_space<vmem_shared>> -> memref<819200xf32, #tpu.memory_space<vmem_shared>>
      tpu.wait_indirect_dma semaphore(%run_scoped3A_193 : memref<!tpu.dma_semaphore, #tpu.memory_space<semaphore_mem>>) src(%dma_wait3A_202 : memref<128xf32, #tpu.memory_space<vmem>>) dst(%dma_wait3A_207 : memref<819200xf32, #tpu.memory_space<vmem_shared>>)
      tpu.yield
    }) : () -> ()
    %run_scoped3A_69 = arith.constant 16 : i32
    %run_scoped3A_70 = arith.constant 16 : i32
    "tpu.region"() ({
      %run_scoped3A_193 = tpu.sem_alloc : memref<!tpu.dma_semaphore, #tpu.memory_space<semaphore_mem>>
      %dma_start3A = arith.constant 0 : i32
      %dma_start3A_194 = tpu.memref_slice %arg6[%run_scoped3A_69, %dma_start3A] : memref<75x128xf32, #tpu.memory_space<vmem>> -> memref<1x128xf32, #tpu.memory_space<vmem>>
      %dma_start3A_195 = tpu.memref_squeeze %dma_start3A_194 : memref<1x128xf32, #tpu.memory_space<vmem>> -> memref<128xf32, #tpu.memory_space<vmem>>
      %dma_start3A_196 = arith.constant 0 : i32
      %dma_start3A_197 = tpu.memref_slice %arg5[%run_scoped3A_70, %dma_start3A_196] : memref<75x128xi32, #tpu.memory_space<vmem>> -> memref<1x128xi32, #tpu.memory_space<vmem>>
      %dma_start3A_198 = tpu.memref_squeeze %dma_start3A_197 : memref<1x128xi32, #tpu.memory_space<vmem>> -> memref<128xi32, #tpu.memory_space<vmem>>
      %dma_start3A_199 = arith.constant 0 : i32
      %dma_start3A_200 = tpu.memref_slice %arg8[%dma_start3A_199] : memref<819200xf32, #tpu.memory_space<vmem_shared>> -> memref<819200xf32, #tpu.memory_space<vmem_shared>>
      tpu.enqueue_indirect_dma source(%dma_start3A_195 : memref<128xf32, #tpu.memory_space<vmem>>) target(%dma_start3A_200 : memref<819200xf32, #tpu.memory_space<vmem_shared>>) offsets(%dma_start3A_198 : memref<128xi32, #tpu.memory_space<vmem>>) semaphore(%run_scoped3A_193 : memref<!tpu.dma_semaphore, #tpu.memory_space<semaphore_mem>>) {add = true}
      %dma_wait3A = arith.constant 0 : i32
      %dma_wait3A_201 = tpu.memref_slice %arg6[%run_scoped3A_69, %dma_wait3A] : memref<75x128xf32, #tpu.memory_space<vmem>> -> memref<1x128xf32, #tpu.memory_space<vmem>>
      %dma_wait3A_202 = tpu.memref_squeeze %dma_wait3A_201 : memref<1x128xf32, #tpu.memory_space<vmem>> -> memref<128xf32, #tpu.memory_space<vmem>>
      %dma_wait3A_203 = arith.constant 0 : i32
      %dma_wait3A_204 = tpu.memref_slice %arg5[%run_scoped3A_70, %dma_wait3A_203] : memref<75x128xi32, #tpu.memory_space<vmem>> -> memref<1x128xi32, #tpu.memory_space<vmem>>
      %dma_wait3A_205 = tpu.memref_squeeze %dma_wait3A_204 : memref<1x128xi32, #tpu.memory_space<vmem>> -> memref<128xi32, #tpu.memory_space<vmem>>
      %dma_wait3A_206 = arith.constant 0 : i32
      %dma_wait3A_207 = tpu.memref_slice %arg8[%dma_wait3A_206] : memref<819200xf32, #tpu.memory_space<vmem_shared>> -> memref<819200xf32, #tpu.memory_space<vmem_shared>>
      tpu.wait_indirect_dma semaphore(%run_scoped3A_193 : memref<!tpu.dma_semaphore, #tpu.memory_space<semaphore_mem>>) src(%dma_wait3A_202 : memref<128xf32, #tpu.memory_space<vmem>>) dst(%dma_wait3A_207 : memref<819200xf32, #tpu.memory_space<vmem_shared>>)
      tpu.yield
    }) : () -> ()
    %run_scoped3A_71 = arith.constant 17 : i32
    %run_scoped3A_72 = arith.constant 17 : i32
    "tpu.region"() ({
      %run_scoped3A_193 = tpu.sem_alloc : memref<!tpu.dma_semaphore, #tpu.memory_space<semaphore_mem>>
      %dma_start3A = arith.constant 0 : i32
      %dma_start3A_194 = tpu.memref_slice %arg6[%run_scoped3A_71, %dma_start3A] : memref<75x128xf32, #tpu.memory_space<vmem>> -> memref<1x128xf32, #tpu.memory_space<vmem>>
      %dma_start3A_195 = tpu.memref_squeeze %dma_start3A_194 : memref<1x128xf32, #tpu.memory_space<vmem>> -> memref<128xf32, #tpu.memory_space<vmem>>
      %dma_start3A_196 = arith.constant 0 : i32
      %dma_start3A_197 = tpu.memref_slice %arg5[%run_scoped3A_72, %dma_start3A_196] : memref<75x128xi32, #tpu.memory_space<vmem>> -> memref<1x128xi32, #tpu.memory_space<vmem>>
      %dma_start3A_198 = tpu.memref_squeeze %dma_start3A_197 : memref<1x128xi32, #tpu.memory_space<vmem>> -> memref<128xi32, #tpu.memory_space<vmem>>
      %dma_start3A_199 = arith.constant 0 : i32
      %dma_start3A_200 = tpu.memref_slice %arg8[%dma_start3A_199] : memref<819200xf32, #tpu.memory_space<vmem_shared>> -> memref<819200xf32, #tpu.memory_space<vmem_shared>>
      tpu.enqueue_indirect_dma source(%dma_start3A_195 : memref<128xf32, #tpu.memory_space<vmem>>) target(%dma_start3A_200 : memref<819200xf32, #tpu.memory_space<vmem_shared>>) offsets(%dma_start3A_198 : memref<128xi32, #tpu.memory_space<vmem>>) semaphore(%run_scoped3A_193 : memref<!tpu.dma_semaphore, #tpu.memory_space<semaphore_mem>>) {add = true}
      %dma_wait3A = arith.constant 0 : i32
      %dma_wait3A_201 = tpu.memref_slice %arg6[%run_scoped3A_71, %dma_wait3A] : memref<75x128xf32, #tpu.memory_space<vmem>> -> memref<1x128xf32, #tpu.memory_space<vmem>>
      %dma_wait3A_202 = tpu.memref_squeeze %dma_wait3A_201 : memref<1x128xf32, #tpu.memory_space<vmem>> -> memref<128xf32, #tpu.memory_space<vmem>>
      %dma_wait3A_203 = arith.constant 0 : i32
      %dma_wait3A_204 = tpu.memref_slice %arg5[%run_scoped3A_72, %dma_wait3A_203] : memref<75x128xi32, #tpu.memory_space<vmem>> -> memref<1x128xi32, #tpu.memory_space<vmem>>
      %dma_wait3A_205 = tpu.memref_squeeze %dma_wait3A_204 : memref<1x128xi32, #tpu.memory_space<vmem>> -> memref<128xi32, #tpu.memory_space<vmem>>
      %dma_wait3A_206 = arith.constant 0 : i32
      %dma_wait3A_207 = tpu.memref_slice %arg8[%dma_wait3A_206] : memref<819200xf32, #tpu.memory_space<vmem_shared>> -> memref<819200xf32, #tpu.memory_space<vmem_shared>>
      tpu.wait_indirect_dma semaphore(%run_scoped3A_193 : memref<!tpu.dma_semaphore, #tpu.memory_space<semaphore_mem>>) src(%dma_wait3A_202 : memref<128xf32, #tpu.memory_space<vmem>>) dst(%dma_wait3A_207 : memref<819200xf32, #tpu.memory_space<vmem_shared>>)
      tpu.yield
    }) : () -> ()
    %run_scoped3A_73 = arith.constant 18 : i32
    %run_scoped3A_74 = arith.constant 18 : i32
    "tpu.region"() ({
      %run_scoped3A_193 = tpu.sem_alloc : memref<!tpu.dma_semaphore, #tpu.memory_space<semaphore_mem>>
      %dma_start3A = arith.constant 0 : i32
      %dma_start3A_194 = tpu.memref_slice %arg6[%run_scoped3A_73, %dma_start3A] : memref<75x128xf32, #tpu.memory_space<vmem>> -> memref<1x128xf32, #tpu.memory_space<vmem>>
      %dma_start3A_195 = tpu.memref_squeeze %dma_start3A_194 : memref<1x128xf32, #tpu.memory_space<vmem>> -> memref<128xf32, #tpu.memory_space<vmem>>
      %dma_start3A_196 = arith.constant 0 : i32
      %dma_start3A_197 = tpu.memref_slice %arg5[%run_scoped3A_74, %dma_start3A_196] : memref<75x128xi32, #tpu.memory_space<vmem>> -> memref<1x128xi32, #tpu.memory_space<vmem>>
      %dma_start3A_198 = tpu.memref_squeeze %dma_start3A_197 : memref<1x128xi32, #tpu.memory_space<vmem>> -> memref<128xi32, #tpu.memory_space<vmem>>
      %dma_start3A_199 = arith.constant 0 : i32
      %dma_start3A_200 = tpu.memref_slice %arg8[%dma_start3A_199] : memref<819200xf32, #tpu.memory_space<vmem_shared>> -> memref<819200xf32, #tpu.memory_space<vmem_shared>>
      tpu.enqueue_indirect_dma source(%dma_start3A_195 : memref<128xf32, #tpu.memory_space<vmem>>) target(%dma_start3A_200 : memref<819200xf32, #tpu.memory_space<vmem_shared>>) offsets(%dma_start3A_198 : memref<128xi32, #tpu.memory_space<vmem>>) semaphore(%run_scoped3A_193 : memref<!tpu.dma_semaphore, #tpu.memory_space<semaphore_mem>>) {add = true}
      %dma_wait3A = arith.constant 0 : i32
      %dma_wait3A_201 = tpu.memref_slice %arg6[%run_scoped3A_73, %dma_wait3A] : memref<75x128xf32, #tpu.memory_space<vmem>> -> memref<1x128xf32, #tpu.memory_space<vmem>>
      %dma_wait3A_202 = tpu.memref_squeeze %dma_wait3A_201 : memref<1x128xf32, #tpu.memory_space<vmem>> -> memref<128xf32, #tpu.memory_space<vmem>>
      %dma_wait3A_203 = arith.constant 0 : i32
      %dma_wait3A_204 = tpu.memref_slice %arg5[%run_scoped3A_74, %dma_wait3A_203] : memref<75x128xi32, #tpu.memory_space<vmem>> -> memref<1x128xi32, #tpu.memory_space<vmem>>
      %dma_wait3A_205 = tpu.memref_squeeze %dma_wait3A_204 : memref<1x128xi32, #tpu.memory_space<vmem>> -> memref<128xi32, #tpu.memory_space<vmem>>
      %dma_wait3A_206 = arith.constant 0 : i32
      %dma_wait3A_207 = tpu.memref_slice %arg8[%dma_wait3A_206] : memref<819200xf32, #tpu.memory_space<vmem_shared>> -> memref<819200xf32, #tpu.memory_space<vmem_shared>>
      tpu.wait_indirect_dma semaphore(%run_scoped3A_193 : memref<!tpu.dma_semaphore, #tpu.memory_space<semaphore_mem>>) src(%dma_wait3A_202 : memref<128xf32, #tpu.memory_space<vmem>>) dst(%dma_wait3A_207 : memref<819200xf32, #tpu.memory_space<vmem_shared>>)
      tpu.yield
    }) : () -> ()
    %run_scoped3A_75 = arith.constant 19 : i32
    %run_scoped3A_76 = arith.constant 19 : i32
    "tpu.region"() ({
      %run_scoped3A_193 = tpu.sem_alloc : memref<!tpu.dma_semaphore, #tpu.memory_space<semaphore_mem>>
      %dma_start3A = arith.constant 0 : i32
      %dma_start3A_194 = tpu.memref_slice %arg6[%run_scoped3A_75, %dma_start3A] : memref<75x128xf32, #tpu.memory_space<vmem>> -> memref<1x128xf32, #tpu.memory_space<vmem>>
      %dma_start3A_195 = tpu.memref_squeeze %dma_start3A_194 : memref<1x128xf32, #tpu.memory_space<vmem>> -> memref<128xf32, #tpu.memory_space<vmem>>
      %dma_start3A_196 = arith.constant 0 : i32
      %dma_start3A_197 = tpu.memref_slice %arg5[%run_scoped3A_76, %dma_start3A_196] : memref<75x128xi32, #tpu.memory_space<vmem>> -> memref<1x128xi32, #tpu.memory_space<vmem>>
      %dma_start3A_198 = tpu.memref_squeeze %dma_start3A_197 : memref<1x128xi32, #tpu.memory_space<vmem>> -> memref<128xi32, #tpu.memory_space<vmem>>
      %dma_start3A_199 = arith.constant 0 : i32
      %dma_start3A_200 = tpu.memref_slice %arg8[%dma_start3A_199] : memref<819200xf32, #tpu.memory_space<vmem_shared>> -> memref<819200xf32, #tpu.memory_space<vmem_shared>>
      tpu.enqueue_indirect_dma source(%dma_start3A_195 : memref<128xf32, #tpu.memory_space<vmem>>) target(%dma_start3A_200 : memref<819200xf32, #tpu.memory_space<vmem_shared>>) offsets(%dma_start3A_198 : memref<128xi32, #tpu.memory_space<vmem>>) semaphore(%run_scoped3A_193 : memref<!tpu.dma_semaphore, #tpu.memory_space<semaphore_mem>>) {add = true}
      %dma_wait3A = arith.constant 0 : i32
      %dma_wait3A_201 = tpu.memref_slice %arg6[%run_scoped3A_75, %dma_wait3A] : memref<75x128xf32, #tpu.memory_space<vmem>> -> memref<1x128xf32, #tpu.memory_space<vmem>>
      %dma_wait3A_202 = tpu.memref_squeeze %dma_wait3A_201 : memref<1x128xf32, #tpu.memory_space<vmem>> -> memref<128xf32, #tpu.memory_space<vmem>>
      %dma_wait3A_203 = arith.constant 0 : i32
      %dma_wait3A_204 = tpu.memref_slice %arg5[%run_scoped3A_76, %dma_wait3A_203] : memref<75x128xi32, #tpu.memory_space<vmem>> -> memref<1x128xi32, #tpu.memory_space<vmem>>
      %dma_wait3A_205 = tpu.memref_squeeze %dma_wait3A_204 : memref<1x128xi32, #tpu.memory_space<vmem>> -> memref<128xi32, #tpu.memory_space<vmem>>
      %dma_wait3A_206 = arith.constant 0 : i32
      %dma_wait3A_207 = tpu.memref_slice %arg8[%dma_wait3A_206] : memref<819200xf32, #tpu.memory_space<vmem_shared>> -> memref<819200xf32, #tpu.memory_space<vmem_shared>>
      tpu.wait_indirect_dma semaphore(%run_scoped3A_193 : memref<!tpu.dma_semaphore, #tpu.memory_space<semaphore_mem>>) src(%dma_wait3A_202 : memref<128xf32, #tpu.memory_space<vmem>>) dst(%dma_wait3A_207 : memref<819200xf32, #tpu.memory_space<vmem_shared>>)
      tpu.yield
    }) : () -> ()
    %run_scoped3A_77 = arith.constant 20 : i32
    %run_scoped3A_78 = arith.constant 20 : i32
    "tpu.region"() ({
      %run_scoped3A_193 = tpu.sem_alloc : memref<!tpu.dma_semaphore, #tpu.memory_space<semaphore_mem>>
      %dma_start3A = arith.constant 0 : i32
      %dma_start3A_194 = tpu.memref_slice %arg6[%run_scoped3A_77, %dma_start3A] : memref<75x128xf32, #tpu.memory_space<vmem>> -> memref<1x128xf32, #tpu.memory_space<vmem>>
      %dma_start3A_195 = tpu.memref_squeeze %dma_start3A_194 : memref<1x128xf32, #tpu.memory_space<vmem>> -> memref<128xf32, #tpu.memory_space<vmem>>
      %dma_start3A_196 = arith.constant 0 : i32
      %dma_start3A_197 = tpu.memref_slice %arg5[%run_scoped3A_78, %dma_start3A_196] : memref<75x128xi32, #tpu.memory_space<vmem>> -> memref<1x128xi32, #tpu.memory_space<vmem>>
      %dma_start3A_198 = tpu.memref_squeeze %dma_start3A_197 : memref<1x128xi32, #tpu.memory_space<vmem>> -> memref<128xi32, #tpu.memory_space<vmem>>
      %dma_start3A_199 = arith.constant 0 : i32
      %dma_start3A_200 = tpu.memref_slice %arg8[%dma_start3A_199] : memref<819200xf32, #tpu.memory_space<vmem_shared>> -> memref<819200xf32, #tpu.memory_space<vmem_shared>>
      tpu.enqueue_indirect_dma source(%dma_start3A_195 : memref<128xf32, #tpu.memory_space<vmem>>) target(%dma_start3A_200 : memref<819200xf32, #tpu.memory_space<vmem_shared>>) offsets(%dma_start3A_198 : memref<128xi32, #tpu.memory_space<vmem>>) semaphore(%run_scoped3A_193 : memref<!tpu.dma_semaphore, #tpu.memory_space<semaphore_mem>>) {add = true}
      %dma_wait3A = arith.constant 0 : i32
      %dma_wait3A_201 = tpu.memref_slice %arg6[%run_scoped3A_77, %dma_wait3A] : memref<75x128xf32, #tpu.memory_space<vmem>> -> memref<1x128xf32, #tpu.memory_space<vmem>>
      %dma_wait3A_202 = tpu.memref_squeeze %dma_wait3A_201 : memref<1x128xf32, #tpu.memory_space<vmem>> -> memref<128xf32, #tpu.memory_space<vmem>>
      %dma_wait3A_203 = arith.constant 0 : i32
      %dma_wait3A_204 = tpu.memref_slice %arg5[%run_scoped3A_78, %dma_wait3A_203] : memref<75x128xi32, #tpu.memory_space<vmem>> -> memref<1x128xi32, #tpu.memory_space<vmem>>
      %dma_wait3A_205 = tpu.memref_squeeze %dma_wait3A_204 : memref<1x128xi32, #tpu.memory_space<vmem>> -> memref<128xi32, #tpu.memory_space<vmem>>
      %dma_wait3A_206 = arith.constant 0 : i32
      %dma_wait3A_207 = tpu.memref_slice %arg8[%dma_wait3A_206] : memref<819200xf32, #tpu.memory_space<vmem_shared>> -> memref<819200xf32, #tpu.memory_space<vmem_shared>>
      tpu.wait_indirect_dma semaphore(%run_scoped3A_193 : memref<!tpu.dma_semaphore, #tpu.memory_space<semaphore_mem>>) src(%dma_wait3A_202 : memref<128xf32, #tpu.memory_space<vmem>>) dst(%dma_wait3A_207 : memref<819200xf32, #tpu.memory_space<vmem_shared>>)
      tpu.yield
    }) : () -> ()
    %run_scoped3A_79 = arith.constant 21 : i32
    %run_scoped3A_80 = arith.constant 21 : i32
    "tpu.region"() ({
      %run_scoped3A_193 = tpu.sem_alloc : memref<!tpu.dma_semaphore, #tpu.memory_space<semaphore_mem>>
      %dma_start3A = arith.constant 0 : i32
      %dma_start3A_194 = tpu.memref_slice %arg6[%run_scoped3A_79, %dma_start3A] : memref<75x128xf32, #tpu.memory_space<vmem>> -> memref<1x128xf32, #tpu.memory_space<vmem>>
      %dma_start3A_195 = tpu.memref_squeeze %dma_start3A_194 : memref<1x128xf32, #tpu.memory_space<vmem>> -> memref<128xf32, #tpu.memory_space<vmem>>
      %dma_start3A_196 = arith.constant 0 : i32
      %dma_start3A_197 = tpu.memref_slice %arg5[%run_scoped3A_80, %dma_start3A_196] : memref<75x128xi32, #tpu.memory_space<vmem>> -> memref<1x128xi32, #tpu.memory_space<vmem>>
      %dma_start3A_198 = tpu.memref_squeeze %dma_start3A_197 : memref<1x128xi32, #tpu.memory_space<vmem>> -> memref<128xi32, #tpu.memory_space<vmem>>
      %dma_start3A_199 = arith.constant 0 : i32
      %dma_start3A_200 = tpu.memref_slice %arg8[%dma_start3A_199] : memref<819200xf32, #tpu.memory_space<vmem_shared>> -> memref<819200xf32, #tpu.memory_space<vmem_shared>>
      tpu.enqueue_indirect_dma source(%dma_start3A_195 : memref<128xf32, #tpu.memory_space<vmem>>) target(%dma_start3A_200 : memref<819200xf32, #tpu.memory_space<vmem_shared>>) offsets(%dma_start3A_198 : memref<128xi32, #tpu.memory_space<vmem>>) semaphore(%run_scoped3A_193 : memref<!tpu.dma_semaphore, #tpu.memory_space<semaphore_mem>>) {add = true}
      %dma_wait3A = arith.constant 0 : i32
      %dma_wait3A_201 = tpu.memref_slice %arg6[%run_scoped3A_79, %dma_wait3A] : memref<75x128xf32, #tpu.memory_space<vmem>> -> memref<1x128xf32, #tpu.memory_space<vmem>>
      %dma_wait3A_202 = tpu.memref_squeeze %dma_wait3A_201 : memref<1x128xf32, #tpu.memory_space<vmem>> -> memref<128xf32, #tpu.memory_space<vmem>>
      %dma_wait3A_203 = arith.constant 0 : i32
      %dma_wait3A_204 = tpu.memref_slice %arg5[%run_scoped3A_80, %dma_wait3A_203] : memref<75x128xi32, #tpu.memory_space<vmem>> -> memref<1x128xi32, #tpu.memory_space<vmem>>
      %dma_wait3A_205 = tpu.memref_squeeze %dma_wait3A_204 : memref<1x128xi32, #tpu.memory_space<vmem>> -> memref<128xi32, #tpu.memory_space<vmem>>
      %dma_wait3A_206 = arith.constant 0 : i32
      %dma_wait3A_207 = tpu.memref_slice %arg8[%dma_wait3A_206] : memref<819200xf32, #tpu.memory_space<vmem_shared>> -> memref<819200xf32, #tpu.memory_space<vmem_shared>>
      tpu.wait_indirect_dma semaphore(%run_scoped3A_193 : memref<!tpu.dma_semaphore, #tpu.memory_space<semaphore_mem>>) src(%dma_wait3A_202 : memref<128xf32, #tpu.memory_space<vmem>>) dst(%dma_wait3A_207 : memref<819200xf32, #tpu.memory_space<vmem_shared>>)
      tpu.yield
    }) : () -> ()
    %run_scoped3A_81 = arith.constant 22 : i32
    %run_scoped3A_82 = arith.constant 22 : i32
    "tpu.region"() ({
      %run_scoped3A_193 = tpu.sem_alloc : memref<!tpu.dma_semaphore, #tpu.memory_space<semaphore_mem>>
      %dma_start3A = arith.constant 0 : i32
      %dma_start3A_194 = tpu.memref_slice %arg6[%run_scoped3A_81, %dma_start3A] : memref<75x128xf32, #tpu.memory_space<vmem>> -> memref<1x128xf32, #tpu.memory_space<vmem>>
      %dma_start3A_195 = tpu.memref_squeeze %dma_start3A_194 : memref<1x128xf32, #tpu.memory_space<vmem>> -> memref<128xf32, #tpu.memory_space<vmem>>
      %dma_start3A_196 = arith.constant 0 : i32
      %dma_start3A_197 = tpu.memref_slice %arg5[%run_scoped3A_82, %dma_start3A_196] : memref<75x128xi32, #tpu.memory_space<vmem>> -> memref<1x128xi32, #tpu.memory_space<vmem>>
      %dma_start3A_198 = tpu.memref_squeeze %dma_start3A_197 : memref<1x128xi32, #tpu.memory_space<vmem>> -> memref<128xi32, #tpu.memory_space<vmem>>
      %dma_start3A_199 = arith.constant 0 : i32
      %dma_start3A_200 = tpu.memref_slice %arg8[%dma_start3A_199] : memref<819200xf32, #tpu.memory_space<vmem_shared>> -> memref<819200xf32, #tpu.memory_space<vmem_shared>>
      tpu.enqueue_indirect_dma source(%dma_start3A_195 : memref<128xf32, #tpu.memory_space<vmem>>) target(%dma_start3A_200 : memref<819200xf32, #tpu.memory_space<vmem_shared>>) offsets(%dma_start3A_198 : memref<128xi32, #tpu.memory_space<vmem>>) semaphore(%run_scoped3A_193 : memref<!tpu.dma_semaphore, #tpu.memory_space<semaphore_mem>>) {add = true}
      %dma_wait3A = arith.constant 0 : i32
      %dma_wait3A_201 = tpu.memref_slice %arg6[%run_scoped3A_81, %dma_wait3A] : memref<75x128xf32, #tpu.memory_space<vmem>> -> memref<1x128xf32, #tpu.memory_space<vmem>>
      %dma_wait3A_202 = tpu.memref_squeeze %dma_wait3A_201 : memref<1x128xf32, #tpu.memory_space<vmem>> -> memref<128xf32, #tpu.memory_space<vmem>>
      %dma_wait3A_203 = arith.constant 0 : i32
      %dma_wait3A_204 = tpu.memref_slice %arg5[%run_scoped3A_82, %dma_wait3A_203] : memref<75x128xi32, #tpu.memory_space<vmem>> -> memref<1x128xi32, #tpu.memory_space<vmem>>
      %dma_wait3A_205 = tpu.memref_squeeze %dma_wait3A_204 : memref<1x128xi32, #tpu.memory_space<vmem>> -> memref<128xi32, #tpu.memory_space<vmem>>
      %dma_wait3A_206 = arith.constant 0 : i32
      %dma_wait3A_207 = tpu.memref_slice %arg8[%dma_wait3A_206] : memref<819200xf32, #tpu.memory_space<vmem_shared>> -> memref<819200xf32, #tpu.memory_space<vmem_shared>>
      tpu.wait_indirect_dma semaphore(%run_scoped3A_193 : memref<!tpu.dma_semaphore, #tpu.memory_space<semaphore_mem>>) src(%dma_wait3A_202 : memref<128xf32, #tpu.memory_space<vmem>>) dst(%dma_wait3A_207 : memref<819200xf32, #tpu.memory_space<vmem_shared>>)
      tpu.yield
    }) : () -> ()
    %run_scoped3A_83 = arith.constant 23 : i32
    %run_scoped3A_84 = arith.constant 23 : i32
    "tpu.region"() ({
      %run_scoped3A_193 = tpu.sem_alloc : memref<!tpu.dma_semaphore, #tpu.memory_space<semaphore_mem>>
      %dma_start3A = arith.constant 0 : i32
      %dma_start3A_194 = tpu.memref_slice %arg6[%run_scoped3A_83, %dma_start3A] : memref<75x128xf32, #tpu.memory_space<vmem>> -> memref<1x128xf32, #tpu.memory_space<vmem>>
      %dma_start3A_195 = tpu.memref_squeeze %dma_start3A_194 : memref<1x128xf32, #tpu.memory_space<vmem>> -> memref<128xf32, #tpu.memory_space<vmem>>
      %dma_start3A_196 = arith.constant 0 : i32
      %dma_start3A_197 = tpu.memref_slice %arg5[%run_scoped3A_84, %dma_start3A_196] : memref<75x128xi32, #tpu.memory_space<vmem>> -> memref<1x128xi32, #tpu.memory_space<vmem>>
      %dma_start3A_198 = tpu.memref_squeeze %dma_start3A_197 : memref<1x128xi32, #tpu.memory_space<vmem>> -> memref<128xi32, #tpu.memory_space<vmem>>
      %dma_start3A_199 = arith.constant 0 : i32
      %dma_start3A_200 = tpu.memref_slice %arg8[%dma_start3A_199] : memref<819200xf32, #tpu.memory_space<vmem_shared>> -> memref<819200xf32, #tpu.memory_space<vmem_shared>>
      tpu.enqueue_indirect_dma source(%dma_start3A_195 : memref<128xf32, #tpu.memory_space<vmem>>) target(%dma_start3A_200 : memref<819200xf32, #tpu.memory_space<vmem_shared>>) offsets(%dma_start3A_198 : memref<128xi32, #tpu.memory_space<vmem>>) semaphore(%run_scoped3A_193 : memref<!tpu.dma_semaphore, #tpu.memory_space<semaphore_mem>>) {add = true}
      %dma_wait3A = arith.constant 0 : i32
      %dma_wait3A_201 = tpu.memref_slice %arg6[%run_scoped3A_83, %dma_wait3A] : memref<75x128xf32, #tpu.memory_space<vmem>> -> memref<1x128xf32, #tpu.memory_space<vmem>>
      %dma_wait3A_202 = tpu.memref_squeeze %dma_wait3A_201 : memref<1x128xf32, #tpu.memory_space<vmem>> -> memref<128xf32, #tpu.memory_space<vmem>>
      %dma_wait3A_203 = arith.constant 0 : i32
      %dma_wait3A_204 = tpu.memref_slice %arg5[%run_scoped3A_84, %dma_wait3A_203] : memref<75x128xi32, #tpu.memory_space<vmem>> -> memref<1x128xi32, #tpu.memory_space<vmem>>
      %dma_wait3A_205 = tpu.memref_squeeze %dma_wait3A_204 : memref<1x128xi32, #tpu.memory_space<vmem>> -> memref<128xi32, #tpu.memory_space<vmem>>
      %dma_wait3A_206 = arith.constant 0 : i32
      %dma_wait3A_207 = tpu.memref_slice %arg8[%dma_wait3A_206] : memref<819200xf32, #tpu.memory_space<vmem_shared>> -> memref<819200xf32, #tpu.memory_space<vmem_shared>>
      tpu.wait_indirect_dma semaphore(%run_scoped3A_193 : memref<!tpu.dma_semaphore, #tpu.memory_space<semaphore_mem>>) src(%dma_wait3A_202 : memref<128xf32, #tpu.memory_space<vmem>>) dst(%dma_wait3A_207 : memref<819200xf32, #tpu.memory_space<vmem_shared>>)
      tpu.yield
    }) : () -> ()
    %run_scoped3A_85 = arith.constant 24 : i32
    %run_scoped3A_86 = arith.constant 24 : i32
    "tpu.region"() ({
      %run_scoped3A_193 = tpu.sem_alloc : memref<!tpu.dma_semaphore, #tpu.memory_space<semaphore_mem>>
      %dma_start3A = arith.constant 0 : i32
      %dma_start3A_194 = tpu.memref_slice %arg6[%run_scoped3A_85, %dma_start3A] : memref<75x128xf32, #tpu.memory_space<vmem>> -> memref<1x128xf32, #tpu.memory_space<vmem>>
      %dma_start3A_195 = tpu.memref_squeeze %dma_start3A_194 : memref<1x128xf32, #tpu.memory_space<vmem>> -> memref<128xf32, #tpu.memory_space<vmem>>
      %dma_start3A_196 = arith.constant 0 : i32
      %dma_start3A_197 = tpu.memref_slice %arg5[%run_scoped3A_86, %dma_start3A_196] : memref<75x128xi32, #tpu.memory_space<vmem>> -> memref<1x128xi32, #tpu.memory_space<vmem>>
      %dma_start3A_198 = tpu.memref_squeeze %dma_start3A_197 : memref<1x128xi32, #tpu.memory_space<vmem>> -> memref<128xi32, #tpu.memory_space<vmem>>
      %dma_start3A_199 = arith.constant 0 : i32
      %dma_start3A_200 = tpu.memref_slice %arg8[%dma_start3A_199] : memref<819200xf32, #tpu.memory_space<vmem_shared>> -> memref<819200xf32, #tpu.memory_space<vmem_shared>>
      tpu.enqueue_indirect_dma source(%dma_start3A_195 : memref<128xf32, #tpu.memory_space<vmem>>) target(%dma_start3A_200 : memref<819200xf32, #tpu.memory_space<vmem_shared>>) offsets(%dma_start3A_198 : memref<128xi32, #tpu.memory_space<vmem>>) semaphore(%run_scoped3A_193 : memref<!tpu.dma_semaphore, #tpu.memory_space<semaphore_mem>>) {add = true}
      %dma_wait3A = arith.constant 0 : i32
      %dma_wait3A_201 = tpu.memref_slice %arg6[%run_scoped3A_85, %dma_wait3A] : memref<75x128xf32, #tpu.memory_space<vmem>> -> memref<1x128xf32, #tpu.memory_space<vmem>>
      %dma_wait3A_202 = tpu.memref_squeeze %dma_wait3A_201 : memref<1x128xf32, #tpu.memory_space<vmem>> -> memref<128xf32, #tpu.memory_space<vmem>>
      %dma_wait3A_203 = arith.constant 0 : i32
      %dma_wait3A_204 = tpu.memref_slice %arg5[%run_scoped3A_86, %dma_wait3A_203] : memref<75x128xi32, #tpu.memory_space<vmem>> -> memref<1x128xi32, #tpu.memory_space<vmem>>
      %dma_wait3A_205 = tpu.memref_squeeze %dma_wait3A_204 : memref<1x128xi32, #tpu.memory_space<vmem>> -> memref<128xi32, #tpu.memory_space<vmem>>
      %dma_wait3A_206 = arith.constant 0 : i32
      %dma_wait3A_207 = tpu.memref_slice %arg8[%dma_wait3A_206] : memref<819200xf32, #tpu.memory_space<vmem_shared>> -> memref<819200xf32, #tpu.memory_space<vmem_shared>>
      tpu.wait_indirect_dma semaphore(%run_scoped3A_193 : memref<!tpu.dma_semaphore, #tpu.memory_space<semaphore_mem>>) src(%dma_wait3A_202 : memref<128xf32, #tpu.memory_space<vmem>>) dst(%dma_wait3A_207 : memref<819200xf32, #tpu.memory_space<vmem_shared>>)
      tpu.yield
    }) : () -> ()
    %run_scoped3A_87 = arith.constant 25 : i32
    %run_scoped3A_88 = arith.constant 25 : i32
    "tpu.region"() ({
      %run_scoped3A_193 = tpu.sem_alloc : memref<!tpu.dma_semaphore, #tpu.memory_space<semaphore_mem>>
      %dma_start3A = arith.constant 0 : i32
      %dma_start3A_194 = tpu.memref_slice %arg6[%run_scoped3A_87, %dma_start3A] : memref<75x128xf32, #tpu.memory_space<vmem>> -> memref<1x128xf32, #tpu.memory_space<vmem>>
      %dma_start3A_195 = tpu.memref_squeeze %dma_start3A_194 : memref<1x128xf32, #tpu.memory_space<vmem>> -> memref<128xf32, #tpu.memory_space<vmem>>
      %dma_start3A_196 = arith.constant 0 : i32
      %dma_start3A_197 = tpu.memref_slice %arg5[%run_scoped3A_88, %dma_start3A_196] : memref<75x128xi32, #tpu.memory_space<vmem>> -> memref<1x128xi32, #tpu.memory_space<vmem>>
      %dma_start3A_198 = tpu.memref_squeeze %dma_start3A_197 : memref<1x128xi32, #tpu.memory_space<vmem>> -> memref<128xi32, #tpu.memory_space<vmem>>
      %dma_start3A_199 = arith.constant 0 : i32
      %dma_start3A_200 = tpu.memref_slice %arg8[%dma_start3A_199] : memref<819200xf32, #tpu.memory_space<vmem_shared>> -> memref<819200xf32, #tpu.memory_space<vmem_shared>>
      tpu.enqueue_indirect_dma source(%dma_start3A_195 : memref<128xf32, #tpu.memory_space<vmem>>) target(%dma_start3A_200 : memref<819200xf32, #tpu.memory_space<vmem_shared>>) offsets(%dma_start3A_198 : memref<128xi32, #tpu.memory_space<vmem>>) semaphore(%run_scoped3A_193 : memref<!tpu.dma_semaphore, #tpu.memory_space<semaphore_mem>>) {add = true}
      %dma_wait3A = arith.constant 0 : i32
      %dma_wait3A_201 = tpu.memref_slice %arg6[%run_scoped3A_87, %dma_wait3A] : memref<75x128xf32, #tpu.memory_space<vmem>> -> memref<1x128xf32, #tpu.memory_space<vmem>>
      %dma_wait3A_202 = tpu.memref_squeeze %dma_wait3A_201 : memref<1x128xf32, #tpu.memory_space<vmem>> -> memref<128xf32, #tpu.memory_space<vmem>>
      %dma_wait3A_203 = arith.constant 0 : i32
      %dma_wait3A_204 = tpu.memref_slice %arg5[%run_scoped3A_88, %dma_wait3A_203] : memref<75x128xi32, #tpu.memory_space<vmem>> -> memref<1x128xi32, #tpu.memory_space<vmem>>
      %dma_wait3A_205 = tpu.memref_squeeze %dma_wait3A_204 : memref<1x128xi32, #tpu.memory_space<vmem>> -> memref<128xi32, #tpu.memory_space<vmem>>
      %dma_wait3A_206 = arith.constant 0 : i32
      %dma_wait3A_207 = tpu.memref_slice %arg8[%dma_wait3A_206] : memref<819200xf32, #tpu.memory_space<vmem_shared>> -> memref<819200xf32, #tpu.memory_space<vmem_shared>>
      tpu.wait_indirect_dma semaphore(%run_scoped3A_193 : memref<!tpu.dma_semaphore, #tpu.memory_space<semaphore_mem>>) src(%dma_wait3A_202 : memref<128xf32, #tpu.memory_space<vmem>>) dst(%dma_wait3A_207 : memref<819200xf32, #tpu.memory_space<vmem_shared>>)
      tpu.yield
    }) : () -> ()
    %run_scoped3A_89 = arith.constant 26 : i32
    %run_scoped3A_90 = arith.constant 26 : i32
    "tpu.region"() ({
      %run_scoped3A_193 = tpu.sem_alloc : memref<!tpu.dma_semaphore, #tpu.memory_space<semaphore_mem>>
      %dma_start3A = arith.constant 0 : i32
      %dma_start3A_194 = tpu.memref_slice %arg6[%run_scoped3A_89, %dma_start3A] : memref<75x128xf32, #tpu.memory_space<vmem>> -> memref<1x128xf32, #tpu.memory_space<vmem>>
      %dma_start3A_195 = tpu.memref_squeeze %dma_start3A_194 : memref<1x128xf32, #tpu.memory_space<vmem>> -> memref<128xf32, #tpu.memory_space<vmem>>
      %dma_start3A_196 = arith.constant 0 : i32
      %dma_start3A_197 = tpu.memref_slice %arg5[%run_scoped3A_90, %dma_start3A_196] : memref<75x128xi32, #tpu.memory_space<vmem>> -> memref<1x128xi32, #tpu.memory_space<vmem>>
      %dma_start3A_198 = tpu.memref_squeeze %dma_start3A_197 : memref<1x128xi32, #tpu.memory_space<vmem>> -> memref<128xi32, #tpu.memory_space<vmem>>
      %dma_start3A_199 = arith.constant 0 : i32
      %dma_start3A_200 = tpu.memref_slice %arg8[%dma_start3A_199] : memref<819200xf32, #tpu.memory_space<vmem_shared>> -> memref<819200xf32, #tpu.memory_space<vmem_shared>>
      tpu.enqueue_indirect_dma source(%dma_start3A_195 : memref<128xf32, #tpu.memory_space<vmem>>) target(%dma_start3A_200 : memref<819200xf32, #tpu.memory_space<vmem_shared>>) offsets(%dma_start3A_198 : memref<128xi32, #tpu.memory_space<vmem>>) semaphore(%run_scoped3A_193 : memref<!tpu.dma_semaphore, #tpu.memory_space<semaphore_mem>>) {add = true}
      %dma_wait3A = arith.constant 0 : i32
      %dma_wait3A_201 = tpu.memref_slice %arg6[%run_scoped3A_89, %dma_wait3A] : memref<75x128xf32, #tpu.memory_space<vmem>> -> memref<1x128xf32, #tpu.memory_space<vmem>>
      %dma_wait3A_202 = tpu.memref_squeeze %dma_wait3A_201 : memref<1x128xf32, #tpu.memory_space<vmem>> -> memref<128xf32, #tpu.memory_space<vmem>>
      %dma_wait3A_203 = arith.constant 0 : i32
      %dma_wait3A_204 = tpu.memref_slice %arg5[%run_scoped3A_90, %dma_wait3A_203] : memref<75x128xi32, #tpu.memory_space<vmem>> -> memref<1x128xi32, #tpu.memory_space<vmem>>
      %dma_wait3A_205 = tpu.memref_squeeze %dma_wait3A_204 : memref<1x128xi32, #tpu.memory_space<vmem>> -> memref<128xi32, #tpu.memory_space<vmem>>
      %dma_wait3A_206 = arith.constant 0 : i32
      %dma_wait3A_207 = tpu.memref_slice %arg8[%dma_wait3A_206] : memref<819200xf32, #tpu.memory_space<vmem_shared>> -> memref<819200xf32, #tpu.memory_space<vmem_shared>>
      tpu.wait_indirect_dma semaphore(%run_scoped3A_193 : memref<!tpu.dma_semaphore, #tpu.memory_space<semaphore_mem>>) src(%dma_wait3A_202 : memref<128xf32, #tpu.memory_space<vmem>>) dst(%dma_wait3A_207 : memref<819200xf32, #tpu.memory_space<vmem_shared>>)
      tpu.yield
    }) : () -> ()
    %run_scoped3A_91 = arith.constant 27 : i32
    %run_scoped3A_92 = arith.constant 27 : i32
    "tpu.region"() ({
      %run_scoped3A_193 = tpu.sem_alloc : memref<!tpu.dma_semaphore, #tpu.memory_space<semaphore_mem>>
      %dma_start3A = arith.constant 0 : i32
      %dma_start3A_194 = tpu.memref_slice %arg6[%run_scoped3A_91, %dma_start3A] : memref<75x128xf32, #tpu.memory_space<vmem>> -> memref<1x128xf32, #tpu.memory_space<vmem>>
      %dma_start3A_195 = tpu.memref_squeeze %dma_start3A_194 : memref<1x128xf32, #tpu.memory_space<vmem>> -> memref<128xf32, #tpu.memory_space<vmem>>
      %dma_start3A_196 = arith.constant 0 : i32
      %dma_start3A_197 = tpu.memref_slice %arg5[%run_scoped3A_92, %dma_start3A_196] : memref<75x128xi32, #tpu.memory_space<vmem>> -> memref<1x128xi32, #tpu.memory_space<vmem>>
      %dma_start3A_198 = tpu.memref_squeeze %dma_start3A_197 : memref<1x128xi32, #tpu.memory_space<vmem>> -> memref<128xi32, #tpu.memory_space<vmem>>
      %dma_start3A_199 = arith.constant 0 : i32
      %dma_start3A_200 = tpu.memref_slice %arg8[%dma_start3A_199] : memref<819200xf32, #tpu.memory_space<vmem_shared>> -> memref<819200xf32, #tpu.memory_space<vmem_shared>>
      tpu.enqueue_indirect_dma source(%dma_start3A_195 : memref<128xf32, #tpu.memory_space<vmem>>) target(%dma_start3A_200 : memref<819200xf32, #tpu.memory_space<vmem_shared>>) offsets(%dma_start3A_198 : memref<128xi32, #tpu.memory_space<vmem>>) semaphore(%run_scoped3A_193 : memref<!tpu.dma_semaphore, #tpu.memory_space<semaphore_mem>>) {add = true}
      %dma_wait3A = arith.constant 0 : i32
      %dma_wait3A_201 = tpu.memref_slice %arg6[%run_scoped3A_91, %dma_wait3A] : memref<75x128xf32, #tpu.memory_space<vmem>> -> memref<1x128xf32, #tpu.memory_space<vmem>>
      %dma_wait3A_202 = tpu.memref_squeeze %dma_wait3A_201 : memref<1x128xf32, #tpu.memory_space<vmem>> -> memref<128xf32, #tpu.memory_space<vmem>>
      %dma_wait3A_203 = arith.constant 0 : i32
      %dma_wait3A_204 = tpu.memref_slice %arg5[%run_scoped3A_92, %dma_wait3A_203] : memref<75x128xi32, #tpu.memory_space<vmem>> -> memref<1x128xi32, #tpu.memory_space<vmem>>
      %dma_wait3A_205 = tpu.memref_squeeze %dma_wait3A_204 : memref<1x128xi32, #tpu.memory_space<vmem>> -> memref<128xi32, #tpu.memory_space<vmem>>
      %dma_wait3A_206 = arith.constant 0 : i32
      %dma_wait3A_207 = tpu.memref_slice %arg8[%dma_wait3A_206] : memref<819200xf32, #tpu.memory_space<vmem_shared>> -> memref<819200xf32, #tpu.memory_space<vmem_shared>>
      tpu.wait_indirect_dma semaphore(%run_scoped3A_193 : memref<!tpu.dma_semaphore, #tpu.memory_space<semaphore_mem>>) src(%dma_wait3A_202 : memref<128xf32, #tpu.memory_space<vmem>>) dst(%dma_wait3A_207 : memref<819200xf32, #tpu.memory_space<vmem_shared>>)
      tpu.yield
    }) : () -> ()
    %run_scoped3A_93 = arith.constant 28 : i32
    %run_scoped3A_94 = arith.constant 28 : i32
    "tpu.region"() ({
      %run_scoped3A_193 = tpu.sem_alloc : memref<!tpu.dma_semaphore, #tpu.memory_space<semaphore_mem>>
      %dma_start3A = arith.constant 0 : i32
      %dma_start3A_194 = tpu.memref_slice %arg6[%run_scoped3A_93, %dma_start3A] : memref<75x128xf32, #tpu.memory_space<vmem>> -> memref<1x128xf32, #tpu.memory_space<vmem>>
      %dma_start3A_195 = tpu.memref_squeeze %dma_start3A_194 : memref<1x128xf32, #tpu.memory_space<vmem>> -> memref<128xf32, #tpu.memory_space<vmem>>
      %dma_start3A_196 = arith.constant 0 : i32
      %dma_start3A_197 = tpu.memref_slice %arg5[%run_scoped3A_94, %dma_start3A_196] : memref<75x128xi32, #tpu.memory_space<vmem>> -> memref<1x128xi32, #tpu.memory_space<vmem>>
      %dma_start3A_198 = tpu.memref_squeeze %dma_start3A_197 : memref<1x128xi32, #tpu.memory_space<vmem>> -> memref<128xi32, #tpu.memory_space<vmem>>
      %dma_start3A_199 = arith.constant 0 : i32
      %dma_start3A_200 = tpu.memref_slice %arg8[%dma_start3A_199] : memref<819200xf32, #tpu.memory_space<vmem_shared>> -> memref<819200xf32, #tpu.memory_space<vmem_shared>>
      tpu.enqueue_indirect_dma source(%dma_start3A_195 : memref<128xf32, #tpu.memory_space<vmem>>) target(%dma_start3A_200 : memref<819200xf32, #tpu.memory_space<vmem_shared>>) offsets(%dma_start3A_198 : memref<128xi32, #tpu.memory_space<vmem>>) semaphore(%run_scoped3A_193 : memref<!tpu.dma_semaphore, #tpu.memory_space<semaphore_mem>>) {add = true}
      %dma_wait3A = arith.constant 0 : i32
      %dma_wait3A_201 = tpu.memref_slice %arg6[%run_scoped3A_93, %dma_wait3A] : memref<75x128xf32, #tpu.memory_space<vmem>> -> memref<1x128xf32, #tpu.memory_space<vmem>>
      %dma_wait3A_202 = tpu.memref_squeeze %dma_wait3A_201 : memref<1x128xf32, #tpu.memory_space<vmem>> -> memref<128xf32, #tpu.memory_space<vmem>>
      %dma_wait3A_203 = arith.constant 0 : i32
      %dma_wait3A_204 = tpu.memref_slice %arg5[%run_scoped3A_94, %dma_wait3A_203] : memref<75x128xi32, #tpu.memory_space<vmem>> -> memref<1x128xi32, #tpu.memory_space<vmem>>
      %dma_wait3A_205 = tpu.memref_squeeze %dma_wait3A_204 : memref<1x128xi32, #tpu.memory_space<vmem>> -> memref<128xi32, #tpu.memory_space<vmem>>
      %dma_wait3A_206 = arith.constant 0 : i32
      %dma_wait3A_207 = tpu.memref_slice %arg8[%dma_wait3A_206] : memref<819200xf32, #tpu.memory_space<vmem_shared>> -> memref<819200xf32, #tpu.memory_space<vmem_shared>>
      tpu.wait_indirect_dma semaphore(%run_scoped3A_193 : memref<!tpu.dma_semaphore, #tpu.memory_space<semaphore_mem>>) src(%dma_wait3A_202 : memref<128xf32, #tpu.memory_space<vmem>>) dst(%dma_wait3A_207 : memref<819200xf32, #tpu.memory_space<vmem_shared>>)
      tpu.yield
    }) : () -> ()
    %run_scoped3A_95 = arith.constant 29 : i32
    %run_scoped3A_96 = arith.constant 29 : i32
    "tpu.region"() ({
      %run_scoped3A_193 = tpu.sem_alloc : memref<!tpu.dma_semaphore, #tpu.memory_space<semaphore_mem>>
      %dma_start3A = arith.constant 0 : i32
      %dma_start3A_194 = tpu.memref_slice %arg6[%run_scoped3A_95, %dma_start3A] : memref<75x128xf32, #tpu.memory_space<vmem>> -> memref<1x128xf32, #tpu.memory_space<vmem>>
      %dma_start3A_195 = tpu.memref_squeeze %dma_start3A_194 : memref<1x128xf32, #tpu.memory_space<vmem>> -> memref<128xf32, #tpu.memory_space<vmem>>
      %dma_start3A_196 = arith.constant 0 : i32
      %dma_start3A_197 = tpu.memref_slice %arg5[%run_scoped3A_96, %dma_start3A_196] : memref<75x128xi32, #tpu.memory_space<vmem>> -> memref<1x128xi32, #tpu.memory_space<vmem>>
      %dma_start3A_198 = tpu.memref_squeeze %dma_start3A_197 : memref<1x128xi32, #tpu.memory_space<vmem>> -> memref<128xi32, #tpu.memory_space<vmem>>
      %dma_start3A_199 = arith.constant 0 : i32
      %dma_start3A_200 = tpu.memref_slice %arg8[%dma_start3A_199] : memref<819200xf32, #tpu.memory_space<vmem_shared>> -> memref<819200xf32, #tpu.memory_space<vmem_shared>>
      tpu.enqueue_indirect_dma source(%dma_start3A_195 : memref<128xf32, #tpu.memory_space<vmem>>) target(%dma_start3A_200 : memref<819200xf32, #tpu.memory_space<vmem_shared>>) offsets(%dma_start3A_198 : memref<128xi32, #tpu.memory_space<vmem>>) semaphore(%run_scoped3A_193 : memref<!tpu.dma_semaphore, #tpu.memory_space<semaphore_mem>>) {add = true}
      %dma_wait3A = arith.constant 0 : i32
      %dma_wait3A_201 = tpu.memref_slice %arg6[%run_scoped3A_95, %dma_wait3A] : memref<75x128xf32, #tpu.memory_space<vmem>> -> memref<1x128xf32, #tpu.memory_space<vmem>>
      %dma_wait3A_202 = tpu.memref_squeeze %dma_wait3A_201 : memref<1x128xf32, #tpu.memory_space<vmem>> -> memref<128xf32, #tpu.memory_space<vmem>>
      %dma_wait3A_203 = arith.constant 0 : i32
      %dma_wait3A_204 = tpu.memref_slice %arg5[%run_scoped3A_96, %dma_wait3A_203] : memref<75x128xi32, #tpu.memory_space<vmem>> -> memref<1x128xi32, #tpu.memory_space<vmem>>
      %dma_wait3A_205 = tpu.memref_squeeze %dma_wait3A_204 : memref<1x128xi32, #tpu.memory_space<vmem>> -> memref<128xi32, #tpu.memory_space<vmem>>
      %dma_wait3A_206 = arith.constant 0 : i32
      %dma_wait3A_207 = tpu.memref_slice %arg8[%dma_wait3A_206] : memref<819200xf32, #tpu.memory_space<vmem_shared>> -> memref<819200xf32, #tpu.memory_space<vmem_shared>>
      tpu.wait_indirect_dma semaphore(%run_scoped3A_193 : memref<!tpu.dma_semaphore, #tpu.memory_space<semaphore_mem>>) src(%dma_wait3A_202 : memref<128xf32, #tpu.memory_space<vmem>>) dst(%dma_wait3A_207 : memref<819200xf32, #tpu.memory_space<vmem_shared>>)
      tpu.yield
    }) : () -> ()
    %run_scoped3A_97 = arith.constant 30 : i32
    %run_scoped3A_98 = arith.constant 30 : i32
    "tpu.region"() ({
      %run_scoped3A_193 = tpu.sem_alloc : memref<!tpu.dma_semaphore, #tpu.memory_space<semaphore_mem>>
      %dma_start3A = arith.constant 0 : i32
      %dma_start3A_194 = tpu.memref_slice %arg6[%run_scoped3A_97, %dma_start3A] : memref<75x128xf32, #tpu.memory_space<vmem>> -> memref<1x128xf32, #tpu.memory_space<vmem>>
      %dma_start3A_195 = tpu.memref_squeeze %dma_start3A_194 : memref<1x128xf32, #tpu.memory_space<vmem>> -> memref<128xf32, #tpu.memory_space<vmem>>
      %dma_start3A_196 = arith.constant 0 : i32
      %dma_start3A_197 = tpu.memref_slice %arg5[%run_scoped3A_98, %dma_start3A_196] : memref<75x128xi32, #tpu.memory_space<vmem>> -> memref<1x128xi32, #tpu.memory_space<vmem>>
      %dma_start3A_198 = tpu.memref_squeeze %dma_start3A_197 : memref<1x128xi32, #tpu.memory_space<vmem>> -> memref<128xi32, #tpu.memory_space<vmem>>
      %dma_start3A_199 = arith.constant 0 : i32
      %dma_start3A_200 = tpu.memref_slice %arg8[%dma_start3A_199] : memref<819200xf32, #tpu.memory_space<vmem_shared>> -> memref<819200xf32, #tpu.memory_space<vmem_shared>>
      tpu.enqueue_indirect_dma source(%dma_start3A_195 : memref<128xf32, #tpu.memory_space<vmem>>) target(%dma_start3A_200 : memref<819200xf32, #tpu.memory_space<vmem_shared>>) offsets(%dma_start3A_198 : memref<128xi32, #tpu.memory_space<vmem>>) semaphore(%run_scoped3A_193 : memref<!tpu.dma_semaphore, #tpu.memory_space<semaphore_mem>>) {add = true}
      %dma_wait3A = arith.constant 0 : i32
      %dma_wait3A_201 = tpu.memref_slice %arg6[%run_scoped3A_97, %dma_wait3A] : memref<75x128xf32, #tpu.memory_space<vmem>> -> memref<1x128xf32, #tpu.memory_space<vmem>>
      %dma_wait3A_202 = tpu.memref_squeeze %dma_wait3A_201 : memref<1x128xf32, #tpu.memory_space<vmem>> -> memref<128xf32, #tpu.memory_space<vmem>>
      %dma_wait3A_203 = arith.constant 0 : i32
      %dma_wait3A_204 = tpu.memref_slice %arg5[%run_scoped3A_98, %dma_wait3A_203] : memref<75x128xi32, #tpu.memory_space<vmem>> -> memref<1x128xi32, #tpu.memory_space<vmem>>
      %dma_wait3A_205 = tpu.memref_squeeze %dma_wait3A_204 : memref<1x128xi32, #tpu.memory_space<vmem>> -> memref<128xi32, #tpu.memory_space<vmem>>
      %dma_wait3A_206 = arith.constant 0 : i32
      %dma_wait3A_207 = tpu.memref_slice %arg8[%dma_wait3A_206] : memref<819200xf32, #tpu.memory_space<vmem_shared>> -> memref<819200xf32, #tpu.memory_space<vmem_shared>>
      tpu.wait_indirect_dma semaphore(%run_scoped3A_193 : memref<!tpu.dma_semaphore, #tpu.memory_space<semaphore_mem>>) src(%dma_wait3A_202 : memref<128xf32, #tpu.memory_space<vmem>>) dst(%dma_wait3A_207 : memref<819200xf32, #tpu.memory_space<vmem_shared>>)
      tpu.yield
    }) : () -> ()
    %run_scoped3A_99 = arith.constant 31 : i32
    %run_scoped3A_100 = arith.constant 31 : i32
    "tpu.region"() ({
      %run_scoped3A_193 = tpu.sem_alloc : memref<!tpu.dma_semaphore, #tpu.memory_space<semaphore_mem>>
      %dma_start3A = arith.constant 0 : i32
      %dma_start3A_194 = tpu.memref_slice %arg6[%run_scoped3A_99, %dma_start3A] : memref<75x128xf32, #tpu.memory_space<vmem>> -> memref<1x128xf32, #tpu.memory_space<vmem>>
      %dma_start3A_195 = tpu.memref_squeeze %dma_start3A_194 : memref<1x128xf32, #tpu.memory_space<vmem>> -> memref<128xf32, #tpu.memory_space<vmem>>
      %dma_start3A_196 = arith.constant 0 : i32
      %dma_start3A_197 = tpu.memref_slice %arg5[%run_scoped3A_100, %dma_start3A_196] : memref<75x128xi32, #tpu.memory_space<vmem>> -> memref<1x128xi32, #tpu.memory_space<vmem>>
      %dma_start3A_198 = tpu.memref_squeeze %dma_start3A_197 : memref<1x128xi32, #tpu.memory_space<vmem>> -> memref<128xi32, #tpu.memory_space<vmem>>
      %dma_start3A_199 = arith.constant 0 : i32
      %dma_start3A_200 = tpu.memref_slice %arg8[%dma_start3A_199] : memref<819200xf32, #tpu.memory_space<vmem_shared>> -> memref<819200xf32, #tpu.memory_space<vmem_shared>>
      tpu.enqueue_indirect_dma source(%dma_start3A_195 : memref<128xf32, #tpu.memory_space<vmem>>) target(%dma_start3A_200 : memref<819200xf32, #tpu.memory_space<vmem_shared>>) offsets(%dma_start3A_198 : memref<128xi32, #tpu.memory_space<vmem>>) semaphore(%run_scoped3A_193 : memref<!tpu.dma_semaphore, #tpu.memory_space<semaphore_mem>>) {add = true}
      %dma_wait3A = arith.constant 0 : i32
      %dma_wait3A_201 = tpu.memref_slice %arg6[%run_scoped3A_99, %dma_wait3A] : memref<75x128xf32, #tpu.memory_space<vmem>> -> memref<1x128xf32, #tpu.memory_space<vmem>>
      %dma_wait3A_202 = tpu.memref_squeeze %dma_wait3A_201 : memref<1x128xf32, #tpu.memory_space<vmem>> -> memref<128xf32, #tpu.memory_space<vmem>>
      %dma_wait3A_203 = arith.constant 0 : i32
      %dma_wait3A_204 = tpu.memref_slice %arg5[%run_scoped3A_100, %dma_wait3A_203] : memref<75x128xi32, #tpu.memory_space<vmem>> -> memref<1x128xi32, #tpu.memory_space<vmem>>
      %dma_wait3A_205 = tpu.memref_squeeze %dma_wait3A_204 : memref<1x128xi32, #tpu.memory_space<vmem>> -> memref<128xi32, #tpu.memory_space<vmem>>
      %dma_wait3A_206 = arith.constant 0 : i32
      %dma_wait3A_207 = tpu.memref_slice %arg8[%dma_wait3A_206] : memref<819200xf32, #tpu.memory_space<vmem_shared>> -> memref<819200xf32, #tpu.memory_space<vmem_shared>>
      tpu.wait_indirect_dma semaphore(%run_scoped3A_193 : memref<!tpu.dma_semaphore, #tpu.memory_space<semaphore_mem>>) src(%dma_wait3A_202 : memref<128xf32, #tpu.memory_space<vmem>>) dst(%dma_wait3A_207 : memref<819200xf32, #tpu.memory_space<vmem_shared>>)
      tpu.yield
    }) : () -> ()
    %run_scoped3A_101 = arith.constant 32 : i32
    %run_scoped3A_102 = arith.constant 32 : i32
    "tpu.region"() ({
      %run_scoped3A_193 = tpu.sem_alloc : memref<!tpu.dma_semaphore, #tpu.memory_space<semaphore_mem>>
      %dma_start3A = arith.constant 0 : i32
      %dma_start3A_194 = tpu.memref_slice %arg6[%run_scoped3A_101, %dma_start3A] : memref<75x128xf32, #tpu.memory_space<vmem>> -> memref<1x128xf32, #tpu.memory_space<vmem>>
      %dma_start3A_195 = tpu.memref_squeeze %dma_start3A_194 : memref<1x128xf32, #tpu.memory_space<vmem>> -> memref<128xf32, #tpu.memory_space<vmem>>
      %dma_start3A_196 = arith.constant 0 : i32
      %dma_start3A_197 = tpu.memref_slice %arg5[%run_scoped3A_102, %dma_start3A_196] : memref<75x128xi32, #tpu.memory_space<vmem>> -> memref<1x128xi32, #tpu.memory_space<vmem>>
      %dma_start3A_198 = tpu.memref_squeeze %dma_start3A_197 : memref<1x128xi32, #tpu.memory_space<vmem>> -> memref<128xi32, #tpu.memory_space<vmem>>
      %dma_start3A_199 = arith.constant 0 : i32
      %dma_start3A_200 = tpu.memref_slice %arg8[%dma_start3A_199] : memref<819200xf32, #tpu.memory_space<vmem_shared>> -> memref<819200xf32, #tpu.memory_space<vmem_shared>>
      tpu.enqueue_indirect_dma source(%dma_start3A_195 : memref<128xf32, #tpu.memory_space<vmem>>) target(%dma_start3A_200 : memref<819200xf32, #tpu.memory_space<vmem_shared>>) offsets(%dma_start3A_198 : memref<128xi32, #tpu.memory_space<vmem>>) semaphore(%run_scoped3A_193 : memref<!tpu.dma_semaphore, #tpu.memory_space<semaphore_mem>>) {add = true}
      %dma_wait3A = arith.constant 0 : i32
      %dma_wait3A_201 = tpu.memref_slice %arg6[%run_scoped3A_101, %dma_wait3A] : memref<75x128xf32, #tpu.memory_space<vmem>> -> memref<1x128xf32, #tpu.memory_space<vmem>>
      %dma_wait3A_202 = tpu.memref_squeeze %dma_wait3A_201 : memref<1x128xf32, #tpu.memory_space<vmem>> -> memref<128xf32, #tpu.memory_space<vmem>>
      %dma_wait3A_203 = arith.constant 0 : i32
      %dma_wait3A_204 = tpu.memref_slice %arg5[%run_scoped3A_102, %dma_wait3A_203] : memref<75x128xi32, #tpu.memory_space<vmem>> -> memref<1x128xi32, #tpu.memory_space<vmem>>
      %dma_wait3A_205 = tpu.memref_squeeze %dma_wait3A_204 : memref<1x128xi32, #tpu.memory_space<vmem>> -> memref<128xi32, #tpu.memory_space<vmem>>
      %dma_wait3A_206 = arith.constant 0 : i32
      %dma_wait3A_207 = tpu.memref_slice %arg8[%dma_wait3A_206] : memref<819200xf32, #tpu.memory_space<vmem_shared>> -> memref<819200xf32, #tpu.memory_space<vmem_shared>>
      tpu.wait_indirect_dma semaphore(%run_scoped3A_193 : memref<!tpu.dma_semaphore, #tpu.memory_space<semaphore_mem>>) src(%dma_wait3A_202 : memref<128xf32, #tpu.memory_space<vmem>>) dst(%dma_wait3A_207 : memref<819200xf32, #tpu.memory_space<vmem_shared>>)
      tpu.yield
    }) : () -> ()
    %run_scoped3A_103 = arith.constant 33 : i32
    %run_scoped3A_104 = arith.constant 33 : i32
    "tpu.region"() ({
      %run_scoped3A_193 = tpu.sem_alloc : memref<!tpu.dma_semaphore, #tpu.memory_space<semaphore_mem>>
      %dma_start3A = arith.constant 0 : i32
      %dma_start3A_194 = tpu.memref_slice %arg6[%run_scoped3A_103, %dma_start3A] : memref<75x128xf32, #tpu.memory_space<vmem>> -> memref<1x128xf32, #tpu.memory_space<vmem>>
      %dma_start3A_195 = tpu.memref_squeeze %dma_start3A_194 : memref<1x128xf32, #tpu.memory_space<vmem>> -> memref<128xf32, #tpu.memory_space<vmem>>
      %dma_start3A_196 = arith.constant 0 : i32
      %dma_start3A_197 = tpu.memref_slice %arg5[%run_scoped3A_104, %dma_start3A_196] : memref<75x128xi32, #tpu.memory_space<vmem>> -> memref<1x128xi32, #tpu.memory_space<vmem>>
      %dma_start3A_198 = tpu.memref_squeeze %dma_start3A_197 : memref<1x128xi32, #tpu.memory_space<vmem>> -> memref<128xi32, #tpu.memory_space<vmem>>
      %dma_start3A_199 = arith.constant 0 : i32
      %dma_start3A_200 = tpu.memref_slice %arg8[%dma_start3A_199] : memref<819200xf32, #tpu.memory_space<vmem_shared>> -> memref<819200xf32, #tpu.memory_space<vmem_shared>>
      tpu.enqueue_indirect_dma source(%dma_start3A_195 : memref<128xf32, #tpu.memory_space<vmem>>) target(%dma_start3A_200 : memref<819200xf32, #tpu.memory_space<vmem_shared>>) offsets(%dma_start3A_198 : memref<128xi32, #tpu.memory_space<vmem>>) semaphore(%run_scoped3A_193 : memref<!tpu.dma_semaphore, #tpu.memory_space<semaphore_mem>>) {add = true}
      %dma_wait3A = arith.constant 0 : i32
      %dma_wait3A_201 = tpu.memref_slice %arg6[%run_scoped3A_103, %dma_wait3A] : memref<75x128xf32, #tpu.memory_space<vmem>> -> memref<1x128xf32, #tpu.memory_space<vmem>>
      %dma_wait3A_202 = tpu.memref_squeeze %dma_wait3A_201 : memref<1x128xf32, #tpu.memory_space<vmem>> -> memref<128xf32, #tpu.memory_space<vmem>>
      %dma_wait3A_203 = arith.constant 0 : i32
      %dma_wait3A_204 = tpu.memref_slice %arg5[%run_scoped3A_104, %dma_wait3A_203] : memref<75x128xi32, #tpu.memory_space<vmem>> -> memref<1x128xi32, #tpu.memory_space<vmem>>
      %dma_wait3A_205 = tpu.memref_squeeze %dma_wait3A_204 : memref<1x128xi32, #tpu.memory_space<vmem>> -> memref<128xi32, #tpu.memory_space<vmem>>
      %dma_wait3A_206 = arith.constant 0 : i32
      %dma_wait3A_207 = tpu.memref_slice %arg8[%dma_wait3A_206] : memref<819200xf32, #tpu.memory_space<vmem_shared>> -> memref<819200xf32, #tpu.memory_space<vmem_shared>>
      tpu.wait_indirect_dma semaphore(%run_scoped3A_193 : memref<!tpu.dma_semaphore, #tpu.memory_space<semaphore_mem>>) src(%dma_wait3A_202 : memref<128xf32, #tpu.memory_space<vmem>>) dst(%dma_wait3A_207 : memref<819200xf32, #tpu.memory_space<vmem_shared>>)
      tpu.yield
    }) : () -> ()
    %run_scoped3A_105 = arith.constant 34 : i32
    %run_scoped3A_106 = arith.constant 34 : i32
    "tpu.region"() ({
      %run_scoped3A_193 = tpu.sem_alloc : memref<!tpu.dma_semaphore, #tpu.memory_space<semaphore_mem>>
      %dma_start3A = arith.constant 0 : i32
      %dma_start3A_194 = tpu.memref_slice %arg6[%run_scoped3A_105, %dma_start3A] : memref<75x128xf32, #tpu.memory_space<vmem>> -> memref<1x128xf32, #tpu.memory_space<vmem>>
      %dma_start3A_195 = tpu.memref_squeeze %dma_start3A_194 : memref<1x128xf32, #tpu.memory_space<vmem>> -> memref<128xf32, #tpu.memory_space<vmem>>
      %dma_start3A_196 = arith.constant 0 : i32
      %dma_start3A_197 = tpu.memref_slice %arg5[%run_scoped3A_106, %dma_start3A_196] : memref<75x128xi32, #tpu.memory_space<vmem>> -> memref<1x128xi32, #tpu.memory_space<vmem>>
      %dma_start3A_198 = tpu.memref_squeeze %dma_start3A_197 : memref<1x128xi32, #tpu.memory_space<vmem>> -> memref<128xi32, #tpu.memory_space<vmem>>
      %dma_start3A_199 = arith.constant 0 : i32
      %dma_start3A_200 = tpu.memref_slice %arg8[%dma_start3A_199] : memref<819200xf32, #tpu.memory_space<vmem_shared>> -> memref<819200xf32, #tpu.memory_space<vmem_shared>>
      tpu.enqueue_indirect_dma source(%dma_start3A_195 : memref<128xf32, #tpu.memory_space<vmem>>) target(%dma_start3A_200 : memref<819200xf32, #tpu.memory_space<vmem_shared>>) offsets(%dma_start3A_198 : memref<128xi32, #tpu.memory_space<vmem>>) semaphore(%run_scoped3A_193 : memref<!tpu.dma_semaphore, #tpu.memory_space<semaphore_mem>>) {add = true}
      %dma_wait3A = arith.constant 0 : i32
      %dma_wait3A_201 = tpu.memref_slice %arg6[%run_scoped3A_105, %dma_wait3A] : memref<75x128xf32, #tpu.memory_space<vmem>> -> memref<1x128xf32, #tpu.memory_space<vmem>>
      %dma_wait3A_202 = tpu.memref_squeeze %dma_wait3A_201 : memref<1x128xf32, #tpu.memory_space<vmem>> -> memref<128xf32, #tpu.memory_space<vmem>>
      %dma_wait3A_203 = arith.constant 0 : i32
      %dma_wait3A_204 = tpu.memref_slice %arg5[%run_scoped3A_106, %dma_wait3A_203] : memref<75x128xi32, #tpu.memory_space<vmem>> -> memref<1x128xi32, #tpu.memory_space<vmem>>
      %dma_wait3A_205 = tpu.memref_squeeze %dma_wait3A_204 : memref<1x128xi32, #tpu.memory_space<vmem>> -> memref<128xi32, #tpu.memory_space<vmem>>
      %dma_wait3A_206 = arith.constant 0 : i32
      %dma_wait3A_207 = tpu.memref_slice %arg8[%dma_wait3A_206] : memref<819200xf32, #tpu.memory_space<vmem_shared>> -> memref<819200xf32, #tpu.memory_space<vmem_shared>>
      tpu.wait_indirect_dma semaphore(%run_scoped3A_193 : memref<!tpu.dma_semaphore, #tpu.memory_space<semaphore_mem>>) src(%dma_wait3A_202 : memref<128xf32, #tpu.memory_space<vmem>>) dst(%dma_wait3A_207 : memref<819200xf32, #tpu.memory_space<vmem_shared>>)
      tpu.yield
    }) : () -> ()
    %run_scoped3A_107 = arith.constant 35 : i32
    %run_scoped3A_108 = arith.constant 35 : i32
    "tpu.region"() ({
      %run_scoped3A_193 = tpu.sem_alloc : memref<!tpu.dma_semaphore, #tpu.memory_space<semaphore_mem>>
      %dma_start3A = arith.constant 0 : i32
      %dma_start3A_194 = tpu.memref_slice %arg6[%run_scoped3A_107, %dma_start3A] : memref<75x128xf32, #tpu.memory_space<vmem>> -> memref<1x128xf32, #tpu.memory_space<vmem>>
      %dma_start3A_195 = tpu.memref_squeeze %dma_start3A_194 : memref<1x128xf32, #tpu.memory_space<vmem>> -> memref<128xf32, #tpu.memory_space<vmem>>
      %dma_start3A_196 = arith.constant 0 : i32
      %dma_start3A_197 = tpu.memref_slice %arg5[%run_scoped3A_108, %dma_start3A_196] : memref<75x128xi32, #tpu.memory_space<vmem>> -> memref<1x128xi32, #tpu.memory_space<vmem>>
      %dma_start3A_198 = tpu.memref_squeeze %dma_start3A_197 : memref<1x128xi32, #tpu.memory_space<vmem>> -> memref<128xi32, #tpu.memory_space<vmem>>
      %dma_start3A_199 = arith.constant 0 : i32
      %dma_start3A_200 = tpu.memref_slice %arg8[%dma_start3A_199] : memref<819200xf32, #tpu.memory_space<vmem_shared>> -> memref<819200xf32, #tpu.memory_space<vmem_shared>>
      tpu.enqueue_indirect_dma source(%dma_start3A_195 : memref<128xf32, #tpu.memory_space<vmem>>) target(%dma_start3A_200 : memref<819200xf32, #tpu.memory_space<vmem_shared>>) offsets(%dma_start3A_198 : memref<128xi32, #tpu.memory_space<vmem>>) semaphore(%run_scoped3A_193 : memref<!tpu.dma_semaphore, #tpu.memory_space<semaphore_mem>>) {add = true}
      %dma_wait3A = arith.constant 0 : i32
      %dma_wait3A_201 = tpu.memref_slice %arg6[%run_scoped3A_107, %dma_wait3A] : memref<75x128xf32, #tpu.memory_space<vmem>> -> memref<1x128xf32, #tpu.memory_space<vmem>>
      %dma_wait3A_202 = tpu.memref_squeeze %dma_wait3A_201 : memref<1x128xf32, #tpu.memory_space<vmem>> -> memref<128xf32, #tpu.memory_space<vmem>>
      %dma_wait3A_203 = arith.constant 0 : i32
      %dma_wait3A_204 = tpu.memref_slice %arg5[%run_scoped3A_108, %dma_wait3A_203] : memref<75x128xi32, #tpu.memory_space<vmem>> -> memref<1x128xi32, #tpu.memory_space<vmem>>
      %dma_wait3A_205 = tpu.memref_squeeze %dma_wait3A_204 : memref<1x128xi32, #tpu.memory_space<vmem>> -> memref<128xi32, #tpu.memory_space<vmem>>
      %dma_wait3A_206 = arith.constant 0 : i32
      %dma_wait3A_207 = tpu.memref_slice %arg8[%dma_wait3A_206] : memref<819200xf32, #tpu.memory_space<vmem_shared>> -> memref<819200xf32, #tpu.memory_space<vmem_shared>>
      tpu.wait_indirect_dma semaphore(%run_scoped3A_193 : memref<!tpu.dma_semaphore, #tpu.memory_space<semaphore_mem>>) src(%dma_wait3A_202 : memref<128xf32, #tpu.memory_space<vmem>>) dst(%dma_wait3A_207 : memref<819200xf32, #tpu.memory_space<vmem_shared>>)
      tpu.yield
    }) : () -> ()
    %run_scoped3A_109 = arith.constant 36 : i32
    %run_scoped3A_110 = arith.constant 36 : i32
    "tpu.region"() ({
      %run_scoped3A_193 = tpu.sem_alloc : memref<!tpu.dma_semaphore, #tpu.memory_space<semaphore_mem>>
      %dma_start3A = arith.constant 0 : i32
      %dma_start3A_194 = tpu.memref_slice %arg6[%run_scoped3A_109, %dma_start3A] : memref<75x128xf32, #tpu.memory_space<vmem>> -> memref<1x128xf32, #tpu.memory_space<vmem>>
      %dma_start3A_195 = tpu.memref_squeeze %dma_start3A_194 : memref<1x128xf32, #tpu.memory_space<vmem>> -> memref<128xf32, #tpu.memory_space<vmem>>
      %dma_start3A_196 = arith.constant 0 : i32
      %dma_start3A_197 = tpu.memref_slice %arg5[%run_scoped3A_110, %dma_start3A_196] : memref<75x128xi32, #tpu.memory_space<vmem>> -> memref<1x128xi32, #tpu.memory_space<vmem>>
      %dma_start3A_198 = tpu.memref_squeeze %dma_start3A_197 : memref<1x128xi32, #tpu.memory_space<vmem>> -> memref<128xi32, #tpu.memory_space<vmem>>
      %dma_start3A_199 = arith.constant 0 : i32
      %dma_start3A_200 = tpu.memref_slice %arg8[%dma_start3A_199] : memref<819200xf32, #tpu.memory_space<vmem_shared>> -> memref<819200xf32, #tpu.memory_space<vmem_shared>>
      tpu.enqueue_indirect_dma source(%dma_start3A_195 : memref<128xf32, #tpu.memory_space<vmem>>) target(%dma_start3A_200 : memref<819200xf32, #tpu.memory_space<vmem_shared>>) offsets(%dma_start3A_198 : memref<128xi32, #tpu.memory_space<vmem>>) semaphore(%run_scoped3A_193 : memref<!tpu.dma_semaphore, #tpu.memory_space<semaphore_mem>>) {add = true}
      %dma_wait3A = arith.constant 0 : i32
      %dma_wait3A_201 = tpu.memref_slice %arg6[%run_scoped3A_109, %dma_wait3A] : memref<75x128xf32, #tpu.memory_space<vmem>> -> memref<1x128xf32, #tpu.memory_space<vmem>>
      %dma_wait3A_202 = tpu.memref_squeeze %dma_wait3A_201 : memref<1x128xf32, #tpu.memory_space<vmem>> -> memref<128xf32, #tpu.memory_space<vmem>>
      %dma_wait3A_203 = arith.constant 0 : i32
      %dma_wait3A_204 = tpu.memref_slice %arg5[%run_scoped3A_110, %dma_wait3A_203] : memref<75x128xi32, #tpu.memory_space<vmem>> -> memref<1x128xi32, #tpu.memory_space<vmem>>
      %dma_wait3A_205 = tpu.memref_squeeze %dma_wait3A_204 : memref<1x128xi32, #tpu.memory_space<vmem>> -> memref<128xi32, #tpu.memory_space<vmem>>
      %dma_wait3A_206 = arith.constant 0 : i32
      %dma_wait3A_207 = tpu.memref_slice %arg8[%dma_wait3A_206] : memref<819200xf32, #tpu.memory_space<vmem_shared>> -> memref<819200xf32, #tpu.memory_space<vmem_shared>>
      tpu.wait_indirect_dma semaphore(%run_scoped3A_193 : memref<!tpu.dma_semaphore, #tpu.memory_space<semaphore_mem>>) src(%dma_wait3A_202 : memref<128xf32, #tpu.memory_space<vmem>>) dst(%dma_wait3A_207 : memref<819200xf32, #tpu.memory_space<vmem_shared>>)
      tpu.yield
    }) : () -> ()
    %run_scoped3A_111 = arith.constant 37 : i32
    %run_scoped3A_112 = arith.constant 37 : i32
    "tpu.region"() ({
      %run_scoped3A_193 = tpu.sem_alloc : memref<!tpu.dma_semaphore, #tpu.memory_space<semaphore_mem>>
      %dma_start3A = arith.constant 0 : i32
      %dma_start3A_194 = tpu.memref_slice %arg6[%run_scoped3A_111, %dma_start3A] : memref<75x128xf32, #tpu.memory_space<vmem>> -> memref<1x128xf32, #tpu.memory_space<vmem>>
      %dma_start3A_195 = tpu.memref_squeeze %dma_start3A_194 : memref<1x128xf32, #tpu.memory_space<vmem>> -> memref<128xf32, #tpu.memory_space<vmem>>
      %dma_start3A_196 = arith.constant 0 : i32
      %dma_start3A_197 = tpu.memref_slice %arg5[%run_scoped3A_112, %dma_start3A_196] : memref<75x128xi32, #tpu.memory_space<vmem>> -> memref<1x128xi32, #tpu.memory_space<vmem>>
      %dma_start3A_198 = tpu.memref_squeeze %dma_start3A_197 : memref<1x128xi32, #tpu.memory_space<vmem>> -> memref<128xi32, #tpu.memory_space<vmem>>
      %dma_start3A_199 = arith.constant 0 : i32
      %dma_start3A_200 = tpu.memref_slice %arg8[%dma_start3A_199] : memref<819200xf32, #tpu.memory_space<vmem_shared>> -> memref<819200xf32, #tpu.memory_space<vmem_shared>>
      tpu.enqueue_indirect_dma source(%dma_start3A_195 : memref<128xf32, #tpu.memory_space<vmem>>) target(%dma_start3A_200 : memref<819200xf32, #tpu.memory_space<vmem_shared>>) offsets(%dma_start3A_198 : memref<128xi32, #tpu.memory_space<vmem>>) semaphore(%run_scoped3A_193 : memref<!tpu.dma_semaphore, #tpu.memory_space<semaphore_mem>>) {add = true}
      %dma_wait3A = arith.constant 0 : i32
      %dma_wait3A_201 = tpu.memref_slice %arg6[%run_scoped3A_111, %dma_wait3A] : memref<75x128xf32, #tpu.memory_space<vmem>> -> memref<1x128xf32, #tpu.memory_space<vmem>>
      %dma_wait3A_202 = tpu.memref_squeeze %dma_wait3A_201 : memref<1x128xf32, #tpu.memory_space<vmem>> -> memref<128xf32, #tpu.memory_space<vmem>>
      %dma_wait3A_203 = arith.constant 0 : i32
      %dma_wait3A_204 = tpu.memref_slice %arg5[%run_scoped3A_112, %dma_wait3A_203] : memref<75x128xi32, #tpu.memory_space<vmem>> -> memref<1x128xi32, #tpu.memory_space<vmem>>
      %dma_wait3A_205 = tpu.memref_squeeze %dma_wait3A_204 : memref<1x128xi32, #tpu.memory_space<vmem>> -> memref<128xi32, #tpu.memory_space<vmem>>
      %dma_wait3A_206 = arith.constant 0 : i32
      %dma_wait3A_207 = tpu.memref_slice %arg8[%dma_wait3A_206] : memref<819200xf32, #tpu.memory_space<vmem_shared>> -> memref<819200xf32, #tpu.memory_space<vmem_shared>>
      tpu.wait_indirect_dma semaphore(%run_scoped3A_193 : memref<!tpu.dma_semaphore, #tpu.memory_space<semaphore_mem>>) src(%dma_wait3A_202 : memref<128xf32, #tpu.memory_space<vmem>>) dst(%dma_wait3A_207 : memref<819200xf32, #tpu.memory_space<vmem_shared>>)
      tpu.yield
    }) : () -> ()
    %run_scoped3A_113 = arith.constant 38 : i32
    %run_scoped3A_114 = arith.constant 38 : i32
    "tpu.region"() ({
      %run_scoped3A_193 = tpu.sem_alloc : memref<!tpu.dma_semaphore, #tpu.memory_space<semaphore_mem>>
      %dma_start3A = arith.constant 0 : i32
      %dma_start3A_194 = tpu.memref_slice %arg6[%run_scoped3A_113, %dma_start3A] : memref<75x128xf32, #tpu.memory_space<vmem>> -> memref<1x128xf32, #tpu.memory_space<vmem>>
      %dma_start3A_195 = tpu.memref_squeeze %dma_start3A_194 : memref<1x128xf32, #tpu.memory_space<vmem>> -> memref<128xf32, #tpu.memory_space<vmem>>
      %dma_start3A_196 = arith.constant 0 : i32
      %dma_start3A_197 = tpu.memref_slice %arg5[%run_scoped3A_114, %dma_start3A_196] : memref<75x128xi32, #tpu.memory_space<vmem>> -> memref<1x128xi32, #tpu.memory_space<vmem>>
      %dma_start3A_198 = tpu.memref_squeeze %dma_start3A_197 : memref<1x128xi32, #tpu.memory_space<vmem>> -> memref<128xi32, #tpu.memory_space<vmem>>
      %dma_start3A_199 = arith.constant 0 : i32
      %dma_start3A_200 = tpu.memref_slice %arg8[%dma_start3A_199] : memref<819200xf32, #tpu.memory_space<vmem_shared>> -> memref<819200xf32, #tpu.memory_space<vmem_shared>>
      tpu.enqueue_indirect_dma source(%dma_start3A_195 : memref<128xf32, #tpu.memory_space<vmem>>) target(%dma_start3A_200 : memref<819200xf32, #tpu.memory_space<vmem_shared>>) offsets(%dma_start3A_198 : memref<128xi32, #tpu.memory_space<vmem>>) semaphore(%run_scoped3A_193 : memref<!tpu.dma_semaphore, #tpu.memory_space<semaphore_mem>>) {add = true}
      %dma_wait3A = arith.constant 0 : i32
      %dma_wait3A_201 = tpu.memref_slice %arg6[%run_scoped3A_113, %dma_wait3A] : memref<75x128xf32, #tpu.memory_space<vmem>> -> memref<1x128xf32, #tpu.memory_space<vmem>>
      %dma_wait3A_202 = tpu.memref_squeeze %dma_wait3A_201 : memref<1x128xf32, #tpu.memory_space<vmem>> -> memref<128xf32, #tpu.memory_space<vmem>>
      %dma_wait3A_203 = arith.constant 0 : i32
      %dma_wait3A_204 = tpu.memref_slice %arg5[%run_scoped3A_114, %dma_wait3A_203] : memref<75x128xi32, #tpu.memory_space<vmem>> -> memref<1x128xi32, #tpu.memory_space<vmem>>
      %dma_wait3A_205 = tpu.memref_squeeze %dma_wait3A_204 : memref<1x128xi32, #tpu.memory_space<vmem>> -> memref<128xi32, #tpu.memory_space<vmem>>
      %dma_wait3A_206 = arith.constant 0 : i32
      %dma_wait3A_207 = tpu.memref_slice %arg8[%dma_wait3A_206] : memref<819200xf32, #tpu.memory_space<vmem_shared>> -> memref<819200xf32, #tpu.memory_space<vmem_shared>>
      tpu.wait_indirect_dma semaphore(%run_scoped3A_193 : memref<!tpu.dma_semaphore, #tpu.memory_space<semaphore_mem>>) src(%dma_wait3A_202 : memref<128xf32, #tpu.memory_space<vmem>>) dst(%dma_wait3A_207 : memref<819200xf32, #tpu.memory_space<vmem_shared>>)
      tpu.yield
    }) : () -> ()
    %run_scoped3A_115 = arith.constant 39 : i32
    %run_scoped3A_116 = arith.constant 39 : i32
    "tpu.region"() ({
      %run_scoped3A_193 = tpu.sem_alloc : memref<!tpu.dma_semaphore, #tpu.memory_space<semaphore_mem>>
      %dma_start3A = arith.constant 0 : i32
      %dma_start3A_194 = tpu.memref_slice %arg6[%run_scoped3A_115, %dma_start3A] : memref<75x128xf32, #tpu.memory_space<vmem>> -> memref<1x128xf32, #tpu.memory_space<vmem>>
      %dma_start3A_195 = tpu.memref_squeeze %dma_start3A_194 : memref<1x128xf32, #tpu.memory_space<vmem>> -> memref<128xf32, #tpu.memory_space<vmem>>
      %dma_start3A_196 = arith.constant 0 : i32
      %dma_start3A_197 = tpu.memref_slice %arg5[%run_scoped3A_116, %dma_start3A_196] : memref<75x128xi32, #tpu.memory_space<vmem>> -> memref<1x128xi32, #tpu.memory_space<vmem>>
      %dma_start3A_198 = tpu.memref_squeeze %dma_start3A_197 : memref<1x128xi32, #tpu.memory_space<vmem>> -> memref<128xi32, #tpu.memory_space<vmem>>
      %dma_start3A_199 = arith.constant 0 : i32
      %dma_start3A_200 = tpu.memref_slice %arg8[%dma_start3A_199] : memref<819200xf32, #tpu.memory_space<vmem_shared>> -> memref<819200xf32, #tpu.memory_space<vmem_shared>>
      tpu.enqueue_indirect_dma source(%dma_start3A_195 : memref<128xf32, #tpu.memory_space<vmem>>) target(%dma_start3A_200 : memref<819200xf32, #tpu.memory_space<vmem_shared>>) offsets(%dma_start3A_198 : memref<128xi32, #tpu.memory_space<vmem>>) semaphore(%run_scoped3A_193 : memref<!tpu.dma_semaphore, #tpu.memory_space<semaphore_mem>>) {add = true}
      %dma_wait3A = arith.constant 0 : i32
      %dma_wait3A_201 = tpu.memref_slice %arg6[%run_scoped3A_115, %dma_wait3A] : memref<75x128xf32, #tpu.memory_space<vmem>> -> memref<1x128xf32, #tpu.memory_space<vmem>>
      %dma_wait3A_202 = tpu.memref_squeeze %dma_wait3A_201 : memref<1x128xf32, #tpu.memory_space<vmem>> -> memref<128xf32, #tpu.memory_space<vmem>>
      %dma_wait3A_203 = arith.constant 0 : i32
      %dma_wait3A_204 = tpu.memref_slice %arg5[%run_scoped3A_116, %dma_wait3A_203] : memref<75x128xi32, #tpu.memory_space<vmem>> -> memref<1x128xi32, #tpu.memory_space<vmem>>
      %dma_wait3A_205 = tpu.memref_squeeze %dma_wait3A_204 : memref<1x128xi32, #tpu.memory_space<vmem>> -> memref<128xi32, #tpu.memory_space<vmem>>
      %dma_wait3A_206 = arith.constant 0 : i32
      %dma_wait3A_207 = tpu.memref_slice %arg8[%dma_wait3A_206] : memref<819200xf32, #tpu.memory_space<vmem_shared>> -> memref<819200xf32, #tpu.memory_space<vmem_shared>>
      tpu.wait_indirect_dma semaphore(%run_scoped3A_193 : memref<!tpu.dma_semaphore, #tpu.memory_space<semaphore_mem>>) src(%dma_wait3A_202 : memref<128xf32, #tpu.memory_space<vmem>>) dst(%dma_wait3A_207 : memref<819200xf32, #tpu.memory_space<vmem_shared>>)
      tpu.yield
    }) : () -> ()
    %run_scoped3A_117 = arith.constant 40 : i32
    %run_scoped3A_118 = arith.constant 40 : i32
    "tpu.region"() ({
      %run_scoped3A_193 = tpu.sem_alloc : memref<!tpu.dma_semaphore, #tpu.memory_space<semaphore_mem>>
      %dma_start3A = arith.constant 0 : i32
      %dma_start3A_194 = tpu.memref_slice %arg6[%run_scoped3A_117, %dma_start3A] : memref<75x128xf32, #tpu.memory_space<vmem>> -> memref<1x128xf32, #tpu.memory_space<vmem>>
      %dma_start3A_195 = tpu.memref_squeeze %dma_start3A_194 : memref<1x128xf32, #tpu.memory_space<vmem>> -> memref<128xf32, #tpu.memory_space<vmem>>
      %dma_start3A_196 = arith.constant 0 : i32
      %dma_start3A_197 = tpu.memref_slice %arg5[%run_scoped3A_118, %dma_start3A_196] : memref<75x128xi32, #tpu.memory_space<vmem>> -> memref<1x128xi32, #tpu.memory_space<vmem>>
      %dma_start3A_198 = tpu.memref_squeeze %dma_start3A_197 : memref<1x128xi32, #tpu.memory_space<vmem>> -> memref<128xi32, #tpu.memory_space<vmem>>
      %dma_start3A_199 = arith.constant 0 : i32
      %dma_start3A_200 = tpu.memref_slice %arg8[%dma_start3A_199] : memref<819200xf32, #tpu.memory_space<vmem_shared>> -> memref<819200xf32, #tpu.memory_space<vmem_shared>>
      tpu.enqueue_indirect_dma source(%dma_start3A_195 : memref<128xf32, #tpu.memory_space<vmem>>) target(%dma_start3A_200 : memref<819200xf32, #tpu.memory_space<vmem_shared>>) offsets(%dma_start3A_198 : memref<128xi32, #tpu.memory_space<vmem>>) semaphore(%run_scoped3A_193 : memref<!tpu.dma_semaphore, #tpu.memory_space<semaphore_mem>>) {add = true}
      %dma_wait3A = arith.constant 0 : i32
      %dma_wait3A_201 = tpu.memref_slice %arg6[%run_scoped3A_117, %dma_wait3A] : memref<75x128xf32, #tpu.memory_space<vmem>> -> memref<1x128xf32, #tpu.memory_space<vmem>>
      %dma_wait3A_202 = tpu.memref_squeeze %dma_wait3A_201 : memref<1x128xf32, #tpu.memory_space<vmem>> -> memref<128xf32, #tpu.memory_space<vmem>>
      %dma_wait3A_203 = arith.constant 0 : i32
      %dma_wait3A_204 = tpu.memref_slice %arg5[%run_scoped3A_118, %dma_wait3A_203] : memref<75x128xi32, #tpu.memory_space<vmem>> -> memref<1x128xi32, #tpu.memory_space<vmem>>
      %dma_wait3A_205 = tpu.memref_squeeze %dma_wait3A_204 : memref<1x128xi32, #tpu.memory_space<vmem>> -> memref<128xi32, #tpu.memory_space<vmem>>
      %dma_wait3A_206 = arith.constant 0 : i32
      %dma_wait3A_207 = tpu.memref_slice %arg8[%dma_wait3A_206] : memref<819200xf32, #tpu.memory_space<vmem_shared>> -> memref<819200xf32, #tpu.memory_space<vmem_shared>>
      tpu.wait_indirect_dma semaphore(%run_scoped3A_193 : memref<!tpu.dma_semaphore, #tpu.memory_space<semaphore_mem>>) src(%dma_wait3A_202 : memref<128xf32, #tpu.memory_space<vmem>>) dst(%dma_wait3A_207 : memref<819200xf32, #tpu.memory_space<vmem_shared>>)
      tpu.yield
    }) : () -> ()
    %run_scoped3A_119 = arith.constant 41 : i32
    %run_scoped3A_120 = arith.constant 41 : i32
    "tpu.region"() ({
      %run_scoped3A_193 = tpu.sem_alloc : memref<!tpu.dma_semaphore, #tpu.memory_space<semaphore_mem>>
      %dma_start3A = arith.constant 0 : i32
      %dma_start3A_194 = tpu.memref_slice %arg6[%run_scoped3A_119, %dma_start3A] : memref<75x128xf32, #tpu.memory_space<vmem>> -> memref<1x128xf32, #tpu.memory_space<vmem>>
      %dma_start3A_195 = tpu.memref_squeeze %dma_start3A_194 : memref<1x128xf32, #tpu.memory_space<vmem>> -> memref<128xf32, #tpu.memory_space<vmem>>
      %dma_start3A_196 = arith.constant 0 : i32
      %dma_start3A_197 = tpu.memref_slice %arg5[%run_scoped3A_120, %dma_start3A_196] : memref<75x128xi32, #tpu.memory_space<vmem>> -> memref<1x128xi32, #tpu.memory_space<vmem>>
      %dma_start3A_198 = tpu.memref_squeeze %dma_start3A_197 : memref<1x128xi32, #tpu.memory_space<vmem>> -> memref<128xi32, #tpu.memory_space<vmem>>
      %dma_start3A_199 = arith.constant 0 : i32
      %dma_start3A_200 = tpu.memref_slice %arg8[%dma_start3A_199] : memref<819200xf32, #tpu.memory_space<vmem_shared>> -> memref<819200xf32, #tpu.memory_space<vmem_shared>>
      tpu.enqueue_indirect_dma source(%dma_start3A_195 : memref<128xf32, #tpu.memory_space<vmem>>) target(%dma_start3A_200 : memref<819200xf32, #tpu.memory_space<vmem_shared>>) offsets(%dma_start3A_198 : memref<128xi32, #tpu.memory_space<vmem>>) semaphore(%run_scoped3A_193 : memref<!tpu.dma_semaphore, #tpu.memory_space<semaphore_mem>>) {add = true}
      %dma_wait3A = arith.constant 0 : i32
      %dma_wait3A_201 = tpu.memref_slice %arg6[%run_scoped3A_119, %dma_wait3A] : memref<75x128xf32, #tpu.memory_space<vmem>> -> memref<1x128xf32, #tpu.memory_space<vmem>>
      %dma_wait3A_202 = tpu.memref_squeeze %dma_wait3A_201 : memref<1x128xf32, #tpu.memory_space<vmem>> -> memref<128xf32, #tpu.memory_space<vmem>>
      %dma_wait3A_203 = arith.constant 0 : i32
      %dma_wait3A_204 = tpu.memref_slice %arg5[%run_scoped3A_120, %dma_wait3A_203] : memref<75x128xi32, #tpu.memory_space<vmem>> -> memref<1x128xi32, #tpu.memory_space<vmem>>
      %dma_wait3A_205 = tpu.memref_squeeze %dma_wait3A_204 : memref<1x128xi32, #tpu.memory_space<vmem>> -> memref<128xi32, #tpu.memory_space<vmem>>
      %dma_wait3A_206 = arith.constant 0 : i32
      %dma_wait3A_207 = tpu.memref_slice %arg8[%dma_wait3A_206] : memref<819200xf32, #tpu.memory_space<vmem_shared>> -> memref<819200xf32, #tpu.memory_space<vmem_shared>>
      tpu.wait_indirect_dma semaphore(%run_scoped3A_193 : memref<!tpu.dma_semaphore, #tpu.memory_space<semaphore_mem>>) src(%dma_wait3A_202 : memref<128xf32, #tpu.memory_space<vmem>>) dst(%dma_wait3A_207 : memref<819200xf32, #tpu.memory_space<vmem_shared>>)
      tpu.yield
    }) : () -> ()
    %run_scoped3A_121 = arith.constant 42 : i32
    %run_scoped3A_122 = arith.constant 42 : i32
    "tpu.region"() ({
      %run_scoped3A_193 = tpu.sem_alloc : memref<!tpu.dma_semaphore, #tpu.memory_space<semaphore_mem>>
      %dma_start3A = arith.constant 0 : i32
      %dma_start3A_194 = tpu.memref_slice %arg6[%run_scoped3A_121, %dma_start3A] : memref<75x128xf32, #tpu.memory_space<vmem>> -> memref<1x128xf32, #tpu.memory_space<vmem>>
      %dma_start3A_195 = tpu.memref_squeeze %dma_start3A_194 : memref<1x128xf32, #tpu.memory_space<vmem>> -> memref<128xf32, #tpu.memory_space<vmem>>
      %dma_start3A_196 = arith.constant 0 : i32
      %dma_start3A_197 = tpu.memref_slice %arg5[%run_scoped3A_122, %dma_start3A_196] : memref<75x128xi32, #tpu.memory_space<vmem>> -> memref<1x128xi32, #tpu.memory_space<vmem>>
      %dma_start3A_198 = tpu.memref_squeeze %dma_start3A_197 : memref<1x128xi32, #tpu.memory_space<vmem>> -> memref<128xi32, #tpu.memory_space<vmem>>
      %dma_start3A_199 = arith.constant 0 : i32
      %dma_start3A_200 = tpu.memref_slice %arg8[%dma_start3A_199] : memref<819200xf32, #tpu.memory_space<vmem_shared>> -> memref<819200xf32, #tpu.memory_space<vmem_shared>>
      tpu.enqueue_indirect_dma source(%dma_start3A_195 : memref<128xf32, #tpu.memory_space<vmem>>) target(%dma_start3A_200 : memref<819200xf32, #tpu.memory_space<vmem_shared>>) offsets(%dma_start3A_198 : memref<128xi32, #tpu.memory_space<vmem>>) semaphore(%run_scoped3A_193 : memref<!tpu.dma_semaphore, #tpu.memory_space<semaphore_mem>>) {add = true}
      %dma_wait3A = arith.constant 0 : i32
      %dma_wait3A_201 = tpu.memref_slice %arg6[%run_scoped3A_121, %dma_wait3A] : memref<75x128xf32, #tpu.memory_space<vmem>> -> memref<1x128xf32, #tpu.memory_space<vmem>>
      %dma_wait3A_202 = tpu.memref_squeeze %dma_wait3A_201 : memref<1x128xf32, #tpu.memory_space<vmem>> -> memref<128xf32, #tpu.memory_space<vmem>>
      %dma_wait3A_203 = arith.constant 0 : i32
      %dma_wait3A_204 = tpu.memref_slice %arg5[%run_scoped3A_122, %dma_wait3A_203] : memref<75x128xi32, #tpu.memory_space<vmem>> -> memref<1x128xi32, #tpu.memory_space<vmem>>
      %dma_wait3A_205 = tpu.memref_squeeze %dma_wait3A_204 : memref<1x128xi32, #tpu.memory_space<vmem>> -> memref<128xi32, #tpu.memory_space<vmem>>
      %dma_wait3A_206 = arith.constant 0 : i32
      %dma_wait3A_207 = tpu.memref_slice %arg8[%dma_wait3A_206] : memref<819200xf32, #tpu.memory_space<vmem_shared>> -> memref<819200xf32, #tpu.memory_space<vmem_shared>>
      tpu.wait_indirect_dma semaphore(%run_scoped3A_193 : memref<!tpu.dma_semaphore, #tpu.memory_space<semaphore_mem>>) src(%dma_wait3A_202 : memref<128xf32, #tpu.memory_space<vmem>>) dst(%dma_wait3A_207 : memref<819200xf32, #tpu.memory_space<vmem_shared>>)
      tpu.yield
    }) : () -> ()
    %run_scoped3A_123 = arith.constant 43 : i32
    %run_scoped3A_124 = arith.constant 43 : i32
    "tpu.region"() ({
      %run_scoped3A_193 = tpu.sem_alloc : memref<!tpu.dma_semaphore, #tpu.memory_space<semaphore_mem>>
      %dma_start3A = arith.constant 0 : i32
      %dma_start3A_194 = tpu.memref_slice %arg6[%run_scoped3A_123, %dma_start3A] : memref<75x128xf32, #tpu.memory_space<vmem>> -> memref<1x128xf32, #tpu.memory_space<vmem>>
      %dma_start3A_195 = tpu.memref_squeeze %dma_start3A_194 : memref<1x128xf32, #tpu.memory_space<vmem>> -> memref<128xf32, #tpu.memory_space<vmem>>
      %dma_start3A_196 = arith.constant 0 : i32
      %dma_start3A_197 = tpu.memref_slice %arg5[%run_scoped3A_124, %dma_start3A_196] : memref<75x128xi32, #tpu.memory_space<vmem>> -> memref<1x128xi32, #tpu.memory_space<vmem>>
      %dma_start3A_198 = tpu.memref_squeeze %dma_start3A_197 : memref<1x128xi32, #tpu.memory_space<vmem>> -> memref<128xi32, #tpu.memory_space<vmem>>
      %dma_start3A_199 = arith.constant 0 : i32
      %dma_start3A_200 = tpu.memref_slice %arg8[%dma_start3A_199] : memref<819200xf32, #tpu.memory_space<vmem_shared>> -> memref<819200xf32, #tpu.memory_space<vmem_shared>>
      tpu.enqueue_indirect_dma source(%dma_start3A_195 : memref<128xf32, #tpu.memory_space<vmem>>) target(%dma_start3A_200 : memref<819200xf32, #tpu.memory_space<vmem_shared>>) offsets(%dma_start3A_198 : memref<128xi32, #tpu.memory_space<vmem>>) semaphore(%run_scoped3A_193 : memref<!tpu.dma_semaphore, #tpu.memory_space<semaphore_mem>>) {add = true}
      %dma_wait3A = arith.constant 0 : i32
      %dma_wait3A_201 = tpu.memref_slice %arg6[%run_scoped3A_123, %dma_wait3A] : memref<75x128xf32, #tpu.memory_space<vmem>> -> memref<1x128xf32, #tpu.memory_space<vmem>>
      %dma_wait3A_202 = tpu.memref_squeeze %dma_wait3A_201 : memref<1x128xf32, #tpu.memory_space<vmem>> -> memref<128xf32, #tpu.memory_space<vmem>>
      %dma_wait3A_203 = arith.constant 0 : i32
      %dma_wait3A_204 = tpu.memref_slice %arg5[%run_scoped3A_124, %dma_wait3A_203] : memref<75x128xi32, #tpu.memory_space<vmem>> -> memref<1x128xi32, #tpu.memory_space<vmem>>
      %dma_wait3A_205 = tpu.memref_squeeze %dma_wait3A_204 : memref<1x128xi32, #tpu.memory_space<vmem>> -> memref<128xi32, #tpu.memory_space<vmem>>
      %dma_wait3A_206 = arith.constant 0 : i32
      %dma_wait3A_207 = tpu.memref_slice %arg8[%dma_wait3A_206] : memref<819200xf32, #tpu.memory_space<vmem_shared>> -> memref<819200xf32, #tpu.memory_space<vmem_shared>>
      tpu.wait_indirect_dma semaphore(%run_scoped3A_193 : memref<!tpu.dma_semaphore, #tpu.memory_space<semaphore_mem>>) src(%dma_wait3A_202 : memref<128xf32, #tpu.memory_space<vmem>>) dst(%dma_wait3A_207 : memref<819200xf32, #tpu.memory_space<vmem_shared>>)
      tpu.yield
    }) : () -> ()
    %run_scoped3A_125 = arith.constant 44 : i32
    %run_scoped3A_126 = arith.constant 44 : i32
    "tpu.region"() ({
      %run_scoped3A_193 = tpu.sem_alloc : memref<!tpu.dma_semaphore, #tpu.memory_space<semaphore_mem>>
      %dma_start3A = arith.constant 0 : i32
      %dma_start3A_194 = tpu.memref_slice %arg6[%run_scoped3A_125, %dma_start3A] : memref<75x128xf32, #tpu.memory_space<vmem>> -> memref<1x128xf32, #tpu.memory_space<vmem>>
      %dma_start3A_195 = tpu.memref_squeeze %dma_start3A_194 : memref<1x128xf32, #tpu.memory_space<vmem>> -> memref<128xf32, #tpu.memory_space<vmem>>
      %dma_start3A_196 = arith.constant 0 : i32
      %dma_start3A_197 = tpu.memref_slice %arg5[%run_scoped3A_126, %dma_start3A_196] : memref<75x128xi32, #tpu.memory_space<vmem>> -> memref<1x128xi32, #tpu.memory_space<vmem>>
      %dma_start3A_198 = tpu.memref_squeeze %dma_start3A_197 : memref<1x128xi32, #tpu.memory_space<vmem>> -> memref<128xi32, #tpu.memory_space<vmem>>
      %dma_start3A_199 = arith.constant 0 : i32
      %dma_start3A_200 = tpu.memref_slice %arg8[%dma_start3A_199] : memref<819200xf32, #tpu.memory_space<vmem_shared>> -> memref<819200xf32, #tpu.memory_space<vmem_shared>>
      tpu.enqueue_indirect_dma source(%dma_start3A_195 : memref<128xf32, #tpu.memory_space<vmem>>) target(%dma_start3A_200 : memref<819200xf32, #tpu.memory_space<vmem_shared>>) offsets(%dma_start3A_198 : memref<128xi32, #tpu.memory_space<vmem>>) semaphore(%run_scoped3A_193 : memref<!tpu.dma_semaphore, #tpu.memory_space<semaphore_mem>>) {add = true}
      %dma_wait3A = arith.constant 0 : i32
      %dma_wait3A_201 = tpu.memref_slice %arg6[%run_scoped3A_125, %dma_wait3A] : memref<75x128xf32, #tpu.memory_space<vmem>> -> memref<1x128xf32, #tpu.memory_space<vmem>>
      %dma_wait3A_202 = tpu.memref_squeeze %dma_wait3A_201 : memref<1x128xf32, #tpu.memory_space<vmem>> -> memref<128xf32, #tpu.memory_space<vmem>>
      %dma_wait3A_203 = arith.constant 0 : i32
      %dma_wait3A_204 = tpu.memref_slice %arg5[%run_scoped3A_126, %dma_wait3A_203] : memref<75x128xi32, #tpu.memory_space<vmem>> -> memref<1x128xi32, #tpu.memory_space<vmem>>
      %dma_wait3A_205 = tpu.memref_squeeze %dma_wait3A_204 : memref<1x128xi32, #tpu.memory_space<vmem>> -> memref<128xi32, #tpu.memory_space<vmem>>
      %dma_wait3A_206 = arith.constant 0 : i32
      %dma_wait3A_207 = tpu.memref_slice %arg8[%dma_wait3A_206] : memref<819200xf32, #tpu.memory_space<vmem_shared>> -> memref<819200xf32, #tpu.memory_space<vmem_shared>>
      tpu.wait_indirect_dma semaphore(%run_scoped3A_193 : memref<!tpu.dma_semaphore, #tpu.memory_space<semaphore_mem>>) src(%dma_wait3A_202 : memref<128xf32, #tpu.memory_space<vmem>>) dst(%dma_wait3A_207 : memref<819200xf32, #tpu.memory_space<vmem_shared>>)
      tpu.yield
    }) : () -> ()
    %run_scoped3A_127 = arith.constant 45 : i32
    %run_scoped3A_128 = arith.constant 45 : i32
    "tpu.region"() ({
      %run_scoped3A_193 = tpu.sem_alloc : memref<!tpu.dma_semaphore, #tpu.memory_space<semaphore_mem>>
      %dma_start3A = arith.constant 0 : i32
      %dma_start3A_194 = tpu.memref_slice %arg6[%run_scoped3A_127, %dma_start3A] : memref<75x128xf32, #tpu.memory_space<vmem>> -> memref<1x128xf32, #tpu.memory_space<vmem>>
      %dma_start3A_195 = tpu.memref_squeeze %dma_start3A_194 : memref<1x128xf32, #tpu.memory_space<vmem>> -> memref<128xf32, #tpu.memory_space<vmem>>
      %dma_start3A_196 = arith.constant 0 : i32
      %dma_start3A_197 = tpu.memref_slice %arg5[%run_scoped3A_128, %dma_start3A_196] : memref<75x128xi32, #tpu.memory_space<vmem>> -> memref<1x128xi32, #tpu.memory_space<vmem>>
      %dma_start3A_198 = tpu.memref_squeeze %dma_start3A_197 : memref<1x128xi32, #tpu.memory_space<vmem>> -> memref<128xi32, #tpu.memory_space<vmem>>
      %dma_start3A_199 = arith.constant 0 : i32
      %dma_start3A_200 = tpu.memref_slice %arg8[%dma_start3A_199] : memref<819200xf32, #tpu.memory_space<vmem_shared>> -> memref<819200xf32, #tpu.memory_space<vmem_shared>>
      tpu.enqueue_indirect_dma source(%dma_start3A_195 : memref<128xf32, #tpu.memory_space<vmem>>) target(%dma_start3A_200 : memref<819200xf32, #tpu.memory_space<vmem_shared>>) offsets(%dma_start3A_198 : memref<128xi32, #tpu.memory_space<vmem>>) semaphore(%run_scoped3A_193 : memref<!tpu.dma_semaphore, #tpu.memory_space<semaphore_mem>>) {add = true}
      %dma_wait3A = arith.constant 0 : i32
      %dma_wait3A_201 = tpu.memref_slice %arg6[%run_scoped3A_127, %dma_wait3A] : memref<75x128xf32, #tpu.memory_space<vmem>> -> memref<1x128xf32, #tpu.memory_space<vmem>>
      %dma_wait3A_202 = tpu.memref_squeeze %dma_wait3A_201 : memref<1x128xf32, #tpu.memory_space<vmem>> -> memref<128xf32, #tpu.memory_space<vmem>>
      %dma_wait3A_203 = arith.constant 0 : i32
      %dma_wait3A_204 = tpu.memref_slice %arg5[%run_scoped3A_128, %dma_wait3A_203] : memref<75x128xi32, #tpu.memory_space<vmem>> -> memref<1x128xi32, #tpu.memory_space<vmem>>
      %dma_wait3A_205 = tpu.memref_squeeze %dma_wait3A_204 : memref<1x128xi32, #tpu.memory_space<vmem>> -> memref<128xi32, #tpu.memory_space<vmem>>
      %dma_wait3A_206 = arith.constant 0 : i32
      %dma_wait3A_207 = tpu.memref_slice %arg8[%dma_wait3A_206] : memref<819200xf32, #tpu.memory_space<vmem_shared>> -> memref<819200xf32, #tpu.memory_space<vmem_shared>>
      tpu.wait_indirect_dma semaphore(%run_scoped3A_193 : memref<!tpu.dma_semaphore, #tpu.memory_space<semaphore_mem>>) src(%dma_wait3A_202 : memref<128xf32, #tpu.memory_space<vmem>>) dst(%dma_wait3A_207 : memref<819200xf32, #tpu.memory_space<vmem_shared>>)
      tpu.yield
    }) : () -> ()
    %run_scoped3A_129 = arith.constant 46 : i32
    %run_scoped3A_130 = arith.constant 46 : i32
    "tpu.region"() ({
      %run_scoped3A_193 = tpu.sem_alloc : memref<!tpu.dma_semaphore, #tpu.memory_space<semaphore_mem>>
      %dma_start3A = arith.constant 0 : i32
      %dma_start3A_194 = tpu.memref_slice %arg6[%run_scoped3A_129, %dma_start3A] : memref<75x128xf32, #tpu.memory_space<vmem>> -> memref<1x128xf32, #tpu.memory_space<vmem>>
      %dma_start3A_195 = tpu.memref_squeeze %dma_start3A_194 : memref<1x128xf32, #tpu.memory_space<vmem>> -> memref<128xf32, #tpu.memory_space<vmem>>
      %dma_start3A_196 = arith.constant 0 : i32
      %dma_start3A_197 = tpu.memref_slice %arg5[%run_scoped3A_130, %dma_start3A_196] : memref<75x128xi32, #tpu.memory_space<vmem>> -> memref<1x128xi32, #tpu.memory_space<vmem>>
      %dma_start3A_198 = tpu.memref_squeeze %dma_start3A_197 : memref<1x128xi32, #tpu.memory_space<vmem>> -> memref<128xi32, #tpu.memory_space<vmem>>
      %dma_start3A_199 = arith.constant 0 : i32
      %dma_start3A_200 = tpu.memref_slice %arg8[%dma_start3A_199] : memref<819200xf32, #tpu.memory_space<vmem_shared>> -> memref<819200xf32, #tpu.memory_space<vmem_shared>>
      tpu.enqueue_indirect_dma source(%dma_start3A_195 : memref<128xf32, #tpu.memory_space<vmem>>) target(%dma_start3A_200 : memref<819200xf32, #tpu.memory_space<vmem_shared>>) offsets(%dma_start3A_198 : memref<128xi32, #tpu.memory_space<vmem>>) semaphore(%run_scoped3A_193 : memref<!tpu.dma_semaphore, #tpu.memory_space<semaphore_mem>>) {add = true}
      %dma_wait3A = arith.constant 0 : i32
      %dma_wait3A_201 = tpu.memref_slice %arg6[%run_scoped3A_129, %dma_wait3A] : memref<75x128xf32, #tpu.memory_space<vmem>> -> memref<1x128xf32, #tpu.memory_space<vmem>>
      %dma_wait3A_202 = tpu.memref_squeeze %dma_wait3A_201 : memref<1x128xf32, #tpu.memory_space<vmem>> -> memref<128xf32, #tpu.memory_space<vmem>>
      %dma_wait3A_203 = arith.constant 0 : i32
      %dma_wait3A_204 = tpu.memref_slice %arg5[%run_scoped3A_130, %dma_wait3A_203] : memref<75x128xi32, #tpu.memory_space<vmem>> -> memref<1x128xi32, #tpu.memory_space<vmem>>
      %dma_wait3A_205 = tpu.memref_squeeze %dma_wait3A_204 : memref<1x128xi32, #tpu.memory_space<vmem>> -> memref<128xi32, #tpu.memory_space<vmem>>
      %dma_wait3A_206 = arith.constant 0 : i32
      %dma_wait3A_207 = tpu.memref_slice %arg8[%dma_wait3A_206] : memref<819200xf32, #tpu.memory_space<vmem_shared>> -> memref<819200xf32, #tpu.memory_space<vmem_shared>>
      tpu.wait_indirect_dma semaphore(%run_scoped3A_193 : memref<!tpu.dma_semaphore, #tpu.memory_space<semaphore_mem>>) src(%dma_wait3A_202 : memref<128xf32, #tpu.memory_space<vmem>>) dst(%dma_wait3A_207 : memref<819200xf32, #tpu.memory_space<vmem_shared>>)
      tpu.yield
    }) : () -> ()
    %run_scoped3A_131 = arith.constant 47 : i32
    %run_scoped3A_132 = arith.constant 47 : i32
    "tpu.region"() ({
      %run_scoped3A_193 = tpu.sem_alloc : memref<!tpu.dma_semaphore, #tpu.memory_space<semaphore_mem>>
      %dma_start3A = arith.constant 0 : i32
      %dma_start3A_194 = tpu.memref_slice %arg6[%run_scoped3A_131, %dma_start3A] : memref<75x128xf32, #tpu.memory_space<vmem>> -> memref<1x128xf32, #tpu.memory_space<vmem>>
      %dma_start3A_195 = tpu.memref_squeeze %dma_start3A_194 : memref<1x128xf32, #tpu.memory_space<vmem>> -> memref<128xf32, #tpu.memory_space<vmem>>
      %dma_start3A_196 = arith.constant 0 : i32
      %dma_start3A_197 = tpu.memref_slice %arg5[%run_scoped3A_132, %dma_start3A_196] : memref<75x128xi32, #tpu.memory_space<vmem>> -> memref<1x128xi32, #tpu.memory_space<vmem>>
      %dma_start3A_198 = tpu.memref_squeeze %dma_start3A_197 : memref<1x128xi32, #tpu.memory_space<vmem>> -> memref<128xi32, #tpu.memory_space<vmem>>
      %dma_start3A_199 = arith.constant 0 : i32
      %dma_start3A_200 = tpu.memref_slice %arg8[%dma_start3A_199] : memref<819200xf32, #tpu.memory_space<vmem_shared>> -> memref<819200xf32, #tpu.memory_space<vmem_shared>>
      tpu.enqueue_indirect_dma source(%dma_start3A_195 : memref<128xf32, #tpu.memory_space<vmem>>) target(%dma_start3A_200 : memref<819200xf32, #tpu.memory_space<vmem_shared>>) offsets(%dma_start3A_198 : memref<128xi32, #tpu.memory_space<vmem>>) semaphore(%run_scoped3A_193 : memref<!tpu.dma_semaphore, #tpu.memory_space<semaphore_mem>>) {add = true}
      %dma_wait3A = arith.constant 0 : i32
      %dma_wait3A_201 = tpu.memref_slice %arg6[%run_scoped3A_131, %dma_wait3A] : memref<75x128xf32, #tpu.memory_space<vmem>> -> memref<1x128xf32, #tpu.memory_space<vmem>>
      %dma_wait3A_202 = tpu.memref_squeeze %dma_wait3A_201 : memref<1x128xf32, #tpu.memory_space<vmem>> -> memref<128xf32, #tpu.memory_space<vmem>>
      %dma_wait3A_203 = arith.constant 0 : i32
      %dma_wait3A_204 = tpu.memref_slice %arg5[%run_scoped3A_132, %dma_wait3A_203] : memref<75x128xi32, #tpu.memory_space<vmem>> -> memref<1x128xi32, #tpu.memory_space<vmem>>
      %dma_wait3A_205 = tpu.memref_squeeze %dma_wait3A_204 : memref<1x128xi32, #tpu.memory_space<vmem>> -> memref<128xi32, #tpu.memory_space<vmem>>
      %dma_wait3A_206 = arith.constant 0 : i32
      %dma_wait3A_207 = tpu.memref_slice %arg8[%dma_wait3A_206] : memref<819200xf32, #tpu.memory_space<vmem_shared>> -> memref<819200xf32, #tpu.memory_space<vmem_shared>>
      tpu.wait_indirect_dma semaphore(%run_scoped3A_193 : memref<!tpu.dma_semaphore, #tpu.memory_space<semaphore_mem>>) src(%dma_wait3A_202 : memref<128xf32, #tpu.memory_space<vmem>>) dst(%dma_wait3A_207 : memref<819200xf32, #tpu.memory_space<vmem_shared>>)
      tpu.yield
    }) : () -> ()
    %run_scoped3A_133 = arith.constant 48 : i32
    %run_scoped3A_134 = arith.constant 48 : i32
    "tpu.region"() ({
      %run_scoped3A_193 = tpu.sem_alloc : memref<!tpu.dma_semaphore, #tpu.memory_space<semaphore_mem>>
      %dma_start3A = arith.constant 0 : i32
      %dma_start3A_194 = tpu.memref_slice %arg6[%run_scoped3A_133, %dma_start3A] : memref<75x128xf32, #tpu.memory_space<vmem>> -> memref<1x128xf32, #tpu.memory_space<vmem>>
      %dma_start3A_195 = tpu.memref_squeeze %dma_start3A_194 : memref<1x128xf32, #tpu.memory_space<vmem>> -> memref<128xf32, #tpu.memory_space<vmem>>
      %dma_start3A_196 = arith.constant 0 : i32
      %dma_start3A_197 = tpu.memref_slice %arg5[%run_scoped3A_134, %dma_start3A_196] : memref<75x128xi32, #tpu.memory_space<vmem>> -> memref<1x128xi32, #tpu.memory_space<vmem>>
      %dma_start3A_198 = tpu.memref_squeeze %dma_start3A_197 : memref<1x128xi32, #tpu.memory_space<vmem>> -> memref<128xi32, #tpu.memory_space<vmem>>
      %dma_start3A_199 = arith.constant 0 : i32
      %dma_start3A_200 = tpu.memref_slice %arg8[%dma_start3A_199] : memref<819200xf32, #tpu.memory_space<vmem_shared>> -> memref<819200xf32, #tpu.memory_space<vmem_shared>>
      tpu.enqueue_indirect_dma source(%dma_start3A_195 : memref<128xf32, #tpu.memory_space<vmem>>) target(%dma_start3A_200 : memref<819200xf32, #tpu.memory_space<vmem_shared>>) offsets(%dma_start3A_198 : memref<128xi32, #tpu.memory_space<vmem>>) semaphore(%run_scoped3A_193 : memref<!tpu.dma_semaphore, #tpu.memory_space<semaphore_mem>>) {add = true}
      %dma_wait3A = arith.constant 0 : i32
      %dma_wait3A_201 = tpu.memref_slice %arg6[%run_scoped3A_133, %dma_wait3A] : memref<75x128xf32, #tpu.memory_space<vmem>> -> memref<1x128xf32, #tpu.memory_space<vmem>>
      %dma_wait3A_202 = tpu.memref_squeeze %dma_wait3A_201 : memref<1x128xf32, #tpu.memory_space<vmem>> -> memref<128xf32, #tpu.memory_space<vmem>>
      %dma_wait3A_203 = arith.constant 0 : i32
      %dma_wait3A_204 = tpu.memref_slice %arg5[%run_scoped3A_134, %dma_wait3A_203] : memref<75x128xi32, #tpu.memory_space<vmem>> -> memref<1x128xi32, #tpu.memory_space<vmem>>
      %dma_wait3A_205 = tpu.memref_squeeze %dma_wait3A_204 : memref<1x128xi32, #tpu.memory_space<vmem>> -> memref<128xi32, #tpu.memory_space<vmem>>
      %dma_wait3A_206 = arith.constant 0 : i32
      %dma_wait3A_207 = tpu.memref_slice %arg8[%dma_wait3A_206] : memref<819200xf32, #tpu.memory_space<vmem_shared>> -> memref<819200xf32, #tpu.memory_space<vmem_shared>>
      tpu.wait_indirect_dma semaphore(%run_scoped3A_193 : memref<!tpu.dma_semaphore, #tpu.memory_space<semaphore_mem>>) src(%dma_wait3A_202 : memref<128xf32, #tpu.memory_space<vmem>>) dst(%dma_wait3A_207 : memref<819200xf32, #tpu.memory_space<vmem_shared>>)
      tpu.yield
    }) : () -> ()
    %run_scoped3A_135 = arith.constant 49 : i32
    %run_scoped3A_136 = arith.constant 49 : i32
    "tpu.region"() ({
      %run_scoped3A_193 = tpu.sem_alloc : memref<!tpu.dma_semaphore, #tpu.memory_space<semaphore_mem>>
      %dma_start3A = arith.constant 0 : i32
      %dma_start3A_194 = tpu.memref_slice %arg6[%run_scoped3A_135, %dma_start3A] : memref<75x128xf32, #tpu.memory_space<vmem>> -> memref<1x128xf32, #tpu.memory_space<vmem>>
      %dma_start3A_195 = tpu.memref_squeeze %dma_start3A_194 : memref<1x128xf32, #tpu.memory_space<vmem>> -> memref<128xf32, #tpu.memory_space<vmem>>
      %dma_start3A_196 = arith.constant 0 : i32
      %dma_start3A_197 = tpu.memref_slice %arg5[%run_scoped3A_136, %dma_start3A_196] : memref<75x128xi32, #tpu.memory_space<vmem>> -> memref<1x128xi32, #tpu.memory_space<vmem>>
      %dma_start3A_198 = tpu.memref_squeeze %dma_start3A_197 : memref<1x128xi32, #tpu.memory_space<vmem>> -> memref<128xi32, #tpu.memory_space<vmem>>
      %dma_start3A_199 = arith.constant 0 : i32
      %dma_start3A_200 = tpu.memref_slice %arg8[%dma_start3A_199] : memref<819200xf32, #tpu.memory_space<vmem_shared>> -> memref<819200xf32, #tpu.memory_space<vmem_shared>>
      tpu.enqueue_indirect_dma source(%dma_start3A_195 : memref<128xf32, #tpu.memory_space<vmem>>) target(%dma_start3A_200 : memref<819200xf32, #tpu.memory_space<vmem_shared>>) offsets(%dma_start3A_198 : memref<128xi32, #tpu.memory_space<vmem>>) semaphore(%run_scoped3A_193 : memref<!tpu.dma_semaphore, #tpu.memory_space<semaphore_mem>>) {add = true}
      %dma_wait3A = arith.constant 0 : i32
      %dma_wait3A_201 = tpu.memref_slice %arg6[%run_scoped3A_135, %dma_wait3A] : memref<75x128xf32, #tpu.memory_space<vmem>> -> memref<1x128xf32, #tpu.memory_space<vmem>>
      %dma_wait3A_202 = tpu.memref_squeeze %dma_wait3A_201 : memref<1x128xf32, #tpu.memory_space<vmem>> -> memref<128xf32, #tpu.memory_space<vmem>>
      %dma_wait3A_203 = arith.constant 0 : i32
      %dma_wait3A_204 = tpu.memref_slice %arg5[%run_scoped3A_136, %dma_wait3A_203] : memref<75x128xi32, #tpu.memory_space<vmem>> -> memref<1x128xi32, #tpu.memory_space<vmem>>
      %dma_wait3A_205 = tpu.memref_squeeze %dma_wait3A_204 : memref<1x128xi32, #tpu.memory_space<vmem>> -> memref<128xi32, #tpu.memory_space<vmem>>
      %dma_wait3A_206 = arith.constant 0 : i32
      %dma_wait3A_207 = tpu.memref_slice %arg8[%dma_wait3A_206] : memref<819200xf32, #tpu.memory_space<vmem_shared>> -> memref<819200xf32, #tpu.memory_space<vmem_shared>>
      tpu.wait_indirect_dma semaphore(%run_scoped3A_193 : memref<!tpu.dma_semaphore, #tpu.memory_space<semaphore_mem>>) src(%dma_wait3A_202 : memref<128xf32, #tpu.memory_space<vmem>>) dst(%dma_wait3A_207 : memref<819200xf32, #tpu.memory_space<vmem_shared>>)
      tpu.yield
    }) : () -> ()
    %run_scoped3A_137 = arith.constant 50 : i32
    %run_scoped3A_138 = arith.constant 50 : i32
    "tpu.region"() ({
      %run_scoped3A_193 = tpu.sem_alloc : memref<!tpu.dma_semaphore, #tpu.memory_space<semaphore_mem>>
      %dma_start3A = arith.constant 0 : i32
      %dma_start3A_194 = tpu.memref_slice %arg6[%run_scoped3A_137, %dma_start3A] : memref<75x128xf32, #tpu.memory_space<vmem>> -> memref<1x128xf32, #tpu.memory_space<vmem>>
      %dma_start3A_195 = tpu.memref_squeeze %dma_start3A_194 : memref<1x128xf32, #tpu.memory_space<vmem>> -> memref<128xf32, #tpu.memory_space<vmem>>
      %dma_start3A_196 = arith.constant 0 : i32
      %dma_start3A_197 = tpu.memref_slice %arg5[%run_scoped3A_138, %dma_start3A_196] : memref<75x128xi32, #tpu.memory_space<vmem>> -> memref<1x128xi32, #tpu.memory_space<vmem>>
      %dma_start3A_198 = tpu.memref_squeeze %dma_start3A_197 : memref<1x128xi32, #tpu.memory_space<vmem>> -> memref<128xi32, #tpu.memory_space<vmem>>
      %dma_start3A_199 = arith.constant 0 : i32
      %dma_start3A_200 = tpu.memref_slice %arg8[%dma_start3A_199] : memref<819200xf32, #tpu.memory_space<vmem_shared>> -> memref<819200xf32, #tpu.memory_space<vmem_shared>>
      tpu.enqueue_indirect_dma source(%dma_start3A_195 : memref<128xf32, #tpu.memory_space<vmem>>) target(%dma_start3A_200 : memref<819200xf32, #tpu.memory_space<vmem_shared>>) offsets(%dma_start3A_198 : memref<128xi32, #tpu.memory_space<vmem>>) semaphore(%run_scoped3A_193 : memref<!tpu.dma_semaphore, #tpu.memory_space<semaphore_mem>>) {add = true}
      %dma_wait3A = arith.constant 0 : i32
      %dma_wait3A_201 = tpu.memref_slice %arg6[%run_scoped3A_137, %dma_wait3A] : memref<75x128xf32, #tpu.memory_space<vmem>> -> memref<1x128xf32, #tpu.memory_space<vmem>>
      %dma_wait3A_202 = tpu.memref_squeeze %dma_wait3A_201 : memref<1x128xf32, #tpu.memory_space<vmem>> -> memref<128xf32, #tpu.memory_space<vmem>>
      %dma_wait3A_203 = arith.constant 0 : i32
      %dma_wait3A_204 = tpu.memref_slice %arg5[%run_scoped3A_138, %dma_wait3A_203] : memref<75x128xi32, #tpu.memory_space<vmem>> -> memref<1x128xi32, #tpu.memory_space<vmem>>
      %dma_wait3A_205 = tpu.memref_squeeze %dma_wait3A_204 : memref<1x128xi32, #tpu.memory_space<vmem>> -> memref<128xi32, #tpu.memory_space<vmem>>
      %dma_wait3A_206 = arith.constant 0 : i32
      %dma_wait3A_207 = tpu.memref_slice %arg8[%dma_wait3A_206] : memref<819200xf32, #tpu.memory_space<vmem_shared>> -> memref<819200xf32, #tpu.memory_space<vmem_shared>>
      tpu.wait_indirect_dma semaphore(%run_scoped3A_193 : memref<!tpu.dma_semaphore, #tpu.memory_space<semaphore_mem>>) src(%dma_wait3A_202 : memref<128xf32, #tpu.memory_space<vmem>>) dst(%dma_wait3A_207 : memref<819200xf32, #tpu.memory_space<vmem_shared>>)
      tpu.yield
    }) : () -> ()
    %run_scoped3A_139 = arith.constant 51 : i32
    %run_scoped3A_140 = arith.constant 51 : i32
    "tpu.region"() ({
      %run_scoped3A_193 = tpu.sem_alloc : memref<!tpu.dma_semaphore, #tpu.memory_space<semaphore_mem>>
      %dma_start3A = arith.constant 0 : i32
      %dma_start3A_194 = tpu.memref_slice %arg6[%run_scoped3A_139, %dma_start3A] : memref<75x128xf32, #tpu.memory_space<vmem>> -> memref<1x128xf32, #tpu.memory_space<vmem>>
      %dma_start3A_195 = tpu.memref_squeeze %dma_start3A_194 : memref<1x128xf32, #tpu.memory_space<vmem>> -> memref<128xf32, #tpu.memory_space<vmem>>
      %dma_start3A_196 = arith.constant 0 : i32
      %dma_start3A_197 = tpu.memref_slice %arg5[%run_scoped3A_140, %dma_start3A_196] : memref<75x128xi32, #tpu.memory_space<vmem>> -> memref<1x128xi32, #tpu.memory_space<vmem>>
      %dma_start3A_198 = tpu.memref_squeeze %dma_start3A_197 : memref<1x128xi32, #tpu.memory_space<vmem>> -> memref<128xi32, #tpu.memory_space<vmem>>
      %dma_start3A_199 = arith.constant 0 : i32
      %dma_start3A_200 = tpu.memref_slice %arg8[%dma_start3A_199] : memref<819200xf32, #tpu.memory_space<vmem_shared>> -> memref<819200xf32, #tpu.memory_space<vmem_shared>>
      tpu.enqueue_indirect_dma source(%dma_start3A_195 : memref<128xf32, #tpu.memory_space<vmem>>) target(%dma_start3A_200 : memref<819200xf32, #tpu.memory_space<vmem_shared>>) offsets(%dma_start3A_198 : memref<128xi32, #tpu.memory_space<vmem>>) semaphore(%run_scoped3A_193 : memref<!tpu.dma_semaphore, #tpu.memory_space<semaphore_mem>>) {add = true}
      %dma_wait3A = arith.constant 0 : i32
      %dma_wait3A_201 = tpu.memref_slice %arg6[%run_scoped3A_139, %dma_wait3A] : memref<75x128xf32, #tpu.memory_space<vmem>> -> memref<1x128xf32, #tpu.memory_space<vmem>>
      %dma_wait3A_202 = tpu.memref_squeeze %dma_wait3A_201 : memref<1x128xf32, #tpu.memory_space<vmem>> -> memref<128xf32, #tpu.memory_space<vmem>>
      %dma_wait3A_203 = arith.constant 0 : i32
      %dma_wait3A_204 = tpu.memref_slice %arg5[%run_scoped3A_140, %dma_wait3A_203] : memref<75x128xi32, #tpu.memory_space<vmem>> -> memref<1x128xi32, #tpu.memory_space<vmem>>
      %dma_wait3A_205 = tpu.memref_squeeze %dma_wait3A_204 : memref<1x128xi32, #tpu.memory_space<vmem>> -> memref<128xi32, #tpu.memory_space<vmem>>
      %dma_wait3A_206 = arith.constant 0 : i32
      %dma_wait3A_207 = tpu.memref_slice %arg8[%dma_wait3A_206] : memref<819200xf32, #tpu.memory_space<vmem_shared>> -> memref<819200xf32, #tpu.memory_space<vmem_shared>>
      tpu.wait_indirect_dma semaphore(%run_scoped3A_193 : memref<!tpu.dma_semaphore, #tpu.memory_space<semaphore_mem>>) src(%dma_wait3A_202 : memref<128xf32, #tpu.memory_space<vmem>>) dst(%dma_wait3A_207 : memref<819200xf32, #tpu.memory_space<vmem_shared>>)
      tpu.yield
    }) : () -> ()
    %run_scoped3A_141 = arith.constant 52 : i32
    %run_scoped3A_142 = arith.constant 52 : i32
    "tpu.region"() ({
      %run_scoped3A_193 = tpu.sem_alloc : memref<!tpu.dma_semaphore, #tpu.memory_space<semaphore_mem>>
      %dma_start3A = arith.constant 0 : i32
      %dma_start3A_194 = tpu.memref_slice %arg6[%run_scoped3A_141, %dma_start3A] : memref<75x128xf32, #tpu.memory_space<vmem>> -> memref<1x128xf32, #tpu.memory_space<vmem>>
      %dma_start3A_195 = tpu.memref_squeeze %dma_start3A_194 : memref<1x128xf32, #tpu.memory_space<vmem>> -> memref<128xf32, #tpu.memory_space<vmem>>
      %dma_start3A_196 = arith.constant 0 : i32
      %dma_start3A_197 = tpu.memref_slice %arg5[%run_scoped3A_142, %dma_start3A_196] : memref<75x128xi32, #tpu.memory_space<vmem>> -> memref<1x128xi32, #tpu.memory_space<vmem>>
      %dma_start3A_198 = tpu.memref_squeeze %dma_start3A_197 : memref<1x128xi32, #tpu.memory_space<vmem>> -> memref<128xi32, #tpu.memory_space<vmem>>
      %dma_start3A_199 = arith.constant 0 : i32
      %dma_start3A_200 = tpu.memref_slice %arg8[%dma_start3A_199] : memref<819200xf32, #tpu.memory_space<vmem_shared>> -> memref<819200xf32, #tpu.memory_space<vmem_shared>>
      tpu.enqueue_indirect_dma source(%dma_start3A_195 : memref<128xf32, #tpu.memory_space<vmem>>) target(%dma_start3A_200 : memref<819200xf32, #tpu.memory_space<vmem_shared>>) offsets(%dma_start3A_198 : memref<128xi32, #tpu.memory_space<vmem>>) semaphore(%run_scoped3A_193 : memref<!tpu.dma_semaphore, #tpu.memory_space<semaphore_mem>>) {add = true}
      %dma_wait3A = arith.constant 0 : i32
      %dma_wait3A_201 = tpu.memref_slice %arg6[%run_scoped3A_141, %dma_wait3A] : memref<75x128xf32, #tpu.memory_space<vmem>> -> memref<1x128xf32, #tpu.memory_space<vmem>>
      %dma_wait3A_202 = tpu.memref_squeeze %dma_wait3A_201 : memref<1x128xf32, #tpu.memory_space<vmem>> -> memref<128xf32, #tpu.memory_space<vmem>>
      %dma_wait3A_203 = arith.constant 0 : i32
      %dma_wait3A_204 = tpu.memref_slice %arg5[%run_scoped3A_142, %dma_wait3A_203] : memref<75x128xi32, #tpu.memory_space<vmem>> -> memref<1x128xi32, #tpu.memory_space<vmem>>
      %dma_wait3A_205 = tpu.memref_squeeze %dma_wait3A_204 : memref<1x128xi32, #tpu.memory_space<vmem>> -> memref<128xi32, #tpu.memory_space<vmem>>
      %dma_wait3A_206 = arith.constant 0 : i32
      %dma_wait3A_207 = tpu.memref_slice %arg8[%dma_wait3A_206] : memref<819200xf32, #tpu.memory_space<vmem_shared>> -> memref<819200xf32, #tpu.memory_space<vmem_shared>>
      tpu.wait_indirect_dma semaphore(%run_scoped3A_193 : memref<!tpu.dma_semaphore, #tpu.memory_space<semaphore_mem>>) src(%dma_wait3A_202 : memref<128xf32, #tpu.memory_space<vmem>>) dst(%dma_wait3A_207 : memref<819200xf32, #tpu.memory_space<vmem_shared>>)
      tpu.yield
    }) : () -> ()
    %run_scoped3A_143 = arith.constant 53 : i32
    %run_scoped3A_144 = arith.constant 53 : i32
    "tpu.region"() ({
      %run_scoped3A_193 = tpu.sem_alloc : memref<!tpu.dma_semaphore, #tpu.memory_space<semaphore_mem>>
      %dma_start3A = arith.constant 0 : i32
      %dma_start3A_194 = tpu.memref_slice %arg6[%run_scoped3A_143, %dma_start3A] : memref<75x128xf32, #tpu.memory_space<vmem>> -> memref<1x128xf32, #tpu.memory_space<vmem>>
      %dma_start3A_195 = tpu.memref_squeeze %dma_start3A_194 : memref<1x128xf32, #tpu.memory_space<vmem>> -> memref<128xf32, #tpu.memory_space<vmem>>
      %dma_start3A_196 = arith.constant 0 : i32
      %dma_start3A_197 = tpu.memref_slice %arg5[%run_scoped3A_144, %dma_start3A_196] : memref<75x128xi32, #tpu.memory_space<vmem>> -> memref<1x128xi32, #tpu.memory_space<vmem>>
      %dma_start3A_198 = tpu.memref_squeeze %dma_start3A_197 : memref<1x128xi32, #tpu.memory_space<vmem>> -> memref<128xi32, #tpu.memory_space<vmem>>
      %dma_start3A_199 = arith.constant 0 : i32
      %dma_start3A_200 = tpu.memref_slice %arg8[%dma_start3A_199] : memref<819200xf32, #tpu.memory_space<vmem_shared>> -> memref<819200xf32, #tpu.memory_space<vmem_shared>>
      tpu.enqueue_indirect_dma source(%dma_start3A_195 : memref<128xf32, #tpu.memory_space<vmem>>) target(%dma_start3A_200 : memref<819200xf32, #tpu.memory_space<vmem_shared>>) offsets(%dma_start3A_198 : memref<128xi32, #tpu.memory_space<vmem>>) semaphore(%run_scoped3A_193 : memref<!tpu.dma_semaphore, #tpu.memory_space<semaphore_mem>>) {add = true}
      %dma_wait3A = arith.constant 0 : i32
      %dma_wait3A_201 = tpu.memref_slice %arg6[%run_scoped3A_143, %dma_wait3A] : memref<75x128xf32, #tpu.memory_space<vmem>> -> memref<1x128xf32, #tpu.memory_space<vmem>>
      %dma_wait3A_202 = tpu.memref_squeeze %dma_wait3A_201 : memref<1x128xf32, #tpu.memory_space<vmem>> -> memref<128xf32, #tpu.memory_space<vmem>>
      %dma_wait3A_203 = arith.constant 0 : i32
      %dma_wait3A_204 = tpu.memref_slice %arg5[%run_scoped3A_144, %dma_wait3A_203] : memref<75x128xi32, #tpu.memory_space<vmem>> -> memref<1x128xi32, #tpu.memory_space<vmem>>
      %dma_wait3A_205 = tpu.memref_squeeze %dma_wait3A_204 : memref<1x128xi32, #tpu.memory_space<vmem>> -> memref<128xi32, #tpu.memory_space<vmem>>
      %dma_wait3A_206 = arith.constant 0 : i32
      %dma_wait3A_207 = tpu.memref_slice %arg8[%dma_wait3A_206] : memref<819200xf32, #tpu.memory_space<vmem_shared>> -> memref<819200xf32, #tpu.memory_space<vmem_shared>>
      tpu.wait_indirect_dma semaphore(%run_scoped3A_193 : memref<!tpu.dma_semaphore, #tpu.memory_space<semaphore_mem>>) src(%dma_wait3A_202 : memref<128xf32, #tpu.memory_space<vmem>>) dst(%dma_wait3A_207 : memref<819200xf32, #tpu.memory_space<vmem_shared>>)
      tpu.yield
    }) : () -> ()
    %run_scoped3A_145 = arith.constant 54 : i32
    %run_scoped3A_146 = arith.constant 54 : i32
    "tpu.region"() ({
      %run_scoped3A_193 = tpu.sem_alloc : memref<!tpu.dma_semaphore, #tpu.memory_space<semaphore_mem>>
      %dma_start3A = arith.constant 0 : i32
      %dma_start3A_194 = tpu.memref_slice %arg6[%run_scoped3A_145, %dma_start3A] : memref<75x128xf32, #tpu.memory_space<vmem>> -> memref<1x128xf32, #tpu.memory_space<vmem>>
      %dma_start3A_195 = tpu.memref_squeeze %dma_start3A_194 : memref<1x128xf32, #tpu.memory_space<vmem>> -> memref<128xf32, #tpu.memory_space<vmem>>
      %dma_start3A_196 = arith.constant 0 : i32
      %dma_start3A_197 = tpu.memref_slice %arg5[%run_scoped3A_146, %dma_start3A_196] : memref<75x128xi32, #tpu.memory_space<vmem>> -> memref<1x128xi32, #tpu.memory_space<vmem>>
      %dma_start3A_198 = tpu.memref_squeeze %dma_start3A_197 : memref<1x128xi32, #tpu.memory_space<vmem>> -> memref<128xi32, #tpu.memory_space<vmem>>
      %dma_start3A_199 = arith.constant 0 : i32
      %dma_start3A_200 = tpu.memref_slice %arg8[%dma_start3A_199] : memref<819200xf32, #tpu.memory_space<vmem_shared>> -> memref<819200xf32, #tpu.memory_space<vmem_shared>>
      tpu.enqueue_indirect_dma source(%dma_start3A_195 : memref<128xf32, #tpu.memory_space<vmem>>) target(%dma_start3A_200 : memref<819200xf32, #tpu.memory_space<vmem_shared>>) offsets(%dma_start3A_198 : memref<128xi32, #tpu.memory_space<vmem>>) semaphore(%run_scoped3A_193 : memref<!tpu.dma_semaphore, #tpu.memory_space<semaphore_mem>>) {add = true}
      %dma_wait3A = arith.constant 0 : i32
      %dma_wait3A_201 = tpu.memref_slice %arg6[%run_scoped3A_145, %dma_wait3A] : memref<75x128xf32, #tpu.memory_space<vmem>> -> memref<1x128xf32, #tpu.memory_space<vmem>>
      %dma_wait3A_202 = tpu.memref_squeeze %dma_wait3A_201 : memref<1x128xf32, #tpu.memory_space<vmem>> -> memref<128xf32, #tpu.memory_space<vmem>>
      %dma_wait3A_203 = arith.constant 0 : i32
      %dma_wait3A_204 = tpu.memref_slice %arg5[%run_scoped3A_146, %dma_wait3A_203] : memref<75x128xi32, #tpu.memory_space<vmem>> -> memref<1x128xi32, #tpu.memory_space<vmem>>
      %dma_wait3A_205 = tpu.memref_squeeze %dma_wait3A_204 : memref<1x128xi32, #tpu.memory_space<vmem>> -> memref<128xi32, #tpu.memory_space<vmem>>
      %dma_wait3A_206 = arith.constant 0 : i32
      %dma_wait3A_207 = tpu.memref_slice %arg8[%dma_wait3A_206] : memref<819200xf32, #tpu.memory_space<vmem_shared>> -> memref<819200xf32, #tpu.memory_space<vmem_shared>>
      tpu.wait_indirect_dma semaphore(%run_scoped3A_193 : memref<!tpu.dma_semaphore, #tpu.memory_space<semaphore_mem>>) src(%dma_wait3A_202 : memref<128xf32, #tpu.memory_space<vmem>>) dst(%dma_wait3A_207 : memref<819200xf32, #tpu.memory_space<vmem_shared>>)
      tpu.yield
    }) : () -> ()
    %run_scoped3A_147 = arith.constant 55 : i32
    %run_scoped3A_148 = arith.constant 55 : i32
    "tpu.region"() ({
      %run_scoped3A_193 = tpu.sem_alloc : memref<!tpu.dma_semaphore, #tpu.memory_space<semaphore_mem>>
      %dma_start3A = arith.constant 0 : i32
      %dma_start3A_194 = tpu.memref_slice %arg6[%run_scoped3A_147, %dma_start3A] : memref<75x128xf32, #tpu.memory_space<vmem>> -> memref<1x128xf32, #tpu.memory_space<vmem>>
      %dma_start3A_195 = tpu.memref_squeeze %dma_start3A_194 : memref<1x128xf32, #tpu.memory_space<vmem>> -> memref<128xf32, #tpu.memory_space<vmem>>
      %dma_start3A_196 = arith.constant 0 : i32
      %dma_start3A_197 = tpu.memref_slice %arg5[%run_scoped3A_148, %dma_start3A_196] : memref<75x128xi32, #tpu.memory_space<vmem>> -> memref<1x128xi32, #tpu.memory_space<vmem>>
      %dma_start3A_198 = tpu.memref_squeeze %dma_start3A_197 : memref<1x128xi32, #tpu.memory_space<vmem>> -> memref<128xi32, #tpu.memory_space<vmem>>
      %dma_start3A_199 = arith.constant 0 : i32
      %dma_start3A_200 = tpu.memref_slice %arg8[%dma_start3A_199] : memref<819200xf32, #tpu.memory_space<vmem_shared>> -> memref<819200xf32, #tpu.memory_space<vmem_shared>>
      tpu.enqueue_indirect_dma source(%dma_start3A_195 : memref<128xf32, #tpu.memory_space<vmem>>) target(%dma_start3A_200 : memref<819200xf32, #tpu.memory_space<vmem_shared>>) offsets(%dma_start3A_198 : memref<128xi32, #tpu.memory_space<vmem>>) semaphore(%run_scoped3A_193 : memref<!tpu.dma_semaphore, #tpu.memory_space<semaphore_mem>>) {add = true}
      %dma_wait3A = arith.constant 0 : i32
      %dma_wait3A_201 = tpu.memref_slice %arg6[%run_scoped3A_147, %dma_wait3A] : memref<75x128xf32, #tpu.memory_space<vmem>> -> memref<1x128xf32, #tpu.memory_space<vmem>>
      %dma_wait3A_202 = tpu.memref_squeeze %dma_wait3A_201 : memref<1x128xf32, #tpu.memory_space<vmem>> -> memref<128xf32, #tpu.memory_space<vmem>>
      %dma_wait3A_203 = arith.constant 0 : i32
      %dma_wait3A_204 = tpu.memref_slice %arg5[%run_scoped3A_148, %dma_wait3A_203] : memref<75x128xi32, #tpu.memory_space<vmem>> -> memref<1x128xi32, #tpu.memory_space<vmem>>
      %dma_wait3A_205 = tpu.memref_squeeze %dma_wait3A_204 : memref<1x128xi32, #tpu.memory_space<vmem>> -> memref<128xi32, #tpu.memory_space<vmem>>
      %dma_wait3A_206 = arith.constant 0 : i32
      %dma_wait3A_207 = tpu.memref_slice %arg8[%dma_wait3A_206] : memref<819200xf32, #tpu.memory_space<vmem_shared>> -> memref<819200xf32, #tpu.memory_space<vmem_shared>>
      tpu.wait_indirect_dma semaphore(%run_scoped3A_193 : memref<!tpu.dma_semaphore, #tpu.memory_space<semaphore_mem>>) src(%dma_wait3A_202 : memref<128xf32, #tpu.memory_space<vmem>>) dst(%dma_wait3A_207 : memref<819200xf32, #tpu.memory_space<vmem_shared>>)
      tpu.yield
    }) : () -> ()
    %run_scoped3A_149 = arith.constant 56 : i32
    %run_scoped3A_150 = arith.constant 56 : i32
    "tpu.region"() ({
      %run_scoped3A_193 = tpu.sem_alloc : memref<!tpu.dma_semaphore, #tpu.memory_space<semaphore_mem>>
      %dma_start3A = arith.constant 0 : i32
      %dma_start3A_194 = tpu.memref_slice %arg6[%run_scoped3A_149, %dma_start3A] : memref<75x128xf32, #tpu.memory_space<vmem>> -> memref<1x128xf32, #tpu.memory_space<vmem>>
      %dma_start3A_195 = tpu.memref_squeeze %dma_start3A_194 : memref<1x128xf32, #tpu.memory_space<vmem>> -> memref<128xf32, #tpu.memory_space<vmem>>
      %dma_start3A_196 = arith.constant 0 : i32
      %dma_start3A_197 = tpu.memref_slice %arg5[%run_scoped3A_150, %dma_start3A_196] : memref<75x128xi32, #tpu.memory_space<vmem>> -> memref<1x128xi32, #tpu.memory_space<vmem>>
      %dma_start3A_198 = tpu.memref_squeeze %dma_start3A_197 : memref<1x128xi32, #tpu.memory_space<vmem>> -> memref<128xi32, #tpu.memory_space<vmem>>
      %dma_start3A_199 = arith.constant 0 : i32
      %dma_start3A_200 = tpu.memref_slice %arg8[%dma_start3A_199] : memref<819200xf32, #tpu.memory_space<vmem_shared>> -> memref<819200xf32, #tpu.memory_space<vmem_shared>>
      tpu.enqueue_indirect_dma source(%dma_start3A_195 : memref<128xf32, #tpu.memory_space<vmem>>) target(%dma_start3A_200 : memref<819200xf32, #tpu.memory_space<vmem_shared>>) offsets(%dma_start3A_198 : memref<128xi32, #tpu.memory_space<vmem>>) semaphore(%run_scoped3A_193 : memref<!tpu.dma_semaphore, #tpu.memory_space<semaphore_mem>>) {add = true}
      %dma_wait3A = arith.constant 0 : i32
      %dma_wait3A_201 = tpu.memref_slice %arg6[%run_scoped3A_149, %dma_wait3A] : memref<75x128xf32, #tpu.memory_space<vmem>> -> memref<1x128xf32, #tpu.memory_space<vmem>>
      %dma_wait3A_202 = tpu.memref_squeeze %dma_wait3A_201 : memref<1x128xf32, #tpu.memory_space<vmem>> -> memref<128xf32, #tpu.memory_space<vmem>>
      %dma_wait3A_203 = arith.constant 0 : i32
      %dma_wait3A_204 = tpu.memref_slice %arg5[%run_scoped3A_150, %dma_wait3A_203] : memref<75x128xi32, #tpu.memory_space<vmem>> -> memref<1x128xi32, #tpu.memory_space<vmem>>
      %dma_wait3A_205 = tpu.memref_squeeze %dma_wait3A_204 : memref<1x128xi32, #tpu.memory_space<vmem>> -> memref<128xi32, #tpu.memory_space<vmem>>
      %dma_wait3A_206 = arith.constant 0 : i32
      %dma_wait3A_207 = tpu.memref_slice %arg8[%dma_wait3A_206] : memref<819200xf32, #tpu.memory_space<vmem_shared>> -> memref<819200xf32, #tpu.memory_space<vmem_shared>>
      tpu.wait_indirect_dma semaphore(%run_scoped3A_193 : memref<!tpu.dma_semaphore, #tpu.memory_space<semaphore_mem>>) src(%dma_wait3A_202 : memref<128xf32, #tpu.memory_space<vmem>>) dst(%dma_wait3A_207 : memref<819200xf32, #tpu.memory_space<vmem_shared>>)
      tpu.yield
    }) : () -> ()
    %run_scoped3A_151 = arith.constant 57 : i32
    %run_scoped3A_152 = arith.constant 57 : i32
    "tpu.region"() ({
      %run_scoped3A_193 = tpu.sem_alloc : memref<!tpu.dma_semaphore, #tpu.memory_space<semaphore_mem>>
      %dma_start3A = arith.constant 0 : i32
      %dma_start3A_194 = tpu.memref_slice %arg6[%run_scoped3A_151, %dma_start3A] : memref<75x128xf32, #tpu.memory_space<vmem>> -> memref<1x128xf32, #tpu.memory_space<vmem>>
      %dma_start3A_195 = tpu.memref_squeeze %dma_start3A_194 : memref<1x128xf32, #tpu.memory_space<vmem>> -> memref<128xf32, #tpu.memory_space<vmem>>
      %dma_start3A_196 = arith.constant 0 : i32
      %dma_start3A_197 = tpu.memref_slice %arg5[%run_scoped3A_152, %dma_start3A_196] : memref<75x128xi32, #tpu.memory_space<vmem>> -> memref<1x128xi32, #tpu.memory_space<vmem>>
      %dma_start3A_198 = tpu.memref_squeeze %dma_start3A_197 : memref<1x128xi32, #tpu.memory_space<vmem>> -> memref<128xi32, #tpu.memory_space<vmem>>
      %dma_start3A_199 = arith.constant 0 : i32
      %dma_start3A_200 = tpu.memref_slice %arg8[%dma_start3A_199] : memref<819200xf32, #tpu.memory_space<vmem_shared>> -> memref<819200xf32, #tpu.memory_space<vmem_shared>>
      tpu.enqueue_indirect_dma source(%dma_start3A_195 : memref<128xf32, #tpu.memory_space<vmem>>) target(%dma_start3A_200 : memref<819200xf32, #tpu.memory_space<vmem_shared>>) offsets(%dma_start3A_198 : memref<128xi32, #tpu.memory_space<vmem>>) semaphore(%run_scoped3A_193 : memref<!tpu.dma_semaphore, #tpu.memory_space<semaphore_mem>>) {add = true}
      %dma_wait3A = arith.constant 0 : i32
      %dma_wait3A_201 = tpu.memref_slice %arg6[%run_scoped3A_151, %dma_wait3A] : memref<75x128xf32, #tpu.memory_space<vmem>> -> memref<1x128xf32, #tpu.memory_space<vmem>>
      %dma_wait3A_202 = tpu.memref_squeeze %dma_wait3A_201 : memref<1x128xf32, #tpu.memory_space<vmem>> -> memref<128xf32, #tpu.memory_space<vmem>>
      %dma_wait3A_203 = arith.constant 0 : i32
      %dma_wait3A_204 = tpu.memref_slice %arg5[%run_scoped3A_152, %dma_wait3A_203] : memref<75x128xi32, #tpu.memory_space<vmem>> -> memref<1x128xi32, #tpu.memory_space<vmem>>
      %dma_wait3A_205 = tpu.memref_squeeze %dma_wait3A_204 : memref<1x128xi32, #tpu.memory_space<vmem>> -> memref<128xi32, #tpu.memory_space<vmem>>
      %dma_wait3A_206 = arith.constant 0 : i32
      %dma_wait3A_207 = tpu.memref_slice %arg8[%dma_wait3A_206] : memref<819200xf32, #tpu.memory_space<vmem_shared>> -> memref<819200xf32, #tpu.memory_space<vmem_shared>>
      tpu.wait_indirect_dma semaphore(%run_scoped3A_193 : memref<!tpu.dma_semaphore, #tpu.memory_space<semaphore_mem>>) src(%dma_wait3A_202 : memref<128xf32, #tpu.memory_space<vmem>>) dst(%dma_wait3A_207 : memref<819200xf32, #tpu.memory_space<vmem_shared>>)
      tpu.yield
    }) : () -> ()
    %run_scoped3A_153 = arith.constant 58 : i32
    %run_scoped3A_154 = arith.constant 58 : i32
    "tpu.region"() ({
      %run_scoped3A_193 = tpu.sem_alloc : memref<!tpu.dma_semaphore, #tpu.memory_space<semaphore_mem>>
      %dma_start3A = arith.constant 0 : i32
      %dma_start3A_194 = tpu.memref_slice %arg6[%run_scoped3A_153, %dma_start3A] : memref<75x128xf32, #tpu.memory_space<vmem>> -> memref<1x128xf32, #tpu.memory_space<vmem>>
      %dma_start3A_195 = tpu.memref_squeeze %dma_start3A_194 : memref<1x128xf32, #tpu.memory_space<vmem>> -> memref<128xf32, #tpu.memory_space<vmem>>
      %dma_start3A_196 = arith.constant 0 : i32
      %dma_start3A_197 = tpu.memref_slice %arg5[%run_scoped3A_154, %dma_start3A_196] : memref<75x128xi32, #tpu.memory_space<vmem>> -> memref<1x128xi32, #tpu.memory_space<vmem>>
      %dma_start3A_198 = tpu.memref_squeeze %dma_start3A_197 : memref<1x128xi32, #tpu.memory_space<vmem>> -> memref<128xi32, #tpu.memory_space<vmem>>
      %dma_start3A_199 = arith.constant 0 : i32
      %dma_start3A_200 = tpu.memref_slice %arg8[%dma_start3A_199] : memref<819200xf32, #tpu.memory_space<vmem_shared>> -> memref<819200xf32, #tpu.memory_space<vmem_shared>>
      tpu.enqueue_indirect_dma source(%dma_start3A_195 : memref<128xf32, #tpu.memory_space<vmem>>) target(%dma_start3A_200 : memref<819200xf32, #tpu.memory_space<vmem_shared>>) offsets(%dma_start3A_198 : memref<128xi32, #tpu.memory_space<vmem>>) semaphore(%run_scoped3A_193 : memref<!tpu.dma_semaphore, #tpu.memory_space<semaphore_mem>>) {add = true}
      %dma_wait3A = arith.constant 0 : i32
      %dma_wait3A_201 = tpu.memref_slice %arg6[%run_scoped3A_153, %dma_wait3A] : memref<75x128xf32, #tpu.memory_space<vmem>> -> memref<1x128xf32, #tpu.memory_space<vmem>>
      %dma_wait3A_202 = tpu.memref_squeeze %dma_wait3A_201 : memref<1x128xf32, #tpu.memory_space<vmem>> -> memref<128xf32, #tpu.memory_space<vmem>>
      %dma_wait3A_203 = arith.constant 0 : i32
      %dma_wait3A_204 = tpu.memref_slice %arg5[%run_scoped3A_154, %dma_wait3A_203] : memref<75x128xi32, #tpu.memory_space<vmem>> -> memref<1x128xi32, #tpu.memory_space<vmem>>
      %dma_wait3A_205 = tpu.memref_squeeze %dma_wait3A_204 : memref<1x128xi32, #tpu.memory_space<vmem>> -> memref<128xi32, #tpu.memory_space<vmem>>
      %dma_wait3A_206 = arith.constant 0 : i32
      %dma_wait3A_207 = tpu.memref_slice %arg8[%dma_wait3A_206] : memref<819200xf32, #tpu.memory_space<vmem_shared>> -> memref<819200xf32, #tpu.memory_space<vmem_shared>>
      tpu.wait_indirect_dma semaphore(%run_scoped3A_193 : memref<!tpu.dma_semaphore, #tpu.memory_space<semaphore_mem>>) src(%dma_wait3A_202 : memref<128xf32, #tpu.memory_space<vmem>>) dst(%dma_wait3A_207 : memref<819200xf32, #tpu.memory_space<vmem_shared>>)
      tpu.yield
    }) : () -> ()
    %run_scoped3A_155 = arith.constant 59 : i32
    %run_scoped3A_156 = arith.constant 59 : i32
    "tpu.region"() ({
      %run_scoped3A_193 = tpu.sem_alloc : memref<!tpu.dma_semaphore, #tpu.memory_space<semaphore_mem>>
      %dma_start3A = arith.constant 0 : i32
      %dma_start3A_194 = tpu.memref_slice %arg6[%run_scoped3A_155, %dma_start3A] : memref<75x128xf32, #tpu.memory_space<vmem>> -> memref<1x128xf32, #tpu.memory_space<vmem>>
      %dma_start3A_195 = tpu.memref_squeeze %dma_start3A_194 : memref<1x128xf32, #tpu.memory_space<vmem>> -> memref<128xf32, #tpu.memory_space<vmem>>
      %dma_start3A_196 = arith.constant 0 : i32
      %dma_start3A_197 = tpu.memref_slice %arg5[%run_scoped3A_156, %dma_start3A_196] : memref<75x128xi32, #tpu.memory_space<vmem>> -> memref<1x128xi32, #tpu.memory_space<vmem>>
      %dma_start3A_198 = tpu.memref_squeeze %dma_start3A_197 : memref<1x128xi32, #tpu.memory_space<vmem>> -> memref<128xi32, #tpu.memory_space<vmem>>
      %dma_start3A_199 = arith.constant 0 : i32
      %dma_start3A_200 = tpu.memref_slice %arg8[%dma_start3A_199] : memref<819200xf32, #tpu.memory_space<vmem_shared>> -> memref<819200xf32, #tpu.memory_space<vmem_shared>>
      tpu.enqueue_indirect_dma source(%dma_start3A_195 : memref<128xf32, #tpu.memory_space<vmem>>) target(%dma_start3A_200 : memref<819200xf32, #tpu.memory_space<vmem_shared>>) offsets(%dma_start3A_198 : memref<128xi32, #tpu.memory_space<vmem>>) semaphore(%run_scoped3A_193 : memref<!tpu.dma_semaphore, #tpu.memory_space<semaphore_mem>>) {add = true}
      %dma_wait3A = arith.constant 0 : i32
      %dma_wait3A_201 = tpu.memref_slice %arg6[%run_scoped3A_155, %dma_wait3A] : memref<75x128xf32, #tpu.memory_space<vmem>> -> memref<1x128xf32, #tpu.memory_space<vmem>>
      %dma_wait3A_202 = tpu.memref_squeeze %dma_wait3A_201 : memref<1x128xf32, #tpu.memory_space<vmem>> -> memref<128xf32, #tpu.memory_space<vmem>>
      %dma_wait3A_203 = arith.constant 0 : i32
      %dma_wait3A_204 = tpu.memref_slice %arg5[%run_scoped3A_156, %dma_wait3A_203] : memref<75x128xi32, #tpu.memory_space<vmem>> -> memref<1x128xi32, #tpu.memory_space<vmem>>
      %dma_wait3A_205 = tpu.memref_squeeze %dma_wait3A_204 : memref<1x128xi32, #tpu.memory_space<vmem>> -> memref<128xi32, #tpu.memory_space<vmem>>
      %dma_wait3A_206 = arith.constant 0 : i32
      %dma_wait3A_207 = tpu.memref_slice %arg8[%dma_wait3A_206] : memref<819200xf32, #tpu.memory_space<vmem_shared>> -> memref<819200xf32, #tpu.memory_space<vmem_shared>>
      tpu.wait_indirect_dma semaphore(%run_scoped3A_193 : memref<!tpu.dma_semaphore, #tpu.memory_space<semaphore_mem>>) src(%dma_wait3A_202 : memref<128xf32, #tpu.memory_space<vmem>>) dst(%dma_wait3A_207 : memref<819200xf32, #tpu.memory_space<vmem_shared>>)
      tpu.yield
    }) : () -> ()
    %run_scoped3A_157 = arith.constant 60 : i32
    %run_scoped3A_158 = arith.constant 60 : i32
    "tpu.region"() ({
      %run_scoped3A_193 = tpu.sem_alloc : memref<!tpu.dma_semaphore, #tpu.memory_space<semaphore_mem>>
      %dma_start3A = arith.constant 0 : i32
      %dma_start3A_194 = tpu.memref_slice %arg6[%run_scoped3A_157, %dma_start3A] : memref<75x128xf32, #tpu.memory_space<vmem>> -> memref<1x128xf32, #tpu.memory_space<vmem>>
      %dma_start3A_195 = tpu.memref_squeeze %dma_start3A_194 : memref<1x128xf32, #tpu.memory_space<vmem>> -> memref<128xf32, #tpu.memory_space<vmem>>
      %dma_start3A_196 = arith.constant 0 : i32
      %dma_start3A_197 = tpu.memref_slice %arg5[%run_scoped3A_158, %dma_start3A_196] : memref<75x128xi32, #tpu.memory_space<vmem>> -> memref<1x128xi32, #tpu.memory_space<vmem>>
      %dma_start3A_198 = tpu.memref_squeeze %dma_start3A_197 : memref<1x128xi32, #tpu.memory_space<vmem>> -> memref<128xi32, #tpu.memory_space<vmem>>
      %dma_start3A_199 = arith.constant 0 : i32
      %dma_start3A_200 = tpu.memref_slice %arg8[%dma_start3A_199] : memref<819200xf32, #tpu.memory_space<vmem_shared>> -> memref<819200xf32, #tpu.memory_space<vmem_shared>>
      tpu.enqueue_indirect_dma source(%dma_start3A_195 : memref<128xf32, #tpu.memory_space<vmem>>) target(%dma_start3A_200 : memref<819200xf32, #tpu.memory_space<vmem_shared>>) offsets(%dma_start3A_198 : memref<128xi32, #tpu.memory_space<vmem>>) semaphore(%run_scoped3A_193 : memref<!tpu.dma_semaphore, #tpu.memory_space<semaphore_mem>>) {add = true}
      %dma_wait3A = arith.constant 0 : i32
      %dma_wait3A_201 = tpu.memref_slice %arg6[%run_scoped3A_157, %dma_wait3A] : memref<75x128xf32, #tpu.memory_space<vmem>> -> memref<1x128xf32, #tpu.memory_space<vmem>>
      %dma_wait3A_202 = tpu.memref_squeeze %dma_wait3A_201 : memref<1x128xf32, #tpu.memory_space<vmem>> -> memref<128xf32, #tpu.memory_space<vmem>>
      %dma_wait3A_203 = arith.constant 0 : i32
      %dma_wait3A_204 = tpu.memref_slice %arg5[%run_scoped3A_158, %dma_wait3A_203] : memref<75x128xi32, #tpu.memory_space<vmem>> -> memref<1x128xi32, #tpu.memory_space<vmem>>
      %dma_wait3A_205 = tpu.memref_squeeze %dma_wait3A_204 : memref<1x128xi32, #tpu.memory_space<vmem>> -> memref<128xi32, #tpu.memory_space<vmem>>
      %dma_wait3A_206 = arith.constant 0 : i32
      %dma_wait3A_207 = tpu.memref_slice %arg8[%dma_wait3A_206] : memref<819200xf32, #tpu.memory_space<vmem_shared>> -> memref<819200xf32, #tpu.memory_space<vmem_shared>>
      tpu.wait_indirect_dma semaphore(%run_scoped3A_193 : memref<!tpu.dma_semaphore, #tpu.memory_space<semaphore_mem>>) src(%dma_wait3A_202 : memref<128xf32, #tpu.memory_space<vmem>>) dst(%dma_wait3A_207 : memref<819200xf32, #tpu.memory_space<vmem_shared>>)
      tpu.yield
    }) : () -> ()
    %run_scoped3A_159 = arith.constant 61 : i32
    %run_scoped3A_160 = arith.constant 61 : i32
    "tpu.region"() ({
      %run_scoped3A_193 = tpu.sem_alloc : memref<!tpu.dma_semaphore, #tpu.memory_space<semaphore_mem>>
      %dma_start3A = arith.constant 0 : i32
      %dma_start3A_194 = tpu.memref_slice %arg6[%run_scoped3A_159, %dma_start3A] : memref<75x128xf32, #tpu.memory_space<vmem>> -> memref<1x128xf32, #tpu.memory_space<vmem>>
      %dma_start3A_195 = tpu.memref_squeeze %dma_start3A_194 : memref<1x128xf32, #tpu.memory_space<vmem>> -> memref<128xf32, #tpu.memory_space<vmem>>
      %dma_start3A_196 = arith.constant 0 : i32
      %dma_start3A_197 = tpu.memref_slice %arg5[%run_scoped3A_160, %dma_start3A_196] : memref<75x128xi32, #tpu.memory_space<vmem>> -> memref<1x128xi32, #tpu.memory_space<vmem>>
      %dma_start3A_198 = tpu.memref_squeeze %dma_start3A_197 : memref<1x128xi32, #tpu.memory_space<vmem>> -> memref<128xi32, #tpu.memory_space<vmem>>
      %dma_start3A_199 = arith.constant 0 : i32
      %dma_start3A_200 = tpu.memref_slice %arg8[%dma_start3A_199] : memref<819200xf32, #tpu.memory_space<vmem_shared>> -> memref<819200xf32, #tpu.memory_space<vmem_shared>>
      tpu.enqueue_indirect_dma source(%dma_start3A_195 : memref<128xf32, #tpu.memory_space<vmem>>) target(%dma_start3A_200 : memref<819200xf32, #tpu.memory_space<vmem_shared>>) offsets(%dma_start3A_198 : memref<128xi32, #tpu.memory_space<vmem>>) semaphore(%run_scoped3A_193 : memref<!tpu.dma_semaphore, #tpu.memory_space<semaphore_mem>>) {add = true}
      %dma_wait3A = arith.constant 0 : i32
      %dma_wait3A_201 = tpu.memref_slice %arg6[%run_scoped3A_159, %dma_wait3A] : memref<75x128xf32, #tpu.memory_space<vmem>> -> memref<1x128xf32, #tpu.memory_space<vmem>>
      %dma_wait3A_202 = tpu.memref_squeeze %dma_wait3A_201 : memref<1x128xf32, #tpu.memory_space<vmem>> -> memref<128xf32, #tpu.memory_space<vmem>>
      %dma_wait3A_203 = arith.constant 0 : i32
      %dma_wait3A_204 = tpu.memref_slice %arg5[%run_scoped3A_160, %dma_wait3A_203] : memref<75x128xi32, #tpu.memory_space<vmem>> -> memref<1x128xi32, #tpu.memory_space<vmem>>
      %dma_wait3A_205 = tpu.memref_squeeze %dma_wait3A_204 : memref<1x128xi32, #tpu.memory_space<vmem>> -> memref<128xi32, #tpu.memory_space<vmem>>
      %dma_wait3A_206 = arith.constant 0 : i32
      %dma_wait3A_207 = tpu.memref_slice %arg8[%dma_wait3A_206] : memref<819200xf32, #tpu.memory_space<vmem_shared>> -> memref<819200xf32, #tpu.memory_space<vmem_shared>>
      tpu.wait_indirect_dma semaphore(%run_scoped3A_193 : memref<!tpu.dma_semaphore, #tpu.memory_space<semaphore_mem>>) src(%dma_wait3A_202 : memref<128xf32, #tpu.memory_space<vmem>>) dst(%dma_wait3A_207 : memref<819200xf32, #tpu.memory_space<vmem_shared>>)
      tpu.yield
    }) : () -> ()
    %run_scoped3A_161 = arith.constant 62 : i32
    %run_scoped3A_162 = arith.constant 62 : i32
    "tpu.region"() ({
      %run_scoped3A_193 = tpu.sem_alloc : memref<!tpu.dma_semaphore, #tpu.memory_space<semaphore_mem>>
      %dma_start3A = arith.constant 0 : i32
      %dma_start3A_194 = tpu.memref_slice %arg6[%run_scoped3A_161, %dma_start3A] : memref<75x128xf32, #tpu.memory_space<vmem>> -> memref<1x128xf32, #tpu.memory_space<vmem>>
      %dma_start3A_195 = tpu.memref_squeeze %dma_start3A_194 : memref<1x128xf32, #tpu.memory_space<vmem>> -> memref<128xf32, #tpu.memory_space<vmem>>
      %dma_start3A_196 = arith.constant 0 : i32
      %dma_start3A_197 = tpu.memref_slice %arg5[%run_scoped3A_162, %dma_start3A_196] : memref<75x128xi32, #tpu.memory_space<vmem>> -> memref<1x128xi32, #tpu.memory_space<vmem>>
      %dma_start3A_198 = tpu.memref_squeeze %dma_start3A_197 : memref<1x128xi32, #tpu.memory_space<vmem>> -> memref<128xi32, #tpu.memory_space<vmem>>
      %dma_start3A_199 = arith.constant 0 : i32
      %dma_start3A_200 = tpu.memref_slice %arg8[%dma_start3A_199] : memref<819200xf32, #tpu.memory_space<vmem_shared>> -> memref<819200xf32, #tpu.memory_space<vmem_shared>>
      tpu.enqueue_indirect_dma source(%dma_start3A_195 : memref<128xf32, #tpu.memory_space<vmem>>) target(%dma_start3A_200 : memref<819200xf32, #tpu.memory_space<vmem_shared>>) offsets(%dma_start3A_198 : memref<128xi32, #tpu.memory_space<vmem>>) semaphore(%run_scoped3A_193 : memref<!tpu.dma_semaphore, #tpu.memory_space<semaphore_mem>>) {add = true}
      %dma_wait3A = arith.constant 0 : i32
      %dma_wait3A_201 = tpu.memref_slice %arg6[%run_scoped3A_161, %dma_wait3A] : memref<75x128xf32, #tpu.memory_space<vmem>> -> memref<1x128xf32, #tpu.memory_space<vmem>>
      %dma_wait3A_202 = tpu.memref_squeeze %dma_wait3A_201 : memref<1x128xf32, #tpu.memory_space<vmem>> -> memref<128xf32, #tpu.memory_space<vmem>>
      %dma_wait3A_203 = arith.constant 0 : i32
      %dma_wait3A_204 = tpu.memref_slice %arg5[%run_scoped3A_162, %dma_wait3A_203] : memref<75x128xi32, #tpu.memory_space<vmem>> -> memref<1x128xi32, #tpu.memory_space<vmem>>
      %dma_wait3A_205 = tpu.memref_squeeze %dma_wait3A_204 : memref<1x128xi32, #tpu.memory_space<vmem>> -> memref<128xi32, #tpu.memory_space<vmem>>
      %dma_wait3A_206 = arith.constant 0 : i32
      %dma_wait3A_207 = tpu.memref_slice %arg8[%dma_wait3A_206] : memref<819200xf32, #tpu.memory_space<vmem_shared>> -> memref<819200xf32, #tpu.memory_space<vmem_shared>>
      tpu.wait_indirect_dma semaphore(%run_scoped3A_193 : memref<!tpu.dma_semaphore, #tpu.memory_space<semaphore_mem>>) src(%dma_wait3A_202 : memref<128xf32, #tpu.memory_space<vmem>>) dst(%dma_wait3A_207 : memref<819200xf32, #tpu.memory_space<vmem_shared>>)
      tpu.yield
    }) : () -> ()
    %run_scoped3A_163 = arith.constant 63 : i32
    %run_scoped3A_164 = arith.constant 63 : i32
    "tpu.region"() ({
      %run_scoped3A_193 = tpu.sem_alloc : memref<!tpu.dma_semaphore, #tpu.memory_space<semaphore_mem>>
      %dma_start3A = arith.constant 0 : i32
      %dma_start3A_194 = tpu.memref_slice %arg6[%run_scoped3A_163, %dma_start3A] : memref<75x128xf32, #tpu.memory_space<vmem>> -> memref<1x128xf32, #tpu.memory_space<vmem>>
      %dma_start3A_195 = tpu.memref_squeeze %dma_start3A_194 : memref<1x128xf32, #tpu.memory_space<vmem>> -> memref<128xf32, #tpu.memory_space<vmem>>
      %dma_start3A_196 = arith.constant 0 : i32
      %dma_start3A_197 = tpu.memref_slice %arg5[%run_scoped3A_164, %dma_start3A_196] : memref<75x128xi32, #tpu.memory_space<vmem>> -> memref<1x128xi32, #tpu.memory_space<vmem>>
      %dma_start3A_198 = tpu.memref_squeeze %dma_start3A_197 : memref<1x128xi32, #tpu.memory_space<vmem>> -> memref<128xi32, #tpu.memory_space<vmem>>
      %dma_start3A_199 = arith.constant 0 : i32
      %dma_start3A_200 = tpu.memref_slice %arg8[%dma_start3A_199] : memref<819200xf32, #tpu.memory_space<vmem_shared>> -> memref<819200xf32, #tpu.memory_space<vmem_shared>>
      tpu.enqueue_indirect_dma source(%dma_start3A_195 : memref<128xf32, #tpu.memory_space<vmem>>) target(%dma_start3A_200 : memref<819200xf32, #tpu.memory_space<vmem_shared>>) offsets(%dma_start3A_198 : memref<128xi32, #tpu.memory_space<vmem>>) semaphore(%run_scoped3A_193 : memref<!tpu.dma_semaphore, #tpu.memory_space<semaphore_mem>>) {add = true}
      %dma_wait3A = arith.constant 0 : i32
      %dma_wait3A_201 = tpu.memref_slice %arg6[%run_scoped3A_163, %dma_wait3A] : memref<75x128xf32, #tpu.memory_space<vmem>> -> memref<1x128xf32, #tpu.memory_space<vmem>>
      %dma_wait3A_202 = tpu.memref_squeeze %dma_wait3A_201 : memref<1x128xf32, #tpu.memory_space<vmem>> -> memref<128xf32, #tpu.memory_space<vmem>>
      %dma_wait3A_203 = arith.constant 0 : i32
      %dma_wait3A_204 = tpu.memref_slice %arg5[%run_scoped3A_164, %dma_wait3A_203] : memref<75x128xi32, #tpu.memory_space<vmem>> -> memref<1x128xi32, #tpu.memory_space<vmem>>
      %dma_wait3A_205 = tpu.memref_squeeze %dma_wait3A_204 : memref<1x128xi32, #tpu.memory_space<vmem>> -> memref<128xi32, #tpu.memory_space<vmem>>
      %dma_wait3A_206 = arith.constant 0 : i32
      %dma_wait3A_207 = tpu.memref_slice %arg8[%dma_wait3A_206] : memref<819200xf32, #tpu.memory_space<vmem_shared>> -> memref<819200xf32, #tpu.memory_space<vmem_shared>>
      tpu.wait_indirect_dma semaphore(%run_scoped3A_193 : memref<!tpu.dma_semaphore, #tpu.memory_space<semaphore_mem>>) src(%dma_wait3A_202 : memref<128xf32, #tpu.memory_space<vmem>>) dst(%dma_wait3A_207 : memref<819200xf32, #tpu.memory_space<vmem_shared>>)
      tpu.yield
    }) : () -> ()
    %run_scoped3A_165 = arith.constant 64 : i32
    %run_scoped3A_166 = arith.constant 64 : i32
    "tpu.region"() ({
      %run_scoped3A_193 = tpu.sem_alloc : memref<!tpu.dma_semaphore, #tpu.memory_space<semaphore_mem>>
      %dma_start3A = arith.constant 0 : i32
      %dma_start3A_194 = tpu.memref_slice %arg6[%run_scoped3A_165, %dma_start3A] : memref<75x128xf32, #tpu.memory_space<vmem>> -> memref<1x128xf32, #tpu.memory_space<vmem>>
      %dma_start3A_195 = tpu.memref_squeeze %dma_start3A_194 : memref<1x128xf32, #tpu.memory_space<vmem>> -> memref<128xf32, #tpu.memory_space<vmem>>
      %dma_start3A_196 = arith.constant 0 : i32
      %dma_start3A_197 = tpu.memref_slice %arg5[%run_scoped3A_166, %dma_start3A_196] : memref<75x128xi32, #tpu.memory_space<vmem>> -> memref<1x128xi32, #tpu.memory_space<vmem>>
      %dma_start3A_198 = tpu.memref_squeeze %dma_start3A_197 : memref<1x128xi32, #tpu.memory_space<vmem>> -> memref<128xi32, #tpu.memory_space<vmem>>
      %dma_start3A_199 = arith.constant 0 : i32
      %dma_start3A_200 = tpu.memref_slice %arg8[%dma_start3A_199] : memref<819200xf32, #tpu.memory_space<vmem_shared>> -> memref<819200xf32, #tpu.memory_space<vmem_shared>>
      tpu.enqueue_indirect_dma source(%dma_start3A_195 : memref<128xf32, #tpu.memory_space<vmem>>) target(%dma_start3A_200 : memref<819200xf32, #tpu.memory_space<vmem_shared>>) offsets(%dma_start3A_198 : memref<128xi32, #tpu.memory_space<vmem>>) semaphore(%run_scoped3A_193 : memref<!tpu.dma_semaphore, #tpu.memory_space<semaphore_mem>>) {add = true}
      %dma_wait3A = arith.constant 0 : i32
      %dma_wait3A_201 = tpu.memref_slice %arg6[%run_scoped3A_165, %dma_wait3A] : memref<75x128xf32, #tpu.memory_space<vmem>> -> memref<1x128xf32, #tpu.memory_space<vmem>>
      %dma_wait3A_202 = tpu.memref_squeeze %dma_wait3A_201 : memref<1x128xf32, #tpu.memory_space<vmem>> -> memref<128xf32, #tpu.memory_space<vmem>>
      %dma_wait3A_203 = arith.constant 0 : i32
      %dma_wait3A_204 = tpu.memref_slice %arg5[%run_scoped3A_166, %dma_wait3A_203] : memref<75x128xi32, #tpu.memory_space<vmem>> -> memref<1x128xi32, #tpu.memory_space<vmem>>
      %dma_wait3A_205 = tpu.memref_squeeze %dma_wait3A_204 : memref<1x128xi32, #tpu.memory_space<vmem>> -> memref<128xi32, #tpu.memory_space<vmem>>
      %dma_wait3A_206 = arith.constant 0 : i32
      %dma_wait3A_207 = tpu.memref_slice %arg8[%dma_wait3A_206] : memref<819200xf32, #tpu.memory_space<vmem_shared>> -> memref<819200xf32, #tpu.memory_space<vmem_shared>>
      tpu.wait_indirect_dma semaphore(%run_scoped3A_193 : memref<!tpu.dma_semaphore, #tpu.memory_space<semaphore_mem>>) src(%dma_wait3A_202 : memref<128xf32, #tpu.memory_space<vmem>>) dst(%dma_wait3A_207 : memref<819200xf32, #tpu.memory_space<vmem_shared>>)
      tpu.yield
    }) : () -> ()
    %run_scoped3A_167 = arith.constant 65 : i32
    %run_scoped3A_168 = arith.constant 65 : i32
    "tpu.region"() ({
      %run_scoped3A_193 = tpu.sem_alloc : memref<!tpu.dma_semaphore, #tpu.memory_space<semaphore_mem>>
      %dma_start3A = arith.constant 0 : i32
      %dma_start3A_194 = tpu.memref_slice %arg6[%run_scoped3A_167, %dma_start3A] : memref<75x128xf32, #tpu.memory_space<vmem>> -> memref<1x128xf32, #tpu.memory_space<vmem>>
      %dma_start3A_195 = tpu.memref_squeeze %dma_start3A_194 : memref<1x128xf32, #tpu.memory_space<vmem>> -> memref<128xf32, #tpu.memory_space<vmem>>
      %dma_start3A_196 = arith.constant 0 : i32
      %dma_start3A_197 = tpu.memref_slice %arg5[%run_scoped3A_168, %dma_start3A_196] : memref<75x128xi32, #tpu.memory_space<vmem>> -> memref<1x128xi32, #tpu.memory_space<vmem>>
      %dma_start3A_198 = tpu.memref_squeeze %dma_start3A_197 : memref<1x128xi32, #tpu.memory_space<vmem>> -> memref<128xi32, #tpu.memory_space<vmem>>
      %dma_start3A_199 = arith.constant 0 : i32
      %dma_start3A_200 = tpu.memref_slice %arg8[%dma_start3A_199] : memref<819200xf32, #tpu.memory_space<vmem_shared>> -> memref<819200xf32, #tpu.memory_space<vmem_shared>>
      tpu.enqueue_indirect_dma source(%dma_start3A_195 : memref<128xf32, #tpu.memory_space<vmem>>) target(%dma_start3A_200 : memref<819200xf32, #tpu.memory_space<vmem_shared>>) offsets(%dma_start3A_198 : memref<128xi32, #tpu.memory_space<vmem>>) semaphore(%run_scoped3A_193 : memref<!tpu.dma_semaphore, #tpu.memory_space<semaphore_mem>>) {add = true}
      %dma_wait3A = arith.constant 0 : i32
      %dma_wait3A_201 = tpu.memref_slice %arg6[%run_scoped3A_167, %dma_wait3A] : memref<75x128xf32, #tpu.memory_space<vmem>> -> memref<1x128xf32, #tpu.memory_space<vmem>>
      %dma_wait3A_202 = tpu.memref_squeeze %dma_wait3A_201 : memref<1x128xf32, #tpu.memory_space<vmem>> -> memref<128xf32, #tpu.memory_space<vmem>>
      %dma_wait3A_203 = arith.constant 0 : i32
      %dma_wait3A_204 = tpu.memref_slice %arg5[%run_scoped3A_168, %dma_wait3A_203] : memref<75x128xi32, #tpu.memory_space<vmem>> -> memref<1x128xi32, #tpu.memory_space<vmem>>
      %dma_wait3A_205 = tpu.memref_squeeze %dma_wait3A_204 : memref<1x128xi32, #tpu.memory_space<vmem>> -> memref<128xi32, #tpu.memory_space<vmem>>
      %dma_wait3A_206 = arith.constant 0 : i32
      %dma_wait3A_207 = tpu.memref_slice %arg8[%dma_wait3A_206] : memref<819200xf32, #tpu.memory_space<vmem_shared>> -> memref<819200xf32, #tpu.memory_space<vmem_shared>>
      tpu.wait_indirect_dma semaphore(%run_scoped3A_193 : memref<!tpu.dma_semaphore, #tpu.memory_space<semaphore_mem>>) src(%dma_wait3A_202 : memref<128xf32, #tpu.memory_space<vmem>>) dst(%dma_wait3A_207 : memref<819200xf32, #tpu.memory_space<vmem_shared>>)
      tpu.yield
    }) : () -> ()
    %run_scoped3A_169 = arith.constant 66 : i32
    %run_scoped3A_170 = arith.constant 66 : i32
    "tpu.region"() ({
      %run_scoped3A_193 = tpu.sem_alloc : memref<!tpu.dma_semaphore, #tpu.memory_space<semaphore_mem>>
      %dma_start3A = arith.constant 0 : i32
      %dma_start3A_194 = tpu.memref_slice %arg6[%run_scoped3A_169, %dma_start3A] : memref<75x128xf32, #tpu.memory_space<vmem>> -> memref<1x128xf32, #tpu.memory_space<vmem>>
      %dma_start3A_195 = tpu.memref_squeeze %dma_start3A_194 : memref<1x128xf32, #tpu.memory_space<vmem>> -> memref<128xf32, #tpu.memory_space<vmem>>
      %dma_start3A_196 = arith.constant 0 : i32
      %dma_start3A_197 = tpu.memref_slice %arg5[%run_scoped3A_170, %dma_start3A_196] : memref<75x128xi32, #tpu.memory_space<vmem>> -> memref<1x128xi32, #tpu.memory_space<vmem>>
      %dma_start3A_198 = tpu.memref_squeeze %dma_start3A_197 : memref<1x128xi32, #tpu.memory_space<vmem>> -> memref<128xi32, #tpu.memory_space<vmem>>
      %dma_start3A_199 = arith.constant 0 : i32
      %dma_start3A_200 = tpu.memref_slice %arg8[%dma_start3A_199] : memref<819200xf32, #tpu.memory_space<vmem_shared>> -> memref<819200xf32, #tpu.memory_space<vmem_shared>>
      tpu.enqueue_indirect_dma source(%dma_start3A_195 : memref<128xf32, #tpu.memory_space<vmem>>) target(%dma_start3A_200 : memref<819200xf32, #tpu.memory_space<vmem_shared>>) offsets(%dma_start3A_198 : memref<128xi32, #tpu.memory_space<vmem>>) semaphore(%run_scoped3A_193 : memref<!tpu.dma_semaphore, #tpu.memory_space<semaphore_mem>>) {add = true}
      %dma_wait3A = arith.constant 0 : i32
      %dma_wait3A_201 = tpu.memref_slice %arg6[%run_scoped3A_169, %dma_wait3A] : memref<75x128xf32, #tpu.memory_space<vmem>> -> memref<1x128xf32, #tpu.memory_space<vmem>>
      %dma_wait3A_202 = tpu.memref_squeeze %dma_wait3A_201 : memref<1x128xf32, #tpu.memory_space<vmem>> -> memref<128xf32, #tpu.memory_space<vmem>>
      %dma_wait3A_203 = arith.constant 0 : i32
      %dma_wait3A_204 = tpu.memref_slice %arg5[%run_scoped3A_170, %dma_wait3A_203] : memref<75x128xi32, #tpu.memory_space<vmem>> -> memref<1x128xi32, #tpu.memory_space<vmem>>
      %dma_wait3A_205 = tpu.memref_squeeze %dma_wait3A_204 : memref<1x128xi32, #tpu.memory_space<vmem>> -> memref<128xi32, #tpu.memory_space<vmem>>
      %dma_wait3A_206 = arith.constant 0 : i32
      %dma_wait3A_207 = tpu.memref_slice %arg8[%dma_wait3A_206] : memref<819200xf32, #tpu.memory_space<vmem_shared>> -> memref<819200xf32, #tpu.memory_space<vmem_shared>>
      tpu.wait_indirect_dma semaphore(%run_scoped3A_193 : memref<!tpu.dma_semaphore, #tpu.memory_space<semaphore_mem>>) src(%dma_wait3A_202 : memref<128xf32, #tpu.memory_space<vmem>>) dst(%dma_wait3A_207 : memref<819200xf32, #tpu.memory_space<vmem_shared>>)
      tpu.yield
    }) : () -> ()
    %run_scoped3A_171 = arith.constant 67 : i32
    %run_scoped3A_172 = arith.constant 67 : i32
    "tpu.region"() ({
      %run_scoped3A_193 = tpu.sem_alloc : memref<!tpu.dma_semaphore, #tpu.memory_space<semaphore_mem>>
      %dma_start3A = arith.constant 0 : i32
      %dma_start3A_194 = tpu.memref_slice %arg6[%run_scoped3A_171, %dma_start3A] : memref<75x128xf32, #tpu.memory_space<vmem>> -> memref<1x128xf32, #tpu.memory_space<vmem>>
      %dma_start3A_195 = tpu.memref_squeeze %dma_start3A_194 : memref<1x128xf32, #tpu.memory_space<vmem>> -> memref<128xf32, #tpu.memory_space<vmem>>
      %dma_start3A_196 = arith.constant 0 : i32
      %dma_start3A_197 = tpu.memref_slice %arg5[%run_scoped3A_172, %dma_start3A_196] : memref<75x128xi32, #tpu.memory_space<vmem>> -> memref<1x128xi32, #tpu.memory_space<vmem>>
      %dma_start3A_198 = tpu.memref_squeeze %dma_start3A_197 : memref<1x128xi32, #tpu.memory_space<vmem>> -> memref<128xi32, #tpu.memory_space<vmem>>
      %dma_start3A_199 = arith.constant 0 : i32
      %dma_start3A_200 = tpu.memref_slice %arg8[%dma_start3A_199] : memref<819200xf32, #tpu.memory_space<vmem_shared>> -> memref<819200xf32, #tpu.memory_space<vmem_shared>>
      tpu.enqueue_indirect_dma source(%dma_start3A_195 : memref<128xf32, #tpu.memory_space<vmem>>) target(%dma_start3A_200 : memref<819200xf32, #tpu.memory_space<vmem_shared>>) offsets(%dma_start3A_198 : memref<128xi32, #tpu.memory_space<vmem>>) semaphore(%run_scoped3A_193 : memref<!tpu.dma_semaphore, #tpu.memory_space<semaphore_mem>>) {add = true}
      %dma_wait3A = arith.constant 0 : i32
      %dma_wait3A_201 = tpu.memref_slice %arg6[%run_scoped3A_171, %dma_wait3A] : memref<75x128xf32, #tpu.memory_space<vmem>> -> memref<1x128xf32, #tpu.memory_space<vmem>>
      %dma_wait3A_202 = tpu.memref_squeeze %dma_wait3A_201 : memref<1x128xf32, #tpu.memory_space<vmem>> -> memref<128xf32, #tpu.memory_space<vmem>>
      %dma_wait3A_203 = arith.constant 0 : i32
      %dma_wait3A_204 = tpu.memref_slice %arg5[%run_scoped3A_172, %dma_wait3A_203] : memref<75x128xi32, #tpu.memory_space<vmem>> -> memref<1x128xi32, #tpu.memory_space<vmem>>
      %dma_wait3A_205 = tpu.memref_squeeze %dma_wait3A_204 : memref<1x128xi32, #tpu.memory_space<vmem>> -> memref<128xi32, #tpu.memory_space<vmem>>
      %dma_wait3A_206 = arith.constant 0 : i32
      %dma_wait3A_207 = tpu.memref_slice %arg8[%dma_wait3A_206] : memref<819200xf32, #tpu.memory_space<vmem_shared>> -> memref<819200xf32, #tpu.memory_space<vmem_shared>>
      tpu.wait_indirect_dma semaphore(%run_scoped3A_193 : memref<!tpu.dma_semaphore, #tpu.memory_space<semaphore_mem>>) src(%dma_wait3A_202 : memref<128xf32, #tpu.memory_space<vmem>>) dst(%dma_wait3A_207 : memref<819200xf32, #tpu.memory_space<vmem_shared>>)
      tpu.yield
    }) : () -> ()
    %run_scoped3A_173 = arith.constant 68 : i32
    %run_scoped3A_174 = arith.constant 68 : i32
    "tpu.region"() ({
      %run_scoped3A_193 = tpu.sem_alloc : memref<!tpu.dma_semaphore, #tpu.memory_space<semaphore_mem>>
      %dma_start3A = arith.constant 0 : i32
      %dma_start3A_194 = tpu.memref_slice %arg6[%run_scoped3A_173, %dma_start3A] : memref<75x128xf32, #tpu.memory_space<vmem>> -> memref<1x128xf32, #tpu.memory_space<vmem>>
      %dma_start3A_195 = tpu.memref_squeeze %dma_start3A_194 : memref<1x128xf32, #tpu.memory_space<vmem>> -> memref<128xf32, #tpu.memory_space<vmem>>
      %dma_start3A_196 = arith.constant 0 : i32
      %dma_start3A_197 = tpu.memref_slice %arg5[%run_scoped3A_174, %dma_start3A_196] : memref<75x128xi32, #tpu.memory_space<vmem>> -> memref<1x128xi32, #tpu.memory_space<vmem>>
      %dma_start3A_198 = tpu.memref_squeeze %dma_start3A_197 : memref<1x128xi32, #tpu.memory_space<vmem>> -> memref<128xi32, #tpu.memory_space<vmem>>
      %dma_start3A_199 = arith.constant 0 : i32
      %dma_start3A_200 = tpu.memref_slice %arg8[%dma_start3A_199] : memref<819200xf32, #tpu.memory_space<vmem_shared>> -> memref<819200xf32, #tpu.memory_space<vmem_shared>>
      tpu.enqueue_indirect_dma source(%dma_start3A_195 : memref<128xf32, #tpu.memory_space<vmem>>) target(%dma_start3A_200 : memref<819200xf32, #tpu.memory_space<vmem_shared>>) offsets(%dma_start3A_198 : memref<128xi32, #tpu.memory_space<vmem>>) semaphore(%run_scoped3A_193 : memref<!tpu.dma_semaphore, #tpu.memory_space<semaphore_mem>>) {add = true}
      %dma_wait3A = arith.constant 0 : i32
      %dma_wait3A_201 = tpu.memref_slice %arg6[%run_scoped3A_173, %dma_wait3A] : memref<75x128xf32, #tpu.memory_space<vmem>> -> memref<1x128xf32, #tpu.memory_space<vmem>>
      %dma_wait3A_202 = tpu.memref_squeeze %dma_wait3A_201 : memref<1x128xf32, #tpu.memory_space<vmem>> -> memref<128xf32, #tpu.memory_space<vmem>>
      %dma_wait3A_203 = arith.constant 0 : i32
      %dma_wait3A_204 = tpu.memref_slice %arg5[%run_scoped3A_174, %dma_wait3A_203] : memref<75x128xi32, #tpu.memory_space<vmem>> -> memref<1x128xi32, #tpu.memory_space<vmem>>
      %dma_wait3A_205 = tpu.memref_squeeze %dma_wait3A_204 : memref<1x128xi32, #tpu.memory_space<vmem>> -> memref<128xi32, #tpu.memory_space<vmem>>
      %dma_wait3A_206 = arith.constant 0 : i32
      %dma_wait3A_207 = tpu.memref_slice %arg8[%dma_wait3A_206] : memref<819200xf32, #tpu.memory_space<vmem_shared>> -> memref<819200xf32, #tpu.memory_space<vmem_shared>>
      tpu.wait_indirect_dma semaphore(%run_scoped3A_193 : memref<!tpu.dma_semaphore, #tpu.memory_space<semaphore_mem>>) src(%dma_wait3A_202 : memref<128xf32, #tpu.memory_space<vmem>>) dst(%dma_wait3A_207 : memref<819200xf32, #tpu.memory_space<vmem_shared>>)
      tpu.yield
    }) : () -> ()
    %run_scoped3A_175 = arith.constant 69 : i32
    %run_scoped3A_176 = arith.constant 69 : i32
    "tpu.region"() ({
      %run_scoped3A_193 = tpu.sem_alloc : memref<!tpu.dma_semaphore, #tpu.memory_space<semaphore_mem>>
      %dma_start3A = arith.constant 0 : i32
      %dma_start3A_194 = tpu.memref_slice %arg6[%run_scoped3A_175, %dma_start3A] : memref<75x128xf32, #tpu.memory_space<vmem>> -> memref<1x128xf32, #tpu.memory_space<vmem>>
      %dma_start3A_195 = tpu.memref_squeeze %dma_start3A_194 : memref<1x128xf32, #tpu.memory_space<vmem>> -> memref<128xf32, #tpu.memory_space<vmem>>
      %dma_start3A_196 = arith.constant 0 : i32
      %dma_start3A_197 = tpu.memref_slice %arg5[%run_scoped3A_176, %dma_start3A_196] : memref<75x128xi32, #tpu.memory_space<vmem>> -> memref<1x128xi32, #tpu.memory_space<vmem>>
      %dma_start3A_198 = tpu.memref_squeeze %dma_start3A_197 : memref<1x128xi32, #tpu.memory_space<vmem>> -> memref<128xi32, #tpu.memory_space<vmem>>
      %dma_start3A_199 = arith.constant 0 : i32
      %dma_start3A_200 = tpu.memref_slice %arg8[%dma_start3A_199] : memref<819200xf32, #tpu.memory_space<vmem_shared>> -> memref<819200xf32, #tpu.memory_space<vmem_shared>>
      tpu.enqueue_indirect_dma source(%dma_start3A_195 : memref<128xf32, #tpu.memory_space<vmem>>) target(%dma_start3A_200 : memref<819200xf32, #tpu.memory_space<vmem_shared>>) offsets(%dma_start3A_198 : memref<128xi32, #tpu.memory_space<vmem>>) semaphore(%run_scoped3A_193 : memref<!tpu.dma_semaphore, #tpu.memory_space<semaphore_mem>>) {add = true}
      %dma_wait3A = arith.constant 0 : i32
      %dma_wait3A_201 = tpu.memref_slice %arg6[%run_scoped3A_175, %dma_wait3A] : memref<75x128xf32, #tpu.memory_space<vmem>> -> memref<1x128xf32, #tpu.memory_space<vmem>>
      %dma_wait3A_202 = tpu.memref_squeeze %dma_wait3A_201 : memref<1x128xf32, #tpu.memory_space<vmem>> -> memref<128xf32, #tpu.memory_space<vmem>>
      %dma_wait3A_203 = arith.constant 0 : i32
      %dma_wait3A_204 = tpu.memref_slice %arg5[%run_scoped3A_176, %dma_wait3A_203] : memref<75x128xi32, #tpu.memory_space<vmem>> -> memref<1x128xi32, #tpu.memory_space<vmem>>
      %dma_wait3A_205 = tpu.memref_squeeze %dma_wait3A_204 : memref<1x128xi32, #tpu.memory_space<vmem>> -> memref<128xi32, #tpu.memory_space<vmem>>
      %dma_wait3A_206 = arith.constant 0 : i32
      %dma_wait3A_207 = tpu.memref_slice %arg8[%dma_wait3A_206] : memref<819200xf32, #tpu.memory_space<vmem_shared>> -> memref<819200xf32, #tpu.memory_space<vmem_shared>>
      tpu.wait_indirect_dma semaphore(%run_scoped3A_193 : memref<!tpu.dma_semaphore, #tpu.memory_space<semaphore_mem>>) src(%dma_wait3A_202 : memref<128xf32, #tpu.memory_space<vmem>>) dst(%dma_wait3A_207 : memref<819200xf32, #tpu.memory_space<vmem_shared>>)
      tpu.yield
    }) : () -> ()
    %run_scoped3A_177 = arith.constant 70 : i32
    %run_scoped3A_178 = arith.constant 70 : i32
    "tpu.region"() ({
      %run_scoped3A_193 = tpu.sem_alloc : memref<!tpu.dma_semaphore, #tpu.memory_space<semaphore_mem>>
      %dma_start3A = arith.constant 0 : i32
      %dma_start3A_194 = tpu.memref_slice %arg6[%run_scoped3A_177, %dma_start3A] : memref<75x128xf32, #tpu.memory_space<vmem>> -> memref<1x128xf32, #tpu.memory_space<vmem>>
      %dma_start3A_195 = tpu.memref_squeeze %dma_start3A_194 : memref<1x128xf32, #tpu.memory_space<vmem>> -> memref<128xf32, #tpu.memory_space<vmem>>
      %dma_start3A_196 = arith.constant 0 : i32
      %dma_start3A_197 = tpu.memref_slice %arg5[%run_scoped3A_178, %dma_start3A_196] : memref<75x128xi32, #tpu.memory_space<vmem>> -> memref<1x128xi32, #tpu.memory_space<vmem>>
      %dma_start3A_198 = tpu.memref_squeeze %dma_start3A_197 : memref<1x128xi32, #tpu.memory_space<vmem>> -> memref<128xi32, #tpu.memory_space<vmem>>
      %dma_start3A_199 = arith.constant 0 : i32
      %dma_start3A_200 = tpu.memref_slice %arg8[%dma_start3A_199] : memref<819200xf32, #tpu.memory_space<vmem_shared>> -> memref<819200xf32, #tpu.memory_space<vmem_shared>>
      tpu.enqueue_indirect_dma source(%dma_start3A_195 : memref<128xf32, #tpu.memory_space<vmem>>) target(%dma_start3A_200 : memref<819200xf32, #tpu.memory_space<vmem_shared>>) offsets(%dma_start3A_198 : memref<128xi32, #tpu.memory_space<vmem>>) semaphore(%run_scoped3A_193 : memref<!tpu.dma_semaphore, #tpu.memory_space<semaphore_mem>>) {add = true}
      %dma_wait3A = arith.constant 0 : i32
      %dma_wait3A_201 = tpu.memref_slice %arg6[%run_scoped3A_177, %dma_wait3A] : memref<75x128xf32, #tpu.memory_space<vmem>> -> memref<1x128xf32, #tpu.memory_space<vmem>>
      %dma_wait3A_202 = tpu.memref_squeeze %dma_wait3A_201 : memref<1x128xf32, #tpu.memory_space<vmem>> -> memref<128xf32, #tpu.memory_space<vmem>>
      %dma_wait3A_203 = arith.constant 0 : i32
      %dma_wait3A_204 = tpu.memref_slice %arg5[%run_scoped3A_178, %dma_wait3A_203] : memref<75x128xi32, #tpu.memory_space<vmem>> -> memref<1x128xi32, #tpu.memory_space<vmem>>
      %dma_wait3A_205 = tpu.memref_squeeze %dma_wait3A_204 : memref<1x128xi32, #tpu.memory_space<vmem>> -> memref<128xi32, #tpu.memory_space<vmem>>
      %dma_wait3A_206 = arith.constant 0 : i32
      %dma_wait3A_207 = tpu.memref_slice %arg8[%dma_wait3A_206] : memref<819200xf32, #tpu.memory_space<vmem_shared>> -> memref<819200xf32, #tpu.memory_space<vmem_shared>>
      tpu.wait_indirect_dma semaphore(%run_scoped3A_193 : memref<!tpu.dma_semaphore, #tpu.memory_space<semaphore_mem>>) src(%dma_wait3A_202 : memref<128xf32, #tpu.memory_space<vmem>>) dst(%dma_wait3A_207 : memref<819200xf32, #tpu.memory_space<vmem_shared>>)
      tpu.yield
    }) : () -> ()
    %run_scoped3A_179 = arith.constant 71 : i32
    %run_scoped3A_180 = arith.constant 71 : i32
    "tpu.region"() ({
      %run_scoped3A_193 = tpu.sem_alloc : memref<!tpu.dma_semaphore, #tpu.memory_space<semaphore_mem>>
      %dma_start3A = arith.constant 0 : i32
      %dma_start3A_194 = tpu.memref_slice %arg6[%run_scoped3A_179, %dma_start3A] : memref<75x128xf32, #tpu.memory_space<vmem>> -> memref<1x128xf32, #tpu.memory_space<vmem>>
      %dma_start3A_195 = tpu.memref_squeeze %dma_start3A_194 : memref<1x128xf32, #tpu.memory_space<vmem>> -> memref<128xf32, #tpu.memory_space<vmem>>
      %dma_start3A_196 = arith.constant 0 : i32
      %dma_start3A_197 = tpu.memref_slice %arg5[%run_scoped3A_180, %dma_start3A_196] : memref<75x128xi32, #tpu.memory_space<vmem>> -> memref<1x128xi32, #tpu.memory_space<vmem>>
      %dma_start3A_198 = tpu.memref_squeeze %dma_start3A_197 : memref<1x128xi32, #tpu.memory_space<vmem>> -> memref<128xi32, #tpu.memory_space<vmem>>
      %dma_start3A_199 = arith.constant 0 : i32
      %dma_start3A_200 = tpu.memref_slice %arg8[%dma_start3A_199] : memref<819200xf32, #tpu.memory_space<vmem_shared>> -> memref<819200xf32, #tpu.memory_space<vmem_shared>>
      tpu.enqueue_indirect_dma source(%dma_start3A_195 : memref<128xf32, #tpu.memory_space<vmem>>) target(%dma_start3A_200 : memref<819200xf32, #tpu.memory_space<vmem_shared>>) offsets(%dma_start3A_198 : memref<128xi32, #tpu.memory_space<vmem>>) semaphore(%run_scoped3A_193 : memref<!tpu.dma_semaphore, #tpu.memory_space<semaphore_mem>>) {add = true}
      %dma_wait3A = arith.constant 0 : i32
      %dma_wait3A_201 = tpu.memref_slice %arg6[%run_scoped3A_179, %dma_wait3A] : memref<75x128xf32, #tpu.memory_space<vmem>> -> memref<1x128xf32, #tpu.memory_space<vmem>>
      %dma_wait3A_202 = tpu.memref_squeeze %dma_wait3A_201 : memref<1x128xf32, #tpu.memory_space<vmem>> -> memref<128xf32, #tpu.memory_space<vmem>>
      %dma_wait3A_203 = arith.constant 0 : i32
      %dma_wait3A_204 = tpu.memref_slice %arg5[%run_scoped3A_180, %dma_wait3A_203] : memref<75x128xi32, #tpu.memory_space<vmem>> -> memref<1x128xi32, #tpu.memory_space<vmem>>
      %dma_wait3A_205 = tpu.memref_squeeze %dma_wait3A_204 : memref<1x128xi32, #tpu.memory_space<vmem>> -> memref<128xi32, #tpu.memory_space<vmem>>
      %dma_wait3A_206 = arith.constant 0 : i32
      %dma_wait3A_207 = tpu.memref_slice %arg8[%dma_wait3A_206] : memref<819200xf32, #tpu.memory_space<vmem_shared>> -> memref<819200xf32, #tpu.memory_space<vmem_shared>>
      tpu.wait_indirect_dma semaphore(%run_scoped3A_193 : memref<!tpu.dma_semaphore, #tpu.memory_space<semaphore_mem>>) src(%dma_wait3A_202 : memref<128xf32, #tpu.memory_space<vmem>>) dst(%dma_wait3A_207 : memref<819200xf32, #tpu.memory_space<vmem_shared>>)
      tpu.yield
    }) : () -> ()
    %run_scoped3A_181 = arith.constant 72 : i32
    %run_scoped3A_182 = arith.constant 72 : i32
    "tpu.region"() ({
      %run_scoped3A_193 = tpu.sem_alloc : memref<!tpu.dma_semaphore, #tpu.memory_space<semaphore_mem>>
      %dma_start3A = arith.constant 0 : i32
      %dma_start3A_194 = tpu.memref_slice %arg6[%run_scoped3A_181, %dma_start3A] : memref<75x128xf32, #tpu.memory_space<vmem>> -> memref<1x128xf32, #tpu.memory_space<vmem>>
      %dma_start3A_195 = tpu.memref_squeeze %dma_start3A_194 : memref<1x128xf32, #tpu.memory_space<vmem>> -> memref<128xf32, #tpu.memory_space<vmem>>
      %dma_start3A_196 = arith.constant 0 : i32
      %dma_start3A_197 = tpu.memref_slice %arg5[%run_scoped3A_182, %dma_start3A_196] : memref<75x128xi32, #tpu.memory_space<vmem>> -> memref<1x128xi32, #tpu.memory_space<vmem>>
      %dma_start3A_198 = tpu.memref_squeeze %dma_start3A_197 : memref<1x128xi32, #tpu.memory_space<vmem>> -> memref<128xi32, #tpu.memory_space<vmem>>
      %dma_start3A_199 = arith.constant 0 : i32
      %dma_start3A_200 = tpu.memref_slice %arg8[%dma_start3A_199] : memref<819200xf32, #tpu.memory_space<vmem_shared>> -> memref<819200xf32, #tpu.memory_space<vmem_shared>>
      tpu.enqueue_indirect_dma source(%dma_start3A_195 : memref<128xf32, #tpu.memory_space<vmem>>) target(%dma_start3A_200 : memref<819200xf32, #tpu.memory_space<vmem_shared>>) offsets(%dma_start3A_198 : memref<128xi32, #tpu.memory_space<vmem>>) semaphore(%run_scoped3A_193 : memref<!tpu.dma_semaphore, #tpu.memory_space<semaphore_mem>>) {add = true}
      %dma_wait3A = arith.constant 0 : i32
      %dma_wait3A_201 = tpu.memref_slice %arg6[%run_scoped3A_181, %dma_wait3A] : memref<75x128xf32, #tpu.memory_space<vmem>> -> memref<1x128xf32, #tpu.memory_space<vmem>>
      %dma_wait3A_202 = tpu.memref_squeeze %dma_wait3A_201 : memref<1x128xf32, #tpu.memory_space<vmem>> -> memref<128xf32, #tpu.memory_space<vmem>>
      %dma_wait3A_203 = arith.constant 0 : i32
      %dma_wait3A_204 = tpu.memref_slice %arg5[%run_scoped3A_182, %dma_wait3A_203] : memref<75x128xi32, #tpu.memory_space<vmem>> -> memref<1x128xi32, #tpu.memory_space<vmem>>
      %dma_wait3A_205 = tpu.memref_squeeze %dma_wait3A_204 : memref<1x128xi32, #tpu.memory_space<vmem>> -> memref<128xi32, #tpu.memory_space<vmem>>
      %dma_wait3A_206 = arith.constant 0 : i32
      %dma_wait3A_207 = tpu.memref_slice %arg8[%dma_wait3A_206] : memref<819200xf32, #tpu.memory_space<vmem_shared>> -> memref<819200xf32, #tpu.memory_space<vmem_shared>>
      tpu.wait_indirect_dma semaphore(%run_scoped3A_193 : memref<!tpu.dma_semaphore, #tpu.memory_space<semaphore_mem>>) src(%dma_wait3A_202 : memref<128xf32, #tpu.memory_space<vmem>>) dst(%dma_wait3A_207 : memref<819200xf32, #tpu.memory_space<vmem_shared>>)
      tpu.yield
    }) : () -> ()
    %run_scoped3A_183 = arith.constant 73 : i32
    %run_scoped3A_184 = arith.constant 73 : i32
    "tpu.region"() ({
      %run_scoped3A_193 = tpu.sem_alloc : memref<!tpu.dma_semaphore, #tpu.memory_space<semaphore_mem>>
      %dma_start3A = arith.constant 0 : i32
      %dma_start3A_194 = tpu.memref_slice %arg6[%run_scoped3A_183, %dma_start3A] : memref<75x128xf32, #tpu.memory_space<vmem>> -> memref<1x128xf32, #tpu.memory_space<vmem>>
      %dma_start3A_195 = tpu.memref_squeeze %dma_start3A_194 : memref<1x128xf32, #tpu.memory_space<vmem>> -> memref<128xf32, #tpu.memory_space<vmem>>
      %dma_start3A_196 = arith.constant 0 : i32
      %dma_start3A_197 = tpu.memref_slice %arg5[%run_scoped3A_184, %dma_start3A_196] : memref<75x128xi32, #tpu.memory_space<vmem>> -> memref<1x128xi32, #tpu.memory_space<vmem>>
      %dma_start3A_198 = tpu.memref_squeeze %dma_start3A_197 : memref<1x128xi32, #tpu.memory_space<vmem>> -> memref<128xi32, #tpu.memory_space<vmem>>
      %dma_start3A_199 = arith.constant 0 : i32
      %dma_start3A_200 = tpu.memref_slice %arg8[%dma_start3A_199] : memref<819200xf32, #tpu.memory_space<vmem_shared>> -> memref<819200xf32, #tpu.memory_space<vmem_shared>>
      tpu.enqueue_indirect_dma source(%dma_start3A_195 : memref<128xf32, #tpu.memory_space<vmem>>) target(%dma_start3A_200 : memref<819200xf32, #tpu.memory_space<vmem_shared>>) offsets(%dma_start3A_198 : memref<128xi32, #tpu.memory_space<vmem>>) semaphore(%run_scoped3A_193 : memref<!tpu.dma_semaphore, #tpu.memory_space<semaphore_mem>>) {add = true}
      %dma_wait3A = arith.constant 0 : i32
      %dma_wait3A_201 = tpu.memref_slice %arg6[%run_scoped3A_183, %dma_wait3A] : memref<75x128xf32, #tpu.memory_space<vmem>> -> memref<1x128xf32, #tpu.memory_space<vmem>>
      %dma_wait3A_202 = tpu.memref_squeeze %dma_wait3A_201 : memref<1x128xf32, #tpu.memory_space<vmem>> -> memref<128xf32, #tpu.memory_space<vmem>>
      %dma_wait3A_203 = arith.constant 0 : i32
      %dma_wait3A_204 = tpu.memref_slice %arg5[%run_scoped3A_184, %dma_wait3A_203] : memref<75x128xi32, #tpu.memory_space<vmem>> -> memref<1x128xi32, #tpu.memory_space<vmem>>
      %dma_wait3A_205 = tpu.memref_squeeze %dma_wait3A_204 : memref<1x128xi32, #tpu.memory_space<vmem>> -> memref<128xi32, #tpu.memory_space<vmem>>
      %dma_wait3A_206 = arith.constant 0 : i32
      %dma_wait3A_207 = tpu.memref_slice %arg8[%dma_wait3A_206] : memref<819200xf32, #tpu.memory_space<vmem_shared>> -> memref<819200xf32, #tpu.memory_space<vmem_shared>>
      tpu.wait_indirect_dma semaphore(%run_scoped3A_193 : memref<!tpu.dma_semaphore, #tpu.memory_space<semaphore_mem>>) src(%dma_wait3A_202 : memref<128xf32, #tpu.memory_space<vmem>>) dst(%dma_wait3A_207 : memref<819200xf32, #tpu.memory_space<vmem_shared>>)
      tpu.yield
    }) : () -> ()
    %run_scoped3A_185 = arith.constant 74 : i32
    %run_scoped3A_186 = arith.constant 74 : i32
    "tpu.region"() ({
      %run_scoped3A_193 = tpu.sem_alloc : memref<!tpu.dma_semaphore, #tpu.memory_space<semaphore_mem>>
      %dma_start3A = arith.constant 0 : i32
      %dma_start3A_194 = tpu.memref_slice %arg6[%run_scoped3A_185, %dma_start3A] : memref<75x128xf32, #tpu.memory_space<vmem>> -> memref<1x128xf32, #tpu.memory_space<vmem>>
      %dma_start3A_195 = tpu.memref_squeeze %dma_start3A_194 : memref<1x128xf32, #tpu.memory_space<vmem>> -> memref<128xf32, #tpu.memory_space<vmem>>
      %dma_start3A_196 = arith.constant 0 : i32
      %dma_start3A_197 = tpu.memref_slice %arg5[%run_scoped3A_186, %dma_start3A_196] : memref<75x128xi32, #tpu.memory_space<vmem>> -> memref<1x128xi32, #tpu.memory_space<vmem>>
      %dma_start3A_198 = tpu.memref_squeeze %dma_start3A_197 : memref<1x128xi32, #tpu.memory_space<vmem>> -> memref<128xi32, #tpu.memory_space<vmem>>
      %dma_start3A_199 = arith.constant 0 : i32
      %dma_start3A_200 = tpu.memref_slice %arg8[%dma_start3A_199] : memref<819200xf32, #tpu.memory_space<vmem_shared>> -> memref<819200xf32, #tpu.memory_space<vmem_shared>>
      tpu.enqueue_indirect_dma source(%dma_start3A_195 : memref<128xf32, #tpu.memory_space<vmem>>) target(%dma_start3A_200 : memref<819200xf32, #tpu.memory_space<vmem_shared>>) offsets(%dma_start3A_198 : memref<128xi32, #tpu.memory_space<vmem>>) semaphore(%run_scoped3A_193 : memref<!tpu.dma_semaphore, #tpu.memory_space<semaphore_mem>>) {add = true}
      %dma_wait3A = arith.constant 0 : i32
      %dma_wait3A_201 = tpu.memref_slice %arg6[%run_scoped3A_185, %dma_wait3A] : memref<75x128xf32, #tpu.memory_space<vmem>> -> memref<1x128xf32, #tpu.memory_space<vmem>>
      %dma_wait3A_202 = tpu.memref_squeeze %dma_wait3A_201 : memref<1x128xf32, #tpu.memory_space<vmem>> -> memref<128xf32, #tpu.memory_space<vmem>>
      %dma_wait3A_203 = arith.constant 0 : i32
      %dma_wait3A_204 = tpu.memref_slice %arg5[%run_scoped3A_186, %dma_wait3A_203] : memref<75x128xi32, #tpu.memory_space<vmem>> -> memref<1x128xi32, #tpu.memory_space<vmem>>
      %dma_wait3A_205 = tpu.memref_squeeze %dma_wait3A_204 : memref<1x128xi32, #tpu.memory_space<vmem>> -> memref<128xi32, #tpu.memory_space<vmem>>
      %dma_wait3A_206 = arith.constant 0 : i32
      %dma_wait3A_207 = tpu.memref_slice %arg8[%dma_wait3A_206] : memref<819200xf32, #tpu.memory_space<vmem_shared>> -> memref<819200xf32, #tpu.memory_space<vmem_shared>>
      tpu.wait_indirect_dma semaphore(%run_scoped3A_193 : memref<!tpu.dma_semaphore, #tpu.memory_space<semaphore_mem>>) src(%dma_wait3A_202 : memref<128xf32, #tpu.memory_space<vmem>>) dst(%dma_wait3A_207 : memref<819200xf32, #tpu.memory_space<vmem_shared>>)
      tpu.yield
    }) : () -> ()
    %barrier3A_187 = arith.constant 0 : index
    tpu.barrier barrier_id(%barrier3A_187)
    %mul3A_188 = arith.constant 51200 : i32
    %mul3A_189 = arith.muli %arg1, %mul3A_188 : i32
    %mul3A_190 = arith.constant 51200 : i32
    %mul3A_191 = arith.muli %arg1, %mul3A_190 : i32
    %run_scoped3A_192 = arith.constant 0 : i32
    "tpu.region"() ({
      %run_scoped3A_193 = tpu.sem_alloc : memref<!tpu.dma_semaphore, #tpu.memory_space<semaphore_mem>>
      %dma_start3A = tpu.memref_slice %arg4[%arg0, %run_scoped3A_192, %mul3A_191] : memref<2x1x819200xf32, #tpu.memory_space<hbm>> -> memref<1x1x51200xf32, #tpu.memory_space<hbm>>
      %dma_start3A_194 = tpu.memref_squeeze %dma_start3A : memref<1x1x51200xf32, #tpu.memory_space<hbm>> -> memref<51200xf32, #tpu.memory_space<hbm>>
      %dma_start3A_195 = tpu.memref_slice %arg8[%mul3A_189] : memref<819200xf32, #tpu.memory_space<vmem_shared>> -> memref<51200xf32, #tpu.memory_space<vmem_shared>>
      tpu.enqueue_dma source(%dma_start3A_195 : memref<51200xf32, #tpu.memory_space<vmem_shared>>) target(%dma_start3A_194 : memref<51200xf32, #tpu.memory_space<hbm>>) target_semaphore(%run_scoped3A_193 : memref<!tpu.dma_semaphore, #tpu.memory_space<semaphore_mem>>)
      %dma_wait3A = tpu.memref_slice %arg4[%arg0, %run_scoped3A_192, %mul3A_191] : memref<2x1x819200xf32, #tpu.memory_space<hbm>> -> memref<1x1x51200xf32, #tpu.memory_space<hbm>>
      %dma_wait3A_196 = tpu.memref_squeeze %dma_wait3A : memref<1x1x51200xf32, #tpu.memory_space<hbm>> -> memref<51200xf32, #tpu.memory_space<hbm>>
      %dma_wait3A_197 = tpu.memref_slice %arg8[%mul3A_189] : memref<819200xf32, #tpu.memory_space<vmem_shared>> -> memref<51200xf32, #tpu.memory_space<vmem_shared>>
      tpu.wait_dma2 semaphore(%run_scoped3A_193 : memref<!tpu.dma_semaphore, #tpu.memory_space<semaphore_mem>>) src(%dma_wait3A_197 : memref<51200xf32, #tpu.memory_space<vmem_shared>>) dst(%dma_wait3A_196 : memref<51200xf32, #tpu.memory_space<hbm>>)
      tpu.yield
    }) : () -> ()
    return
  }
}

module attributes {stable_mosaic.version = 14 : i64} {
  func.func @_fin_body(%arg0: memref<2x1x819200xf32, #tpu.memory_space<vmem>>, %arg1: memref<2x21x2xf32, #tpu.memory_space<vmem>>, %arg2: memref<22x3xf32, #tpu.memory_space<vmem>>, %arg3: memref<2x48xf32, #tpu.memory_space<vmem>>, %arg4: memref<2x21x7xf32, #tpu.memory_space<vmem>>, %arg5: memref<2x21x4xf32, #tpu.memory_space<vmem>>) attributes {dimension_semantics = [], scalar_prefetch = 0 : i64, scratch_operands = 0 : i64, tpu.core_type = #tpu.core_type<tc>} {
    %get3A = arith.constant 0 : index
    %get3A_0 = arith.constant 0 : index
    %get3A_1 = arith.constant 0 : index
    %get3A_2 = vector.load %arg0[%get3A, %get3A_0, %get3A_1] : memref<2x1x819200xf32, #tpu.memory_space<vmem>>, vector<1x1x19200xf32>
    %get3A_3 = vector.shape_cast %get3A_2 : vector<1x1x19200xf32> to vector<1x19200xf32>
    %get3A_4 = arith.constant 1 : index
    %get3A_5 = arith.constant 0 : index
    %get3A_6 = arith.constant 0 : index
    %get3A_7 = vector.load %arg0[%get3A_4, %get3A_5, %get3A_6] : memref<2x1x819200xf32, #tpu.memory_space<vmem>>, vector<1x1x19200xf32>
    %get3A_8 = vector.shape_cast %get3A_7 : vector<1x1x19200xf32> to vector<1x19200xf32>
    %add3A = arith.addf %get3A_3, %get3A_8 : vector<1x19200xf32>
    %get3A_9 = arith.constant 0 : index
    %get3A_10 = arith.constant 0 : index
    %get3A_11 = arith.constant 19200 : index
    %get3A_12 = vector.load %arg0[%get3A_9, %get3A_10, %get3A_11] : memref<2x1x819200xf32, #tpu.memory_space<vmem>>, vector<1x1x19200xf32>
    %get3A_13 = vector.shape_cast %get3A_12 : vector<1x1x19200xf32> to vector<1x19200xf32>
    %get3A_14 = arith.constant 1 : index
    %get3A_15 = arith.constant 0 : index
    %get3A_16 = arith.constant 19200 : index
    %get3A_17 = vector.load %arg0[%get3A_14, %get3A_15, %get3A_16] : memref<2x1x819200xf32, #tpu.memory_space<vmem>>, vector<1x1x19200xf32>
    %get3A_18 = vector.shape_cast %get3A_17 : vector<1x1x19200xf32> to vector<1x19200xf32>
    %add3A_19 = arith.addf %get3A_13, %get3A_18 : vector<1x19200xf32>
    %get3A_20 = arith.constant 0 : index
    %get3A_21 = arith.constant 0 : index
    %get3A_22 = arith.constant 38400 : index
    %get3A_23 = vector.load %arg0[%get3A_20, %get3A_21, %get3A_22] : memref<2x1x819200xf32, #tpu.memory_space<vmem>>, vector<1x1x19200xf32>
    %get3A_24 = vector.shape_cast %get3A_23 : vector<1x1x19200xf32> to vector<1x19200xf32>
    %get3A_25 = arith.constant 1 : index
    %get3A_26 = arith.constant 0 : index
    %get3A_27 = arith.constant 38400 : index
    %get3A_28 = vector.load %arg0[%get3A_25, %get3A_26, %get3A_27] : memref<2x1x819200xf32, #tpu.memory_space<vmem>>, vector<1x1x19200xf32>
    %get3A_29 = vector.shape_cast %get3A_28 : vector<1x1x19200xf32> to vector<1x19200xf32>
    %add3A_30 = arith.addf %get3A_24, %get3A_29 : vector<1x19200xf32>
    %get3A_31 = arith.constant 0 : index
    %get3A_32 = arith.constant 0 : index
    %get3A_33 = arith.constant 57600 : index
    %get3A_34 = vector.load %arg0[%get3A_31, %get3A_32, %get3A_33] : memref<2x1x819200xf32, #tpu.memory_space<vmem>>, vector<1x1x19200xf32>
    %get3A_35 = vector.shape_cast %get3A_34 : vector<1x1x19200xf32> to vector<1x19200xf32>
    %get3A_36 = arith.constant 1 : index
    %get3A_37 = arith.constant 0 : index
    %get3A_38 = arith.constant 57600 : index
    %get3A_39 = vector.load %arg0[%get3A_36, %get3A_37, %get3A_38] : memref<2x1x819200xf32, #tpu.memory_space<vmem>>, vector<1x1x19200xf32>
    %get3A_40 = vector.shape_cast %get3A_39 : vector<1x1x19200xf32> to vector<1x19200xf32>
    %add3A_41 = arith.addf %get3A_35, %get3A_40 : vector<1x19200xf32>
    %get3A_42 = arith.constant 0 : index
    %get3A_43 = arith.constant 0 : index
    %get3A_44 = arith.constant 76800 : index
    %get3A_45 = vector.load %arg0[%get3A_42, %get3A_43, %get3A_44] : memref<2x1x819200xf32, #tpu.memory_space<vmem>>, vector<1x1x19200xf32>
    %get3A_46 = vector.shape_cast %get3A_45 : vector<1x1x19200xf32> to vector<1x19200xf32>
    %get3A_47 = arith.constant 1 : index
    %get3A_48 = arith.constant 0 : index
    %get3A_49 = arith.constant 76800 : index
    %get3A_50 = vector.load %arg0[%get3A_47, %get3A_48, %get3A_49] : memref<2x1x819200xf32, #tpu.memory_space<vmem>>, vector<1x1x19200xf32>
    %get3A_51 = vector.shape_cast %get3A_50 : vector<1x1x19200xf32> to vector<1x19200xf32>
    %add3A_52 = arith.addf %get3A_46, %get3A_51 : vector<1x19200xf32>
    %get3A_53 = arith.constant 0 : index
    %get3A_54 = arith.constant 0 : index
    %get3A_55 = arith.constant 96000 : index
    %get3A_56 = vector.load %arg0[%get3A_53, %get3A_54, %get3A_55] : memref<2x1x819200xf32, #tpu.memory_space<vmem>>, vector<1x1x19200xf32>
    %get3A_57 = vector.shape_cast %get3A_56 : vector<1x1x19200xf32> to vector<1x19200xf32>
    %get3A_58 = arith.constant 1 : index
    %get3A_59 = arith.constant 0 : index
    %get3A_60 = arith.constant 96000 : index
    %get3A_61 = vector.load %arg0[%get3A_58, %get3A_59, %get3A_60] : memref<2x1x819200xf32, #tpu.memory_space<vmem>>, vector<1x1x19200xf32>
    %get3A_62 = vector.shape_cast %get3A_61 : vector<1x1x19200xf32> to vector<1x19200xf32>
    %add3A_63 = arith.addf %get3A_57, %get3A_62 : vector<1x19200xf32>
    %get3A_64 = arith.constant 0 : index
    %get3A_65 = arith.constant 0 : index
    %get3A_66 = arith.constant 115200 : index
    %get3A_67 = vector.load %arg0[%get3A_64, %get3A_65, %get3A_66] : memref<2x1x819200xf32, #tpu.memory_space<vmem>>, vector<1x1x19200xf32>
    %get3A_68 = vector.shape_cast %get3A_67 : vector<1x1x19200xf32> to vector<1x19200xf32>
    %get3A_69 = arith.constant 1 : index
    %get3A_70 = arith.constant 0 : index
    %get3A_71 = arith.constant 115200 : index
    %get3A_72 = vector.load %arg0[%get3A_69, %get3A_70, %get3A_71] : memref<2x1x819200xf32, #tpu.memory_space<vmem>>, vector<1x1x19200xf32>
    %get3A_73 = vector.shape_cast %get3A_72 : vector<1x1x19200xf32> to vector<1x19200xf32>
    %add3A_74 = arith.addf %get3A_68, %get3A_73 : vector<1x19200xf32>
    %get3A_75 = arith.constant 0 : index
    %get3A_76 = arith.constant 0 : index
    %get3A_77 = arith.constant 134400 : index
    %get3A_78 = vector.load %arg0[%get3A_75, %get3A_76, %get3A_77] : memref<2x1x819200xf32, #tpu.memory_space<vmem>>, vector<1x1x19200xf32>
    %get3A_79 = vector.shape_cast %get3A_78 : vector<1x1x19200xf32> to vector<1x19200xf32>
    %get3A_80 = arith.constant 1 : index
    %get3A_81 = arith.constant 0 : index
    %get3A_82 = arith.constant 134400 : index
    %get3A_83 = vector.load %arg0[%get3A_80, %get3A_81, %get3A_82] : memref<2x1x819200xf32, #tpu.memory_space<vmem>>, vector<1x1x19200xf32>
    %get3A_84 = vector.shape_cast %get3A_83 : vector<1x1x19200xf32> to vector<1x19200xf32>
    %add3A_85 = arith.addf %get3A_79, %get3A_84 : vector<1x19200xf32>
    %get3A_86 = arith.constant 0 : index
    %get3A_87 = arith.constant 0 : index
    %get3A_88 = arith.constant 153600 : index
    %get3A_89 = vector.load %arg0[%get3A_86, %get3A_87, %get3A_88] : memref<2x1x819200xf32, #tpu.memory_space<vmem>>, vector<1x1x19200xf32>
    %get3A_90 = vector.shape_cast %get3A_89 : vector<1x1x19200xf32> to vector<1x19200xf32>
    %get3A_91 = arith.constant 1 : index
    %get3A_92 = arith.constant 0 : index
    %get3A_93 = arith.constant 153600 : index
    %get3A_94 = vector.load %arg0[%get3A_91, %get3A_92, %get3A_93] : memref<2x1x819200xf32, #tpu.memory_space<vmem>>, vector<1x1x19200xf32>
    %get3A_95 = vector.shape_cast %get3A_94 : vector<1x1x19200xf32> to vector<1x19200xf32>
    %add3A_96 = arith.addf %get3A_90, %get3A_95 : vector<1x19200xf32>
    %get3A_97 = arith.constant 0 : index
    %get3A_98 = arith.constant 0 : index
    %get3A_99 = arith.constant 172800 : index
    %get3A_100 = vector.load %arg0[%get3A_97, %get3A_98, %get3A_99] : memref<2x1x819200xf32, #tpu.memory_space<vmem>>, vector<1x1x19200xf32>
    %get3A_101 = vector.shape_cast %get3A_100 : vector<1x1x19200xf32> to vector<1x19200xf32>
    %get3A_102 = arith.constant 1 : index
    %get3A_103 = arith.constant 0 : index
    %get3A_104 = arith.constant 172800 : index
    %get3A_105 = vector.load %arg0[%get3A_102, %get3A_103, %get3A_104] : memref<2x1x819200xf32, #tpu.memory_space<vmem>>, vector<1x1x19200xf32>
    %get3A_106 = vector.shape_cast %get3A_105 : vector<1x1x19200xf32> to vector<1x19200xf32>
    %add3A_107 = arith.addf %get3A_101, %get3A_106 : vector<1x19200xf32>
    %get3A_108 = arith.constant 0 : index
    %get3A_109 = arith.constant 0 : index
    %get3A_110 = arith.constant 192000 : index
    %get3A_111 = vector.load %arg0[%get3A_108, %get3A_109, %get3A_110] : memref<2x1x819200xf32, #tpu.memory_space<vmem>>, vector<1x1x19200xf32>
    %get3A_112 = vector.shape_cast %get3A_111 : vector<1x1x19200xf32> to vector<1x19200xf32>
    %get3A_113 = arith.constant 1 : index
    %get3A_114 = arith.constant 0 : index
    %get3A_115 = arith.constant 192000 : index
    %get3A_116 = vector.load %arg0[%get3A_113, %get3A_114, %get3A_115] : memref<2x1x819200xf32, #tpu.memory_space<vmem>>, vector<1x1x19200xf32>
    %get3A_117 = vector.shape_cast %get3A_116 : vector<1x1x19200xf32> to vector<1x19200xf32>
    %add3A_118 = arith.addf %get3A_112, %get3A_117 : vector<1x19200xf32>
    %get3A_119 = arith.constant 0 : index
    %get3A_120 = arith.constant 0 : index
    %get3A_121 = arith.constant 211200 : index
    %get3A_122 = vector.load %arg0[%get3A_119, %get3A_120, %get3A_121] : memref<2x1x819200xf32, #tpu.memory_space<vmem>>, vector<1x1x19200xf32>
    %get3A_123 = vector.shape_cast %get3A_122 : vector<1x1x19200xf32> to vector<1x19200xf32>
    %get3A_124 = arith.constant 1 : index
    %get3A_125 = arith.constant 0 : index
    %get3A_126 = arith.constant 211200 : index
    %get3A_127 = vector.load %arg0[%get3A_124, %get3A_125, %get3A_126] : memref<2x1x819200xf32, #tpu.memory_space<vmem>>, vector<1x1x19200xf32>
    %get3A_128 = vector.shape_cast %get3A_127 : vector<1x1x19200xf32> to vector<1x19200xf32>
    %add3A_129 = arith.addf %get3A_123, %get3A_128 : vector<1x19200xf32>
    %get3A_130 = arith.constant 0 : index
    %get3A_131 = arith.constant 0 : index
    %get3A_132 = arith.constant 230400 : index
    %get3A_133 = vector.load %arg0[%get3A_130, %get3A_131, %get3A_132] : memref<2x1x819200xf32, #tpu.memory_space<vmem>>, vector<1x1x19200xf32>
    %get3A_134 = vector.shape_cast %get3A_133 : vector<1x1x19200xf32> to vector<1x19200xf32>
    %get3A_135 = arith.constant 1 : index
    %get3A_136 = arith.constant 0 : index
    %get3A_137 = arith.constant 230400 : index
    %get3A_138 = vector.load %arg0[%get3A_135, %get3A_136, %get3A_137] : memref<2x1x819200xf32, #tpu.memory_space<vmem>>, vector<1x1x19200xf32>
    %get3A_139 = vector.shape_cast %get3A_138 : vector<1x1x19200xf32> to vector<1x19200xf32>
    %add3A_140 = arith.addf %get3A_134, %get3A_139 : vector<1x19200xf32>
    %get3A_141 = arith.constant 0 : index
    %get3A_142 = arith.constant 0 : index
    %get3A_143 = arith.constant 249600 : index
    %get3A_144 = vector.load %arg0[%get3A_141, %get3A_142, %get3A_143] : memref<2x1x819200xf32, #tpu.memory_space<vmem>>, vector<1x1x19200xf32>
    %get3A_145 = vector.shape_cast %get3A_144 : vector<1x1x19200xf32> to vector<1x19200xf32>
    %get3A_146 = arith.constant 1 : index
    %get3A_147 = arith.constant 0 : index
    %get3A_148 = arith.constant 249600 : index
    %get3A_149 = vector.load %arg0[%get3A_146, %get3A_147, %get3A_148] : memref<2x1x819200xf32, #tpu.memory_space<vmem>>, vector<1x1x19200xf32>
    %get3A_150 = vector.shape_cast %get3A_149 : vector<1x1x19200xf32> to vector<1x19200xf32>
    %add3A_151 = arith.addf %get3A_145, %get3A_150 : vector<1x19200xf32>
    %get3A_152 = arith.constant 0 : index
    %get3A_153 = arith.constant 0 : index
    %get3A_154 = arith.constant 268800 : index
    %get3A_155 = vector.load %arg0[%get3A_152, %get3A_153, %get3A_154] : memref<2x1x819200xf32, #tpu.memory_space<vmem>>, vector<1x1x19200xf32>
    %get3A_156 = vector.shape_cast %get3A_155 : vector<1x1x19200xf32> to vector<1x19200xf32>
    %get3A_157 = arith.constant 1 : index
    %get3A_158 = arith.constant 0 : index
    %get3A_159 = arith.constant 268800 : index
    %get3A_160 = vector.load %arg0[%get3A_157, %get3A_158, %get3A_159] : memref<2x1x819200xf32, #tpu.memory_space<vmem>>, vector<1x1x19200xf32>
    %get3A_161 = vector.shape_cast %get3A_160 : vector<1x1x19200xf32> to vector<1x19200xf32>
    %add3A_162 = arith.addf %get3A_156, %get3A_161 : vector<1x19200xf32>
    %get3A_163 = arith.constant 0 : index
    %get3A_164 = arith.constant 0 : index
    %get3A_165 = arith.constant 288000 : index
    %get3A_166 = vector.load %arg0[%get3A_163, %get3A_164, %get3A_165] : memref<2x1x819200xf32, #tpu.memory_space<vmem>>, vector<1x1x19200xf32>
    %get3A_167 = vector.shape_cast %get3A_166 : vector<1x1x19200xf32> to vector<1x19200xf32>
    %get3A_168 = arith.constant 1 : index
    %get3A_169 = arith.constant 0 : index
    %get3A_170 = arith.constant 288000 : index
    %get3A_171 = vector.load %arg0[%get3A_168, %get3A_169, %get3A_170] : memref<2x1x819200xf32, #tpu.memory_space<vmem>>, vector<1x1x19200xf32>
    %get3A_172 = vector.shape_cast %get3A_171 : vector<1x1x19200xf32> to vector<1x19200xf32>
    %add3A_173 = arith.addf %get3A_167, %get3A_172 : vector<1x19200xf32>
    %get3A_174 = arith.constant 0 : index
    %get3A_175 = arith.constant 0 : index
    %get3A_176 = arith.constant 307200 : index
    %get3A_177 = vector.load %arg0[%get3A_174, %get3A_175, %get3A_176] : memref<2x1x819200xf32, #tpu.memory_space<vmem>>, vector<1x1x19200xf32>
    %get3A_178 = vector.shape_cast %get3A_177 : vector<1x1x19200xf32> to vector<1x19200xf32>
    %get3A_179 = arith.constant 1 : index
    %get3A_180 = arith.constant 0 : index
    %get3A_181 = arith.constant 307200 : index
    %get3A_182 = vector.load %arg0[%get3A_179, %get3A_180, %get3A_181] : memref<2x1x819200xf32, #tpu.memory_space<vmem>>, vector<1x1x19200xf32>
    %get3A_183 = vector.shape_cast %get3A_182 : vector<1x1x19200xf32> to vector<1x19200xf32>
    %add3A_184 = arith.addf %get3A_178, %get3A_183 : vector<1x19200xf32>
    %get3A_185 = arith.constant 0 : index
    %get3A_186 = arith.constant 0 : index
    %get3A_187 = arith.constant 326400 : index
    %get3A_188 = vector.load %arg0[%get3A_185, %get3A_186, %get3A_187] : memref<2x1x819200xf32, #tpu.memory_space<vmem>>, vector<1x1x19200xf32>
    %get3A_189 = vector.shape_cast %get3A_188 : vector<1x1x19200xf32> to vector<1x19200xf32>
    %get3A_190 = arith.constant 1 : index
    %get3A_191 = arith.constant 0 : index
    %get3A_192 = arith.constant 326400 : index
    %get3A_193 = vector.load %arg0[%get3A_190, %get3A_191, %get3A_192] : memref<2x1x819200xf32, #tpu.memory_space<vmem>>, vector<1x1x19200xf32>
    %get3A_194 = vector.shape_cast %get3A_193 : vector<1x1x19200xf32> to vector<1x19200xf32>
    %add3A_195 = arith.addf %get3A_189, %get3A_194 : vector<1x19200xf32>
    %get3A_196 = arith.constant 0 : index
    %get3A_197 = arith.constant 0 : index
    %get3A_198 = arith.constant 345600 : index
    %get3A_199 = vector.load %arg0[%get3A_196, %get3A_197, %get3A_198] : memref<2x1x819200xf32, #tpu.memory_space<vmem>>, vector<1x1x19200xf32>
    %get3A_200 = vector.shape_cast %get3A_199 : vector<1x1x19200xf32> to vector<1x19200xf32>
    %get3A_201 = arith.constant 1 : index
    %get3A_202 = arith.constant 0 : index
    %get3A_203 = arith.constant 345600 : index
    %get3A_204 = vector.load %arg0[%get3A_201, %get3A_202, %get3A_203] : memref<2x1x819200xf32, #tpu.memory_space<vmem>>, vector<1x1x19200xf32>
    %get3A_205 = vector.shape_cast %get3A_204 : vector<1x1x19200xf32> to vector<1x19200xf32>
    %add3A_206 = arith.addf %get3A_200, %get3A_205 : vector<1x19200xf32>
    %get3A_207 = arith.constant 0 : index
    %get3A_208 = arith.constant 0 : index
    %get3A_209 = arith.constant 364800 : index
    %get3A_210 = vector.load %arg0[%get3A_207, %get3A_208, %get3A_209] : memref<2x1x819200xf32, #tpu.memory_space<vmem>>, vector<1x1x19200xf32>
    %get3A_211 = vector.shape_cast %get3A_210 : vector<1x1x19200xf32> to vector<1x19200xf32>
    %get3A_212 = arith.constant 1 : index
    %get3A_213 = arith.constant 0 : index
    %get3A_214 = arith.constant 364800 : index
    %get3A_215 = vector.load %arg0[%get3A_212, %get3A_213, %get3A_214] : memref<2x1x819200xf32, #tpu.memory_space<vmem>>, vector<1x1x19200xf32>
    %get3A_216 = vector.shape_cast %get3A_215 : vector<1x1x19200xf32> to vector<1x19200xf32>
    %add3A_217 = arith.addf %get3A_211, %get3A_216 : vector<1x19200xf32>
    %get3A_218 = arith.constant 0 : index
    %get3A_219 = arith.constant 0 : index
    %get3A_220 = arith.constant 384000 : index
    %get3A_221 = vector.load %arg0[%get3A_218, %get3A_219, %get3A_220] : memref<2x1x819200xf32, #tpu.memory_space<vmem>>, vector<1x1x19200xf32>
    %get3A_222 = vector.shape_cast %get3A_221 : vector<1x1x19200xf32> to vector<1x19200xf32>
    %get3A_223 = arith.constant 1 : index
    %get3A_224 = arith.constant 0 : index
    %get3A_225 = arith.constant 384000 : index
    %get3A_226 = vector.load %arg0[%get3A_223, %get3A_224, %get3A_225] : memref<2x1x819200xf32, #tpu.memory_space<vmem>>, vector<1x1x19200xf32>
    %get3A_227 = vector.shape_cast %get3A_226 : vector<1x1x19200xf32> to vector<1x19200xf32>
    %add3A_228 = arith.addf %get3A_222, %get3A_227 : vector<1x19200xf32>
    %get3A_229 = arith.constant 0 : index
    %get3A_230 = arith.constant 0 : index
    %get3A_231 = arith.constant 403200 : index
    %get3A_232 = vector.load %arg0[%get3A_229, %get3A_230, %get3A_231] : memref<2x1x819200xf32, #tpu.memory_space<vmem>>, vector<1x1x19200xf32>
    %get3A_233 = vector.shape_cast %get3A_232 : vector<1x1x19200xf32> to vector<1x19200xf32>
    %get3A_234 = arith.constant 1 : index
    %get3A_235 = arith.constant 0 : index
    %get3A_236 = arith.constant 403200 : index
    %get3A_237 = vector.load %arg0[%get3A_234, %get3A_235, %get3A_236] : memref<2x1x819200xf32, #tpu.memory_space<vmem>>, vector<1x1x19200xf32>
    %get3A_238 = vector.shape_cast %get3A_237 : vector<1x1x19200xf32> to vector<1x19200xf32>
    %add3A_239 = arith.addf %get3A_233, %get3A_238 : vector<1x19200xf32>
    %get3A_240 = arith.constant 0 : index
    %get3A_241 = arith.constant 0 : index
    %get3A_242 = arith.constant 422400 : index
    %get3A_243 = vector.load %arg0[%get3A_240, %get3A_241, %get3A_242] : memref<2x1x819200xf32, #tpu.memory_space<vmem>>, vector<1x1x19200xf32>
    %get3A_244 = vector.shape_cast %get3A_243 : vector<1x1x19200xf32> to vector<1x19200xf32>
    %get3A_245 = arith.constant 1 : index
    %get3A_246 = arith.constant 0 : index
    %get3A_247 = arith.constant 422400 : index
    %get3A_248 = vector.load %arg0[%get3A_245, %get3A_246, %get3A_247] : memref<2x1x819200xf32, #tpu.memory_space<vmem>>, vector<1x1x19200xf32>
    %get3A_249 = vector.shape_cast %get3A_248 : vector<1x1x19200xf32> to vector<1x19200xf32>
    %add3A_250 = arith.addf %get3A_244, %get3A_249 : vector<1x19200xf32>
    %get3A_251 = arith.constant 0 : index
    %get3A_252 = arith.constant 0 : index
    %get3A_253 = arith.constant 441600 : index
    %get3A_254 = vector.load %arg0[%get3A_251, %get3A_252, %get3A_253] : memref<2x1x819200xf32, #tpu.memory_space<vmem>>, vector<1x1x19200xf32>
    %get3A_255 = vector.shape_cast %get3A_254 : vector<1x1x19200xf32> to vector<1x19200xf32>
    %get3A_256 = arith.constant 1 : index
    %get3A_257 = arith.constant 0 : index
    %get3A_258 = arith.constant 441600 : index
    %get3A_259 = vector.load %arg0[%get3A_256, %get3A_257, %get3A_258] : memref<2x1x819200xf32, #tpu.memory_space<vmem>>, vector<1x1x19200xf32>
    %get3A_260 = vector.shape_cast %get3A_259 : vector<1x1x19200xf32> to vector<1x19200xf32>
    %add3A_261 = arith.addf %get3A_255, %get3A_260 : vector<1x19200xf32>
    %get3A_262 = arith.constant 0 : index
    %get3A_263 = arith.constant 0 : index
    %get3A_264 = arith.constant 460800 : index
    %get3A_265 = vector.load %arg0[%get3A_262, %get3A_263, %get3A_264] : memref<2x1x819200xf32, #tpu.memory_space<vmem>>, vector<1x1x19200xf32>
    %get3A_266 = vector.shape_cast %get3A_265 : vector<1x1x19200xf32> to vector<1x19200xf32>
    %get3A_267 = arith.constant 1 : index
    %get3A_268 = arith.constant 0 : index
    %get3A_269 = arith.constant 460800 : index
    %get3A_270 = vector.load %arg0[%get3A_267, %get3A_268, %get3A_269] : memref<2x1x819200xf32, #tpu.memory_space<vmem>>, vector<1x1x19200xf32>
    %get3A_271 = vector.shape_cast %get3A_270 : vector<1x1x19200xf32> to vector<1x19200xf32>
    %add3A_272 = arith.addf %get3A_266, %get3A_271 : vector<1x19200xf32>
    %get3A_273 = arith.constant 0 : index
    %get3A_274 = arith.constant 0 : index
    %get3A_275 = arith.constant 480000 : index
    %get3A_276 = vector.load %arg0[%get3A_273, %get3A_274, %get3A_275] : memref<2x1x819200xf32, #tpu.memory_space<vmem>>, vector<1x1x19200xf32>
    %get3A_277 = vector.shape_cast %get3A_276 : vector<1x1x19200xf32> to vector<1x19200xf32>
    %get3A_278 = arith.constant 1 : index
    %get3A_279 = arith.constant 0 : index
    %get3A_280 = arith.constant 480000 : index
    %get3A_281 = vector.load %arg0[%get3A_278, %get3A_279, %get3A_280] : memref<2x1x819200xf32, #tpu.memory_space<vmem>>, vector<1x1x19200xf32>
    %get3A_282 = vector.shape_cast %get3A_281 : vector<1x1x19200xf32> to vector<1x19200xf32>
    %add3A_283 = arith.addf %get3A_277, %get3A_282 : vector<1x19200xf32>
    %get3A_284 = arith.constant 0 : index
    %get3A_285 = arith.constant 0 : index
    %get3A_286 = arith.constant 499200 : index
    %get3A_287 = vector.load %arg0[%get3A_284, %get3A_285, %get3A_286] : memref<2x1x819200xf32, #tpu.memory_space<vmem>>, vector<1x1x19200xf32>
    %get3A_288 = vector.shape_cast %get3A_287 : vector<1x1x19200xf32> to vector<1x19200xf32>
    %get3A_289 = arith.constant 1 : index
    %get3A_290 = arith.constant 0 : index
    %get3A_291 = arith.constant 499200 : index
    %get3A_292 = vector.load %arg0[%get3A_289, %get3A_290, %get3A_291] : memref<2x1x819200xf32, #tpu.memory_space<vmem>>, vector<1x1x19200xf32>
    %get3A_293 = vector.shape_cast %get3A_292 : vector<1x1x19200xf32> to vector<1x19200xf32>
    %add3A_294 = arith.addf %get3A_288, %get3A_293 : vector<1x19200xf32>
    %get3A_295 = arith.constant 0 : index
    %get3A_296 = arith.constant 0 : index
    %get3A_297 = arith.constant 518400 : index
    %get3A_298 = vector.load %arg0[%get3A_295, %get3A_296, %get3A_297] : memref<2x1x819200xf32, #tpu.memory_space<vmem>>, vector<1x1x19200xf32>
    %get3A_299 = vector.shape_cast %get3A_298 : vector<1x1x19200xf32> to vector<1x19200xf32>
    %get3A_300 = arith.constant 1 : index
    %get3A_301 = arith.constant 0 : index
    %get3A_302 = arith.constant 518400 : index
    %get3A_303 = vector.load %arg0[%get3A_300, %get3A_301, %get3A_302] : memref<2x1x819200xf32, #tpu.memory_space<vmem>>, vector<1x1x19200xf32>
    %get3A_304 = vector.shape_cast %get3A_303 : vector<1x1x19200xf32> to vector<1x19200xf32>
    %add3A_305 = arith.addf %get3A_299, %get3A_304 : vector<1x19200xf32>
    %get3A_306 = arith.constant 0 : index
    %get3A_307 = arith.constant 0 : index
    %get3A_308 = arith.constant 537600 : index
    %get3A_309 = vector.load %arg0[%get3A_306, %get3A_307, %get3A_308] : memref<2x1x819200xf32, #tpu.memory_space<vmem>>, vector<1x1x19200xf32>
    %get3A_310 = vector.shape_cast %get3A_309 : vector<1x1x19200xf32> to vector<1x19200xf32>
    %get3A_311 = arith.constant 1 : index
    %get3A_312 = arith.constant 0 : index
    %get3A_313 = arith.constant 537600 : index
    %get3A_314 = vector.load %arg0[%get3A_311, %get3A_312, %get3A_313] : memref<2x1x819200xf32, #tpu.memory_space<vmem>>, vector<1x1x19200xf32>
    %get3A_315 = vector.shape_cast %get3A_314 : vector<1x1x19200xf32> to vector<1x19200xf32>
    %add3A_316 = arith.addf %get3A_310, %get3A_315 : vector<1x19200xf32>
    %get3A_317 = arith.constant 0 : index
    %get3A_318 = arith.constant 0 : index
    %get3A_319 = arith.constant 556800 : index
    %get3A_320 = vector.load %arg0[%get3A_317, %get3A_318, %get3A_319] : memref<2x1x819200xf32, #tpu.memory_space<vmem>>, vector<1x1x19200xf32>
    %get3A_321 = vector.shape_cast %get3A_320 : vector<1x1x19200xf32> to vector<1x19200xf32>
    %get3A_322 = arith.constant 1 : index
    %get3A_323 = arith.constant 0 : index
    %get3A_324 = arith.constant 556800 : index
    %get3A_325 = vector.load %arg0[%get3A_322, %get3A_323, %get3A_324] : memref<2x1x819200xf32, #tpu.memory_space<vmem>>, vector<1x1x19200xf32>
    %get3A_326 = vector.shape_cast %get3A_325 : vector<1x1x19200xf32> to vector<1x19200xf32>
    %add3A_327 = arith.addf %get3A_321, %get3A_326 : vector<1x19200xf32>
    %get3A_328 = arith.constant 0 : index
    %get3A_329 = arith.constant 0 : index
    %get3A_330 = arith.constant 576000 : index
    %get3A_331 = vector.load %arg0[%get3A_328, %get3A_329, %get3A_330] : memref<2x1x819200xf32, #tpu.memory_space<vmem>>, vector<1x1x19200xf32>
    %get3A_332 = vector.shape_cast %get3A_331 : vector<1x1x19200xf32> to vector<1x19200xf32>
    %get3A_333 = arith.constant 1 : index
    %get3A_334 = arith.constant 0 : index
    %get3A_335 = arith.constant 576000 : index
    %get3A_336 = vector.load %arg0[%get3A_333, %get3A_334, %get3A_335] : memref<2x1x819200xf32, #tpu.memory_space<vmem>>, vector<1x1x19200xf32>
    %get3A_337 = vector.shape_cast %get3A_336 : vector<1x1x19200xf32> to vector<1x19200xf32>
    %add3A_338 = arith.addf %get3A_332, %get3A_337 : vector<1x19200xf32>
    %get3A_339 = arith.constant 0 : index
    %get3A_340 = arith.constant 0 : index
    %get3A_341 = arith.constant 595200 : index
    %get3A_342 = vector.load %arg0[%get3A_339, %get3A_340, %get3A_341] : memref<2x1x819200xf32, #tpu.memory_space<vmem>>, vector<1x1x19200xf32>
    %get3A_343 = vector.shape_cast %get3A_342 : vector<1x1x19200xf32> to vector<1x19200xf32>
    %get3A_344 = arith.constant 1 : index
    %get3A_345 = arith.constant 0 : index
    %get3A_346 = arith.constant 595200 : index
    %get3A_347 = vector.load %arg0[%get3A_344, %get3A_345, %get3A_346] : memref<2x1x819200xf32, #tpu.memory_space<vmem>>, vector<1x1x19200xf32>
    %get3A_348 = vector.shape_cast %get3A_347 : vector<1x1x19200xf32> to vector<1x19200xf32>
    %add3A_349 = arith.addf %get3A_343, %get3A_348 : vector<1x19200xf32>
    %get3A_350 = arith.constant 0 : index
    %get3A_351 = arith.constant 0 : index
    %get3A_352 = arith.constant 614400 : index
    %get3A_353 = vector.load %arg0[%get3A_350, %get3A_351, %get3A_352] : memref<2x1x819200xf32, #tpu.memory_space<vmem>>, vector<1x1x19200xf32>
    %get3A_354 = vector.shape_cast %get3A_353 : vector<1x1x19200xf32> to vector<1x19200xf32>
    %get3A_355 = arith.constant 1 : index
    %get3A_356 = arith.constant 0 : index
    %get3A_357 = arith.constant 614400 : index
    %get3A_358 = vector.load %arg0[%get3A_355, %get3A_356, %get3A_357] : memref<2x1x819200xf32, #tpu.memory_space<vmem>>, vector<1x1x19200xf32>
    %get3A_359 = vector.shape_cast %get3A_358 : vector<1x1x19200xf32> to vector<1x19200xf32>
    %add3A_360 = arith.addf %get3A_354, %get3A_359 : vector<1x19200xf32>
    %get3A_361 = arith.constant 0 : index
    %get3A_362 = arith.constant 0 : index
    %get3A_363 = arith.constant 633600 : index
    %get3A_364 = vector.load %arg0[%get3A_361, %get3A_362, %get3A_363] : memref<2x1x819200xf32, #tpu.memory_space<vmem>>, vector<1x1x19200xf32>
    %get3A_365 = vector.shape_cast %get3A_364 : vector<1x1x19200xf32> to vector<1x19200xf32>
    %get3A_366 = arith.constant 1 : index
    %get3A_367 = arith.constant 0 : index
    %get3A_368 = arith.constant 633600 : index
    %get3A_369 = vector.load %arg0[%get3A_366, %get3A_367, %get3A_368] : memref<2x1x819200xf32, #tpu.memory_space<vmem>>, vector<1x1x19200xf32>
    %get3A_370 = vector.shape_cast %get3A_369 : vector<1x1x19200xf32> to vector<1x19200xf32>
    %add3A_371 = arith.addf %get3A_365, %get3A_370 : vector<1x19200xf32>
    %get3A_372 = arith.constant 0 : index
    %get3A_373 = arith.constant 0 : index
    %get3A_374 = arith.constant 652800 : index
    %get3A_375 = vector.load %arg0[%get3A_372, %get3A_373, %get3A_374] : memref<2x1x819200xf32, #tpu.memory_space<vmem>>, vector<1x1x19200xf32>
    %get3A_376 = vector.shape_cast %get3A_375 : vector<1x1x19200xf32> to vector<1x19200xf32>
    %get3A_377 = arith.constant 1 : index
    %get3A_378 = arith.constant 0 : index
    %get3A_379 = arith.constant 652800 : index
    %get3A_380 = vector.load %arg0[%get3A_377, %get3A_378, %get3A_379] : memref<2x1x819200xf32, #tpu.memory_space<vmem>>, vector<1x1x19200xf32>
    %get3A_381 = vector.shape_cast %get3A_380 : vector<1x1x19200xf32> to vector<1x19200xf32>
    %add3A_382 = arith.addf %get3A_376, %get3A_381 : vector<1x19200xf32>
    %get3A_383 = arith.constant 0 : index
    %get3A_384 = arith.constant 0 : index
    %get3A_385 = arith.constant 672000 : index
    %get3A_386 = vector.load %arg0[%get3A_383, %get3A_384, %get3A_385] : memref<2x1x819200xf32, #tpu.memory_space<vmem>>, vector<1x1x19200xf32>
    %get3A_387 = vector.shape_cast %get3A_386 : vector<1x1x19200xf32> to vector<1x19200xf32>
    %get3A_388 = arith.constant 1 : index
    %get3A_389 = arith.constant 0 : index
    %get3A_390 = arith.constant 672000 : index
    %get3A_391 = vector.load %arg0[%get3A_388, %get3A_389, %get3A_390] : memref<2x1x819200xf32, #tpu.memory_space<vmem>>, vector<1x1x19200xf32>
    %get3A_392 = vector.shape_cast %get3A_391 : vector<1x1x19200xf32> to vector<1x19200xf32>
    %add3A_393 = arith.addf %get3A_387, %get3A_392 : vector<1x19200xf32>
    %get3A_394 = arith.constant 0 : index
    %get3A_395 = arith.constant 0 : index
    %get3A_396 = arith.constant 691200 : index
    %get3A_397 = vector.load %arg0[%get3A_394, %get3A_395, %get3A_396] : memref<2x1x819200xf32, #tpu.memory_space<vmem>>, vector<1x1x19200xf32>
    %get3A_398 = vector.shape_cast %get3A_397 : vector<1x1x19200xf32> to vector<1x19200xf32>
    %get3A_399 = arith.constant 1 : index
    %get3A_400 = arith.constant 0 : index
    %get3A_401 = arith.constant 691200 : index
    %get3A_402 = vector.load %arg0[%get3A_399, %get3A_400, %get3A_401] : memref<2x1x819200xf32, #tpu.memory_space<vmem>>, vector<1x1x19200xf32>
    %get3A_403 = vector.shape_cast %get3A_402 : vector<1x1x19200xf32> to vector<1x19200xf32>
    %add3A_404 = arith.addf %get3A_398, %get3A_403 : vector<1x19200xf32>
    %get3A_405 = arith.constant 0 : index
    %get3A_406 = arith.constant 0 : index
    %get3A_407 = arith.constant 710400 : index
    %get3A_408 = vector.load %arg0[%get3A_405, %get3A_406, %get3A_407] : memref<2x1x819200xf32, #tpu.memory_space<vmem>>, vector<1x1x19200xf32>
    %get3A_409 = vector.shape_cast %get3A_408 : vector<1x1x19200xf32> to vector<1x19200xf32>
    %get3A_410 = arith.constant 1 : index
    %get3A_411 = arith.constant 0 : index
    %get3A_412 = arith.constant 710400 : index
    %get3A_413 = vector.load %arg0[%get3A_410, %get3A_411, %get3A_412] : memref<2x1x819200xf32, #tpu.memory_space<vmem>>, vector<1x1x19200xf32>
    %get3A_414 = vector.shape_cast %get3A_413 : vector<1x1x19200xf32> to vector<1x19200xf32>
    %add3A_415 = arith.addf %get3A_409, %get3A_414 : vector<1x19200xf32>
    %get3A_416 = arith.constant 0 : index
    %get3A_417 = arith.constant 0 : index
    %get3A_418 = arith.constant 729600 : index
    %get3A_419 = vector.load %arg0[%get3A_416, %get3A_417, %get3A_418] : memref<2x1x819200xf32, #tpu.memory_space<vmem>>, vector<1x1x19200xf32>
    %get3A_420 = vector.shape_cast %get3A_419 : vector<1x1x19200xf32> to vector<1x19200xf32>
    %get3A_421 = arith.constant 1 : index
    %get3A_422 = arith.constant 0 : index
    %get3A_423 = arith.constant 729600 : index
    %get3A_424 = vector.load %arg0[%get3A_421, %get3A_422, %get3A_423] : memref<2x1x819200xf32, #tpu.memory_space<vmem>>, vector<1x1x19200xf32>
    %get3A_425 = vector.shape_cast %get3A_424 : vector<1x1x19200xf32> to vector<1x19200xf32>
    %add3A_426 = arith.addf %get3A_420, %get3A_425 : vector<1x19200xf32>
    %get3A_427 = arith.constant 0 : index
    %get3A_428 = arith.constant 0 : index
    %get3A_429 = arith.constant 748800 : index
    %get3A_430 = vector.load %arg0[%get3A_427, %get3A_428, %get3A_429] : memref<2x1x819200xf32, #tpu.memory_space<vmem>>, vector<1x1x19200xf32>
    %get3A_431 = vector.shape_cast %get3A_430 : vector<1x1x19200xf32> to vector<1x19200xf32>
    %get3A_432 = arith.constant 1 : index
    %get3A_433 = arith.constant 0 : index
    %get3A_434 = arith.constant 748800 : index
    %get3A_435 = vector.load %arg0[%get3A_432, %get3A_433, %get3A_434] : memref<2x1x819200xf32, #tpu.memory_space<vmem>>, vector<1x1x19200xf32>
    %get3A_436 = vector.shape_cast %get3A_435 : vector<1x1x19200xf32> to vector<1x19200xf32>
    %add3A_437 = arith.addf %get3A_431, %get3A_436 : vector<1x19200xf32>
    %get3A_438 = arith.constant 0 : index
    %get3A_439 = arith.constant 0 : index
    %get3A_440 = arith.constant 768000 : index
    %get3A_441 = vector.load %arg0[%get3A_438, %get3A_439, %get3A_440] : memref<2x1x819200xf32, #tpu.memory_space<vmem>>, vector<1x1x19200xf32>
    %get3A_442 = vector.shape_cast %get3A_441 : vector<1x1x19200xf32> to vector<1x19200xf32>
    %get3A_443 = arith.constant 1 : index
    %get3A_444 = arith.constant 0 : index
    %get3A_445 = arith.constant 768000 : index
    %get3A_446 = vector.load %arg0[%get3A_443, %get3A_444, %get3A_445] : memref<2x1x819200xf32, #tpu.memory_space<vmem>>, vector<1x1x19200xf32>
    %get3A_447 = vector.shape_cast %get3A_446 : vector<1x1x19200xf32> to vector<1x19200xf32>
    %add3A_448 = arith.addf %get3A_442, %get3A_447 : vector<1x19200xf32>
    %get3A_449 = arith.constant 0 : index
    %get3A_450 = arith.constant 0 : index
    %get3A_451 = arith.constant 787200 : index
    %get3A_452 = vector.load %arg0[%get3A_449, %get3A_450, %get3A_451] : memref<2x1x819200xf32, #tpu.memory_space<vmem>>, vector<1x1x19200xf32>
    %get3A_453 = vector.shape_cast %get3A_452 : vector<1x1x19200xf32> to vector<1x19200xf32>
    %get3A_454 = arith.constant 1 : index
    %get3A_455 = arith.constant 0 : index
    %get3A_456 = arith.constant 787200 : index
    %get3A_457 = vector.load %arg0[%get3A_454, %get3A_455, %get3A_456] : memref<2x1x819200xf32, #tpu.memory_space<vmem>>, vector<1x1x19200xf32>
    %get3A_458 = vector.shape_cast %get3A_457 : vector<1x1x19200xf32> to vector<1x19200xf32>
    %add3A_459 = arith.addf %get3A_453, %get3A_458 : vector<1x19200xf32>
    %concatenate3A = tpu.concatenate %add3A, %add3A_19, %add3A_30, %add3A_41, %add3A_52, %add3A_63, %add3A_74, %add3A_85, %add3A_96, %add3A_107, %add3A_118, %add3A_129, %add3A_140, %add3A_151, %add3A_162, %add3A_173, %add3A_184, %add3A_195, %add3A_206, %add3A_217, %add3A_228, %add3A_239, %add3A_250, %add3A_261, %add3A_272, %add3A_283, %add3A_294, %add3A_305, %add3A_316, %add3A_327, %add3A_338, %add3A_349, %add3A_360, %add3A_371, %add3A_382, %add3A_393, %add3A_404, %add3A_415, %add3A_426, %add3A_437, %add3A_448, %add3A_459 in 0 : vector<1x19200xf32>, vector<1x19200xf32>, vector<1x19200xf32>, vector<1x19200xf32>, vector<1x19200xf32>, vector<1x19200xf32>, vector<1x19200xf32>, vector<1x19200xf32>, vector<1x19200xf32>, vector<1x19200xf32>, vector<1x19200xf32>, vector<1x19200xf32>, vector<1x19200xf32>, vector<1x19200xf32>, vector<1x19200xf32>, vector<1x19200xf32>, vector<1x19200xf32>, vector<1x19200xf32>, vector<1x19200xf32>, vector<1x19200xf32>, vector<1x19200xf32>, vector<1x19200xf32>, vector<1x19200xf32>, vector<1x19200xf32>, vector<1x19200xf32>, vector<1x19200xf32>, vector<1x19200xf32>, vector<1x19200xf32>, vector<1x19200xf32>, vector<1x19200xf32>, vector<1x19200xf32>, vector<1x19200xf32>, vector<1x19200xf32>, vector<1x19200xf32>, vector<1x19200xf32>, vector<1x19200xf32>, vector<1x19200xf32>, vector<1x19200xf32>, vector<1x19200xf32>, vector<1x19200xf32>, vector<1x19200xf32>, vector<1x19200xf32> -> vector<42x19200xf32>
    %reduce_max3A = arith.constant dense<0xFF800000> : vector<42xf32>
    %reduce_max3A_460 = vector.multi_reduction <maximumf>, %concatenate3A, %reduce_max3A [1] : vector<42x19200xf32> to vector<42xf32>
    %broadcast_in_dim3A = vector.shape_cast %reduce_max3A_460 : vector<42xf32> to vector<42x1xf32>
    %iota3A = tpu.iota {dimensions = array<i32: 1>} : vector<42x19200xi32>
    %eq3A = vector.broadcast %broadcast_in_dim3A : vector<42x1xf32> to vector<42x19200xf32>
    %eq3A_461 = arith.cmpf oeq, %concatenate3A, %eq3A : vector<42x19200xf32>
    %jit3A = arith.constant 19200 : i32
    %broadcast_in_dim3A_462 = vector.broadcast %jit3A : i32 to vector<42x19200xi32>
    %select_n3A = arith.select %eq3A_461, %iota3A, %broadcast_in_dim3A_462 : vector<42x19200xi1>, vector<42x19200xi32>
    %reduce_min3A = arith.constant dense<2147483647> : vector<42xi32>
    %reduce_min3A_463 = vector.multi_reduction <minsi>, %select_n3A, %reduce_min3A [1] : vector<42x19200xi32> to vector<42xi32>
    %broadcast_in_dim3A_464 = vector.shape_cast %reduce_min3A_463 : vector<42xi32> to vector<42x1xi32>
    %jit3A_465 = arith.constant 160 : i32
    %div3A = vector.broadcast %jit3A_465 : i32 to vector<42x1xi32>
    %div3A_466 = arith.divsi %broadcast_in_dim3A_464, %div3A : vector<42x1xi32>
    %sign3A = arith.constant 0 : i32
    %sign3A_467 = vector.broadcast %sign3A : i32 to vector<42x1xi32>
    %sign3A_468 = arith.cmpi sgt, %broadcast_in_dim3A_464, %sign3A_467 : vector<42x1xi32>
    %sign3A_469 = arith.extui %sign3A_468 : vector<42x1xi1> to vector<42x1xi32>
    %sign3A_470 = arith.constant 0 : i32
    %sign3A_471 = vector.broadcast %sign3A_470 : i32 to vector<42x1xi32>
    %sign3A_472 = arith.cmpi slt, %broadcast_in_dim3A_464, %sign3A_471 : vector<42x1xi32>
    %sign3A_473 = arith.extui %sign3A_472 : vector<42x1xi1> to vector<42x1xi32>
    %sign3A_474 = arith.subi %sign3A_469, %sign3A_473 : vector<42x1xi32>
    %sign3A_475 = arith.constant 0 : i32
    %sign3A_476 = arith.cmpi sgt, %jit3A_465, %sign3A_475 : i32
    %sign3A_477 = arith.extui %sign3A_476 : i1 to i32
    %sign3A_478 = arith.constant 0 : i32
    %sign3A_479 = arith.cmpi slt, %jit3A_465, %sign3A_478 : i32
    %sign3A_480 = arith.extui %sign3A_479 : i1 to i32
    %sign3A_481 = arith.subi %sign3A_477, %sign3A_480 : i32
    %ne3A = vector.broadcast %sign3A_481 : i32 to vector<42x1xi32>
    %ne3A_482 = arith.cmpi ne, %sign3A_474, %ne3A : vector<42x1xi32>
    %rem3A = vector.broadcast %jit3A_465 : i32 to vector<42x1xi32>
    %rem3A_483 = arith.remsi %broadcast_in_dim3A_464, %rem3A : vector<42x1xi32>
    %ne3A_484 = arith.constant 0 : i32
    %ne3A_485 = vector.broadcast %ne3A_484 : i32 to vector<42x1xi32>
    %ne3A_486 = arith.cmpi ne, %rem3A_483, %ne3A_485 : vector<42x1xi32>
    %and3A = arith.andi %ne3A_482, %ne3A_486 : vector<42x1xi1>
    %sub3A = arith.constant 1 : i32
    %sub3A_487 = vector.broadcast %sub3A : i32 to vector<42x1xi32>
    %sub3A_488 = arith.subi %div3A_466, %sub3A_487 : vector<42x1xi32>
    %select_n3A_489 = arith.select %and3A, %sub3A_488, %div3A_466 : vector<42x1xi1>, vector<42x1xi32>
    %convert_element_type3A = arith.sitofp %select_n3A_489 : vector<42x1xi32> to vector<42x1xf32>
    %mul3A = arith.constant 4.000000e+00 : f32
    %mul3A_490 = vector.broadcast %mul3A : f32 to vector<42x1xf32>
    %mul3A_491 = arith.mulf %convert_element_type3A, %mul3A_490 : vector<42x1xf32>
    %jit3A_492 = arith.constant 160 : i32
    %eq3A_493 = arith.constant 0 : i32
    %eq3A_494 = arith.cmpi eq, %jit3A_492, %eq3A_493 : i32
    %jit3A_495 = arith.constant 1 : i32
    %select_n3A_496 = arith.select %eq3A_494, %jit3A_495, %jit3A_492 : i32
    %rem3A_497 = vector.broadcast %select_n3A_496 : i32 to vector<42x1xi32>
    %rem3A_498 = arith.remsi %broadcast_in_dim3A_464, %rem3A_497 : vector<42x1xi32>
    %ne3A_499 = arith.constant 0 : i32
    %ne3A_500 = vector.broadcast %ne3A_499 : i32 to vector<42x1xi32>
    %ne3A_501 = arith.cmpi ne, %rem3A_498, %ne3A_500 : vector<42x1xi32>
    %lt3A = arith.constant 0 : i32
    %lt3A_502 = vector.broadcast %lt3A : i32 to vector<42x1xi32>
    %lt3A_503 = arith.cmpi slt, %rem3A_498, %lt3A_502 : vector<42x1xi32>
    %lt3A_504 = arith.constant 0 : i32
    %lt3A_505 = arith.cmpi slt, %select_n3A_496, %lt3A_504 : i32
    %ne3A_506 = vector.broadcast %lt3A_505 : i1 to vector<42x1xi1>
    %ne3A_507 = vector.broadcast %ne3A_506 : vector<42x1xi1> to vector<42x1xi1>
    %ne3A_508 = arith.xori %lt3A_503, %ne3A_507 : vector<42x1xi1>
    %and3A_509 = arith.andi %ne3A_508, %ne3A_501 : vector<42x1xi1>
    %add3A_510 = vector.broadcast %select_n3A_496 : i32 to vector<42x1xi32>
    %add3A_511 = arith.addi %rem3A_498, %add3A_510 : vector<42x1xi32>
    %select_n3A_512 = arith.select %and3A_509, %add3A_511, %rem3A_498 : vector<42x1xi1>, vector<42x1xi32>
    %convert_element_type3A_513 = arith.sitofp %select_n3A_512 : vector<42x1xi32> to vector<42x1xf32>
    %mul3A_514 = arith.constant 4.000000e+00 : f32
    %mul3A_515 = vector.broadcast %mul3A_514 : f32 to vector<42x1xf32>
    %mul3A_516 = arith.mulf %convert_element_type3A_513, %mul3A_515 : vector<42x1xf32>
    %get3A_517 = arith.constant 0 : index
    %get3A_518 = arith.constant 0 : index
    %get3A_519 = arith.constant 0 : index
    %get3A_520 = vector.load %arg1[%get3A_517, %get3A_518, %get3A_519] : memref<2x21x2xf32, #tpu.memory_space<vmem>>, vector<1x21x1xf32>
    %get3A_521 = vector.shape_cast %get3A_520 : vector<1x21x1xf32> to vector<21x1xf32>
    %get3A_522 = arith.constant 1 : index
    %get3A_523 = arith.constant 0 : index
    %get3A_524 = arith.constant 0 : index
    %get3A_525 = vector.load %arg1[%get3A_522, %get3A_523, %get3A_524] : memref<2x21x2xf32, #tpu.memory_space<vmem>>, vector<1x21x1xf32>
    %get3A_526 = vector.shape_cast %get3A_525 : vector<1x21x1xf32> to vector<21x1xf32>
    %concatenate3A_527 = tpu.concatenate %get3A_521, %get3A_526 in 0 : vector<21x1xf32>, vector<21x1xf32> -> vector<42x1xf32>
    %add3A_528 = arith.constant 9.99999997E-7 : f32
    %add3A_529 = vector.broadcast %add3A_528 : f32 to vector<42x1xf32>
    %add3A_530 = arith.addf %concatenate3A_527, %add3A_529 : vector<42x1xf32>
    %get3A_531 = arith.constant 0 : index
    %get3A_532 = arith.constant 0 : index
    %get3A_533 = arith.constant 1 : index
    %get3A_534 = vector.load %arg1[%get3A_531, %get3A_532, %get3A_533] : memref<2x21x2xf32, #tpu.memory_space<vmem>>, vector<1x21x1xf32>
    %get3A_535 = vector.shape_cast %get3A_534 : vector<1x21x1xf32> to vector<21x1xf32>
    %get3A_536 = arith.constant 1 : index
    %get3A_537 = arith.constant 0 : index
    %get3A_538 = arith.constant 1 : index
    %get3A_539 = vector.load %arg1[%get3A_536, %get3A_537, %get3A_538] : memref<2x21x2xf32, #tpu.memory_space<vmem>>, vector<1x21x1xf32>
    %get3A_540 = vector.shape_cast %get3A_539 : vector<1x21x1xf32> to vector<21x1xf32>
    %concatenate3A_541 = tpu.concatenate %get3A_535, %get3A_540 in 0 : vector<21x1xf32>, vector<21x1xf32> -> vector<42x1xf32>
    %div3A_542 = arith.divf %concatenate3A_541, %add3A_530 : vector<42x1xf32>
    %get3A_543 = arith.constant 0 : index
    %get3A_544 = arith.constant 0 : index
    %get3A_545 = vector.load %arg2[%get3A_543, %get3A_544] : memref<22x3xf32, #tpu.memory_space<vmem>>, vector<22x3xf32>
    %reduce_max3A_546 = arith.constant dense<0xFF800000> : vector<22xf32>
    %reduce_max3A_547 = vector.multi_reduction <maximumf>, %get3A_545, %reduce_max3A_546 [1] : vector<22x3xf32> to vector<22xf32>
    %broadcast_in_dim3A_548 = vector.shape_cast %reduce_max3A_547 : vector<22xf32> to vector<22x1xf32>
    %slice3A = vector.extract_strided_slice %broadcast_in_dim3A_548 {offsets = [1, 0], sizes = [21, 1], strides = [1, 1]} : vector<22x1xf32> to vector<21x1xf32>
    %concatenate3A_549 = tpu.concatenate %slice3A, %slice3A in 0 : vector<21x1xf32>, vector<21x1xf32> -> vector<42x1xf32>
    %iota3A_550 = tpu.iota {dimensions = array<i32: 0>} : vector<42x1xi32>
    %ge3A = arith.constant 21 : i32
    %ge3A_551 = vector.broadcast %ge3A : i32 to vector<42x1xi32>
    %ge3A_552 = arith.cmpi sge, %iota3A_550, %ge3A_551 : vector<42x1xi32>
    %get3A_553 = arith.constant 1 : index
    %get3A_554 = arith.constant 0 : index
    %get3A_555 = vector.load %arg3[%get3A_553, %get3A_554] : memref<2x48xf32, #tpu.memory_space<vmem>>, vector<1x1xf32>
    %get3A_556 = vector.extract %get3A_555[0, 0] : f32 from vector<1x1xf32>
    %get3A_557 = arith.constant 0 : index
    %get3A_558 = arith.constant 0 : index
    %get3A_559 = vector.load %arg3[%get3A_557, %get3A_558] : memref<2x48xf32, #tpu.memory_space<vmem>>, vector<1x1xf32>
    %get3A_560 = vector.extract %get3A_559[0, 0] : f32 from vector<1x1xf32>
    %broadcast_in_dim3A_561 = vector.broadcast %get3A_556 : f32 to vector<42x1xf32>
    %broadcast_in_dim3A_562 = vector.broadcast %get3A_560 : f32 to vector<42x1xf32>
    %select_n3A_563 = arith.select %ge3A_552, %broadcast_in_dim3A_561, %broadcast_in_dim3A_562 : vector<42x1xi1>, vector<42x1xf32>
    %get3A_564 = arith.constant 1 : index
    %get3A_565 = arith.constant 4 : index
    %get3A_566 = vector.load %arg3[%get3A_564, %get3A_565] : memref<2x48xf32, #tpu.memory_space<vmem>>, vector<1x1xf32>
    %get3A_567 = vector.extract %get3A_566[0, 0] : f32 from vector<1x1xf32>
    %get3A_568 = arith.constant 0 : index
    %get3A_569 = arith.constant 4 : index
    %get3A_570 = vector.load %arg3[%get3A_568, %get3A_569] : memref<2x48xf32, #tpu.memory_space<vmem>>, vector<1x1xf32>
    %get3A_571 = vector.extract %get3A_570[0, 0] : f32 from vector<1x1xf32>
    %broadcast_in_dim3A_572 = vector.broadcast %get3A_567 : f32 to vector<42x1xf32>
    %broadcast_in_dim3A_573 = vector.broadcast %get3A_571 : f32 to vector<42x1xf32>
    %select_n3A_574 = arith.select %ge3A_552, %broadcast_in_dim3A_572, %broadcast_in_dim3A_573 : vector<42x1xi1>, vector<42x1xf32>
    %get3A_575 = arith.constant 1 : index
    %get3A_576 = arith.constant 2 : index
    %get3A_577 = vector.load %arg3[%get3A_575, %get3A_576] : memref<2x48xf32, #tpu.memory_space<vmem>>, vector<1x1xf32>
    %get3A_578 = vector.extract %get3A_577[0, 0] : f32 from vector<1x1xf32>
    %get3A_579 = arith.constant 0 : index
    %get3A_580 = arith.constant 2 : index
    %get3A_581 = vector.load %arg3[%get3A_579, %get3A_580] : memref<2x48xf32, #tpu.memory_space<vmem>>, vector<1x1xf32>
    %get3A_582 = vector.extract %get3A_581[0, 0] : f32 from vector<1x1xf32>
    %broadcast_in_dim3A_583 = vector.broadcast %get3A_578 : f32 to vector<42x1xf32>
    %broadcast_in_dim3A_584 = vector.broadcast %get3A_582 : f32 to vector<42x1xf32>
    %select_n3A_585 = arith.select %ge3A_552, %broadcast_in_dim3A_583, %broadcast_in_dim3A_584 : vector<42x1xi1>, vector<42x1xf32>
    %get3A_586 = arith.constant 1 : index
    %get3A_587 = arith.constant 5 : index
    %get3A_588 = vector.load %arg3[%get3A_586, %get3A_587] : memref<2x48xf32, #tpu.memory_space<vmem>>, vector<1x1xf32>
    %get3A_589 = vector.extract %get3A_588[0, 0] : f32 from vector<1x1xf32>
    %get3A_590 = arith.constant 0 : index
    %get3A_591 = arith.constant 5 : index
    %get3A_592 = vector.load %arg3[%get3A_590, %get3A_591] : memref<2x48xf32, #tpu.memory_space<vmem>>, vector<1x1xf32>
    %get3A_593 = vector.extract %get3A_592[0, 0] : f32 from vector<1x1xf32>
    %broadcast_in_dim3A_594 = vector.broadcast %get3A_589 : f32 to vector<42x1xf32>
    %broadcast_in_dim3A_595 = vector.broadcast %get3A_593 : f32 to vector<42x1xf32>
    %select_n3A_596 = arith.select %ge3A_552, %broadcast_in_dim3A_594, %broadcast_in_dim3A_595 : vector<42x1xi1>, vector<42x1xf32>
    %mul3A_597 = arith.mulf %select_n3A_563, %concatenate3A_549 : vector<42x1xf32>
    %div3A_598 = arith.divf %mul3A_597, %div3A_542 : vector<42x1xf32>
    %mul3A_599 = arith.mulf %select_n3A_574, %concatenate3A_549 : vector<42x1xf32>
    %div3A_600 = arith.divf %mul3A_599, %div3A_542 : vector<42x1xf32>
    %gt3A = arith.constant 1.000000e+02 : f32
    %gt3A_601 = vector.broadcast %gt3A : f32 to vector<42x1xf32>
    %gt3A_602 = arith.cmpf ogt, %broadcast_in_dim3A, %gt3A_601 : vector<42x1xf32>
    %convert_element_type3A_603 = arith.extui %gt3A_602 : vector<42x1xi1> to vector<42x1xi32>
    %convert_element_type3A_604 = arith.sitofp %convert_element_type3A_603 : vector<42x1xi32> to vector<42x1xf32>
    %jit3A_605 = arith.constant 21 : i32
    %eq3A_606 = arith.constant 0 : i32
    %eq3A_607 = arith.cmpi eq, %jit3A_605, %eq3A_606 : i32
    %jit3A_608 = arith.constant 1 : i32
    %select_n3A_609 = arith.select %eq3A_607, %jit3A_608, %jit3A_605 : i32
    %rem3A_610 = vector.broadcast %select_n3A_609 : i32 to vector<42x1xi32>
    %rem3A_611 = arith.remsi %iota3A_550, %rem3A_610 : vector<42x1xi32>
    %ne3A_612 = arith.constant 0 : i32
    %ne3A_613 = vector.broadcast %ne3A_612 : i32 to vector<42x1xi32>
    %ne3A_614 = arith.cmpi ne, %rem3A_611, %ne3A_613 : vector<42x1xi32>
    %lt3A_615 = arith.constant 0 : i32
    %lt3A_616 = vector.broadcast %lt3A_615 : i32 to vector<42x1xi32>
    %lt3A_617 = arith.cmpi slt, %rem3A_611, %lt3A_616 : vector<42x1xi32>
    %lt3A_618 = arith.constant 0 : i32
    %lt3A_619 = arith.cmpi slt, %select_n3A_609, %lt3A_618 : i32
    %ne3A_620 = vector.broadcast %lt3A_619 : i1 to vector<42x1xi1>
    %ne3A_621 = vector.broadcast %ne3A_620 : vector<42x1xi1> to vector<42x1xi1>
    %ne3A_622 = arith.xori %lt3A_617, %ne3A_621 : vector<42x1xi1>
    %and3A_623 = arith.andi %ne3A_622, %ne3A_614 : vector<42x1xi1>
    %add3A_624 = vector.broadcast %select_n3A_609 : i32 to vector<42x1xi32>
    %add3A_625 = arith.addi %rem3A_611, %add3A_624 : vector<42x1xi32>
    %select_n3A_626 = arith.select %and3A_623, %add3A_625, %rem3A_611 : vector<42x1xi1>, vector<42x1xi32>
    %add3A_627 = arith.constant 1 : i32
    %add3A_628 = vector.broadcast %add3A_627 : i32 to vector<42x1xi32>
    %add3A_629 = arith.addi %select_n3A_626, %add3A_628 : vector<42x1xi32>
    %convert_element_type3A_630 = arith.sitofp %add3A_629 : vector<42x1xi32> to vector<42x1xf32>
    %mul3A_631 = arith.constant 5.000000e-01 : f32
    %mul3A_632 = vector.broadcast %mul3A_631 : f32 to vector<42x1xf32>
    %mul3A_633 = arith.mulf %div3A_598, %mul3A_632 : vector<42x1xf32>
    %sub3A_634 = arith.subf %mul3A_516, %mul3A_633 : vector<42x1xf32>
    %mul3A_635 = arith.constant 5.000000e-01 : f32
    %mul3A_636 = vector.broadcast %mul3A_635 : f32 to vector<42x1xf32>
    %mul3A_637 = arith.mulf %div3A_600, %mul3A_636 : vector<42x1xf32>
    %sub3A_638 = arith.subf %mul3A_491, %mul3A_637 : vector<42x1xf32>
    %mul3A_639 = arith.constant 5.000000e-01 : f32
    %mul3A_640 = vector.broadcast %mul3A_639 : f32 to vector<42x1xf32>
    %mul3A_641 = arith.mulf %div3A_598, %mul3A_640 : vector<42x1xf32>
    %add3A_642 = arith.addf %mul3A_516, %mul3A_641 : vector<42x1xf32>
    %mul3A_643 = arith.constant 5.000000e-01 : f32
    %mul3A_644 = vector.broadcast %mul3A_643 : f32 to vector<42x1xf32>
    %mul3A_645 = arith.mulf %div3A_600, %mul3A_644 : vector<42x1xf32>
    %add3A_646 = arith.addf %mul3A_491, %mul3A_645 : vector<42x1xf32>
    %sub3A_647 = arith.subf %mul3A_516, %select_n3A_585 : vector<42x1xf32>
    %mul3A_648 = arith.mulf %sub3A_647, %div3A_542 : vector<42x1xf32>
    %div3A_649 = arith.divf %mul3A_648, %select_n3A_563 : vector<42x1xf32>
    %sub3A_650 = arith.subf %mul3A_491, %select_n3A_596 : vector<42x1xf32>
    %mul3A_651 = arith.mulf %sub3A_650, %div3A_542 : vector<42x1xf32>
    %div3A_652 = arith.divf %mul3A_651, %select_n3A_574 : vector<42x1xf32>
    %add3A_653 = arith.constant 8.000000e+00 : f32
    %add3A_654 = vector.broadcast %add3A_653 : f32 to vector<42x1xf32>
    %add3A_655 = arith.addf %add3A_530, %add3A_654 : vector<42x1xf32>
    %div3A_656 = arith.divf %broadcast_in_dim3A, %add3A_655 : vector<42x1xf32>
    %slice3A_657 = vector.extract_strided_slice %convert_element_type3A_630 {offsets = [0, 0], sizes = [21, 1], strides = [1, 1]} : vector<42x1xf32> to vector<21x1xf32>
    %swap3A = arith.constant 0 : index
    %swap3A_658 = arith.constant 0 : index
    %swap3A_659 = arith.constant 0 : index
    %swap3A_660 = vector.load %arg4[%swap3A, %swap3A_658, %swap3A_659] : memref<2x21x7xf32, #tpu.memory_space<vmem>>, vector<1x21x1xf32>
    %swap3A_661 = vector.shape_cast %swap3A_660 : vector<1x21x1xf32> to vector<21x1xf32>
    %swap3A_662 = vector.shape_cast %slice3A_657 : vector<21x1xf32> to vector<1x21x1xf32>
    tpu.vector_store %arg4[%swap3A, %swap3A_658, %swap3A_659], %swap3A_662 {strides = array<i32>} : memref<2x21x7xf32, #tpu.memory_space<vmem>>, vector<1x21x1xf32>,
    %slice3A_663 = vector.extract_strided_slice %convert_element_type3A_630 {offsets = [21, 0], sizes = [21, 1], strides = [1, 1]} : vector<42x1xf32> to vector<21x1xf32>
    %swap3A_664 = arith.constant 1 : index
    %swap3A_665 = arith.constant 0 : index
    %swap3A_666 = arith.constant 0 : index
    %swap3A_667 = vector.load %arg4[%swap3A_664, %swap3A_665, %swap3A_666] : memref<2x21x7xf32, #tpu.memory_space<vmem>>, vector<1x21x1xf32>
    %swap3A_668 = vector.shape_cast %swap3A_667 : vector<1x21x1xf32> to vector<21x1xf32>
    %swap3A_669 = vector.shape_cast %slice3A_663 : vector<21x1xf32> to vector<1x21x1xf32>
    tpu.vector_store %arg4[%swap3A_664, %swap3A_665, %swap3A_666], %swap3A_669 {strides = array<i32>} : memref<2x21x7xf32, #tpu.memory_space<vmem>>, vector<1x21x1xf32>,
    %slice3A_670 = vector.extract_strided_slice %sub3A_634 {offsets = [0, 0], sizes = [21, 1], strides = [1, 1]} : vector<42x1xf32> to vector<21x1xf32>
    %swap3A_671 = arith.constant 0 : index
    %swap3A_672 = arith.constant 0 : index
    %swap3A_673 = arith.constant 1 : index
    %swap3A_674 = vector.load %arg4[%swap3A_671, %swap3A_672, %swap3A_673] : memref<2x21x7xf32, #tpu.memory_space<vmem>>, vector<1x21x1xf32>
    %swap3A_675 = vector.shape_cast %swap3A_674 : vector<1x21x1xf32> to vector<21x1xf32>
    %swap3A_676 = vector.shape_cast %slice3A_670 : vector<21x1xf32> to vector<1x21x1xf32>
    tpu.vector_store %arg4[%swap3A_671, %swap3A_672, %swap3A_673], %swap3A_676 {strides = array<i32>} : memref<2x21x7xf32, #tpu.memory_space<vmem>>, vector<1x21x1xf32>,
    %slice3A_677 = vector.extract_strided_slice %sub3A_634 {offsets = [21, 0], sizes = [21, 1], strides = [1, 1]} : vector<42x1xf32> to vector<21x1xf32>
    %swap3A_678 = arith.constant 1 : index
    %swap3A_679 = arith.constant 0 : index
    %swap3A_680 = arith.constant 1 : index
    %swap3A_681 = vector.load %arg4[%swap3A_678, %swap3A_679, %swap3A_680] : memref<2x21x7xf32, #tpu.memory_space<vmem>>, vector<1x21x1xf32>
    %swap3A_682 = vector.shape_cast %swap3A_681 : vector<1x21x1xf32> to vector<21x1xf32>
    %swap3A_683 = vector.shape_cast %slice3A_677 : vector<21x1xf32> to vector<1x21x1xf32>
    tpu.vector_store %arg4[%swap3A_678, %swap3A_679, %swap3A_680], %swap3A_683 {strides = array<i32>} : memref<2x21x7xf32, #tpu.memory_space<vmem>>, vector<1x21x1xf32>,
    %slice3A_684 = vector.extract_strided_slice %sub3A_638 {offsets = [0, 0], sizes = [21, 1], strides = [1, 1]} : vector<42x1xf32> to vector<21x1xf32>
    %swap3A_685 = arith.constant 0 : index
    %swap3A_686 = arith.constant 0 : index
    %swap3A_687 = arith.constant 2 : index
    %swap3A_688 = vector.load %arg4[%swap3A_685, %swap3A_686, %swap3A_687] : memref<2x21x7xf32, #tpu.memory_space<vmem>>, vector<1x21x1xf32>
    %swap3A_689 = vector.shape_cast %swap3A_688 : vector<1x21x1xf32> to vector<21x1xf32>
    %swap3A_690 = vector.shape_cast %slice3A_684 : vector<21x1xf32> to vector<1x21x1xf32>
    tpu.vector_store %arg4[%swap3A_685, %swap3A_686, %swap3A_687], %swap3A_690 {strides = array<i32>} : memref<2x21x7xf32, #tpu.memory_space<vmem>>, vector<1x21x1xf32>,
    %slice3A_691 = vector.extract_strided_slice %sub3A_638 {offsets = [21, 0], sizes = [21, 1], strides = [1, 1]} : vector<42x1xf32> to vector<21x1xf32>
    %swap3A_692 = arith.constant 1 : index
    %swap3A_693 = arith.constant 0 : index
    %swap3A_694 = arith.constant 2 : index
    %swap3A_695 = vector.load %arg4[%swap3A_692, %swap3A_693, %swap3A_694] : memref<2x21x7xf32, #tpu.memory_space<vmem>>, vector<1x21x1xf32>
    %swap3A_696 = vector.shape_cast %swap3A_695 : vector<1x21x1xf32> to vector<21x1xf32>
    %swap3A_697 = vector.shape_cast %slice3A_691 : vector<21x1xf32> to vector<1x21x1xf32>
    tpu.vector_store %arg4[%swap3A_692, %swap3A_693, %swap3A_694], %swap3A_697 {strides = array<i32>} : memref<2x21x7xf32, #tpu.memory_space<vmem>>, vector<1x21x1xf32>,
    %slice3A_698 = vector.extract_strided_slice %add3A_642 {offsets = [0, 0], sizes = [21, 1], strides = [1, 1]} : vector<42x1xf32> to vector<21x1xf32>
    %swap3A_699 = arith.constant 0 : index
    %swap3A_700 = arith.constant 0 : index
    %swap3A_701 = arith.constant 3 : index
    %swap3A_702 = vector.load %arg4[%swap3A_699, %swap3A_700, %swap3A_701] : memref<2x21x7xf32, #tpu.memory_space<vmem>>, vector<1x21x1xf32>
    %swap3A_703 = vector.shape_cast %swap3A_702 : vector<1x21x1xf32> to vector<21x1xf32>
    %swap3A_704 = vector.shape_cast %slice3A_698 : vector<21x1xf32> to vector<1x21x1xf32>
    tpu.vector_store %arg4[%swap3A_699, %swap3A_700, %swap3A_701], %swap3A_704 {strides = array<i32>} : memref<2x21x7xf32, #tpu.memory_space<vmem>>, vector<1x21x1xf32>,
    %slice3A_705 = vector.extract_strided_slice %add3A_642 {offsets = [21, 0], sizes = [21, 1], strides = [1, 1]} : vector<42x1xf32> to vector<21x1xf32>
    %swap3A_706 = arith.constant 1 : index
    %swap3A_707 = arith.constant 0 : index
    %swap3A_708 = arith.constant 3 : index
    %swap3A_709 = vector.load %arg4[%swap3A_706, %swap3A_707, %swap3A_708] : memref<2x21x7xf32, #tpu.memory_space<vmem>>, vector<1x21x1xf32>
    %swap3A_710 = vector.shape_cast %swap3A_709 : vector<1x21x1xf32> to vector<21x1xf32>
    %swap3A_711 = vector.shape_cast %slice3A_705 : vector<21x1xf32> to vector<1x21x1xf32>
    tpu.vector_store %arg4[%swap3A_706, %swap3A_707, %swap3A_708], %swap3A_711 {strides = array<i32>} : memref<2x21x7xf32, #tpu.memory_space<vmem>>, vector<1x21x1xf32>,
    %slice3A_712 = vector.extract_strided_slice %add3A_646 {offsets = [0, 0], sizes = [21, 1], strides = [1, 1]} : vector<42x1xf32> to vector<21x1xf32>
    %swap3A_713 = arith.constant 0 : index
    %swap3A_714 = arith.constant 0 : index
    %swap3A_715 = arith.constant 4 : index
    %swap3A_716 = vector.load %arg4[%swap3A_713, %swap3A_714, %swap3A_715] : memref<2x21x7xf32, #tpu.memory_space<vmem>>, vector<1x21x1xf32>
    %swap3A_717 = vector.shape_cast %swap3A_716 : vector<1x21x1xf32> to vector<21x1xf32>
    %swap3A_718 = vector.shape_cast %slice3A_712 : vector<21x1xf32> to vector<1x21x1xf32>
    tpu.vector_store %arg4[%swap3A_713, %swap3A_714, %swap3A_715], %swap3A_718 {strides = array<i32>} : memref<2x21x7xf32, #tpu.memory_space<vmem>>, vector<1x21x1xf32>,
    %slice3A_719 = vector.extract_strided_slice %add3A_646 {offsets = [21, 0], sizes = [21, 1], strides = [1, 1]} : vector<42x1xf32> to vector<21x1xf32>
    %swap3A_720 = arith.constant 1 : index
    %swap3A_721 = arith.constant 0 : index
    %swap3A_722 = arith.constant 4 : index
    %swap3A_723 = vector.load %arg4[%swap3A_720, %swap3A_721, %swap3A_722] : memref<2x21x7xf32, #tpu.memory_space<vmem>>, vector<1x21x1xf32>
    %swap3A_724 = vector.shape_cast %swap3A_723 : vector<1x21x1xf32> to vector<21x1xf32>
    %swap3A_725 = vector.shape_cast %slice3A_719 : vector<21x1xf32> to vector<1x21x1xf32>
    tpu.vector_store %arg4[%swap3A_720, %swap3A_721, %swap3A_722], %swap3A_725 {strides = array<i32>} : memref<2x21x7xf32, #tpu.memory_space<vmem>>, vector<1x21x1xf32>,
    %slice3A_726 = vector.extract_strided_slice %broadcast_in_dim3A {offsets = [0, 0], sizes = [21, 1], strides = [1, 1]} : vector<42x1xf32> to vector<21x1xf32>
    %swap3A_727 = arith.constant 0 : index
    %swap3A_728 = arith.constant 0 : index
    %swap3A_729 = arith.constant 5 : index
    %swap3A_730 = vector.load %arg4[%swap3A_727, %swap3A_728, %swap3A_729] : memref<2x21x7xf32, #tpu.memory_space<vmem>>, vector<1x21x1xf32>
    %swap3A_731 = vector.shape_cast %swap3A_730 : vector<1x21x1xf32> to vector<21x1xf32>
    %swap3A_732 = vector.shape_cast %slice3A_726 : vector<21x1xf32> to vector<1x21x1xf32>
    tpu.vector_store %arg4[%swap3A_727, %swap3A_728, %swap3A_729], %swap3A_732 {strides = array<i32>} : memref<2x21x7xf32, #tpu.memory_space<vmem>>, vector<1x21x1xf32>,
    %slice3A_733 = vector.extract_strided_slice %broadcast_in_dim3A {offsets = [21, 0], sizes = [21, 1], strides = [1, 1]} : vector<42x1xf32> to vector<21x1xf32>
    %swap3A_734 = arith.constant 1 : index
    %swap3A_735 = arith.constant 0 : index
    %swap3A_736 = arith.constant 5 : index
    %swap3A_737 = vector.load %arg4[%swap3A_734, %swap3A_735, %swap3A_736] : memref<2x21x7xf32, #tpu.memory_space<vmem>>, vector<1x21x1xf32>
    %swap3A_738 = vector.shape_cast %swap3A_737 : vector<1x21x1xf32> to vector<21x1xf32>
    %swap3A_739 = vector.shape_cast %slice3A_733 : vector<21x1xf32> to vector<1x21x1xf32>
    tpu.vector_store %arg4[%swap3A_734, %swap3A_735, %swap3A_736], %swap3A_739 {strides = array<i32>} : memref<2x21x7xf32, #tpu.memory_space<vmem>>, vector<1x21x1xf32>,
    %slice3A_740 = vector.extract_strided_slice %convert_element_type3A_604 {offsets = [0, 0], sizes = [21, 1], strides = [1, 1]} : vector<42x1xf32> to vector<21x1xf32>
    %swap3A_741 = arith.constant 0 : index
    %swap3A_742 = arith.constant 0 : index
    %swap3A_743 = arith.constant 6 : index
    %swap3A_744 = vector.load %arg4[%swap3A_741, %swap3A_742, %swap3A_743] : memref<2x21x7xf32, #tpu.memory_space<vmem>>, vector<1x21x1xf32>
    %swap3A_745 = vector.shape_cast %swap3A_744 : vector<1x21x1xf32> to vector<21x1xf32>
    %swap3A_746 = vector.shape_cast %slice3A_740 : vector<21x1xf32> to vector<1x21x1xf32>
    tpu.vector_store %arg4[%swap3A_741, %swap3A_742, %swap3A_743], %swap3A_746 {strides = array<i32>} : memref<2x21x7xf32, #tpu.memory_space<vmem>>, vector<1x21x1xf32>,
    %slice3A_747 = vector.extract_strided_slice %convert_element_type3A_604 {offsets = [21, 0], sizes = [21, 1], strides = [1, 1]} : vector<42x1xf32> to vector<21x1xf32>
    %swap3A_748 = arith.constant 1 : index
    %swap3A_749 = arith.constant 0 : index
    %swap3A_750 = arith.constant 6 : index
    %swap3A_751 = vector.load %arg4[%swap3A_748, %swap3A_749, %swap3A_750] : memref<2x21x7xf32, #tpu.memory_space<vmem>>, vector<1x21x1xf32>
    %swap3A_752 = vector.shape_cast %swap3A_751 : vector<1x21x1xf32> to vector<21x1xf32>
    %swap3A_753 = vector.shape_cast %slice3A_747 : vector<21x1xf32> to vector<1x21x1xf32>
    tpu.vector_store %arg4[%swap3A_748, %swap3A_749, %swap3A_750], %swap3A_753 {strides = array<i32>} : memref<2x21x7xf32, #tpu.memory_space<vmem>>, vector<1x21x1xf32>,
    %slice3A_754 = vector.extract_strided_slice %div3A_649 {offsets = [0, 0], sizes = [21, 1], strides = [1, 1]} : vector<42x1xf32> to vector<21x1xf32>
    %swap3A_755 = arith.constant 0 : index
    %swap3A_756 = arith.constant 0 : index
    %swap3A_757 = arith.constant 0 : index
    %swap3A_758 = vector.load %arg5[%swap3A_755, %swap3A_756, %swap3A_757] : memref<2x21x4xf32, #tpu.memory_space<vmem>>, vector<1x21x1xf32>
    %swap3A_759 = vector.shape_cast %swap3A_758 : vector<1x21x1xf32> to vector<21x1xf32>
    %swap3A_760 = vector.shape_cast %slice3A_754 : vector<21x1xf32> to vector<1x21x1xf32>
    tpu.vector_store %arg5[%swap3A_755, %swap3A_756, %swap3A_757], %swap3A_760 {strides = array<i32>} : memref<2x21x4xf32, #tpu.memory_space<vmem>>, vector<1x21x1xf32>,
    %slice3A_761 = vector.extract_strided_slice %div3A_649 {offsets = [21, 0], sizes = [21, 1], strides = [1, 1]} : vector<42x1xf32> to vector<21x1xf32>
    %swap3A_762 = arith.constant 1 : index
    %swap3A_763 = arith.constant 0 : index
    %swap3A_764 = arith.constant 0 : index
    %swap3A_765 = vector.load %arg5[%swap3A_762, %swap3A_763, %swap3A_764] : memref<2x21x4xf32, #tpu.memory_space<vmem>>, vector<1x21x1xf32>
    %swap3A_766 = vector.shape_cast %swap3A_765 : vector<1x21x1xf32> to vector<21x1xf32>
    %swap3A_767 = vector.shape_cast %slice3A_761 : vector<21x1xf32> to vector<1x21x1xf32>
    tpu.vector_store %arg5[%swap3A_762, %swap3A_763, %swap3A_764], %swap3A_767 {strides = array<i32>} : memref<2x21x4xf32, #tpu.memory_space<vmem>>, vector<1x21x1xf32>,
    %slice3A_768 = vector.extract_strided_slice %div3A_652 {offsets = [0, 0], sizes = [21, 1], strides = [1, 1]} : vector<42x1xf32> to vector<21x1xf32>
    %swap3A_769 = arith.constant 0 : index
    %swap3A_770 = arith.constant 0 : index
    %swap3A_771 = arith.constant 1 : index
    %swap3A_772 = vector.load %arg5[%swap3A_769, %swap3A_770, %swap3A_771] : memref<2x21x4xf32, #tpu.memory_space<vmem>>, vector<1x21x1xf32>
    %swap3A_773 = vector.shape_cast %swap3A_772 : vector<1x21x1xf32> to vector<21x1xf32>
    %swap3A_774 = vector.shape_cast %slice3A_768 : vector<21x1xf32> to vector<1x21x1xf32>
    tpu.vector_store %arg5[%swap3A_769, %swap3A_770, %swap3A_771], %swap3A_774 {strides = array<i32>} : memref<2x21x4xf32, #tpu.memory_space<vmem>>, vector<1x21x1xf32>,
    %slice3A_775 = vector.extract_strided_slice %div3A_652 {offsets = [21, 0], sizes = [21, 1], strides = [1, 1]} : vector<42x1xf32> to vector<21x1xf32>
    %swap3A_776 = arith.constant 1 : index
    %swap3A_777 = arith.constant 0 : index
    %swap3A_778 = arith.constant 1 : index
    %swap3A_779 = vector.load %arg5[%swap3A_776, %swap3A_777, %swap3A_778] : memref<2x21x4xf32, #tpu.memory_space<vmem>>, vector<1x21x1xf32>
    %swap3A_780 = vector.shape_cast %swap3A_779 : vector<1x21x1xf32> to vector<21x1xf32>
    %swap3A_781 = vector.shape_cast %slice3A_775 : vector<21x1xf32> to vector<1x21x1xf32>
    tpu.vector_store %arg5[%swap3A_776, %swap3A_777, %swap3A_778], %swap3A_781 {strides = array<i32>} : memref<2x21x4xf32, #tpu.memory_space<vmem>>, vector<1x21x1xf32>,
    %slice3A_782 = vector.extract_strided_slice %div3A_542 {offsets = [0, 0], sizes = [21, 1], strides = [1, 1]} : vector<42x1xf32> to vector<21x1xf32>
    %swap3A_783 = arith.constant 0 : index
    %swap3A_784 = arith.constant 0 : index
    %swap3A_785 = arith.constant 2 : index
    %swap3A_786 = vector.load %arg5[%swap3A_783, %swap3A_784, %swap3A_785] : memref<2x21x4xf32, #tpu.memory_space<vmem>>, vector<1x21x1xf32>
    %swap3A_787 = vector.shape_cast %swap3A_786 : vector<1x21x1xf32> to vector<21x1xf32>
    %swap3A_788 = vector.shape_cast %slice3A_782 : vector<21x1xf32> to vector<1x21x1xf32>
    tpu.vector_store %arg5[%swap3A_783, %swap3A_784, %swap3A_785], %swap3A_788 {strides = array<i32>} : memref<2x21x4xf32, #tpu.memory_space<vmem>>, vector<1x21x1xf32>,
    %slice3A_789 = vector.extract_strided_slice %div3A_542 {offsets = [21, 0], sizes = [21, 1], strides = [1, 1]} : vector<42x1xf32> to vector<21x1xf32>
    %swap3A_790 = arith.constant 1 : index
    %swap3A_791 = arith.constant 0 : index
    %swap3A_792 = arith.constant 2 : index
    %swap3A_793 = vector.load %arg5[%swap3A_790, %swap3A_791, %swap3A_792] : memref<2x21x4xf32, #tpu.memory_space<vmem>>, vector<1x21x1xf32>
    %swap3A_794 = vector.shape_cast %swap3A_793 : vector<1x21x1xf32> to vector<21x1xf32>
    %swap3A_795 = vector.shape_cast %slice3A_789 : vector<21x1xf32> to vector<1x21x1xf32>
    tpu.vector_store %arg5[%swap3A_790, %swap3A_791, %swap3A_792], %swap3A_795 {strides = array<i32>} : memref<2x21x4xf32, #tpu.memory_space<vmem>>, vector<1x21x1xf32>,
    %slice3A_796 = vector.extract_strided_slice %div3A_656 {offsets = [0, 0], sizes = [21, 1], strides = [1, 1]} : vector<42x1xf32> to vector<21x1xf32>
    %swap3A_797 = arith.constant 0 : index
    %swap3A_798 = arith.constant 0 : index
    %swap3A_799 = arith.constant 3 : index
    %swap3A_800 = vector.load %arg5[%swap3A_797, %swap3A_798, %swap3A_799] : memref<2x21x4xf32, #tpu.memory_space<vmem>>, vector<1x21x1xf32>
    %swap3A_801 = vector.shape_cast %swap3A_800 : vector<1x21x1xf32> to vector<21x1xf32>
    %swap3A_802 = vector.shape_cast %slice3A_796 : vector<21x1xf32> to vector<1x21x1xf32>
    tpu.vector_store %arg5[%swap3A_797, %swap3A_798, %swap3A_799], %swap3A_802 {strides = array<i32>} : memref<2x21x4xf32, #tpu.memory_space<vmem>>, vector<1x21x1xf32>,
    %slice3A_803 = vector.extract_strided_slice %div3A_656 {offsets = [21, 0], sizes = [21, 1], strides = [1, 1]} : vector<42x1xf32> to vector<21x1xf32>
    %swap3A_804 = arith.constant 1 : index
    %swap3A_805 = arith.constant 0 : index
    %swap3A_806 = arith.constant 3 : index
    %swap3A_807 = vector.load %arg5[%swap3A_804, %swap3A_805, %swap3A_806] : memref<2x21x4xf32, #tpu.memory_space<vmem>>, vector<1x21x1xf32>
    %swap3A_808 = vector.shape_cast %swap3A_807 : vector<1x21x1xf32> to vector<21x1xf32>
    %swap3A_809 = vector.shape_cast %slice3A_803 : vector<21x1xf32> to vector<1x21x1xf32>
    tpu.vector_store %arg5[%swap3A_804, %swap3A_805, %swap3A_806], %swap3A_809 {strides = array<i32>} : memref<2x21x4xf32, #tpu.memory_space<vmem>>, vector<1x21x1xf32>,
    return
  }
}

module attributes {stable_mosaic.version = 14 : i64} {
  func.func @_prep_body(%arg0: i32, %arg1: i32, %arg2: memref<1x22x32x640xf32, #tpu.memory_space<vmem>>, %arg3: memref<1x66x32x640xf32, #tpu.memory_space<vmem>>, %arg4: memref<1x8x8x160xi32, #tpu.memory_space<vmem>>, %arg5: memref<1x8x8x160xf32, #tpu.memory_space<vmem>>, %arg6: memref<1x21x2xf32, #tpu.memory_space<vmem>>) attributes {dimension_semantics = [#tpu.dimension_semantics<arbitrary>, #tpu.dimension_semantics<arbitrary>], iteration_bounds = array<i64: 2, 15>, scalar_prefetch = 0 : i64, scratch_operands = 0 : i64, tpu.core_type = #tpu.core_type<tc>, window_params = [{transform_indices = @transform_0, window_bounds = array<i64: 1, 22, 32, 640>}, {transform_indices = @transform_1, window_bounds = array<i64: 1, 66, 32, 640>}, {transform_indices = @transform_2, window_bounds = array<i64: 1, 8, 8, 160>}, {transform_indices = @transform_3, window_bounds = array<i64: 1, 8, 8, 160>}, {transform_indices = @transform_4, window_bounds = array<i64: 1, 21, 2>}]} {
    %broadcast_in_dim3A = arith.constant 0.000000e+00 : f32
    %broadcast_in_dim3A_0 = vector.broadcast %broadcast_in_dim3A : f32 to vector<21x1xf32>
    %broadcast_in_dim3A_1 = arith.constant 0.000000e+00 : f32
    %broadcast_in_dim3A_2 = vector.broadcast %broadcast_in_dim3A_1 : f32 to vector<21x1xf32>
    %iota3A = tpu.iota {dimensions = array<i32: 0>} : vector<640x160xi32>
    %iota3A_3 = tpu.iota {dimensions = array<i32: 1>} : vector<640x160xi32>
    %mul3A = arith.constant 4 : i32
    %mul3A_4 = vector.broadcast %mul3A : i32 to vector<640x160xi32>
    %mul3A_5 = arith.muli %mul3A_4, %iota3A_3 : vector<640x160xi32>
    %eq3A = arith.cmpi eq, %iota3A, %mul3A_5 : vector<640x160xi32>
    %convert_element_type3A = arith.extui %eq3A : vector<640x160xi1> to vector<640x160xi32>
    %convert_element_type3A_6 = arith.sitofp %convert_element_type3A : vector<640x160xi32> to vector<640x160xf32>
    %get3A = arith.constant 0 : index
    %get3A_7 = arith.constant 0 : index
    %get3A_8 = arith.constant 0 : index
    %get3A_9 = arith.constant 0 : index
    %get3A_10 = vector.load %arg2[%get3A, %get3A_7, %get3A_8, %get3A_9] : memref<1x22x32x640xf32, #tpu.memory_space<vmem>>, vector<1x22x1x640xf32>
    %get3A_11 = vector.shape_cast %get3A_10 : vector<1x22x1x640xf32> to vector<22x640xf32>
    %get3A_12 = arith.constant 0 : index
    %get3A_13 = arith.constant 0 : index
    %get3A_14 = arith.constant 4 : index
    %get3A_15 = arith.constant 0 : index
    %get3A_16 = vector.load %arg2[%get3A_12, %get3A_13, %get3A_14, %get3A_15] : memref<1x22x32x640xf32, #tpu.memory_space<vmem>>, vector<1x22x1x640xf32>
    %get3A_17 = vector.shape_cast %get3A_16 : vector<1x22x1x640xf32> to vector<22x640xf32>
    %get3A_18 = arith.constant 0 : index
    %get3A_19 = arith.constant 0 : index
    %get3A_20 = arith.constant 8 : index
    %get3A_21 = arith.constant 0 : index
    %get3A_22 = vector.load %arg2[%get3A_18, %get3A_19, %get3A_20, %get3A_21] : memref<1x22x32x640xf32, #tpu.memory_space<vmem>>, vector<1x22x1x640xf32>
    %get3A_23 = vector.shape_cast %get3A_22 : vector<1x22x1x640xf32> to vector<22x640xf32>
    %get3A_24 = arith.constant 0 : index
    %get3A_25 = arith.constant 0 : index
    %get3A_26 = arith.constant 12 : index
    %get3A_27 = arith.constant 0 : index
    %get3A_28 = vector.load %arg2[%get3A_24, %get3A_25, %get3A_26, %get3A_27] : memref<1x22x32x640xf32, #tpu.memory_space<vmem>>, vector<1x22x1x640xf32>
    %get3A_29 = vector.shape_cast %get3A_28 : vector<1x22x1x640xf32> to vector<22x640xf32>
    %get3A_30 = arith.constant 0 : index
    %get3A_31 = arith.constant 0 : index
    %get3A_32 = arith.constant 16 : index
    %get3A_33 = arith.constant 0 : index
    %get3A_34 = vector.load %arg2[%get3A_30, %get3A_31, %get3A_32, %get3A_33] : memref<1x22x32x640xf32, #tpu.memory_space<vmem>>, vector<1x22x1x640xf32>
    %get3A_35 = vector.shape_cast %get3A_34 : vector<1x22x1x640xf32> to vector<22x640xf32>
    %get3A_36 = arith.constant 0 : index
    %get3A_37 = arith.constant 0 : index
    %get3A_38 = arith.constant 20 : index
    %get3A_39 = arith.constant 0 : index
    %get3A_40 = vector.load %arg2[%get3A_36, %get3A_37, %get3A_38, %get3A_39] : memref<1x22x32x640xf32, #tpu.memory_space<vmem>>, vector<1x22x1x640xf32>
    %get3A_41 = vector.shape_cast %get3A_40 : vector<1x22x1x640xf32> to vector<22x640xf32>
    %get3A_42 = arith.constant 0 : index
    %get3A_43 = arith.constant 0 : index
    %get3A_44 = arith.constant 24 : index
    %get3A_45 = arith.constant 0 : index
    %get3A_46 = vector.load %arg2[%get3A_42, %get3A_43, %get3A_44, %get3A_45] : memref<1x22x32x640xf32, #tpu.memory_space<vmem>>, vector<1x22x1x640xf32>
    %get3A_47 = vector.shape_cast %get3A_46 : vector<1x22x1x640xf32> to vector<22x640xf32>
    %get3A_48 = arith.constant 0 : index
    %get3A_49 = arith.constant 0 : index
    %get3A_50 = arith.constant 28 : index
    %get3A_51 = arith.constant 0 : index
    %get3A_52 = vector.load %arg2[%get3A_48, %get3A_49, %get3A_50, %get3A_51] : memref<1x22x32x640xf32, #tpu.memory_space<vmem>>, vector<1x22x1x640xf32>
    %get3A_53 = vector.shape_cast %get3A_52 : vector<1x22x1x640xf32> to vector<22x640xf32>
    %get3A_54 = arith.constant 0 : index
    %get3A_55 = arith.constant 0 : index
    %get3A_56 = arith.constant 0 : index
    %get3A_57 = arith.constant 0 : index
    %get3A_58 = vector.load %arg3[%get3A_54, %get3A_55, %get3A_56, %get3A_57] : memref<1x66x32x640xf32, #tpu.memory_space<vmem>>, vector<1x66x1x640xf32>
    %get3A_59 = vector.shape_cast %get3A_58 : vector<1x66x1x640xf32> to vector<66x640xf32>
    %get3A_60 = arith.constant 0 : index
    %get3A_61 = arith.constant 0 : index
    %get3A_62 = arith.constant 4 : index
    %get3A_63 = arith.constant 0 : index
    %get3A_64 = vector.load %arg3[%get3A_60, %get3A_61, %get3A_62, %get3A_63] : memref<1x66x32x640xf32, #tpu.memory_space<vmem>>, vector<1x66x1x640xf32>
    %get3A_65 = vector.shape_cast %get3A_64 : vector<1x66x1x640xf32> to vector<66x640xf32>
    %get3A_66 = arith.constant 0 : index
    %get3A_67 = arith.constant 0 : index
    %get3A_68 = arith.constant 8 : index
    %get3A_69 = arith.constant 0 : index
    %get3A_70 = vector.load %arg3[%get3A_66, %get3A_67, %get3A_68, %get3A_69] : memref<1x66x32x640xf32, #tpu.memory_space<vmem>>, vector<1x66x1x640xf32>
    %get3A_71 = vector.shape_cast %get3A_70 : vector<1x66x1x640xf32> to vector<66x640xf32>
    %get3A_72 = arith.constant 0 : index
    %get3A_73 = arith.constant 0 : index
    %get3A_74 = arith.constant 12 : index
    %get3A_75 = arith.constant 0 : index
    %get3A_76 = vector.load %arg3[%get3A_72, %get3A_73, %get3A_74, %get3A_75] : memref<1x66x32x640xf32, #tpu.memory_space<vmem>>, vector<1x66x1x640xf32>
    %get3A_77 = vector.shape_cast %get3A_76 : vector<1x66x1x640xf32> to vector<66x640xf32>
    %get3A_78 = arith.constant 0 : index
    %get3A_79 = arith.constant 0 : index
    %get3A_80 = arith.constant 16 : index
    %get3A_81 = arith.constant 0 : index
    %get3A_82 = vector.load %arg3[%get3A_78, %get3A_79, %get3A_80, %get3A_81] : memref<1x66x32x640xf32, #tpu.memory_space<vmem>>, vector<1x66x1x640xf32>
    %get3A_83 = vector.shape_cast %get3A_82 : vector<1x66x1x640xf32> to vector<66x640xf32>
    %get3A_84 = arith.constant 0 : index
    %get3A_85 = arith.constant 0 : index
    %get3A_86 = arith.constant 20 : index
    %get3A_87 = arith.constant 0 : index
    %get3A_88 = vector.load %arg3[%get3A_84, %get3A_85, %get3A_86, %get3A_87] : memref<1x66x32x640xf32, #tpu.memory_space<vmem>>, vector<1x66x1x640xf32>
    %get3A_89 = vector.shape_cast %get3A_88 : vector<1x66x1x640xf32> to vector<66x640xf32>
    %get3A_90 = arith.constant 0 : index
    %get3A_91 = arith.constant 0 : index
    %get3A_92 = arith.constant 24 : index
    %get3A_93 = arith.constant 0 : index
    %get3A_94 = vector.load %arg3[%get3A_90, %get3A_91, %get3A_92, %get3A_93] : memref<1x66x32x640xf32, #tpu.memory_space<vmem>>, vector<1x66x1x640xf32>
    %get3A_95 = vector.shape_cast %get3A_94 : vector<1x66x1x640xf32> to vector<66x640xf32>
    %get3A_96 = arith.constant 0 : index
    %get3A_97 = arith.constant 0 : index
    %get3A_98 = arith.constant 28 : index
    %get3A_99 = arith.constant 0 : index
    %get3A_100 = vector.load %arg3[%get3A_96, %get3A_97, %get3A_98, %get3A_99] : memref<1x66x32x640xf32, #tpu.memory_space<vmem>>, vector<1x66x1x640xf32>
    %get3A_101 = vector.shape_cast %get3A_100 : vector<1x66x1x640xf32> to vector<66x640xf32>
    %concatenate3A = tpu.concatenate %get3A_11, %get3A_17, %get3A_23, %get3A_29, %get3A_35, %get3A_41, %get3A_47, %get3A_53, %get3A_59, %get3A_65, %get3A_71, %get3A_77, %get3A_83, %get3A_89, %get3A_95, %get3A_101 in 0 : vector<22x640xf32>, vector<22x640xf32>, vector<22x640xf32>, vector<22x640xf32>, vector<22x640xf32>, vector<22x640xf32>, vector<22x640xf32>, vector<22x640xf32>, vector<66x640xf32>, vector<66x640xf32>, vector<66x640xf32>, vector<66x640xf32>, vector<66x640xf32>, vector<66x640xf32>, vector<66x640xf32>, vector<66x640xf32> -> vector<704x640xf32>
    %dot_general3A = arith.constant dense<0.000000e+00> : vector<704x160xf32>
    %dot_general3A_102 = tpu.matmul %concatenate3A, %convert_element_type3A_6, %dot_general3A {dimension_numbers = #tpu.dot_dimension_numbers<[1], [0], [0], [1], [0, 0, 1, 1], [], []>, precision = #tpu.contract_precision<fp32>, transpose_lhs_hint = false} : vector<704x640xf32>, vector<640x160xf32>, vector<704x160xf32> -> vector<704x160xf32>
    %iota3A_103 = tpu.iota {dimensions = array<i32: 0>} : vector<22x160xi32>
    %iota3A_104 = tpu.iota {dimensions = array<i32: 0>} : vector<66x160xi32>
    %iota3A_105 = tpu.iota {dimensions = array<i32: 0>} : vector<8x1xi32>
    %add3A = arith.constant 1 : i32
    %add3A_106 = vector.broadcast %add3A : i32 to vector<8x1xi32>
    %add3A_107 = arith.addi %iota3A_105, %add3A_106 : vector<8x1xi32>
    %mul3A_108 = arith.constant 8 : i32
    %mul3A_109 = vector.broadcast %mul3A_108 : i32 to vector<8x1xi32>
    %mul3A_110 = arith.muli %add3A_107, %mul3A_109 : vector<8x1xi32>
    %convert_element_type3A_111 = arith.sitofp %mul3A_110 : vector<8x1xi32> to vector<8x1xf32>
    %iota3A_112 = tpu.iota {dimensions = array<i32: 1>} : vector<1x160xi32>
    %mul3A_113 = arith.constant 4 : i32
    %mul3A_114 = vector.broadcast %mul3A_113 : i32 to vector<1x160xi32>
    %mul3A_115 = arith.muli %iota3A_112, %mul3A_114 : vector<1x160xi32>
    %convert_element_type3A_116 = arith.sitofp %mul3A_115 : vector<1x160xi32> to vector<1x160xf32>
    %iota3A_117 = tpu.iota {dimensions = array<i32: 0>} : vector<21x160xi32>
    %add3A_118 = arith.constant 1 : i32
    %add3A_119 = vector.broadcast %add3A_118 : i32 to vector<21x160xi32>
    %add3A_120 = arith.addi %iota3A_117, %add3A_119 : vector<21x160xi32>
    %slice3A = vector.extract_strided_slice %dot_general3A_102 {offsets = [0, 0], sizes = [22, 160], strides = [1, 1]} : vector<704x160xf32> to vector<22x160xf32>
    %reduce_max3A = arith.constant dense<0xFF800000> : vector<160xf32>
    %reduce_max3A_121 = vector.multi_reduction <maximumf>, %slice3A, %reduce_max3A [0] : vector<22x160xf32> to vector<160xf32>
    %broadcast_in_dim3A_122 = vector.shape_cast %reduce_max3A_121 : vector<160xf32> to vector<1x160xf32>
    %sub3A = vector.broadcast %broadcast_in_dim3A_122 : vector<1x160xf32> to vector<22x160xf32>
    %sub3A_123 = arith.subf %slice3A, %sub3A : vector<22x160xf32>
    %exp3A = math.exp %sub3A_123 : vector<22x160xf32>
    %reduce_sum3A = arith.constant dense<0.000000e+00> : vector<160xf32>
    %reduce_sum3A_124 = vector.multi_reduction <add>, %exp3A, %reduce_sum3A [0] : vector<22x160xf32> to vector<160xf32>
    %broadcast_in_dim3A_125 = vector.shape_cast %reduce_sum3A_124 : vector<160xf32> to vector<1x160xf32>
    %div3A = arith.constant 1.000000e+00 : f32
    %div3A_126 = vector.broadcast %div3A : f32 to vector<1x160xf32>
    %div3A_127 = arith.divf %div3A_126, %broadcast_in_dim3A_125 : vector<1x160xf32>
    %eq3A_128 = vector.broadcast %broadcast_in_dim3A_122 : vector<1x160xf32> to vector<22x160xf32>
    %eq3A_129 = arith.cmpf oeq, %slice3A, %eq3A_128 : vector<22x160xf32>
    %jit3A = arith.constant 22 : i32
    %broadcast_in_dim3A_130 = vector.broadcast %jit3A : i32 to vector<22x160xi32>
    %select_n3A = arith.select %eq3A_129, %iota3A_103, %broadcast_in_dim3A_130 : vector<22x160xi1>, vector<22x160xi32>
    %reduce_min3A = arith.constant dense<2147483647> : vector<160xi32>
    %reduce_min3A_131 = vector.multi_reduction <minsi>, %select_n3A, %reduce_min3A [0] : vector<22x160xi32> to vector<160xi32>
    %broadcast_in_dim3A_132 = vector.shape_cast %reduce_min3A_131 : vector<160xi32> to vector<1x160xi32>
    %slice3A_133 = vector.extract_strided_slice %dot_general3A_102 {offsets = [176, 0], sizes = [66, 160], strides = [1, 1]} : vector<704x160xf32> to vector<66x160xf32>
    %mul3A_134 = arith.constant 3 : i32
    %mul3A_135 = vector.broadcast %mul3A_134 : i32 to vector<1x160xi32>
    %mul3A_136 = arith.muli %mul3A_135, %broadcast_in_dim3A_132 : vector<1x160xi32>
    %eq3A_137 = vector.broadcast %mul3A_136 : vector<1x160xi32> to vector<66x160xi32>
    %eq3A_138 = arith.cmpi eq, %iota3A_104, %eq3A_137 : vector<66x160xi32>
    %jit3A_139 = arith.constant 0.000000e+00 : f32
    %broadcast_in_dim3A_140 = vector.broadcast %jit3A_139 : f32 to vector<66x160xf32>
    %select_n3A_141 = arith.select %eq3A_138, %slice3A_133, %broadcast_in_dim3A_140 : vector<66x160xi1>, vector<66x160xf32>
    %reduce_sum3A_142 = arith.constant dense<0.000000e+00> : vector<160xf32>
    %reduce_sum3A_143 = vector.multi_reduction <add>, %select_n3A_141, %reduce_sum3A_142 [0] : vector<66x160xf32> to vector<160xf32>
    %broadcast_in_dim3A_144 = vector.shape_cast %reduce_sum3A_143 : vector<160xf32> to vector<1x160xf32>
    %add3A_145 = arith.constant 1 : i32
    %add3A_146 = vector.broadcast %add3A_145 : i32 to vector<1x160xi32>
    %add3A_147 = arith.addi %mul3A_136, %add3A_146 : vector<1x160xi32>
    %eq3A_148 = vector.broadcast %add3A_147 : vector<1x160xi32> to vector<66x160xi32>
    %eq3A_149 = arith.cmpi eq, %iota3A_104, %eq3A_148 : vector<66x160xi32>
    %jit3A_150 = arith.constant 0.000000e+00 : f32
    %broadcast_in_dim3A_151 = vector.broadcast %jit3A_150 : f32 to vector<66x160xf32>
    %select_n3A_152 = arith.select %eq3A_149, %slice3A_133, %broadcast_in_dim3A_151 : vector<66x160xi1>, vector<66x160xf32>
    %reduce_sum3A_153 = arith.constant dense<0.000000e+00> : vector<160xf32>
    %reduce_sum3A_154 = vector.multi_reduction <add>, %select_n3A_152, %reduce_sum3A_153 [0] : vector<66x160xf32> to vector<160xf32>
    %broadcast_in_dim3A_155 = vector.shape_cast %reduce_sum3A_154 : vector<160xf32> to vector<1x160xf32>
    %add3A_156 = arith.constant 2 : i32
    %add3A_157 = vector.broadcast %add3A_156 : i32 to vector<1x160xi32>
    %add3A_158 = arith.addi %mul3A_136, %add3A_157 : vector<1x160xi32>
    %eq3A_159 = vector.broadcast %add3A_158 : vector<1x160xi32> to vector<66x160xi32>
    %eq3A_160 = arith.cmpi eq, %iota3A_104, %eq3A_159 : vector<66x160xi32>
    %jit3A_161 = arith.constant 0.000000e+00 : f32
    %broadcast_in_dim3A_162 = vector.broadcast %jit3A_161 : f32 to vector<66x160xf32>
    %select_n3A_163 = arith.select %eq3A_160, %slice3A_133, %broadcast_in_dim3A_162 : vector<66x160xi1>, vector<66x160xf32>
    %reduce_sum3A_164 = arith.constant dense<0.000000e+00> : vector<160xf32>
    %reduce_sum3A_165 = vector.multi_reduction <add>, %select_n3A_163, %reduce_sum3A_164 [0] : vector<66x160xf32> to vector<160xf32>
    %broadcast_in_dim3A_166 = vector.shape_cast %reduce_sum3A_165 : vector<160xf32> to vector<1x160xf32>
    %mul3A_167 = arith.mulf %broadcast_in_dim3A_144, %broadcast_in_dim3A_144 : vector<1x160xf32>
    %mul3A_168 = arith.mulf %broadcast_in_dim3A_155, %broadcast_in_dim3A_155 : vector<1x160xf32>
    %add3A_169 = arith.addf %mul3A_167, %mul3A_168 : vector<1x160xf32>
    %sqrt3A = math.sqrt %add3A_169 : vector<1x160xf32>
    %add3A_170 = arith.constant 9.99999997E-7 : f32
    %add3A_171 = vector.broadcast %add3A_170 : f32 to vector<1x160xf32>
    %add3A_172 = arith.addf %sqrt3A, %add3A_171 : vector<1x160xf32>
    %div3A_173 = arith.divf %broadcast_in_dim3A_144, %add3A_172 : vector<1x160xf32>
    %div3A_174 = arith.divf %broadcast_in_dim3A_155, %add3A_172 : vector<1x160xf32>
    %jit3A_175 = arith.constant -3.000000e+00 : f32
    %jit3A_176 = arith.constant 3.000000e+00 : f32
    %max3A = vector.broadcast %jit3A_175 : f32 to vector<1x160xf32>
    %max3A_177 = arith.maximumf %max3A, %broadcast_in_dim3A_166 : vector<1x160xf32>
    %min3A = vector.broadcast %jit3A_176 : f32 to vector<1x160xf32>
    %min3A_178 = arith.minimumf %min3A, %max3A_177 : vector<1x160xf32>
    %exp3A_179 = math.exp %min3A_178 : vector<1x160xf32>
    %ge3A = arith.constant 1 : i32
    %ge3A_180 = vector.broadcast %ge3A : i32 to vector<1x160xi32>
    %ge3A_181 = arith.cmpi sge, %broadcast_in_dim3A_132, %ge3A_180 : vector<1x160xi32>
    %jit3A_182 = arith.constant 0.000000e+00 : f32
    %broadcast_in_dim3A_183 = vector.broadcast %jit3A_182 : f32 to vector<1x160xf32>
    %select_n3A_184 = arith.select %ge3A_181, %div3A_127, %broadcast_in_dim3A_183 : vector<1x160xi1>, vector<1x160xf32>
    %broadcast_in_dim3A_185 = arith.constant 0.000000e+00 : f32
    %broadcast_in_dim3A_186 = vector.broadcast %broadcast_in_dim3A_185 : f32 to vector<1x160xf32>
    %mul3A_187 = arith.constant 32 : i32
    %mul3A_188 = arith.muli %mul3A_187, %arg1 : i32
    %add3A_189 = arith.constant 0 : i32
    %add3A_190 = arith.addi %mul3A_188, %add3A_189 : i32
    %convert_element_type3A_191 = arith.sitofp %add3A_190 : i32 to f32
    %add3A_192 = vector.broadcast %convert_element_type3A_191 : f32 to vector<1x160xf32>
    %add3A_193 = arith.addf %broadcast_in_dim3A_186, %add3A_192 : vector<1x160xf32>
    %sub3A_194 = arith.constant 1 : i32
    %sub3A_195 = vector.broadcast %sub3A_194 : i32 to vector<1x160xi32>
    %sub3A_196 = arith.subi %broadcast_in_dim3A_132, %sub3A_195 : vector<1x160xi32>
    %max3A_197 = arith.constant 0 : i32
    %max3A_198 = vector.broadcast %max3A_197 : i32 to vector<1x160xi32>
    %max3A_199 = arith.maxsi %sub3A_196, %max3A_198 : vector<1x160xi32>
    %mul3A_200 = arith.constant 21 : i32
    %mul3A_201 = arith.muli %arg0, %mul3A_200 : i32
    %add3A_202 = vector.broadcast %mul3A_201 : i32 to vector<1x160xi32>
    %add3A_203 = arith.addi %add3A_202, %max3A_199 : vector<1x160xi32>
    %mul3A_204 = arith.constant 19200 : i32
    %mul3A_205 = vector.broadcast %mul3A_204 : i32 to vector<1x160xi32>
    %mul3A_206 = arith.muli %add3A_203, %mul3A_205 : vector<1x160xi32>
    %mul3A_207 = vector.broadcast %convert_element_type3A_111 : vector<8x1xf32> to vector<8x160xf32>
    %mul3A_208 = vector.broadcast %div3A_173 : vector<1x160xf32> to vector<8x160xf32>
    %mul3A_209 = arith.mulf %mul3A_207, %mul3A_208 : vector<8x160xf32>
    %add3A_210 = vector.broadcast %convert_element_type3A_116 : vector<1x160xf32> to vector<8x160xf32>
    %add3A_211 = arith.addf %add3A_210, %mul3A_209 : vector<8x160xf32>
    %mul3A_212 = arith.constant 2.500000e-01 : f32
    %mul3A_213 = vector.broadcast %mul3A_212 : f32 to vector<8x160xf32>
    %mul3A_214 = arith.mulf %add3A_211, %mul3A_213 : vector<8x160xf32>
    %convert_element_type3A_215 = arith.fptosi %mul3A_214 : vector<8x160xf32> to vector<8x160xi32>
    %jit3A_216 = arith.constant 0 : i32
    %jit3A_217 = arith.constant 159 : i32
    %max3A_218 = vector.broadcast %jit3A_216 : i32 to vector<8x160xi32>
    %max3A_219 = arith.maxsi %max3A_218, %convert_element_type3A_215 : vector<8x160xi32>
    %min3A_220 = vector.broadcast %jit3A_217 : i32 to vector<8x160xi32>
    %min3A_221 = arith.minsi %min3A_220, %max3A_219 : vector<8x160xi32>
    %mul3A_222 = vector.broadcast %convert_element_type3A_111 : vector<8x1xf32> to vector<8x160xf32>
    %mul3A_223 = vector.broadcast %div3A_174 : vector<1x160xf32> to vector<8x160xf32>
    %mul3A_224 = arith.mulf %mul3A_222, %mul3A_223 : vector<8x160xf32>
    %add3A_225 = vector.broadcast %add3A_193 : vector<1x160xf32> to vector<8x160xf32>
    %add3A_226 = arith.addf %add3A_225, %mul3A_224 : vector<8x160xf32>
    %mul3A_227 = arith.constant 2.500000e-01 : f32
    %mul3A_228 = vector.broadcast %mul3A_227 : f32 to vector<8x160xf32>
    %mul3A_229 = arith.mulf %add3A_226, %mul3A_228 : vector<8x160xf32>
    %convert_element_type3A_230 = arith.fptosi %mul3A_229 : vector<8x160xf32> to vector<8x160xi32>
    %jit3A_231 = arith.constant 0 : i32
    %jit3A_232 = arith.constant 119 : i32
    %max3A_233 = vector.broadcast %jit3A_231 : i32 to vector<8x160xi32>
    %max3A_234 = arith.maxsi %max3A_233, %convert_element_type3A_230 : vector<8x160xi32>
    %min3A_235 = vector.broadcast %jit3A_232 : i32 to vector<8x160xi32>
    %min3A_236 = arith.minsi %min3A_235, %max3A_234 : vector<8x160xi32>
    %mul3A_237 = arith.constant 160 : i32
    %mul3A_238 = vector.broadcast %mul3A_237 : i32 to vector<8x160xi32>
    %mul3A_239 = arith.muli %min3A_236, %mul3A_238 : vector<8x160xi32>
    %add3A_240 = vector.broadcast %mul3A_206 : vector<1x160xi32> to vector<8x160xi32>
    %add3A_241 = arith.addi %add3A_240, %mul3A_239 : vector<8x160xi32>
    %add3A_242 = arith.addi %add3A_241, %min3A_221 : vector<8x160xi32>
    %swap3A = arith.constant 0 : index
    %swap3A_243 = arith.constant 0 : index
    %swap3A_244 = arith.constant 0 : index
    %swap3A_245 = arith.constant 0 : index
    %swap3A_246 = vector.load %arg4[%swap3A, %swap3A_243, %swap3A_244, %swap3A_245] : memref<1x8x8x160xi32, #tpu.memory_space<vmem>>, vector<1x1x8x160xi32>
    %swap3A_247 = vector.shape_cast %swap3A_246 : vector<1x1x8x160xi32> to vector<8x160xi32>
    %swap3A_248 = vector.shape_cast %add3A_242 : vector<8x160xi32> to vector<1x1x8x160xi32>
    tpu.vector_store %arg4[%swap3A, %swap3A_243, %swap3A_244, %swap3A_245], %swap3A_248 {strides = array<i32>} : memref<1x8x8x160xi32, #tpu.memory_space<vmem>>, vector<1x1x8x160xi32>,
    %broadcast_in_dim3A_249 = vector.shape_cast %select_n3A_184 : vector<1x160xf32> to vector<1x160xf32>
    %broadcast_in_dim3A_250 = vector.broadcast %broadcast_in_dim3A_249 : vector<1x160xf32> to vector<8x160xf32>
    %swap3A_251 = arith.constant 0 : index
    %swap3A_252 = arith.constant 0 : index
    %swap3A_253 = arith.constant 0 : index
    %swap3A_254 = arith.constant 0 : index
    %swap3A_255 = vector.load %arg5[%swap3A_251, %swap3A_252, %swap3A_253, %swap3A_254] : memref<1x8x8x160xf32, #tpu.memory_space<vmem>>, vector<1x1x8x160xf32>
    %swap3A_256 = vector.shape_cast %swap3A_255 : vector<1x1x8x160xf32> to vector<8x160xf32>
    %swap3A_257 = vector.shape_cast %broadcast_in_dim3A_250 : vector<8x160xf32> to vector<1x1x8x160xf32>
    tpu.vector_store %arg5[%swap3A_251, %swap3A_252, %swap3A_253, %swap3A_254], %swap3A_257 {strides = array<i32>} : memref<1x8x8x160xf32, #tpu.memory_space<vmem>>, vector<1x1x8x160xf32>,
    %broadcast_in_dim3A_258 = vector.shape_cast %broadcast_in_dim3A_132 : vector<1x160xi32> to vector<1x160xi32>
    %broadcast_in_dim3A_259 = vector.broadcast %broadcast_in_dim3A_258 : vector<1x160xi32> to vector<21x160xi32>
    %eq3A_260 = arith.cmpi eq, %broadcast_in_dim3A_259, %add3A_120 : vector<21x160xi32>
    %broadcast_in_dim3A_261 = vector.shape_cast %div3A_127 : vector<1x160xf32> to vector<1x160xf32>
    %broadcast_in_dim3A_262 = vector.broadcast %broadcast_in_dim3A_261 : vector<1x160xf32> to vector<21x160xf32>
    %jit3A_263 = arith.constant 0.000000e+00 : f32
    %broadcast_in_dim3A_264 = vector.broadcast %jit3A_263 : f32 to vector<21x160xf32>
    %select_n3A_265 = arith.select %eq3A_260, %broadcast_in_dim3A_262, %broadcast_in_dim3A_264 : vector<21x160xi1>, vector<21x160xf32>
    %mul3A_266 = arith.mulf %div3A_127, %exp3A_179 : vector<1x160xf32>
    %broadcast_in_dim3A_267 = vector.shape_cast %mul3A_266 : vector<1x160xf32> to vector<1x160xf32>
    %broadcast_in_dim3A_268 = vector.broadcast %broadcast_in_dim3A_267 : vector<1x160xf32> to vector<21x160xf32>
    %jit3A_269 = arith.constant 0.000000e+00 : f32
    %broadcast_in_dim3A_270 = vector.broadcast %jit3A_269 : f32 to vector<21x160xf32>
    %select_n3A_271 = arith.select %eq3A_260, %broadcast_in_dim3A_268, %broadcast_in_dim3A_270 : vector<21x160xi1>, vector<21x160xf32>
    %reduce_sum3A_272 = arith.constant dense<0.000000e+00> : vector<21xf32>
    %reduce_sum3A_273 = vector.multi_reduction <add>, %select_n3A_265, %reduce_sum3A_272 [1] : vector<21x160xf32> to vector<21xf32>
    %broadcast_in_dim3A_274 = vector.shape_cast %reduce_sum3A_273 : vector<21xf32> to vector<21x1xf32>
    %add3A_275 = arith.addf %broadcast_in_dim3A_0, %broadcast_in_dim3A_274 : vector<21x1xf32>
    %reduce_sum3A_276 = arith.constant dense<0.000000e+00> : vector<21xf32>
    %reduce_sum3A_277 = vector.multi_reduction <add>, %select_n3A_271, %reduce_sum3A_276 [1] : vector<21x160xf32> to vector<21xf32>
    %broadcast_in_dim3A_278 = vector.shape_cast %reduce_sum3A_277 : vector<21xf32> to vector<21x1xf32>
    %add3A_279 = arith.addf %broadcast_in_dim3A_2, %broadcast_in_dim3A_278 : vector<21x1xf32>
    %slice3A_280 = vector.extract_strided_slice %dot_general3A_102 {offsets = [22, 0], sizes = [22, 160], strides = [1, 1]} : vector<704x160xf32> to vector<22x160xf32>
    %reduce_max3A_281 = arith.constant dense<0xFF800000> : vector<160xf32>
    %reduce_max3A_282 = vector.multi_reduction <maximumf>, %slice3A_280, %reduce_max3A_281 [0] : vector<22x160xf32> to vector<160xf32>
    %broadcast_in_dim3A_283 = vector.shape_cast %reduce_max3A_282 : vector<160xf32> to vector<1x160xf32>
    %sub3A_284 = vector.broadcast %broadcast_in_dim3A_283 : vector<1x160xf32> to vector<22x160xf32>
    %sub3A_285 = arith.subf %slice3A_280, %sub3A_284 : vector<22x160xf32>
    %exp3A_286 = math.exp %sub3A_285 : vector<22x160xf32>
    %reduce_sum3A_287 = arith.constant dense<0.000000e+00> : vector<160xf32>
    %reduce_sum3A_288 = vector.multi_reduction <add>, %exp3A_286, %reduce_sum3A_287 [0] : vector<22x160xf32> to vector<160xf32>
    %broadcast_in_dim3A_289 = vector.shape_cast %reduce_sum3A_288 : vector<160xf32> to vector<1x160xf32>
    %div3A_290 = arith.constant 1.000000e+00 : f32
    %div3A_291 = vector.broadcast %div3A_290 : f32 to vector<1x160xf32>
    %div3A_292 = arith.divf %div3A_291, %broadcast_in_dim3A_289 : vector<1x160xf32>
    %eq3A_293 = vector.broadcast %broadcast_in_dim3A_283 : vector<1x160xf32> to vector<22x160xf32>
    %eq3A_294 = arith.cmpf oeq, %slice3A_280, %eq3A_293 : vector<22x160xf32>
    %jit3A_295 = arith.constant 22 : i32
    %broadcast_in_dim3A_296 = vector.broadcast %jit3A_295 : i32 to vector<22x160xi32>
    %select_n3A_297 = arith.select %eq3A_294, %iota3A_103, %broadcast_in_dim3A_296 : vector<22x160xi1>, vector<22x160xi32>
    %reduce_min3A_298 = arith.constant dense<2147483647> : vector<160xi32>
    %reduce_min3A_299 = vector.multi_reduction <minsi>, %select_n3A_297, %reduce_min3A_298 [0] : vector<22x160xi32> to vector<160xi32>
    %broadcast_in_dim3A_300 = vector.shape_cast %reduce_min3A_299 : vector<160xi32> to vector<1x160xi32>
    %slice3A_301 = vector.extract_strided_slice %dot_general3A_102 {offsets = [242, 0], sizes = [66, 160], strides = [1, 1]} : vector<704x160xf32> to vector<66x160xf32>
    %mul3A_302 = arith.constant 3 : i32
    %mul3A_303 = vector.broadcast %mul3A_302 : i32 to vector<1x160xi32>
    %mul3A_304 = arith.muli %mul3A_303, %broadcast_in_dim3A_300 : vector<1x160xi32>
    %eq3A_305 = vector.broadcast %mul3A_304 : vector<1x160xi32> to vector<66x160xi32>
    %eq3A_306 = arith.cmpi eq, %iota3A_104, %eq3A_305 : vector<66x160xi32>
    %jit3A_307 = arith.constant 0.000000e+00 : f32
    %broadcast_in_dim3A_308 = vector.broadcast %jit3A_307 : f32 to vector<66x160xf32>
    %select_n3A_309 = arith.select %eq3A_306, %slice3A_301, %broadcast_in_dim3A_308 : vector<66x160xi1>, vector<66x160xf32>
    %reduce_sum3A_310 = arith.constant dense<0.000000e+00> : vector<160xf32>
    %reduce_sum3A_311 = vector.multi_reduction <add>, %select_n3A_309, %reduce_sum3A_310 [0] : vector<66x160xf32> to vector<160xf32>
    %broadcast_in_dim3A_312 = vector.shape_cast %reduce_sum3A_311 : vector<160xf32> to vector<1x160xf32>
    %add3A_313 = arith.constant 1 : i32
    %add3A_314 = vector.broadcast %add3A_313 : i32 to vector<1x160xi32>
    %add3A_315 = arith.addi %mul3A_304, %add3A_314 : vector<1x160xi32>
    %eq3A_316 = vector.broadcast %add3A_315 : vector<1x160xi32> to vector<66x160xi32>
    %eq3A_317 = arith.cmpi eq, %iota3A_104, %eq3A_316 : vector<66x160xi32>
    %jit3A_318 = arith.constant 0.000000e+00 : f32
    %broadcast_in_dim3A_319 = vector.broadcast %jit3A_318 : f32 to vector<66x160xf32>
    %select_n3A_320 = arith.select %eq3A_317, %slice3A_301, %broadcast_in_dim3A_319 : vector<66x160xi1>, vector<66x160xf32>
    %reduce_sum3A_321 = arith.constant dense<0.000000e+00> : vector<160xf32>
    %reduce_sum3A_322 = vector.multi_reduction <add>, %select_n3A_320, %reduce_sum3A_321 [0] : vector<66x160xf32> to vector<160xf32>
    %broadcast_in_dim3A_323 = vector.shape_cast %reduce_sum3A_322 : vector<160xf32> to vector<1x160xf32>
    %add3A_324 = arith.constant 2 : i32
    %add3A_325 = vector.broadcast %add3A_324 : i32 to vector<1x160xi32>
    %add3A_326 = arith.addi %mul3A_304, %add3A_325 : vector<1x160xi32>
    %eq3A_327 = vector.broadcast %add3A_326 : vector<1x160xi32> to vector<66x160xi32>
    %eq3A_328 = arith.cmpi eq, %iota3A_104, %eq3A_327 : vector<66x160xi32>
    %jit3A_329 = arith.constant 0.000000e+00 : f32
    %broadcast_in_dim3A_330 = vector.broadcast %jit3A_329 : f32 to vector<66x160xf32>
    %select_n3A_331 = arith.select %eq3A_328, %slice3A_301, %broadcast_in_dim3A_330 : vector<66x160xi1>, vector<66x160xf32>
    %reduce_sum3A_332 = arith.constant dense<0.000000e+00> : vector<160xf32>
    %reduce_sum3A_333 = vector.multi_reduction <add>, %select_n3A_331, %reduce_sum3A_332 [0] : vector<66x160xf32> to vector<160xf32>
    %broadcast_in_dim3A_334 = vector.shape_cast %reduce_sum3A_333 : vector<160xf32> to vector<1x160xf32>
    %mul3A_335 = arith.mulf %broadcast_in_dim3A_312, %broadcast_in_dim3A_312 : vector<1x160xf32>
    %mul3A_336 = arith.mulf %broadcast_in_dim3A_323, %broadcast_in_dim3A_323 : vector<1x160xf32>
    %add3A_337 = arith.addf %mul3A_335, %mul3A_336 : vector<1x160xf32>
    %sqrt3A_338 = math.sqrt %add3A_337 : vector<1x160xf32>
    %add3A_339 = arith.constant 9.99999997E-7 : f32
    %add3A_340 = vector.broadcast %add3A_339 : f32 to vector<1x160xf32>
    %add3A_341 = arith.addf %sqrt3A_338, %add3A_340 : vector<1x160xf32>
    %div3A_342 = arith.divf %broadcast_in_dim3A_312, %add3A_341 : vector<1x160xf32>
    %div3A_343 = arith.divf %broadcast_in_dim3A_323, %add3A_341 : vector<1x160xf32>
    %jit3A_344 = arith.constant -3.000000e+00 : f32
    %jit3A_345 = arith.constant 3.000000e+00 : f32
    %max3A_346 = vector.broadcast %jit3A_344 : f32 to vector<1x160xf32>
    %max3A_347 = arith.maximumf %max3A_346, %broadcast_in_dim3A_334 : vector<1x160xf32>
    %min3A_348 = vector.broadcast %jit3A_345 : f32 to vector<1x160xf32>
    %min3A_349 = arith.minimumf %min3A_348, %max3A_347 : vector<1x160xf32>
    %exp3A_350 = math.exp %min3A_349 : vector<1x160xf32>
    %ge3A_351 = arith.constant 1 : i32
    %ge3A_352 = vector.broadcast %ge3A_351 : i32 to vector<1x160xi32>
    %ge3A_353 = arith.cmpi sge, %broadcast_in_dim3A_300, %ge3A_352 : vector<1x160xi32>
    %jit3A_354 = arith.constant 0.000000e+00 : f32
    %broadcast_in_dim3A_355 = vector.broadcast %jit3A_354 : f32 to vector<1x160xf32>
    %select_n3A_356 = arith.select %ge3A_353, %div3A_292, %broadcast_in_dim3A_355 : vector<1x160xi1>, vector<1x160xf32>
    %broadcast_in_dim3A_357 = arith.constant 0.000000e+00 : f32
    %broadcast_in_dim3A_358 = vector.broadcast %broadcast_in_dim3A_357 : f32 to vector<1x160xf32>
    %mul3A_359 = arith.constant 32 : i32
    %mul3A_360 = arith.muli %mul3A_359, %arg1 : i32
    %add3A_361 = arith.constant 4 : i32
    %add3A_362 = arith.addi %mul3A_360, %add3A_361 : i32
    %convert_element_type3A_363 = arith.sitofp %add3A_362 : i32 to f32
    %add3A_364 = vector.broadcast %convert_element_type3A_363 : f32 to vector<1x160xf32>
    %add3A_365 = arith.addf %broadcast_in_dim3A_358, %add3A_364 : vector<1x160xf32>
    %sub3A_366 = arith.constant 1 : i32
    %sub3A_367 = vector.broadcast %sub3A_366 : i32 to vector<1x160xi32>
    %sub3A_368 = arith.subi %broadcast_in_dim3A_300, %sub3A_367 : vector<1x160xi32>
    %max3A_369 = arith.constant 0 : i32
    %max3A_370 = vector.broadcast %max3A_369 : i32 to vector<1x160xi32>
    %max3A_371 = arith.maxsi %sub3A_368, %max3A_370 : vector<1x160xi32>
    %mul3A_372 = arith.constant 21 : i32
    %mul3A_373 = arith.muli %arg0, %mul3A_372 : i32
    %add3A_374 = vector.broadcast %mul3A_373 : i32 to vector<1x160xi32>
    %add3A_375 = arith.addi %add3A_374, %max3A_371 : vector<1x160xi32>
    %mul3A_376 = arith.constant 19200 : i32
    %mul3A_377 = vector.broadcast %mul3A_376 : i32 to vector<1x160xi32>
    %mul3A_378 = arith.muli %add3A_375, %mul3A_377 : vector<1x160xi32>
    %mul3A_379 = vector.broadcast %convert_element_type3A_111 : vector<8x1xf32> to vector<8x160xf32>
    %mul3A_380 = vector.broadcast %div3A_342 : vector<1x160xf32> to vector<8x160xf32>
    %mul3A_381 = arith.mulf %mul3A_379, %mul3A_380 : vector<8x160xf32>
    %add3A_382 = vector.broadcast %convert_element_type3A_116 : vector<1x160xf32> to vector<8x160xf32>
    %add3A_383 = arith.addf %add3A_382, %mul3A_381 : vector<8x160xf32>
    %mul3A_384 = arith.constant 2.500000e-01 : f32
    %mul3A_385 = vector.broadcast %mul3A_384 : f32 to vector<8x160xf32>
    %mul3A_386 = arith.mulf %add3A_383, %mul3A_385 : vector<8x160xf32>
    %convert_element_type3A_387 = arith.fptosi %mul3A_386 : vector<8x160xf32> to vector<8x160xi32>
    %jit3A_388 = arith.constant 0 : i32
    %jit3A_389 = arith.constant 159 : i32
    %max3A_390 = vector.broadcast %jit3A_388 : i32 to vector<8x160xi32>
    %max3A_391 = arith.maxsi %max3A_390, %convert_element_type3A_387 : vector<8x160xi32>
    %min3A_392 = vector.broadcast %jit3A_389 : i32 to vector<8x160xi32>
    %min3A_393 = arith.minsi %min3A_392, %max3A_391 : vector<8x160xi32>
    %mul3A_394 = vector.broadcast %convert_element_type3A_111 : vector<8x1xf32> to vector<8x160xf32>
    %mul3A_395 = vector.broadcast %div3A_343 : vector<1x160xf32> to vector<8x160xf32>
    %mul3A_396 = arith.mulf %mul3A_394, %mul3A_395 : vector<8x160xf32>
    %add3A_397 = vector.broadcast %add3A_365 : vector<1x160xf32> to vector<8x160xf32>
    %add3A_398 = arith.addf %add3A_397, %mul3A_396 : vector<8x160xf32>
    %mul3A_399 = arith.constant 2.500000e-01 : f32
    %mul3A_400 = vector.broadcast %mul3A_399 : f32 to vector<8x160xf32>
    %mul3A_401 = arith.mulf %add3A_398, %mul3A_400 : vector<8x160xf32>
    %convert_element_type3A_402 = arith.fptosi %mul3A_401 : vector<8x160xf32> to vector<8x160xi32>
    %jit3A_403 = arith.constant 0 : i32
    %jit3A_404 = arith.constant 119 : i32
    %max3A_405 = vector.broadcast %jit3A_403 : i32 to vector<8x160xi32>
    %max3A_406 = arith.maxsi %max3A_405, %convert_element_type3A_402 : vector<8x160xi32>
    %min3A_407 = vector.broadcast %jit3A_404 : i32 to vector<8x160xi32>
    %min3A_408 = arith.minsi %min3A_407, %max3A_406 : vector<8x160xi32>
    %mul3A_409 = arith.constant 160 : i32
    %mul3A_410 = vector.broadcast %mul3A_409 : i32 to vector<8x160xi32>
    %mul3A_411 = arith.muli %min3A_408, %mul3A_410 : vector<8x160xi32>
    %add3A_412 = vector.broadcast %mul3A_378 : vector<1x160xi32> to vector<8x160xi32>
    %add3A_413 = arith.addi %add3A_412, %mul3A_411 : vector<8x160xi32>
    %add3A_414 = arith.addi %add3A_413, %min3A_393 : vector<8x160xi32>
    %swap3A_415 = arith.constant 0 : index
    %swap3A_416 = arith.constant 1 : index
    %swap3A_417 = arith.constant 0 : index
    %swap3A_418 = arith.constant 0 : index
    %swap3A_419 = vector.load %arg4[%swap3A_415, %swap3A_416, %swap3A_417, %swap3A_418] : memref<1x8x8x160xi32, #tpu.memory_space<vmem>>, vector<1x1x8x160xi32>
    %swap3A_420 = vector.shape_cast %swap3A_419 : vector<1x1x8x160xi32> to vector<8x160xi32>
    %swap3A_421 = vector.shape_cast %add3A_414 : vector<8x160xi32> to vector<1x1x8x160xi32>
    tpu.vector_store %arg4[%swap3A_415, %swap3A_416, %swap3A_417, %swap3A_418], %swap3A_421 {strides = array<i32>} : memref<1x8x8x160xi32, #tpu.memory_space<vmem>>, vector<1x1x8x160xi32>,
    %broadcast_in_dim3A_422 = vector.shape_cast %select_n3A_356 : vector<1x160xf32> to vector<1x160xf32>
    %broadcast_in_dim3A_423 = vector.broadcast %broadcast_in_dim3A_422 : vector<1x160xf32> to vector<8x160xf32>
    %swap3A_424 = arith.constant 0 : index
    %swap3A_425 = arith.constant 1 : index
    %swap3A_426 = arith.constant 0 : index
    %swap3A_427 = arith.constant 0 : index
    %swap3A_428 = vector.load %arg5[%swap3A_424, %swap3A_425, %swap3A_426, %swap3A_427] : memref<1x8x8x160xf32, #tpu.memory_space<vmem>>, vector<1x1x8x160xf32>
    %swap3A_429 = vector.shape_cast %swap3A_428 : vector<1x1x8x160xf32> to vector<8x160xf32>
    %swap3A_430 = vector.shape_cast %broadcast_in_dim3A_423 : vector<8x160xf32> to vector<1x1x8x160xf32>
    tpu.vector_store %arg5[%swap3A_424, %swap3A_425, %swap3A_426, %swap3A_427], %swap3A_430 {strides = array<i32>} : memref<1x8x8x160xf32, #tpu.memory_space<vmem>>, vector<1x1x8x160xf32>,
    %broadcast_in_dim3A_431 = vector.shape_cast %broadcast_in_dim3A_300 : vector<1x160xi32> to vector<1x160xi32>
    %broadcast_in_dim3A_432 = vector.broadcast %broadcast_in_dim3A_431 : vector<1x160xi32> to vector<21x160xi32>
    %eq3A_433 = arith.cmpi eq, %broadcast_in_dim3A_432, %add3A_120 : vector<21x160xi32>
    %broadcast_in_dim3A_434 = vector.shape_cast %div3A_292 : vector<1x160xf32> to vector<1x160xf32>
    %broadcast_in_dim3A_435 = vector.broadcast %broadcast_in_dim3A_434 : vector<1x160xf32> to vector<21x160xf32>
    %jit3A_436 = arith.constant 0.000000e+00 : f32
    %broadcast_in_dim3A_437 = vector.broadcast %jit3A_436 : f32 to vector<21x160xf32>
    %select_n3A_438 = arith.select %eq3A_433, %broadcast_in_dim3A_435, %broadcast_in_dim3A_437 : vector<21x160xi1>, vector<21x160xf32>
    %mul3A_439 = arith.mulf %div3A_292, %exp3A_350 : vector<1x160xf32>
    %broadcast_in_dim3A_440 = vector.shape_cast %mul3A_439 : vector<1x160xf32> to vector<1x160xf32>
    %broadcast_in_dim3A_441 = vector.broadcast %broadcast_in_dim3A_440 : vector<1x160xf32> to vector<21x160xf32>
    %jit3A_442 = arith.constant 0.000000e+00 : f32
    %broadcast_in_dim3A_443 = vector.broadcast %jit3A_442 : f32 to vector<21x160xf32>
    %select_n3A_444 = arith.select %eq3A_433, %broadcast_in_dim3A_441, %broadcast_in_dim3A_443 : vector<21x160xi1>, vector<21x160xf32>
    %reduce_sum3A_445 = arith.constant dense<0.000000e+00> : vector<21xf32>
    %reduce_sum3A_446 = vector.multi_reduction <add>, %select_n3A_438, %reduce_sum3A_445 [1] : vector<21x160xf32> to vector<21xf32>
    %broadcast_in_dim3A_447 = vector.shape_cast %reduce_sum3A_446 : vector<21xf32> to vector<21x1xf32>
    %add3A_448 = arith.addf %add3A_275, %broadcast_in_dim3A_447 : vector<21x1xf32>
    %reduce_sum3A_449 = arith.constant dense<0.000000e+00> : vector<21xf32>
    %reduce_sum3A_450 = vector.multi_reduction <add>, %select_n3A_444, %reduce_sum3A_449 [1] : vector<21x160xf32> to vector<21xf32>
    %broadcast_in_dim3A_451 = vector.shape_cast %reduce_sum3A_450 : vector<21xf32> to vector<21x1xf32>
    %add3A_452 = arith.addf %add3A_279, %broadcast_in_dim3A_451 : vector<21x1xf32>
    %slice3A_453 = vector.extract_strided_slice %dot_general3A_102 {offsets = [44, 0], sizes = [22, 160], strides = [1, 1]} : vector<704x160xf32> to vector<22x160xf32>
    %reduce_max3A_454 = arith.constant dense<0xFF800000> : vector<160xf32>
    %reduce_max3A_455 = vector.multi_reduction <maximumf>, %slice3A_453, %reduce_max3A_454 [0] : vector<22x160xf32> to vector<160xf32>
    %broadcast_in_dim3A_456 = vector.shape_cast %reduce_max3A_455 : vector<160xf32> to vector<1x160xf32>
    %sub3A_457 = vector.broadcast %broadcast_in_dim3A_456 : vector<1x160xf32> to vector<22x160xf32>
    %sub3A_458 = arith.subf %slice3A_453, %sub3A_457 : vector<22x160xf32>
    %exp3A_459 = math.exp %sub3A_458 : vector<22x160xf32>
    %reduce_sum3A_460 = arith.constant dense<0.000000e+00> : vector<160xf32>
    %reduce_sum3A_461 = vector.multi_reduction <add>, %exp3A_459, %reduce_sum3A_460 [0] : vector<22x160xf32> to vector<160xf32>
    %broadcast_in_dim3A_462 = vector.shape_cast %reduce_sum3A_461 : vector<160xf32> to vector<1x160xf32>
    %div3A_463 = arith.constant 1.000000e+00 : f32
    %div3A_464 = vector.broadcast %div3A_463 : f32 to vector<1x160xf32>
    %div3A_465 = arith.divf %div3A_464, %broadcast_in_dim3A_462 : vector<1x160xf32>
    %eq3A_466 = vector.broadcast %broadcast_in_dim3A_456 : vector<1x160xf32> to vector<22x160xf32>
    %eq3A_467 = arith.cmpf oeq, %slice3A_453, %eq3A_466 : vector<22x160xf32>
    %jit3A_468 = arith.constant 22 : i32
    %broadcast_in_dim3A_469 = vector.broadcast %jit3A_468 : i32 to vector<22x160xi32>
    %select_n3A_470 = arith.select %eq3A_467, %iota3A_103, %broadcast_in_dim3A_469 : vector<22x160xi1>, vector<22x160xi32>
    %reduce_min3A_471 = arith.constant dense<2147483647> : vector<160xi32>
    %reduce_min3A_472 = vector.multi_reduction <minsi>, %select_n3A_470, %reduce_min3A_471 [0] : vector<22x160xi32> to vector<160xi32>
    %broadcast_in_dim3A_473 = vector.shape_cast %reduce_min3A_472 : vector<160xi32> to vector<1x160xi32>
    %slice3A_474 = vector.extract_strided_slice %dot_general3A_102 {offsets = [308, 0], sizes = [66, 160], strides = [1, 1]} : vector<704x160xf32> to vector<66x160xf32>
    %mul3A_475 = arith.constant 3 : i32
    %mul3A_476 = vector.broadcast %mul3A_475 : i32 to vector<1x160xi32>
    %mul3A_477 = arith.muli %mul3A_476, %broadcast_in_dim3A_473 : vector<1x160xi32>
    %eq3A_478 = vector.broadcast %mul3A_477 : vector<1x160xi32> to vector<66x160xi32>
    %eq3A_479 = arith.cmpi eq, %iota3A_104, %eq3A_478 : vector<66x160xi32>
    %jit3A_480 = arith.constant 0.000000e+00 : f32
    %broadcast_in_dim3A_481 = vector.broadcast %jit3A_480 : f32 to vector<66x160xf32>
    %select_n3A_482 = arith.select %eq3A_479, %slice3A_474, %broadcast_in_dim3A_481 : vector<66x160xi1>, vector<66x160xf32>
    %reduce_sum3A_483 = arith.constant dense<0.000000e+00> : vector<160xf32>
    %reduce_sum3A_484 = vector.multi_reduction <add>, %select_n3A_482, %reduce_sum3A_483 [0] : vector<66x160xf32> to vector<160xf32>
    %broadcast_in_dim3A_485 = vector.shape_cast %reduce_sum3A_484 : vector<160xf32> to vector<1x160xf32>
    %add3A_486 = arith.constant 1 : i32
    %add3A_487 = vector.broadcast %add3A_486 : i32 to vector<1x160xi32>
    %add3A_488 = arith.addi %mul3A_477, %add3A_487 : vector<1x160xi32>
    %eq3A_489 = vector.broadcast %add3A_488 : vector<1x160xi32> to vector<66x160xi32>
    %eq3A_490 = arith.cmpi eq, %iota3A_104, %eq3A_489 : vector<66x160xi32>
    %jit3A_491 = arith.constant 0.000000e+00 : f32
    %broadcast_in_dim3A_492 = vector.broadcast %jit3A_491 : f32 to vector<66x160xf32>
    %select_n3A_493 = arith.select %eq3A_490, %slice3A_474, %broadcast_in_dim3A_492 : vector<66x160xi1>, vector<66x160xf32>
    %reduce_sum3A_494 = arith.constant dense<0.000000e+00> : vector<160xf32>
    %reduce_sum3A_495 = vector.multi_reduction <add>, %select_n3A_493, %reduce_sum3A_494 [0] : vector<66x160xf32> to vector<160xf32>
    %broadcast_in_dim3A_496 = vector.shape_cast %reduce_sum3A_495 : vector<160xf32> to vector<1x160xf32>
    %add3A_497 = arith.constant 2 : i32
    %add3A_498 = vector.broadcast %add3A_497 : i32 to vector<1x160xi32>
    %add3A_499 = arith.addi %mul3A_477, %add3A_498 : vector<1x160xi32>
    %eq3A_500 = vector.broadcast %add3A_499 : vector<1x160xi32> to vector<66x160xi32>
    %eq3A_501 = arith.cmpi eq, %iota3A_104, %eq3A_500 : vector<66x160xi32>
    %jit3A_502 = arith.constant 0.000000e+00 : f32
    %broadcast_in_dim3A_503 = vector.broadcast %jit3A_502 : f32 to vector<66x160xf32>
    %select_n3A_504 = arith.select %eq3A_501, %slice3A_474, %broadcast_in_dim3A_503 : vector<66x160xi1>, vector<66x160xf32>
    %reduce_sum3A_505 = arith.constant dense<0.000000e+00> : vector<160xf32>
    %reduce_sum3A_506 = vector.multi_reduction <add>, %select_n3A_504, %reduce_sum3A_505 [0] : vector<66x160xf32> to vector<160xf32>
    %broadcast_in_dim3A_507 = vector.shape_cast %reduce_sum3A_506 : vector<160xf32> to vector<1x160xf32>
    %mul3A_508 = arith.mulf %broadcast_in_dim3A_485, %broadcast_in_dim3A_485 : vector<1x160xf32>
    %mul3A_509 = arith.mulf %broadcast_in_dim3A_496, %broadcast_in_dim3A_496 : vector<1x160xf32>
    %add3A_510 = arith.addf %mul3A_508, %mul3A_509 : vector<1x160xf32>
    %sqrt3A_511 = math.sqrt %add3A_510 : vector<1x160xf32>
    %add3A_512 = arith.constant 9.99999997E-7 : f32
    %add3A_513 = vector.broadcast %add3A_512 : f32 to vector<1x160xf32>
    %add3A_514 = arith.addf %sqrt3A_511, %add3A_513 : vector<1x160xf32>
    %div3A_515 = arith.divf %broadcast_in_dim3A_485, %add3A_514 : vector<1x160xf32>
    %div3A_516 = arith.divf %broadcast_in_dim3A_496, %add3A_514 : vector<1x160xf32>
    %jit3A_517 = arith.constant -3.000000e+00 : f32
    %jit3A_518 = arith.constant 3.000000e+00 : f32
    %max3A_519 = vector.broadcast %jit3A_517 : f32 to vector<1x160xf32>
    %max3A_520 = arith.maximumf %max3A_519, %broadcast_in_dim3A_507 : vector<1x160xf32>
    %min3A_521 = vector.broadcast %jit3A_518 : f32 to vector<1x160xf32>
    %min3A_522 = arith.minimumf %min3A_521, %max3A_520 : vector<1x160xf32>
    %exp3A_523 = math.exp %min3A_522 : vector<1x160xf32>
    %ge3A_524 = arith.constant 1 : i32
    %ge3A_525 = vector.broadcast %ge3A_524 : i32 to vector<1x160xi32>
    %ge3A_526 = arith.cmpi sge, %broadcast_in_dim3A_473, %ge3A_525 : vector<1x160xi32>
    %jit3A_527 = arith.constant 0.000000e+00 : f32
    %broadcast_in_dim3A_528 = vector.broadcast %jit3A_527 : f32 to vector<1x160xf32>
    %select_n3A_529 = arith.select %ge3A_526, %div3A_465, %broadcast_in_dim3A_528 : vector<1x160xi1>, vector<1x160xf32>
    %broadcast_in_dim3A_530 = arith.constant 0.000000e+00 : f32
    %broadcast_in_dim3A_531 = vector.broadcast %broadcast_in_dim3A_530 : f32 to vector<1x160xf32>
    %mul3A_532 = arith.constant 32 : i32
    %mul3A_533 = arith.muli %mul3A_532, %arg1 : i32
    %add3A_534 = arith.constant 8 : i32
    %add3A_535 = arith.addi %mul3A_533, %add3A_534 : i32
    %convert_element_type3A_536 = arith.sitofp %add3A_535 : i32 to f32
    %add3A_537 = vector.broadcast %convert_element_type3A_536 : f32 to vector<1x160xf32>
    %add3A_538 = arith.addf %broadcast_in_dim3A_531, %add3A_537 : vector<1x160xf32>
    %sub3A_539 = arith.constant 1 : i32
    %sub3A_540 = vector.broadcast %sub3A_539 : i32 to vector<1x160xi32>
    %sub3A_541 = arith.subi %broadcast_in_dim3A_473, %sub3A_540 : vector<1x160xi32>
    %max3A_542 = arith.constant 0 : i32
    %max3A_543 = vector.broadcast %max3A_542 : i32 to vector<1x160xi32>
    %max3A_544 = arith.maxsi %sub3A_541, %max3A_543 : vector<1x160xi32>
    %mul3A_545 = arith.constant 21 : i32
    %mul3A_546 = arith.muli %arg0, %mul3A_545 : i32
    %add3A_547 = vector.broadcast %mul3A_546 : i32 to vector<1x160xi32>
    %add3A_548 = arith.addi %add3A_547, %max3A_544 : vector<1x160xi32>
    %mul3A_549 = arith.constant 19200 : i32
    %mul3A_550 = vector.broadcast %mul3A_549 : i32 to vector<1x160xi32>
    %mul3A_551 = arith.muli %add3A_548, %mul3A_550 : vector<1x160xi32>
    %mul3A_552 = vector.broadcast %convert_element_type3A_111 : vector<8x1xf32> to vector<8x160xf32>
    %mul3A_553 = vector.broadcast %div3A_515 : vector<1x160xf32> to vector<8x160xf32>
    %mul3A_554 = arith.mulf %mul3A_552, %mul3A_553 : vector<8x160xf32>
    %add3A_555 = vector.broadcast %convert_element_type3A_116 : vector<1x160xf32> to vector<8x160xf32>
    %add3A_556 = arith.addf %add3A_555, %mul3A_554 : vector<8x160xf32>
    %mul3A_557 = arith.constant 2.500000e-01 : f32
    %mul3A_558 = vector.broadcast %mul3A_557 : f32 to vector<8x160xf32>
    %mul3A_559 = arith.mulf %add3A_556, %mul3A_558 : vector<8x160xf32>
    %convert_element_type3A_560 = arith.fptosi %mul3A_559 : vector<8x160xf32> to vector<8x160xi32>
    %jit3A_561 = arith.constant 0 : i32
    %jit3A_562 = arith.constant 159 : i32
    %max3A_563 = vector.broadcast %jit3A_561 : i32 to vector<8x160xi32>
    %max3A_564 = arith.maxsi %max3A_563, %convert_element_type3A_560 : vector<8x160xi32>
    %min3A_565 = vector.broadcast %jit3A_562 : i32 to vector<8x160xi32>
    %min3A_566 = arith.minsi %min3A_565, %max3A_564 : vector<8x160xi32>
    %mul3A_567 = vector.broadcast %convert_element_type3A_111 : vector<8x1xf32> to vector<8x160xf32>
    %mul3A_568 = vector.broadcast %div3A_516 : vector<1x160xf32> to vector<8x160xf32>
    %mul3A_569 = arith.mulf %mul3A_567, %mul3A_568 : vector<8x160xf32>
    %add3A_570 = vector.broadcast %add3A_538 : vector<1x160xf32> to vector<8x160xf32>
    %add3A_571 = arith.addf %add3A_570, %mul3A_569 : vector<8x160xf32>
    %mul3A_572 = arith.constant 2.500000e-01 : f32
    %mul3A_573 = vector.broadcast %mul3A_572 : f32 to vector<8x160xf32>
    %mul3A_574 = arith.mulf %add3A_571, %mul3A_573 : vector<8x160xf32>
    %convert_element_type3A_575 = arith.fptosi %mul3A_574 : vector<8x160xf32> to vector<8x160xi32>
    %jit3A_576 = arith.constant 0 : i32
    %jit3A_577 = arith.constant 119 : i32
    %max3A_578 = vector.broadcast %jit3A_576 : i32 to vector<8x160xi32>
    %max3A_579 = arith.maxsi %max3A_578, %convert_element_type3A_575 : vector<8x160xi32>
    %min3A_580 = vector.broadcast %jit3A_577 : i32 to vector<8x160xi32>
    %min3A_581 = arith.minsi %min3A_580, %max3A_579 : vector<8x160xi32>
    %mul3A_582 = arith.constant 160 : i32
    %mul3A_583 = vector.broadcast %mul3A_582 : i32 to vector<8x160xi32>
    %mul3A_584 = arith.muli %min3A_581, %mul3A_583 : vector<8x160xi32>
    %add3A_585 = vector.broadcast %mul3A_551 : vector<1x160xi32> to vector<8x160xi32>
    %add3A_586 = arith.addi %add3A_585, %mul3A_584 : vector<8x160xi32>
    %add3A_587 = arith.addi %add3A_586, %min3A_566 : vector<8x160xi32>
    %swap3A_588 = arith.constant 0 : index
    %swap3A_589 = arith.constant 2 : index
    %swap3A_590 = arith.constant 0 : index
    %swap3A_591 = arith.constant 0 : index
    %swap3A_592 = vector.load %arg4[%swap3A_588, %swap3A_589, %swap3A_590, %swap3A_591] : memref<1x8x8x160xi32, #tpu.memory_space<vmem>>, vector<1x1x8x160xi32>
    %swap3A_593 = vector.shape_cast %swap3A_592 : vector<1x1x8x160xi32> to vector<8x160xi32>
    %swap3A_594 = vector.shape_cast %add3A_587 : vector<8x160xi32> to vector<1x1x8x160xi32>
    tpu.vector_store %arg4[%swap3A_588, %swap3A_589, %swap3A_590, %swap3A_591], %swap3A_594 {strides = array<i32>} : memref<1x8x8x160xi32, #tpu.memory_space<vmem>>, vector<1x1x8x160xi32>,
    %broadcast_in_dim3A_595 = vector.shape_cast %select_n3A_529 : vector<1x160xf32> to vector<1x160xf32>
    %broadcast_in_dim3A_596 = vector.broadcast %broadcast_in_dim3A_595 : vector<1x160xf32> to vector<8x160xf32>
    %swap3A_597 = arith.constant 0 : index
    %swap3A_598 = arith.constant 2 : index
    %swap3A_599 = arith.constant 0 : index
    %swap3A_600 = arith.constant 0 : index
    %swap3A_601 = vector.load %arg5[%swap3A_597, %swap3A_598, %swap3A_599, %swap3A_600] : memref<1x8x8x160xf32, #tpu.memory_space<vmem>>, vector<1x1x8x160xf32>
    %swap3A_602 = vector.shape_cast %swap3A_601 : vector<1x1x8x160xf32> to vector<8x160xf32>
    %swap3A_603 = vector.shape_cast %broadcast_in_dim3A_596 : vector<8x160xf32> to vector<1x1x8x160xf32>
    tpu.vector_store %arg5[%swap3A_597, %swap3A_598, %swap3A_599, %swap3A_600], %swap3A_603 {strides = array<i32>} : memref<1x8x8x160xf32, #tpu.memory_space<vmem>>, vector<1x1x8x160xf32>,
    %broadcast_in_dim3A_604 = vector.shape_cast %broadcast_in_dim3A_473 : vector<1x160xi32> to vector<1x160xi32>
    %broadcast_in_dim3A_605 = vector.broadcast %broadcast_in_dim3A_604 : vector<1x160xi32> to vector<21x160xi32>
    %eq3A_606 = arith.cmpi eq, %broadcast_in_dim3A_605, %add3A_120 : vector<21x160xi32>
    %broadcast_in_dim3A_607 = vector.shape_cast %div3A_465 : vector<1x160xf32> to vector<1x160xf32>
    %broadcast_in_dim3A_608 = vector.broadcast %broadcast_in_dim3A_607 : vector<1x160xf32> to vector<21x160xf32>
    %jit3A_609 = arith.constant 0.000000e+00 : f32
    %broadcast_in_dim3A_610 = vector.broadcast %jit3A_609 : f32 to vector<21x160xf32>
    %select_n3A_611 = arith.select %eq3A_606, %broadcast_in_dim3A_608, %broadcast_in_dim3A_610 : vector<21x160xi1>, vector<21x160xf32>
    %mul3A_612 = arith.mulf %div3A_465, %exp3A_523 : vector<1x160xf32>
    %broadcast_in_dim3A_613 = vector.shape_cast %mul3A_612 : vector<1x160xf32> to vector<1x160xf32>
    %broadcast_in_dim3A_614 = vector.broadcast %broadcast_in_dim3A_613 : vector<1x160xf32> to vector<21x160xf32>
    %jit3A_615 = arith.constant 0.000000e+00 : f32
    %broadcast_in_dim3A_616 = vector.broadcast %jit3A_615 : f32 to vector<21x160xf32>
    %select_n3A_617 = arith.select %eq3A_606, %broadcast_in_dim3A_614, %broadcast_in_dim3A_616 : vector<21x160xi1>, vector<21x160xf32>
    %reduce_sum3A_618 = arith.constant dense<0.000000e+00> : vector<21xf32>
    %reduce_sum3A_619 = vector.multi_reduction <add>, %select_n3A_611, %reduce_sum3A_618 [1] : vector<21x160xf32> to vector<21xf32>
    %broadcast_in_dim3A_620 = vector.shape_cast %reduce_sum3A_619 : vector<21xf32> to vector<21x1xf32>
    %add3A_621 = arith.addf %add3A_448, %broadcast_in_dim3A_620 : vector<21x1xf32>
    %reduce_sum3A_622 = arith.constant dense<0.000000e+00> : vector<21xf32>
    %reduce_sum3A_623 = vector.multi_reduction <add>, %select_n3A_617, %reduce_sum3A_622 [1] : vector<21x160xf32> to vector<21xf32>
    %broadcast_in_dim3A_624 = vector.shape_cast %reduce_sum3A_623 : vector<21xf32> to vector<21x1xf32>
    %add3A_625 = arith.addf %add3A_452, %broadcast_in_dim3A_624 : vector<21x1xf32>
    %slice3A_626 = vector.extract_strided_slice %dot_general3A_102 {offsets = [66, 0], sizes = [22, 160], strides = [1, 1]} : vector<704x160xf32> to vector<22x160xf32>
    %reduce_max3A_627 = arith.constant dense<0xFF800000> : vector<160xf32>
    %reduce_max3A_628 = vector.multi_reduction <maximumf>, %slice3A_626, %reduce_max3A_627 [0] : vector<22x160xf32> to vector<160xf32>
    %broadcast_in_dim3A_629 = vector.shape_cast %reduce_max3A_628 : vector<160xf32> to vector<1x160xf32>
    %sub3A_630 = vector.broadcast %broadcast_in_dim3A_629 : vector<1x160xf32> to vector<22x160xf32>
    %sub3A_631 = arith.subf %slice3A_626, %sub3A_630 : vector<22x160xf32>
    %exp3A_632 = math.exp %sub3A_631 : vector<22x160xf32>
    %reduce_sum3A_633 = arith.constant dense<0.000000e+00> : vector<160xf32>
    %reduce_sum3A_634 = vector.multi_reduction <add>, %exp3A_632, %reduce_sum3A_633 [0] : vector<22x160xf32> to vector<160xf32>
    %broadcast_in_dim3A_635 = vector.shape_cast %reduce_sum3A_634 : vector<160xf32> to vector<1x160xf32>
    %div3A_636 = arith.constant 1.000000e+00 : f32
    %div3A_637 = vector.broadcast %div3A_636 : f32 to vector<1x160xf32>
    %div3A_638 = arith.divf %div3A_637, %broadcast_in_dim3A_635 : vector<1x160xf32>
    %eq3A_639 = vector.broadcast %broadcast_in_dim3A_629 : vector<1x160xf32> to vector<22x160xf32>
    %eq3A_640 = arith.cmpf oeq, %slice3A_626, %eq3A_639 : vector<22x160xf32>
    %jit3A_641 = arith.constant 22 : i32
    %broadcast_in_dim3A_642 = vector.broadcast %jit3A_641 : i32 to vector<22x160xi32>
    %select_n3A_643 = arith.select %eq3A_640, %iota3A_103, %broadcast_in_dim3A_642 : vector<22x160xi1>, vector<22x160xi32>
    %reduce_min3A_644 = arith.constant dense<2147483647> : vector<160xi32>
    %reduce_min3A_645 = vector.multi_reduction <minsi>, %select_n3A_643, %reduce_min3A_644 [0] : vector<22x160xi32> to vector<160xi32>
    %broadcast_in_dim3A_646 = vector.shape_cast %reduce_min3A_645 : vector<160xi32> to vector<1x160xi32>
    %slice3A_647 = vector.extract_strided_slice %dot_general3A_102 {offsets = [374, 0], sizes = [66, 160], strides = [1, 1]} : vector<704x160xf32> to vector<66x160xf32>
    %mul3A_648 = arith.constant 3 : i32
    %mul3A_649 = vector.broadcast %mul3A_648 : i32 to vector<1x160xi32>
    %mul3A_650 = arith.muli %mul3A_649, %broadcast_in_dim3A_646 : vector<1x160xi32>
    %eq3A_651 = vector.broadcast %mul3A_650 : vector<1x160xi32> to vector<66x160xi32>
    %eq3A_652 = arith.cmpi eq, %iota3A_104, %eq3A_651 : vector<66x160xi32>
    %jit3A_653 = arith.constant 0.000000e+00 : f32
    %broadcast_in_dim3A_654 = vector.broadcast %jit3A_653 : f32 to vector<66x160xf32>
    %select_n3A_655 = arith.select %eq3A_652, %slice3A_647, %broadcast_in_dim3A_654 : vector<66x160xi1>, vector<66x160xf32>
    %reduce_sum3A_656 = arith.constant dense<0.000000e+00> : vector<160xf32>
    %reduce_sum3A_657 = vector.multi_reduction <add>, %select_n3A_655, %reduce_sum3A_656 [0] : vector<66x160xf32> to vector<160xf32>
    %broadcast_in_dim3A_658 = vector.shape_cast %reduce_sum3A_657 : vector<160xf32> to vector<1x160xf32>
    %add3A_659 = arith.constant 1 : i32
    %add3A_660 = vector.broadcast %add3A_659 : i32 to vector<1x160xi32>
    %add3A_661 = arith.addi %mul3A_650, %add3A_660 : vector<1x160xi32>
    %eq3A_662 = vector.broadcast %add3A_661 : vector<1x160xi32> to vector<66x160xi32>
    %eq3A_663 = arith.cmpi eq, %iota3A_104, %eq3A_662 : vector<66x160xi32>
    %jit3A_664 = arith.constant 0.000000e+00 : f32
    %broadcast_in_dim3A_665 = vector.broadcast %jit3A_664 : f32 to vector<66x160xf32>
    %select_n3A_666 = arith.select %eq3A_663, %slice3A_647, %broadcast_in_dim3A_665 : vector<66x160xi1>, vector<66x160xf32>
    %reduce_sum3A_667 = arith.constant dense<0.000000e+00> : vector<160xf32>
    %reduce_sum3A_668 = vector.multi_reduction <add>, %select_n3A_666, %reduce_sum3A_667 [0] : vector<66x160xf32> to vector<160xf32>
    %broadcast_in_dim3A_669 = vector.shape_cast %reduce_sum3A_668 : vector<160xf32> to vector<1x160xf32>
    %add3A_670 = arith.constant 2 : i32
    %add3A_671 = vector.broadcast %add3A_670 : i32 to vector<1x160xi32>
    %add3A_672 = arith.addi %mul3A_650, %add3A_671 : vector<1x160xi32>
    %eq3A_673 = vector.broadcast %add3A_672 : vector<1x160xi32> to vector<66x160xi32>
    %eq3A_674 = arith.cmpi eq, %iota3A_104, %eq3A_673 : vector<66x160xi32>
    %jit3A_675 = arith.constant 0.000000e+00 : f32
    %broadcast_in_dim3A_676 = vector.broadcast %jit3A_675 : f32 to vector<66x160xf32>
    %select_n3A_677 = arith.select %eq3A_674, %slice3A_647, %broadcast_in_dim3A_676 : vector<66x160xi1>, vector<66x160xf32>
    %reduce_sum3A_678 = arith.constant dense<0.000000e+00> : vector<160xf32>
    %reduce_sum3A_679 = vector.multi_reduction <add>, %select_n3A_677, %reduce_sum3A_678 [0] : vector<66x160xf32> to vector<160xf32>
    %broadcast_in_dim3A_680 = vector.shape_cast %reduce_sum3A_679 : vector<160xf32> to vector<1x160xf32>
    %mul3A_681 = arith.mulf %broadcast_in_dim3A_658, %broadcast_in_dim3A_658 : vector<1x160xf32>
    %mul3A_682 = arith.mulf %broadcast_in_dim3A_669, %broadcast_in_dim3A_669 : vector<1x160xf32>
    %add3A_683 = arith.addf %mul3A_681, %mul3A_682 : vector<1x160xf32>
    %sqrt3A_684 = math.sqrt %add3A_683 : vector<1x160xf32>
    %add3A_685 = arith.constant 9.99999997E-7 : f32
    %add3A_686 = vector.broadcast %add3A_685 : f32 to vector<1x160xf32>
    %add3A_687 = arith.addf %sqrt3A_684, %add3A_686 : vector<1x160xf32>
    %div3A_688 = arith.divf %broadcast_in_dim3A_658, %add3A_687 : vector<1x160xf32>
    %div3A_689 = arith.divf %broadcast_in_dim3A_669, %add3A_687 : vector<1x160xf32>
    %jit3A_690 = arith.constant -3.000000e+00 : f32
    %jit3A_691 = arith.constant 3.000000e+00 : f32
    %max3A_692 = vector.broadcast %jit3A_690 : f32 to vector<1x160xf32>
    %max3A_693 = arith.maximumf %max3A_692, %broadcast_in_dim3A_680 : vector<1x160xf32>
    %min3A_694 = vector.broadcast %jit3A_691 : f32 to vector<1x160xf32>
    %min3A_695 = arith.minimumf %min3A_694, %max3A_693 : vector<1x160xf32>
    %exp3A_696 = math.exp %min3A_695 : vector<1x160xf32>
    %ge3A_697 = arith.constant 1 : i32
    %ge3A_698 = vector.broadcast %ge3A_697 : i32 to vector<1x160xi32>
    %ge3A_699 = arith.cmpi sge, %broadcast_in_dim3A_646, %ge3A_698 : vector<1x160xi32>
    %jit3A_700 = arith.constant 0.000000e+00 : f32
    %broadcast_in_dim3A_701 = vector.broadcast %jit3A_700 : f32 to vector<1x160xf32>
    %select_n3A_702 = arith.select %ge3A_699, %div3A_638, %broadcast_in_dim3A_701 : vector<1x160xi1>, vector<1x160xf32>
    %broadcast_in_dim3A_703 = arith.constant 0.000000e+00 : f32
    %broadcast_in_dim3A_704 = vector.broadcast %broadcast_in_dim3A_703 : f32 to vector<1x160xf32>
    %mul3A_705 = arith.constant 32 : i32
    %mul3A_706 = arith.muli %mul3A_705, %arg1 : i32
    %add3A_707 = arith.constant 12 : i32
    %add3A_708 = arith.addi %mul3A_706, %add3A_707 : i32
    %convert_element_type3A_709 = arith.sitofp %add3A_708 : i32 to f32
    %add3A_710 = vector.broadcast %convert_element_type3A_709 : f32 to vector<1x160xf32>
    %add3A_711 = arith.addf %broadcast_in_dim3A_704, %add3A_710 : vector<1x160xf32>
    %sub3A_712 = arith.constant 1 : i32
    %sub3A_713 = vector.broadcast %sub3A_712 : i32 to vector<1x160xi32>
    %sub3A_714 = arith.subi %broadcast_in_dim3A_646, %sub3A_713 : vector<1x160xi32>
    %max3A_715 = arith.constant 0 : i32
    %max3A_716 = vector.broadcast %max3A_715 : i32 to vector<1x160xi32>
    %max3A_717 = arith.maxsi %sub3A_714, %max3A_716 : vector<1x160xi32>
    %mul3A_718 = arith.constant 21 : i32
    %mul3A_719 = arith.muli %arg0, %mul3A_718 : i32
    %add3A_720 = vector.broadcast %mul3A_719 : i32 to vector<1x160xi32>
    %add3A_721 = arith.addi %add3A_720, %max3A_717 : vector<1x160xi32>
    %mul3A_722 = arith.constant 19200 : i32
    %mul3A_723 = vector.broadcast %mul3A_722 : i32 to vector<1x160xi32>
    %mul3A_724 = arith.muli %add3A_721, %mul3A_723 : vector<1x160xi32>
    %mul3A_725 = vector.broadcast %convert_element_type3A_111 : vector<8x1xf32> to vector<8x160xf32>
    %mul3A_726 = vector.broadcast %div3A_688 : vector<1x160xf32> to vector<8x160xf32>
    %mul3A_727 = arith.mulf %mul3A_725, %mul3A_726 : vector<8x160xf32>
    %add3A_728 = vector.broadcast %convert_element_type3A_116 : vector<1x160xf32> to vector<8x160xf32>
    %add3A_729 = arith.addf %add3A_728, %mul3A_727 : vector<8x160xf32>
    %mul3A_730 = arith.constant 2.500000e-01 : f32
    %mul3A_731 = vector.broadcast %mul3A_730 : f32 to vector<8x160xf32>
    %mul3A_732 = arith.mulf %add3A_729, %mul3A_731 : vector<8x160xf32>
    %convert_element_type3A_733 = arith.fptosi %mul3A_732 : vector<8x160xf32> to vector<8x160xi32>
    %jit3A_734 = arith.constant 0 : i32
    %jit3A_735 = arith.constant 159 : i32
    %max3A_736 = vector.broadcast %jit3A_734 : i32 to vector<8x160xi32>
    %max3A_737 = arith.maxsi %max3A_736, %convert_element_type3A_733 : vector<8x160xi32>
    %min3A_738 = vector.broadcast %jit3A_735 : i32 to vector<8x160xi32>
    %min3A_739 = arith.minsi %min3A_738, %max3A_737 : vector<8x160xi32>
    %mul3A_740 = vector.broadcast %convert_element_type3A_111 : vector<8x1xf32> to vector<8x160xf32>
    %mul3A_741 = vector.broadcast %div3A_689 : vector<1x160xf32> to vector<8x160xf32>
    %mul3A_742 = arith.mulf %mul3A_740, %mul3A_741 : vector<8x160xf32>
    %add3A_743 = vector.broadcast %add3A_711 : vector<1x160xf32> to vector<8x160xf32>
    %add3A_744 = arith.addf %add3A_743, %mul3A_742 : vector<8x160xf32>
    %mul3A_745 = arith.constant 2.500000e-01 : f32
    %mul3A_746 = vector.broadcast %mul3A_745 : f32 to vector<8x160xf32>
    %mul3A_747 = arith.mulf %add3A_744, %mul3A_746 : vector<8x160xf32>
    %convert_element_type3A_748 = arith.fptosi %mul3A_747 : vector<8x160xf32> to vector<8x160xi32>
    %jit3A_749 = arith.constant 0 : i32
    %jit3A_750 = arith.constant 119 : i32
    %max3A_751 = vector.broadcast %jit3A_749 : i32 to vector<8x160xi32>
    %max3A_752 = arith.maxsi %max3A_751, %convert_element_type3A_748 : vector<8x160xi32>
    %min3A_753 = vector.broadcast %jit3A_750 : i32 to vector<8x160xi32>
    %min3A_754 = arith.minsi %min3A_753, %max3A_752 : vector<8x160xi32>
    %mul3A_755 = arith.constant 160 : i32
    %mul3A_756 = vector.broadcast %mul3A_755 : i32 to vector<8x160xi32>
    %mul3A_757 = arith.muli %min3A_754, %mul3A_756 : vector<8x160xi32>
    %add3A_758 = vector.broadcast %mul3A_724 : vector<1x160xi32> to vector<8x160xi32>
    %add3A_759 = arith.addi %add3A_758, %mul3A_757 : vector<8x160xi32>
    %add3A_760 = arith.addi %add3A_759, %min3A_739 : vector<8x160xi32>
    %swap3A_761 = arith.constant 0 : index
    %swap3A_762 = arith.constant 3 : index
    %swap3A_763 = arith.constant 0 : index
    %swap3A_764 = arith.constant 0 : index
    %swap3A_765 = vector.load %arg4[%swap3A_761, %swap3A_762, %swap3A_763, %swap3A_764] : memref<1x8x8x160xi32, #tpu.memory_space<vmem>>, vector<1x1x8x160xi32>
    %swap3A_766 = vector.shape_cast %swap3A_765 : vector<1x1x8x160xi32> to vector<8x160xi32>
    %swap3A_767 = vector.shape_cast %add3A_760 : vector<8x160xi32> to vector<1x1x8x160xi32>
    tpu.vector_store %arg4[%swap3A_761, %swap3A_762, %swap3A_763, %swap3A_764], %swap3A_767 {strides = array<i32>} : memref<1x8x8x160xi32, #tpu.memory_space<vmem>>, vector<1x1x8x160xi32>,
    %broadcast_in_dim3A_768 = vector.shape_cast %select_n3A_702 : vector<1x160xf32> to vector<1x160xf32>
    %broadcast_in_dim3A_769 = vector.broadcast %broadcast_in_dim3A_768 : vector<1x160xf32> to vector<8x160xf32>
    %swap3A_770 = arith.constant 0 : index
    %swap3A_771 = arith.constant 3 : index
    %swap3A_772 = arith.constant 0 : index
    %swap3A_773 = arith.constant 0 : index
    %swap3A_774 = vector.load %arg5[%swap3A_770, %swap3A_771, %swap3A_772, %swap3A_773] : memref<1x8x8x160xf32, #tpu.memory_space<vmem>>, vector<1x1x8x160xf32>
    %swap3A_775 = vector.shape_cast %swap3A_774 : vector<1x1x8x160xf32> to vector<8x160xf32>
    %swap3A_776 = vector.shape_cast %broadcast_in_dim3A_769 : vector<8x160xf32> to vector<1x1x8x160xf32>
    tpu.vector_store %arg5[%swap3A_770, %swap3A_771, %swap3A_772, %swap3A_773], %swap3A_776 {strides = array<i32>} : memref<1x8x8x160xf32, #tpu.memory_space<vmem>>, vector<1x1x8x160xf32>,
    %broadcast_in_dim3A_777 = vector.shape_cast %broadcast_in_dim3A_646 : vector<1x160xi32> to vector<1x160xi32>
    %broadcast_in_dim3A_778 = vector.broadcast %broadcast_in_dim3A_777 : vector<1x160xi32> to vector<21x160xi32>
    %eq3A_779 = arith.cmpi eq, %broadcast_in_dim3A_778, %add3A_120 : vector<21x160xi32>
    %broadcast_in_dim3A_780 = vector.shape_cast %div3A_638 : vector<1x160xf32> to vector<1x160xf32>
    %broadcast_in_dim3A_781 = vector.broadcast %broadcast_in_dim3A_780 : vector<1x160xf32> to vector<21x160xf32>
    %jit3A_782 = arith.constant 0.000000e+00 : f32
    %broadcast_in_dim3A_783 = vector.broadcast %jit3A_782 : f32 to vector<21x160xf32>
    %select_n3A_784 = arith.select %eq3A_779, %broadcast_in_dim3A_781, %broadcast_in_dim3A_783 : vector<21x160xi1>, vector<21x160xf32>
    %mul3A_785 = arith.mulf %div3A_638, %exp3A_696 : vector<1x160xf32>
    %broadcast_in_dim3A_786 = vector.shape_cast %mul3A_785 : vector<1x160xf32> to vector<1x160xf32>
    %broadcast_in_dim3A_787 = vector.broadcast %broadcast_in_dim3A_786 : vector<1x160xf32> to vector<21x160xf32>
    %jit3A_788 = arith.constant 0.000000e+00 : f32
    %broadcast_in_dim3A_789 = vector.broadcast %jit3A_788 : f32 to vector<21x160xf32>
    %select_n3A_790 = arith.select %eq3A_779, %broadcast_in_dim3A_787, %broadcast_in_dim3A_789 : vector<21x160xi1>, vector<21x160xf32>
    %reduce_sum3A_791 = arith.constant dense<0.000000e+00> : vector<21xf32>
    %reduce_sum3A_792 = vector.multi_reduction <add>, %select_n3A_784, %reduce_sum3A_791 [1] : vector<21x160xf32> to vector<21xf32>
    %broadcast_in_dim3A_793 = vector.shape_cast %reduce_sum3A_792 : vector<21xf32> to vector<21x1xf32>
    %add3A_794 = arith.addf %add3A_621, %broadcast_in_dim3A_793 : vector<21x1xf32>
    %reduce_sum3A_795 = arith.constant dense<0.000000e+00> : vector<21xf32>
    %reduce_sum3A_796 = vector.multi_reduction <add>, %select_n3A_790, %reduce_sum3A_795 [1] : vector<21x160xf32> to vector<21xf32>
    %broadcast_in_dim3A_797 = vector.shape_cast %reduce_sum3A_796 : vector<21xf32> to vector<21x1xf32>
    %add3A_798 = arith.addf %add3A_625, %broadcast_in_dim3A_797 : vector<21x1xf32>
    %slice3A_799 = vector.extract_strided_slice %dot_general3A_102 {offsets = [88, 0], sizes = [22, 160], strides = [1, 1]} : vector<704x160xf32> to vector<22x160xf32>
    %reduce_max3A_800 = arith.constant dense<0xFF800000> : vector<160xf32>
    %reduce_max3A_801 = vector.multi_reduction <maximumf>, %slice3A_799, %reduce_max3A_800 [0] : vector<22x160xf32> to vector<160xf32>
    %broadcast_in_dim3A_802 = vector.shape_cast %reduce_max3A_801 : vector<160xf32> to vector<1x160xf32>
    %sub3A_803 = vector.broadcast %broadcast_in_dim3A_802 : vector<1x160xf32> to vector<22x160xf32>
    %sub3A_804 = arith.subf %slice3A_799, %sub3A_803 : vector<22x160xf32>
    %exp3A_805 = math.exp %sub3A_804 : vector<22x160xf32>
    %reduce_sum3A_806 = arith.constant dense<0.000000e+00> : vector<160xf32>
    %reduce_sum3A_807 = vector.multi_reduction <add>, %exp3A_805, %reduce_sum3A_806 [0] : vector<22x160xf32> to vector<160xf32>
    %broadcast_in_dim3A_808 = vector.shape_cast %reduce_sum3A_807 : vector<160xf32> to vector<1x160xf32>
    %div3A_809 = arith.constant 1.000000e+00 : f32
    %div3A_810 = vector.broadcast %div3A_809 : f32 to vector<1x160xf32>
    %div3A_811 = arith.divf %div3A_810, %broadcast_in_dim3A_808 : vector<1x160xf32>
    %eq3A_812 = vector.broadcast %broadcast_in_dim3A_802 : vector<1x160xf32> to vector<22x160xf32>
    %eq3A_813 = arith.cmpf oeq, %slice3A_799, %eq3A_812 : vector<22x160xf32>
    %jit3A_814 = arith.constant 22 : i32
    %broadcast_in_dim3A_815 = vector.broadcast %jit3A_814 : i32 to vector<22x160xi32>
    %select_n3A_816 = arith.select %eq3A_813, %iota3A_103, %broadcast_in_dim3A_815 : vector<22x160xi1>, vector<22x160xi32>
    %reduce_min3A_817 = arith.constant dense<2147483647> : vector<160xi32>
    %reduce_min3A_818 = vector.multi_reduction <minsi>, %select_n3A_816, %reduce_min3A_817 [0] : vector<22x160xi32> to vector<160xi32>
    %broadcast_in_dim3A_819 = vector.shape_cast %reduce_min3A_818 : vector<160xi32> to vector<1x160xi32>
    %slice3A_820 = vector.extract_strided_slice %dot_general3A_102 {offsets = [440, 0], sizes = [66, 160], strides = [1, 1]} : vector<704x160xf32> to vector<66x160xf32>
    %mul3A_821 = arith.constant 3 : i32
    %mul3A_822 = vector.broadcast %mul3A_821 : i32 to vector<1x160xi32>
    %mul3A_823 = arith.muli %mul3A_822, %broadcast_in_dim3A_819 : vector<1x160xi32>
    %eq3A_824 = vector.broadcast %mul3A_823 : vector<1x160xi32> to vector<66x160xi32>
    %eq3A_825 = arith.cmpi eq, %iota3A_104, %eq3A_824 : vector<66x160xi32>
    %jit3A_826 = arith.constant 0.000000e+00 : f32
    %broadcast_in_dim3A_827 = vector.broadcast %jit3A_826 : f32 to vector<66x160xf32>
    %select_n3A_828 = arith.select %eq3A_825, %slice3A_820, %broadcast_in_dim3A_827 : vector<66x160xi1>, vector<66x160xf32>
    %reduce_sum3A_829 = arith.constant dense<0.000000e+00> : vector<160xf32>
    %reduce_sum3A_830 = vector.multi_reduction <add>, %select_n3A_828, %reduce_sum3A_829 [0] : vector<66x160xf32> to vector<160xf32>
    %broadcast_in_dim3A_831 = vector.shape_cast %reduce_sum3A_830 : vector<160xf32> to vector<1x160xf32>
    %add3A_832 = arith.constant 1 : i32
    %add3A_833 = vector.broadcast %add3A_832 : i32 to vector<1x160xi32>
    %add3A_834 = arith.addi %mul3A_823, %add3A_833 : vector<1x160xi32>
    %eq3A_835 = vector.broadcast %add3A_834 : vector<1x160xi32> to vector<66x160xi32>
    %eq3A_836 = arith.cmpi eq, %iota3A_104, %eq3A_835 : vector<66x160xi32>
    %jit3A_837 = arith.constant 0.000000e+00 : f32
    %broadcast_in_dim3A_838 = vector.broadcast %jit3A_837 : f32 to vector<66x160xf32>
    %select_n3A_839 = arith.select %eq3A_836, %slice3A_820, %broadcast_in_dim3A_838 : vector<66x160xi1>, vector<66x160xf32>
    %reduce_sum3A_840 = arith.constant dense<0.000000e+00> : vector<160xf32>
    %reduce_sum3A_841 = vector.multi_reduction <add>, %select_n3A_839, %reduce_sum3A_840 [0] : vector<66x160xf32> to vector<160xf32>
    %broadcast_in_dim3A_842 = vector.shape_cast %reduce_sum3A_841 : vector<160xf32> to vector<1x160xf32>
    %add3A_843 = arith.constant 2 : i32
    %add3A_844 = vector.broadcast %add3A_843 : i32 to vector<1x160xi32>
    %add3A_845 = arith.addi %mul3A_823, %add3A_844 : vector<1x160xi32>
    %eq3A_846 = vector.broadcast %add3A_845 : vector<1x160xi32> to vector<66x160xi32>
    %eq3A_847 = arith.cmpi eq, %iota3A_104, %eq3A_846 : vector<66x160xi32>
    %jit3A_848 = arith.constant 0.000000e+00 : f32
    %broadcast_in_dim3A_849 = vector.broadcast %jit3A_848 : f32 to vector<66x160xf32>
    %select_n3A_850 = arith.select %eq3A_847, %slice3A_820, %broadcast_in_dim3A_849 : vector<66x160xi1>, vector<66x160xf32>
    %reduce_sum3A_851 = arith.constant dense<0.000000e+00> : vector<160xf32>
    %reduce_sum3A_852 = vector.multi_reduction <add>, %select_n3A_850, %reduce_sum3A_851 [0] : vector<66x160xf32> to vector<160xf32>
    %broadcast_in_dim3A_853 = vector.shape_cast %reduce_sum3A_852 : vector<160xf32> to vector<1x160xf32>
    %mul3A_854 = arith.mulf %broadcast_in_dim3A_831, %broadcast_in_dim3A_831 : vector<1x160xf32>
    %mul3A_855 = arith.mulf %broadcast_in_dim3A_842, %broadcast_in_dim3A_842 : vector<1x160xf32>
    %add3A_856 = arith.addf %mul3A_854, %mul3A_855 : vector<1x160xf32>
    %sqrt3A_857 = math.sqrt %add3A_856 : vector<1x160xf32>
    %add3A_858 = arith.constant 9.99999997E-7 : f32
    %add3A_859 = vector.broadcast %add3A_858 : f32 to vector<1x160xf32>
    %add3A_860 = arith.addf %sqrt3A_857, %add3A_859 : vector<1x160xf32>
    %div3A_861 = arith.divf %broadcast_in_dim3A_831, %add3A_860 : vector<1x160xf32>
    %div3A_862 = arith.divf %broadcast_in_dim3A_842, %add3A_860 : vector<1x160xf32>
    %jit3A_863 = arith.constant -3.000000e+00 : f32
    %jit3A_864 = arith.constant 3.000000e+00 : f32
    %max3A_865 = vector.broadcast %jit3A_863 : f32 to vector<1x160xf32>
    %max3A_866 = arith.maximumf %max3A_865, %broadcast_in_dim3A_853 : vector<1x160xf32>
    %min3A_867 = vector.broadcast %jit3A_864 : f32 to vector<1x160xf32>
    %min3A_868 = arith.minimumf %min3A_867, %max3A_866 : vector<1x160xf32>
    %exp3A_869 = math.exp %min3A_868 : vector<1x160xf32>
    %ge3A_870 = arith.constant 1 : i32
    %ge3A_871 = vector.broadcast %ge3A_870 : i32 to vector<1x160xi32>
    %ge3A_872 = arith.cmpi sge, %broadcast_in_dim3A_819, %ge3A_871 : vector<1x160xi32>
    %jit3A_873 = arith.constant 0.000000e+00 : f32
    %broadcast_in_dim3A_874 = vector.broadcast %jit3A_873 : f32 to vector<1x160xf32>
    %select_n3A_875 = arith.select %ge3A_872, %div3A_811, %broadcast_in_dim3A_874 : vector<1x160xi1>, vector<1x160xf32>
    %broadcast_in_dim3A_876 = arith.constant 0.000000e+00 : f32
    %broadcast_in_dim3A_877 = vector.broadcast %broadcast_in_dim3A_876 : f32 to vector<1x160xf32>
    %mul3A_878 = arith.constant 32 : i32
    %mul3A_879 = arith.muli %mul3A_878, %arg1 : i32
    %add3A_880 = arith.constant 16 : i32
    %add3A_881 = arith.addi %mul3A_879, %add3A_880 : i32
    %convert_element_type3A_882 = arith.sitofp %add3A_881 : i32 to f32
    %add3A_883 = vector.broadcast %convert_element_type3A_882 : f32 to vector<1x160xf32>
    %add3A_884 = arith.addf %broadcast_in_dim3A_877, %add3A_883 : vector<1x160xf32>
    %sub3A_885 = arith.constant 1 : i32
    %sub3A_886 = vector.broadcast %sub3A_885 : i32 to vector<1x160xi32>
    %sub3A_887 = arith.subi %broadcast_in_dim3A_819, %sub3A_886 : vector<1x160xi32>
    %max3A_888 = arith.constant 0 : i32
    %max3A_889 = vector.broadcast %max3A_888 : i32 to vector<1x160xi32>
    %max3A_890 = arith.maxsi %sub3A_887, %max3A_889 : vector<1x160xi32>
    %mul3A_891 = arith.constant 21 : i32
    %mul3A_892 = arith.muli %arg0, %mul3A_891 : i32
    %add3A_893 = vector.broadcast %mul3A_892 : i32 to vector<1x160xi32>
    %add3A_894 = arith.addi %add3A_893, %max3A_890 : vector<1x160xi32>
    %mul3A_895 = arith.constant 19200 : i32
    %mul3A_896 = vector.broadcast %mul3A_895 : i32 to vector<1x160xi32>
    %mul3A_897 = arith.muli %add3A_894, %mul3A_896 : vector<1x160xi32>
    %mul3A_898 = vector.broadcast %convert_element_type3A_111 : vector<8x1xf32> to vector<8x160xf32>
    %mul3A_899 = vector.broadcast %div3A_861 : vector<1x160xf32> to vector<8x160xf32>
    %mul3A_900 = arith.mulf %mul3A_898, %mul3A_899 : vector<8x160xf32>
    %add3A_901 = vector.broadcast %convert_element_type3A_116 : vector<1x160xf32> to vector<8x160xf32>
    %add3A_902 = arith.addf %add3A_901, %mul3A_900 : vector<8x160xf32>
    %mul3A_903 = arith.constant 2.500000e-01 : f32
    %mul3A_904 = vector.broadcast %mul3A_903 : f32 to vector<8x160xf32>
    %mul3A_905 = arith.mulf %add3A_902, %mul3A_904 : vector<8x160xf32>
    %convert_element_type3A_906 = arith.fptosi %mul3A_905 : vector<8x160xf32> to vector<8x160xi32>
    %jit3A_907 = arith.constant 0 : i32
    %jit3A_908 = arith.constant 159 : i32
    %max3A_909 = vector.broadcast %jit3A_907 : i32 to vector<8x160xi32>
    %max3A_910 = arith.maxsi %max3A_909, %convert_element_type3A_906 : vector<8x160xi32>
    %min3A_911 = vector.broadcast %jit3A_908 : i32 to vector<8x160xi32>
    %min3A_912 = arith.minsi %min3A_911, %max3A_910 : vector<8x160xi32>
    %mul3A_913 = vector.broadcast %convert_element_type3A_111 : vector<8x1xf32> to vector<8x160xf32>
    %mul3A_914 = vector.broadcast %div3A_862 : vector<1x160xf32> to vector<8x160xf32>
    %mul3A_915 = arith.mulf %mul3A_913, %mul3A_914 : vector<8x160xf32>
    %add3A_916 = vector.broadcast %add3A_884 : vector<1x160xf32> to vector<8x160xf32>
    %add3A_917 = arith.addf %add3A_916, %mul3A_915 : vector<8x160xf32>
    %mul3A_918 = arith.constant 2.500000e-01 : f32
    %mul3A_919 = vector.broadcast %mul3A_918 : f32 to vector<8x160xf32>
    %mul3A_920 = arith.mulf %add3A_917, %mul3A_919 : vector<8x160xf32>
    %convert_element_type3A_921 = arith.fptosi %mul3A_920 : vector<8x160xf32> to vector<8x160xi32>
    %jit3A_922 = arith.constant 0 : i32
    %jit3A_923 = arith.constant 119 : i32
    %max3A_924 = vector.broadcast %jit3A_922 : i32 to vector<8x160xi32>
    %max3A_925 = arith.maxsi %max3A_924, %convert_element_type3A_921 : vector<8x160xi32>
    %min3A_926 = vector.broadcast %jit3A_923 : i32 to vector<8x160xi32>
    %min3A_927 = arith.minsi %min3A_926, %max3A_925 : vector<8x160xi32>
    %mul3A_928 = arith.constant 160 : i32
    %mul3A_929 = vector.broadcast %mul3A_928 : i32 to vector<8x160xi32>
    %mul3A_930 = arith.muli %min3A_927, %mul3A_929 : vector<8x160xi32>
    %add3A_931 = vector.broadcast %mul3A_897 : vector<1x160xi32> to vector<8x160xi32>
    %add3A_932 = arith.addi %add3A_931, %mul3A_930 : vector<8x160xi32>
    %add3A_933 = arith.addi %add3A_932, %min3A_912 : vector<8x160xi32>
    %swap3A_934 = arith.constant 0 : index
    %swap3A_935 = arith.constant 4 : index
    %swap3A_936 = arith.constant 0 : index
    %swap3A_937 = arith.constant 0 : index
    %swap3A_938 = vector.load %arg4[%swap3A_934, %swap3A_935, %swap3A_936, %swap3A_937] : memref<1x8x8x160xi32, #tpu.memory_space<vmem>>, vector<1x1x8x160xi32>
    %swap3A_939 = vector.shape_cast %swap3A_938 : vector<1x1x8x160xi32> to vector<8x160xi32>
    %swap3A_940 = vector.shape_cast %add3A_933 : vector<8x160xi32> to vector<1x1x8x160xi32>
    tpu.vector_store %arg4[%swap3A_934, %swap3A_935, %swap3A_936, %swap3A_937], %swap3A_940 {strides = array<i32>} : memref<1x8x8x160xi32, #tpu.memory_space<vmem>>, vector<1x1x8x160xi32>,
    %broadcast_in_dim3A_941 = vector.shape_cast %select_n3A_875 : vector<1x160xf32> to vector<1x160xf32>
    %broadcast_in_dim3A_942 = vector.broadcast %broadcast_in_dim3A_941 : vector<1x160xf32> to vector<8x160xf32>
    %swap3A_943 = arith.constant 0 : index
    %swap3A_944 = arith.constant 4 : index
    %swap3A_945 = arith.constant 0 : index
    %swap3A_946 = arith.constant 0 : index
    %swap3A_947 = vector.load %arg5[%swap3A_943, %swap3A_944, %swap3A_945, %swap3A_946] : memref<1x8x8x160xf32, #tpu.memory_space<vmem>>, vector<1x1x8x160xf32>
    %swap3A_948 = vector.shape_cast %swap3A_947 : vector<1x1x8x160xf32> to vector<8x160xf32>
    %swap3A_949 = vector.shape_cast %broadcast_in_dim3A_942 : vector<8x160xf32> to vector<1x1x8x160xf32>
    tpu.vector_store %arg5[%swap3A_943, %swap3A_944, %swap3A_945, %swap3A_946], %swap3A_949 {strides = array<i32>} : memref<1x8x8x160xf32, #tpu.memory_space<vmem>>, vector<1x1x8x160xf32>,
    %broadcast_in_dim3A_950 = vector.shape_cast %broadcast_in_dim3A_819 : vector<1x160xi32> to vector<1x160xi32>
    %broadcast_in_dim3A_951 = vector.broadcast %broadcast_in_dim3A_950 : vector<1x160xi32> to vector<21x160xi32>
    %eq3A_952 = arith.cmpi eq, %broadcast_in_dim3A_951, %add3A_120 : vector<21x160xi32>
    %broadcast_in_dim3A_953 = vector.shape_cast %div3A_811 : vector<1x160xf32> to vector<1x160xf32>
    %broadcast_in_dim3A_954 = vector.broadcast %broadcast_in_dim3A_953 : vector<1x160xf32> to vector<21x160xf32>
    %jit3A_955 = arith.constant 0.000000e+00 : f32
    %broadcast_in_dim3A_956 = vector.broadcast %jit3A_955 : f32 to vector<21x160xf32>
    %select_n3A_957 = arith.select %eq3A_952, %broadcast_in_dim3A_954, %broadcast_in_dim3A_956 : vector<21x160xi1>, vector<21x160xf32>
    %mul3A_958 = arith.mulf %div3A_811, %exp3A_869 : vector<1x160xf32>
    %broadcast_in_dim3A_959 = vector.shape_cast %mul3A_958 : vector<1x160xf32> to vector<1x160xf32>
    %broadcast_in_dim3A_960 = vector.broadcast %broadcast_in_dim3A_959 : vector<1x160xf32> to vector<21x160xf32>
    %jit3A_961 = arith.constant 0.000000e+00 : f32
    %broadcast_in_dim3A_962 = vector.broadcast %jit3A_961 : f32 to vector<21x160xf32>
    %select_n3A_963 = arith.select %eq3A_952, %broadcast_in_dim3A_960, %broadcast_in_dim3A_962 : vector<21x160xi1>, vector<21x160xf32>
    %reduce_sum3A_964 = arith.constant dense<0.000000e+00> : vector<21xf32>
    %reduce_sum3A_965 = vector.multi_reduction <add>, %select_n3A_957, %reduce_sum3A_964 [1] : vector<21x160xf32> to vector<21xf32>
    %broadcast_in_dim3A_966 = vector.shape_cast %reduce_sum3A_965 : vector<21xf32> to vector<21x1xf32>
    %add3A_967 = arith.addf %add3A_794, %broadcast_in_dim3A_966 : vector<21x1xf32>
    %reduce_sum3A_968 = arith.constant dense<0.000000e+00> : vector<21xf32>
    %reduce_sum3A_969 = vector.multi_reduction <add>, %select_n3A_963, %reduce_sum3A_968 [1] : vector<21x160xf32> to vector<21xf32>
    %broadcast_in_dim3A_970 = vector.shape_cast %reduce_sum3A_969 : vector<21xf32> to vector<21x1xf32>
    %add3A_971 = arith.addf %add3A_798, %broadcast_in_dim3A_970 : vector<21x1xf32>
    %slice3A_972 = vector.extract_strided_slice %dot_general3A_102 {offsets = [110, 0], sizes = [22, 160], strides = [1, 1]} : vector<704x160xf32> to vector<22x160xf32>
    %reduce_max3A_973 = arith.constant dense<0xFF800000> : vector<160xf32>
    %reduce_max3A_974 = vector.multi_reduction <maximumf>, %slice3A_972, %reduce_max3A_973 [0] : vector<22x160xf32> to vector<160xf32>
    %broadcast_in_dim3A_975 = vector.shape_cast %reduce_max3A_974 : vector<160xf32> to vector<1x160xf32>
    %sub3A_976 = vector.broadcast %broadcast_in_dim3A_975 : vector<1x160xf32> to vector<22x160xf32>
    %sub3A_977 = arith.subf %slice3A_972, %sub3A_976 : vector<22x160xf32>
    %exp3A_978 = math.exp %sub3A_977 : vector<22x160xf32>
    %reduce_sum3A_979 = arith.constant dense<0.000000e+00> : vector<160xf32>
    %reduce_sum3A_980 = vector.multi_reduction <add>, %exp3A_978, %reduce_sum3A_979 [0] : vector<22x160xf32> to vector<160xf32>
    %broadcast_in_dim3A_981 = vector.shape_cast %reduce_sum3A_980 : vector<160xf32> to vector<1x160xf32>
    %div3A_982 = arith.constant 1.000000e+00 : f32
    %div3A_983 = vector.broadcast %div3A_982 : f32 to vector<1x160xf32>
    %div3A_984 = arith.divf %div3A_983, %broadcast_in_dim3A_981 : vector<1x160xf32>
    %eq3A_985 = vector.broadcast %broadcast_in_dim3A_975 : vector<1x160xf32> to vector<22x160xf32>
    %eq3A_986 = arith.cmpf oeq, %slice3A_972, %eq3A_985 : vector<22x160xf32>
    %jit3A_987 = arith.constant 22 : i32
    %broadcast_in_dim3A_988 = vector.broadcast %jit3A_987 : i32 to vector<22x160xi32>
    %select_n3A_989 = arith.select %eq3A_986, %iota3A_103, %broadcast_in_dim3A_988 : vector<22x160xi1>, vector<22x160xi32>
    %reduce_min3A_990 = arith.constant dense<2147483647> : vector<160xi32>
    %reduce_min3A_991 = vector.multi_reduction <minsi>, %select_n3A_989, %reduce_min3A_990 [0] : vector<22x160xi32> to vector<160xi32>
    %broadcast_in_dim3A_992 = vector.shape_cast %reduce_min3A_991 : vector<160xi32> to vector<1x160xi32>
    %slice3A_993 = vector.extract_strided_slice %dot_general3A_102 {offsets = [506, 0], sizes = [66, 160], strides = [1, 1]} : vector<704x160xf32> to vector<66x160xf32>
    %mul3A_994 = arith.constant 3 : i32
    %mul3A_995 = vector.broadcast %mul3A_994 : i32 to vector<1x160xi32>
    %mul3A_996 = arith.muli %mul3A_995, %broadcast_in_dim3A_992 : vector<1x160xi32>
    %eq3A_997 = vector.broadcast %mul3A_996 : vector<1x160xi32> to vector<66x160xi32>
    %eq3A_998 = arith.cmpi eq, %iota3A_104, %eq3A_997 : vector<66x160xi32>
    %jit3A_999 = arith.constant 0.000000e+00 : f32
    %broadcast_in_dim3A_1000 = vector.broadcast %jit3A_999 : f32 to vector<66x160xf32>
    %select_n3A_1001 = arith.select %eq3A_998, %slice3A_993, %broadcast_in_dim3A_1000 : vector<66x160xi1>, vector<66x160xf32>
    %reduce_sum3A_1002 = arith.constant dense<0.000000e+00> : vector<160xf32>
    %reduce_sum3A_1003 = vector.multi_reduction <add>, %select_n3A_1001, %reduce_sum3A_1002 [0] : vector<66x160xf32> to vector<160xf32>
    %broadcast_in_dim3A_1004 = vector.shape_cast %reduce_sum3A_1003 : vector<160xf32> to vector<1x160xf32>
    %add3A_1005 = arith.constant 1 : i32
    %add3A_1006 = vector.broadcast %add3A_1005 : i32 to vector<1x160xi32>
    %add3A_1007 = arith.addi %mul3A_996, %add3A_1006 : vector<1x160xi32>
    %eq3A_1008 = vector.broadcast %add3A_1007 : vector<1x160xi32> to vector<66x160xi32>
    %eq3A_1009 = arith.cmpi eq, %iota3A_104, %eq3A_1008 : vector<66x160xi32>
    %jit3A_1010 = arith.constant 0.000000e+00 : f32
    %broadcast_in_dim3A_1011 = vector.broadcast %jit3A_1010 : f32 to vector<66x160xf32>
    %select_n3A_1012 = arith.select %eq3A_1009, %slice3A_993, %broadcast_in_dim3A_1011 : vector<66x160xi1>, vector<66x160xf32>
    %reduce_sum3A_1013 = arith.constant dense<0.000000e+00> : vector<160xf32>
    %reduce_sum3A_1014 = vector.multi_reduction <add>, %select_n3A_1012, %reduce_sum3A_1013 [0] : vector<66x160xf32> to vector<160xf32>
    %broadcast_in_dim3A_1015 = vector.shape_cast %reduce_sum3A_1014 : vector<160xf32> to vector<1x160xf32>
    %add3A_1016 = arith.constant 2 : i32
    %add3A_1017 = vector.broadcast %add3A_1016 : i32 to vector<1x160xi32>
    %add3A_1018 = arith.addi %mul3A_996, %add3A_1017 : vector<1x160xi32>
    %eq3A_1019 = vector.broadcast %add3A_1018 : vector<1x160xi32> to vector<66x160xi32>
    %eq3A_1020 = arith.cmpi eq, %iota3A_104, %eq3A_1019 : vector<66x160xi32>
    %jit3A_1021 = arith.constant 0.000000e+00 : f32
    %broadcast_in_dim3A_1022 = vector.broadcast %jit3A_1021 : f32 to vector<66x160xf32>
    %select_n3A_1023 = arith.select %eq3A_1020, %slice3A_993, %broadcast_in_dim3A_1022 : vector<66x160xi1>, vector<66x160xf32>
    %reduce_sum3A_1024 = arith.constant dense<0.000000e+00> : vector<160xf32>
    %reduce_sum3A_1025 = vector.multi_reduction <add>, %select_n3A_1023, %reduce_sum3A_1024 [0] : vector<66x160xf32> to vector<160xf32>
    %broadcast_in_dim3A_1026 = vector.shape_cast %reduce_sum3A_1025 : vector<160xf32> to vector<1x160xf32>
    %mul3A_1027 = arith.mulf %broadcast_in_dim3A_1004, %broadcast_in_dim3A_1004 : vector<1x160xf32>
    %mul3A_1028 = arith.mulf %broadcast_in_dim3A_1015, %broadcast_in_dim3A_1015 : vector<1x160xf32>
    %add3A_1029 = arith.addf %mul3A_1027, %mul3A_1028 : vector<1x160xf32>
    %sqrt3A_1030 = math.sqrt %add3A_1029 : vector<1x160xf32>
    %add3A_1031 = arith.constant 9.99999997E-7 : f32
    %add3A_1032 = vector.broadcast %add3A_1031 : f32 to vector<1x160xf32>
    %add3A_1033 = arith.addf %sqrt3A_1030, %add3A_1032 : vector<1x160xf32>
    %div3A_1034 = arith.divf %broadcast_in_dim3A_1004, %add3A_1033 : vector<1x160xf32>
    %div3A_1035 = arith.divf %broadcast_in_dim3A_1015, %add3A_1033 : vector<1x160xf32>
    %jit3A_1036 = arith.constant -3.000000e+00 : f32
    %jit3A_1037 = arith.constant 3.000000e+00 : f32
    %max3A_1038 = vector.broadcast %jit3A_1036 : f32 to vector<1x160xf32>
    %max3A_1039 = arith.maximumf %max3A_1038, %broadcast_in_dim3A_1026 : vector<1x160xf32>
    %min3A_1040 = vector.broadcast %jit3A_1037 : f32 to vector<1x160xf32>
    %min3A_1041 = arith.minimumf %min3A_1040, %max3A_1039 : vector<1x160xf32>
    %exp3A_1042 = math.exp %min3A_1041 : vector<1x160xf32>
    %ge3A_1043 = arith.constant 1 : i32
    %ge3A_1044 = vector.broadcast %ge3A_1043 : i32 to vector<1x160xi32>
    %ge3A_1045 = arith.cmpi sge, %broadcast_in_dim3A_992, %ge3A_1044 : vector<1x160xi32>
    %jit3A_1046 = arith.constant 0.000000e+00 : f32
    %broadcast_in_dim3A_1047 = vector.broadcast %jit3A_1046 : f32 to vector<1x160xf32>
    %select_n3A_1048 = arith.select %ge3A_1045, %div3A_984, %broadcast_in_dim3A_1047 : vector<1x160xi1>, vector<1x160xf32>
    %broadcast_in_dim3A_1049 = arith.constant 0.000000e+00 : f32
    %broadcast_in_dim3A_1050 = vector.broadcast %broadcast_in_dim3A_1049 : f32 to vector<1x160xf32>
    %mul3A_1051 = arith.constant 32 : i32
    %mul3A_1052 = arith.muli %mul3A_1051, %arg1 : i32
    %add3A_1053 = arith.constant 20 : i32
    %add3A_1054 = arith.addi %mul3A_1052, %add3A_1053 : i32
    %convert_element_type3A_1055 = arith.sitofp %add3A_1054 : i32 to f32
    %add3A_1056 = vector.broadcast %convert_element_type3A_1055 : f32 to vector<1x160xf32>
    %add3A_1057 = arith.addf %broadcast_in_dim3A_1050, %add3A_1056 : vector<1x160xf32>
    %sub3A_1058 = arith.constant 1 : i32
    %sub3A_1059 = vector.broadcast %sub3A_1058 : i32 to vector<1x160xi32>
    %sub3A_1060 = arith.subi %broadcast_in_dim3A_992, %sub3A_1059 : vector<1x160xi32>
    %max3A_1061 = arith.constant 0 : i32
    %max3A_1062 = vector.broadcast %max3A_1061 : i32 to vector<1x160xi32>
    %max3A_1063 = arith.maxsi %sub3A_1060, %max3A_1062 : vector<1x160xi32>
    %mul3A_1064 = arith.constant 21 : i32
    %mul3A_1065 = arith.muli %arg0, %mul3A_1064 : i32
    %add3A_1066 = vector.broadcast %mul3A_1065 : i32 to vector<1x160xi32>
    %add3A_1067 = arith.addi %add3A_1066, %max3A_1063 : vector<1x160xi32>
    %mul3A_1068 = arith.constant 19200 : i32
    %mul3A_1069 = vector.broadcast %mul3A_1068 : i32 to vector<1x160xi32>
    %mul3A_1070 = arith.muli %add3A_1067, %mul3A_1069 : vector<1x160xi32>
    %mul3A_1071 = vector.broadcast %convert_element_type3A_111 : vector<8x1xf32> to vector<8x160xf32>
    %mul3A_1072 = vector.broadcast %div3A_1034 : vector<1x160xf32> to vector<8x160xf32>
    %mul3A_1073 = arith.mulf %mul3A_1071, %mul3A_1072 : vector<8x160xf32>
    %add3A_1074 = vector.broadcast %convert_element_type3A_116 : vector<1x160xf32> to vector<8x160xf32>
    %add3A_1075 = arith.addf %add3A_1074, %mul3A_1073 : vector<8x160xf32>
    %mul3A_1076 = arith.constant 2.500000e-01 : f32
    %mul3A_1077 = vector.broadcast %mul3A_1076 : f32 to vector<8x160xf32>
    %mul3A_1078 = arith.mulf %add3A_1075, %mul3A_1077 : vector<8x160xf32>
    %convert_element_type3A_1079 = arith.fptosi %mul3A_1078 : vector<8x160xf32> to vector<8x160xi32>
    %jit3A_1080 = arith.constant 0 : i32
    %jit3A_1081 = arith.constant 159 : i32
    %max3A_1082 = vector.broadcast %jit3A_1080 : i32 to vector<8x160xi32>
    %max3A_1083 = arith.maxsi %max3A_1082, %convert_element_type3A_1079 : vector<8x160xi32>
    %min3A_1084 = vector.broadcast %jit3A_1081 : i32 to vector<8x160xi32>
    %min3A_1085 = arith.minsi %min3A_1084, %max3A_1083 : vector<8x160xi32>
    %mul3A_1086 = vector.broadcast %convert_element_type3A_111 : vector<8x1xf32> to vector<8x160xf32>
    %mul3A_1087 = vector.broadcast %div3A_1035 : vector<1x160xf32> to vector<8x160xf32>
    %mul3A_1088 = arith.mulf %mul3A_1086, %mul3A_1087 : vector<8x160xf32>
    %add3A_1089 = vector.broadcast %add3A_1057 : vector<1x160xf32> to vector<8x160xf32>
    %add3A_1090 = arith.addf %add3A_1089, %mul3A_1088 : vector<8x160xf32>
    %mul3A_1091 = arith.constant 2.500000e-01 : f32
    %mul3A_1092 = vector.broadcast %mul3A_1091 : f32 to vector<8x160xf32>
    %mul3A_1093 = arith.mulf %add3A_1090, %mul3A_1092 : vector<8x160xf32>
    %convert_element_type3A_1094 = arith.fptosi %mul3A_1093 : vector<8x160xf32> to vector<8x160xi32>
    %jit3A_1095 = arith.constant 0 : i32
    %jit3A_1096 = arith.constant 119 : i32
    %max3A_1097 = vector.broadcast %jit3A_1095 : i32 to vector<8x160xi32>
    %max3A_1098 = arith.maxsi %max3A_1097, %convert_element_type3A_1094 : vector<8x160xi32>
    %min3A_1099 = vector.broadcast %jit3A_1096 : i32 to vector<8x160xi32>
    %min3A_1100 = arith.minsi %min3A_1099, %max3A_1098 : vector<8x160xi32>
    %mul3A_1101 = arith.constant 160 : i32
    %mul3A_1102 = vector.broadcast %mul3A_1101 : i32 to vector<8x160xi32>
    %mul3A_1103 = arith.muli %min3A_1100, %mul3A_1102 : vector<8x160xi32>
    %add3A_1104 = vector.broadcast %mul3A_1070 : vector<1x160xi32> to vector<8x160xi32>
    %add3A_1105 = arith.addi %add3A_1104, %mul3A_1103 : vector<8x160xi32>
    %add3A_1106 = arith.addi %add3A_1105, %min3A_1085 : vector<8x160xi32>
    %swap3A_1107 = arith.constant 0 : index
    %swap3A_1108 = arith.constant 5 : index
    %swap3A_1109 = arith.constant 0 : index
    %swap3A_1110 = arith.constant 0 : index
    %swap3A_1111 = vector.load %arg4[%swap3A_1107, %swap3A_1108, %swap3A_1109, %swap3A_1110] : memref<1x8x8x160xi32, #tpu.memory_space<vmem>>, vector<1x1x8x160xi32>
    %swap3A_1112 = vector.shape_cast %swap3A_1111 : vector<1x1x8x160xi32> to vector<8x160xi32>
    %swap3A_1113 = vector.shape_cast %add3A_1106 : vector<8x160xi32> to vector<1x1x8x160xi32>
    tpu.vector_store %arg4[%swap3A_1107, %swap3A_1108, %swap3A_1109, %swap3A_1110], %swap3A_1113 {strides = array<i32>} : memref<1x8x8x160xi32, #tpu.memory_space<vmem>>, vector<1x1x8x160xi32>,
    %broadcast_in_dim3A_1114 = vector.shape_cast %select_n3A_1048 : vector<1x160xf32> to vector<1x160xf32>
    %broadcast_in_dim3A_1115 = vector.broadcast %broadcast_in_dim3A_1114 : vector<1x160xf32> to vector<8x160xf32>
    %swap3A_1116 = arith.constant 0 : index
    %swap3A_1117 = arith.constant 5 : index
    %swap3A_1118 = arith.constant 0 : index
    %swap3A_1119 = arith.constant 0 : index
    %swap3A_1120 = vector.load %arg5[%swap3A_1116, %swap3A_1117, %swap3A_1118, %swap3A_1119] : memref<1x8x8x160xf32, #tpu.memory_space<vmem>>, vector<1x1x8x160xf32>
    %swap3A_1121 = vector.shape_cast %swap3A_1120 : vector<1x1x8x160xf32> to vector<8x160xf32>
    %swap3A_1122 = vector.shape_cast %broadcast_in_dim3A_1115 : vector<8x160xf32> to vector<1x1x8x160xf32>
    tpu.vector_store %arg5[%swap3A_1116, %swap3A_1117, %swap3A_1118, %swap3A_1119], %swap3A_1122 {strides = array<i32>} : memref<1x8x8x160xf32, #tpu.memory_space<vmem>>, vector<1x1x8x160xf32>,
    %broadcast_in_dim3A_1123 = vector.shape_cast %broadcast_in_dim3A_992 : vector<1x160xi32> to vector<1x160xi32>
    %broadcast_in_dim3A_1124 = vector.broadcast %broadcast_in_dim3A_1123 : vector<1x160xi32> to vector<21x160xi32>
    %eq3A_1125 = arith.cmpi eq, %broadcast_in_dim3A_1124, %add3A_120 : vector<21x160xi32>
    %broadcast_in_dim3A_1126 = vector.shape_cast %div3A_984 : vector<1x160xf32> to vector<1x160xf32>
    %broadcast_in_dim3A_1127 = vector.broadcast %broadcast_in_dim3A_1126 : vector<1x160xf32> to vector<21x160xf32>
    %jit3A_1128 = arith.constant 0.000000e+00 : f32
    %broadcast_in_dim3A_1129 = vector.broadcast %jit3A_1128 : f32 to vector<21x160xf32>
    %select_n3A_1130 = arith.select %eq3A_1125, %broadcast_in_dim3A_1127, %broadcast_in_dim3A_1129 : vector<21x160xi1>, vector<21x160xf32>
    %mul3A_1131 = arith.mulf %div3A_984, %exp3A_1042 : vector<1x160xf32>
    %broadcast_in_dim3A_1132 = vector.shape_cast %mul3A_1131 : vector<1x160xf32> to vector<1x160xf32>
    %broadcast_in_dim3A_1133 = vector.broadcast %broadcast_in_dim3A_1132 : vector<1x160xf32> to vector<21x160xf32>
    %jit3A_1134 = arith.constant 0.000000e+00 : f32
    %broadcast_in_dim3A_1135 = vector.broadcast %jit3A_1134 : f32 to vector<21x160xf32>
    %select_n3A_1136 = arith.select %eq3A_1125, %broadcast_in_dim3A_1133, %broadcast_in_dim3A_1135 : vector<21x160xi1>, vector<21x160xf32>
    %reduce_sum3A_1137 = arith.constant dense<0.000000e+00> : vector<21xf32>
    %reduce_sum3A_1138 = vector.multi_reduction <add>, %select_n3A_1130, %reduce_sum3A_1137 [1] : vector<21x160xf32> to vector<21xf32>
    %broadcast_in_dim3A_1139 = vector.shape_cast %reduce_sum3A_1138 : vector<21xf32> to vector<21x1xf32>
    %add3A_1140 = arith.addf %add3A_967, %broadcast_in_dim3A_1139 : vector<21x1xf32>
    %reduce_sum3A_1141 = arith.constant dense<0.000000e+00> : vector<21xf32>
    %reduce_sum3A_1142 = vector.multi_reduction <add>, %select_n3A_1136, %reduce_sum3A_1141 [1] : vector<21x160xf32> to vector<21xf32>
    %broadcast_in_dim3A_1143 = vector.shape_cast %reduce_sum3A_1142 : vector<21xf32> to vector<21x1xf32>
    %add3A_1144 = arith.addf %add3A_971, %broadcast_in_dim3A_1143 : vector<21x1xf32>
    %slice3A_1145 = vector.extract_strided_slice %dot_general3A_102 {offsets = [132, 0], sizes = [22, 160], strides = [1, 1]} : vector<704x160xf32> to vector<22x160xf32>
    %reduce_max3A_1146 = arith.constant dense<0xFF800000> : vector<160xf32>
    %reduce_max3A_1147 = vector.multi_reduction <maximumf>, %slice3A_1145, %reduce_max3A_1146 [0] : vector<22x160xf32> to vector<160xf32>
    %broadcast_in_dim3A_1148 = vector.shape_cast %reduce_max3A_1147 : vector<160xf32> to vector<1x160xf32>
    %sub3A_1149 = vector.broadcast %broadcast_in_dim3A_1148 : vector<1x160xf32> to vector<22x160xf32>
    %sub3A_1150 = arith.subf %slice3A_1145, %sub3A_1149 : vector<22x160xf32>
    %exp3A_1151 = math.exp %sub3A_1150 : vector<22x160xf32>
    %reduce_sum3A_1152 = arith.constant dense<0.000000e+00> : vector<160xf32>
    %reduce_sum3A_1153 = vector.multi_reduction <add>, %exp3A_1151, %reduce_sum3A_1152 [0] : vector<22x160xf32> to vector<160xf32>
    %broadcast_in_dim3A_1154 = vector.shape_cast %reduce_sum3A_1153 : vector<160xf32> to vector<1x160xf32>
    %div3A_1155 = arith.constant 1.000000e+00 : f32
    %div3A_1156 = vector.broadcast %div3A_1155 : f32 to vector<1x160xf32>
    %div3A_1157 = arith.divf %div3A_1156, %broadcast_in_dim3A_1154 : vector<1x160xf32>
    %eq3A_1158 = vector.broadcast %broadcast_in_dim3A_1148 : vector<1x160xf32> to vector<22x160xf32>
    %eq3A_1159 = arith.cmpf oeq, %slice3A_1145, %eq3A_1158 : vector<22x160xf32>
    %jit3A_1160 = arith.constant 22 : i32
    %broadcast_in_dim3A_1161 = vector.broadcast %jit3A_1160 : i32 to vector<22x160xi32>
    %select_n3A_1162 = arith.select %eq3A_1159, %iota3A_103, %broadcast_in_dim3A_1161 : vector<22x160xi1>, vector<22x160xi32>
    %reduce_min3A_1163 = arith.constant dense<2147483647> : vector<160xi32>
    %reduce_min3A_1164 = vector.multi_reduction <minsi>, %select_n3A_1162, %reduce_min3A_1163 [0] : vector<22x160xi32> to vector<160xi32>
    %broadcast_in_dim3A_1165 = vector.shape_cast %reduce_min3A_1164 : vector<160xi32> to vector<1x160xi32>
    %slice3A_1166 = vector.extract_strided_slice %dot_general3A_102 {offsets = [572, 0], sizes = [66, 160], strides = [1, 1]} : vector<704x160xf32> to vector<66x160xf32>
    %mul3A_1167 = arith.constant 3 : i32
    %mul3A_1168 = vector.broadcast %mul3A_1167 : i32 to vector<1x160xi32>
    %mul3A_1169 = arith.muli %mul3A_1168, %broadcast_in_dim3A_1165 : vector<1x160xi32>
    %eq3A_1170 = vector.broadcast %mul3A_1169 : vector<1x160xi32> to vector<66x160xi32>
    %eq3A_1171 = arith.cmpi eq, %iota3A_104, %eq3A_1170 : vector<66x160xi32>
    %jit3A_1172 = arith.constant 0.000000e+00 : f32
    %broadcast_in_dim3A_1173 = vector.broadcast %jit3A_1172 : f32 to vector<66x160xf32>
    %select_n3A_1174 = arith.select %eq3A_1171, %slice3A_1166, %broadcast_in_dim3A_1173 : vector<66x160xi1>, vector<66x160xf32>
    %reduce_sum3A_1175 = arith.constant dense<0.000000e+00> : vector<160xf32>
    %reduce_sum3A_1176 = vector.multi_reduction <add>, %select_n3A_1174, %reduce_sum3A_1175 [0] : vector<66x160xf32> to vector<160xf32>
    %broadcast_in_dim3A_1177 = vector.shape_cast %reduce_sum3A_1176 : vector<160xf32> to vector<1x160xf32>
    %add3A_1178 = arith.constant 1 : i32
    %add3A_1179 = vector.broadcast %add3A_1178 : i32 to vector<1x160xi32>
    %add3A_1180 = arith.addi %mul3A_1169, %add3A_1179 : vector<1x160xi32>
    %eq3A_1181 = vector.broadcast %add3A_1180 : vector<1x160xi32> to vector<66x160xi32>
    %eq3A_1182 = arith.cmpi eq, %iota3A_104, %eq3A_1181 : vector<66x160xi32>
    %jit3A_1183 = arith.constant 0.000000e+00 : f32
    %broadcast_in_dim3A_1184 = vector.broadcast %jit3A_1183 : f32 to vector<66x160xf32>
    %select_n3A_1185 = arith.select %eq3A_1182, %slice3A_1166, %broadcast_in_dim3A_1184 : vector<66x160xi1>, vector<66x160xf32>
    %reduce_sum3A_1186 = arith.constant dense<0.000000e+00> : vector<160xf32>
    %reduce_sum3A_1187 = vector.multi_reduction <add>, %select_n3A_1185, %reduce_sum3A_1186 [0] : vector<66x160xf32> to vector<160xf32>
    %broadcast_in_dim3A_1188 = vector.shape_cast %reduce_sum3A_1187 : vector<160xf32> to vector<1x160xf32>
    %add3A_1189 = arith.constant 2 : i32
    %add3A_1190 = vector.broadcast %add3A_1189 : i32 to vector<1x160xi32>
    %add3A_1191 = arith.addi %mul3A_1169, %add3A_1190 : vector<1x160xi32>
    %eq3A_1192 = vector.broadcast %add3A_1191 : vector<1x160xi32> to vector<66x160xi32>
    %eq3A_1193 = arith.cmpi eq, %iota3A_104, %eq3A_1192 : vector<66x160xi32>
    %jit3A_1194 = arith.constant 0.000000e+00 : f32
    %broadcast_in_dim3A_1195 = vector.broadcast %jit3A_1194 : f32 to vector<66x160xf32>
    %select_n3A_1196 = arith.select %eq3A_1193, %slice3A_1166, %broadcast_in_dim3A_1195 : vector<66x160xi1>, vector<66x160xf32>
    %reduce_sum3A_1197 = arith.constant dense<0.000000e+00> : vector<160xf32>
    %reduce_sum3A_1198 = vector.multi_reduction <add>, %select_n3A_1196, %reduce_sum3A_1197 [0] : vector<66x160xf32> to vector<160xf32>
    %broadcast_in_dim3A_1199 = vector.shape_cast %reduce_sum3A_1198 : vector<160xf32> to vector<1x160xf32>
    %mul3A_1200 = arith.mulf %broadcast_in_dim3A_1177, %broadcast_in_dim3A_1177 : vector<1x160xf32>
    %mul3A_1201 = arith.mulf %broadcast_in_dim3A_1188, %broadcast_in_dim3A_1188 : vector<1x160xf32>
    %add3A_1202 = arith.addf %mul3A_1200, %mul3A_1201 : vector<1x160xf32>
    %sqrt3A_1203 = math.sqrt %add3A_1202 : vector<1x160xf32>
    %add3A_1204 = arith.constant 9.99999997E-7 : f32
    %add3A_1205 = vector.broadcast %add3A_1204 : f32 to vector<1x160xf32>
    %add3A_1206 = arith.addf %sqrt3A_1203, %add3A_1205 : vector<1x160xf32>
    %div3A_1207 = arith.divf %broadcast_in_dim3A_1177, %add3A_1206 : vector<1x160xf32>
    %div3A_1208 = arith.divf %broadcast_in_dim3A_1188, %add3A_1206 : vector<1x160xf32>
    %jit3A_1209 = arith.constant -3.000000e+00 : f32
    %jit3A_1210 = arith.constant 3.000000e+00 : f32
    %max3A_1211 = vector.broadcast %jit3A_1209 : f32 to vector<1x160xf32>
    %max3A_1212 = arith.maximumf %max3A_1211, %broadcast_in_dim3A_1199 : vector<1x160xf32>
    %min3A_1213 = vector.broadcast %jit3A_1210 : f32 to vector<1x160xf32>
    %min3A_1214 = arith.minimumf %min3A_1213, %max3A_1212 : vector<1x160xf32>
    %exp3A_1215 = math.exp %min3A_1214 : vector<1x160xf32>
    %ge3A_1216 = arith.constant 1 : i32
    %ge3A_1217 = vector.broadcast %ge3A_1216 : i32 to vector<1x160xi32>
    %ge3A_1218 = arith.cmpi sge, %broadcast_in_dim3A_1165, %ge3A_1217 : vector<1x160xi32>
    %jit3A_1219 = arith.constant 0.000000e+00 : f32
    %broadcast_in_dim3A_1220 = vector.broadcast %jit3A_1219 : f32 to vector<1x160xf32>
    %select_n3A_1221 = arith.select %ge3A_1218, %div3A_1157, %broadcast_in_dim3A_1220 : vector<1x160xi1>, vector<1x160xf32>
    %broadcast_in_dim3A_1222 = arith.constant 0.000000e+00 : f32
    %broadcast_in_dim3A_1223 = vector.broadcast %broadcast_in_dim3A_1222 : f32 to vector<1x160xf32>
    %mul3A_1224 = arith.constant 32 : i32
    %mul3A_1225 = arith.muli %mul3A_1224, %arg1 : i32
    %add3A_1226 = arith.constant 24 : i32
    %add3A_1227 = arith.addi %mul3A_1225, %add3A_1226 : i32
    %convert_element_type3A_1228 = arith.sitofp %add3A_1227 : i32 to f32
    %add3A_1229 = vector.broadcast %convert_element_type3A_1228 : f32 to vector<1x160xf32>
    %add3A_1230 = arith.addf %broadcast_in_dim3A_1223, %add3A_1229 : vector<1x160xf32>
    %sub3A_1231 = arith.constant 1 : i32
    %sub3A_1232 = vector.broadcast %sub3A_1231 : i32 to vector<1x160xi32>
    %sub3A_1233 = arith.subi %broadcast_in_dim3A_1165, %sub3A_1232 : vector<1x160xi32>
    %max3A_1234 = arith.constant 0 : i32
    %max3A_1235 = vector.broadcast %max3A_1234 : i32 to vector<1x160xi32>
    %max3A_1236 = arith.maxsi %sub3A_1233, %max3A_1235 : vector<1x160xi32>
    %mul3A_1237 = arith.constant 21 : i32
    %mul3A_1238 = arith.muli %arg0, %mul3A_1237 : i32
    %add3A_1239 = vector.broadcast %mul3A_1238 : i32 to vector<1x160xi32>
    %add3A_1240 = arith.addi %add3A_1239, %max3A_1236 : vector<1x160xi32>
    %mul3A_1241 = arith.constant 19200 : i32
    %mul3A_1242 = vector.broadcast %mul3A_1241 : i32 to vector<1x160xi32>
    %mul3A_1243 = arith.muli %add3A_1240, %mul3A_1242 : vector<1x160xi32>
    %mul3A_1244 = vector.broadcast %convert_element_type3A_111 : vector<8x1xf32> to vector<8x160xf32>
    %mul3A_1245 = vector.broadcast %div3A_1207 : vector<1x160xf32> to vector<8x160xf32>
    %mul3A_1246 = arith.mulf %mul3A_1244, %mul3A_1245 : vector<8x160xf32>
    %add3A_1247 = vector.broadcast %convert_element_type3A_116 : vector<1x160xf32> to vector<8x160xf32>
    %add3A_1248 = arith.addf %add3A_1247, %mul3A_1246 : vector<8x160xf32>
    %mul3A_1249 = arith.constant 2.500000e-01 : f32
    %mul3A_1250 = vector.broadcast %mul3A_1249 : f32 to vector<8x160xf32>
    %mul3A_1251 = arith.mulf %add3A_1248, %mul3A_1250 : vector<8x160xf32>
    %convert_element_type3A_1252 = arith.fptosi %mul3A_1251 : vector<8x160xf32> to vector<8x160xi32>
    %jit3A_1253 = arith.constant 0 : i32
    %jit3A_1254 = arith.constant 159 : i32
    %max3A_1255 = vector.broadcast %jit3A_1253 : i32 to vector<8x160xi32>
    %max3A_1256 = arith.maxsi %max3A_1255, %convert_element_type3A_1252 : vector<8x160xi32>
    %min3A_1257 = vector.broadcast %jit3A_1254 : i32 to vector<8x160xi32>
    %min3A_1258 = arith.minsi %min3A_1257, %max3A_1256 : vector<8x160xi32>
    %mul3A_1259 = vector.broadcast %convert_element_type3A_111 : vector<8x1xf32> to vector<8x160xf32>
    %mul3A_1260 = vector.broadcast %div3A_1208 : vector<1x160xf32> to vector<8x160xf32>
    %mul3A_1261 = arith.mulf %mul3A_1259, %mul3A_1260 : vector<8x160xf32>
    %add3A_1262 = vector.broadcast %add3A_1230 : vector<1x160xf32> to vector<8x160xf32>
    %add3A_1263 = arith.addf %add3A_1262, %mul3A_1261 : vector<8x160xf32>
    %mul3A_1264 = arith.constant 2.500000e-01 : f32
    %mul3A_1265 = vector.broadcast %mul3A_1264 : f32 to vector<8x160xf32>
    %mul3A_1266 = arith.mulf %add3A_1263, %mul3A_1265 : vector<8x160xf32>
    %convert_element_type3A_1267 = arith.fptosi %mul3A_1266 : vector<8x160xf32> to vector<8x160xi32>
    %jit3A_1268 = arith.constant 0 : i32
    %jit3A_1269 = arith.constant 119 : i32
    %max3A_1270 = vector.broadcast %jit3A_1268 : i32 to vector<8x160xi32>
    %max3A_1271 = arith.maxsi %max3A_1270, %convert_element_type3A_1267 : vector<8x160xi32>
    %min3A_1272 = vector.broadcast %jit3A_1269 : i32 to vector<8x160xi32>
    %min3A_1273 = arith.minsi %min3A_1272, %max3A_1271 : vector<8x160xi32>
    %mul3A_1274 = arith.constant 160 : i32
    %mul3A_1275 = vector.broadcast %mul3A_1274 : i32 to vector<8x160xi32>
    %mul3A_1276 = arith.muli %min3A_1273, %mul3A_1275 : vector<8x160xi32>
    %add3A_1277 = vector.broadcast %mul3A_1243 : vector<1x160xi32> to vector<8x160xi32>
    %add3A_1278 = arith.addi %add3A_1277, %mul3A_1276 : vector<8x160xi32>
    %add3A_1279 = arith.addi %add3A_1278, %min3A_1258 : vector<8x160xi32>
    %swap3A_1280 = arith.constant 0 : index
    %swap3A_1281 = arith.constant 6 : index
    %swap3A_1282 = arith.constant 0 : index
    %swap3A_1283 = arith.constant 0 : index
    %swap3A_1284 = vector.load %arg4[%swap3A_1280, %swap3A_1281, %swap3A_1282, %swap3A_1283] : memref<1x8x8x160xi32, #tpu.memory_space<vmem>>, vector<1x1x8x160xi32>
    %swap3A_1285 = vector.shape_cast %swap3A_1284 : vector<1x1x8x160xi32> to vector<8x160xi32>
    %swap3A_1286 = vector.shape_cast %add3A_1279 : vector<8x160xi32> to vector<1x1x8x160xi32>
    tpu.vector_store %arg4[%swap3A_1280, %swap3A_1281, %swap3A_1282, %swap3A_1283], %swap3A_1286 {strides = array<i32>} : memref<1x8x8x160xi32, #tpu.memory_space<vmem>>, vector<1x1x8x160xi32>,
    %broadcast_in_dim3A_1287 = vector.shape_cast %select_n3A_1221 : vector<1x160xf32> to vector<1x160xf32>
    %broadcast_in_dim3A_1288 = vector.broadcast %broadcast_in_dim3A_1287 : vector<1x160xf32> to vector<8x160xf32>
    %swap3A_1289 = arith.constant 0 : index
    %swap3A_1290 = arith.constant 6 : index
    %swap3A_1291 = arith.constant 0 : index
    %swap3A_1292 = arith.constant 0 : index
    %swap3A_1293 = vector.load %arg5[%swap3A_1289, %swap3A_1290, %swap3A_1291, %swap3A_1292] : memref<1x8x8x160xf32, #tpu.memory_space<vmem>>, vector<1x1x8x160xf32>
    %swap3A_1294 = vector.shape_cast %swap3A_1293 : vector<1x1x8x160xf32> to vector<8x160xf32>
    %swap3A_1295 = vector.shape_cast %broadcast_in_dim3A_1288 : vector<8x160xf32> to vector<1x1x8x160xf32>
    tpu.vector_store %arg5[%swap3A_1289, %swap3A_1290, %swap3A_1291, %swap3A_1292], %swap3A_1295 {strides = array<i32>} : memref<1x8x8x160xf32, #tpu.memory_space<vmem>>, vector<1x1x8x160xf32>,
    %broadcast_in_dim3A_1296 = vector.shape_cast %broadcast_in_dim3A_1165 : vector<1x160xi32> to vector<1x160xi32>
    %broadcast_in_dim3A_1297 = vector.broadcast %broadcast_in_dim3A_1296 : vector<1x160xi32> to vector<21x160xi32>
    %eq3A_1298 = arith.cmpi eq, %broadcast_in_dim3A_1297, %add3A_120 : vector<21x160xi32>
    %broadcast_in_dim3A_1299 = vector.shape_cast %div3A_1157 : vector<1x160xf32> to vector<1x160xf32>
    %broadcast_in_dim3A_1300 = vector.broadcast %broadcast_in_dim3A_1299 : vector<1x160xf32> to vector<21x160xf32>
    %jit3A_1301 = arith.constant 0.000000e+00 : f32
    %broadcast_in_dim3A_1302 = vector.broadcast %jit3A_1301 : f32 to vector<21x160xf32>
    %select_n3A_1303 = arith.select %eq3A_1298, %broadcast_in_dim3A_1300, %broadcast_in_dim3A_1302 : vector<21x160xi1>, vector<21x160xf32>
    %mul3A_1304 = arith.mulf %div3A_1157, %exp3A_1215 : vector<1x160xf32>
    %broadcast_in_dim3A_1305 = vector.shape_cast %mul3A_1304 : vector<1x160xf32> to vector<1x160xf32>
    %broadcast_in_dim3A_1306 = vector.broadcast %broadcast_in_dim3A_1305 : vector<1x160xf32> to vector<21x160xf32>
    %jit3A_1307 = arith.constant 0.000000e+00 : f32
    %broadcast_in_dim3A_1308 = vector.broadcast %jit3A_1307 : f32 to vector<21x160xf32>
    %select_n3A_1309 = arith.select %eq3A_1298, %broadcast_in_dim3A_1306, %broadcast_in_dim3A_1308 : vector<21x160xi1>, vector<21x160xf32>
    %reduce_sum3A_1310 = arith.constant dense<0.000000e+00> : vector<21xf32>
    %reduce_sum3A_1311 = vector.multi_reduction <add>, %select_n3A_1303, %reduce_sum3A_1310 [1] : vector<21x160xf32> to vector<21xf32>
    %broadcast_in_dim3A_1312 = vector.shape_cast %reduce_sum3A_1311 : vector<21xf32> to vector<21x1xf32>
    %add3A_1313 = arith.addf %add3A_1140, %broadcast_in_dim3A_1312 : vector<21x1xf32>
    %reduce_sum3A_1314 = arith.constant dense<0.000000e+00> : vector<21xf32>
    %reduce_sum3A_1315 = vector.multi_reduction <add>, %select_n3A_1309, %reduce_sum3A_1314 [1] : vector<21x160xf32> to vector<21xf32>
    %broadcast_in_dim3A_1316 = vector.shape_cast %reduce_sum3A_1315 : vector<21xf32> to vector<21x1xf32>
    %add3A_1317 = arith.addf %add3A_1144, %broadcast_in_dim3A_1316 : vector<21x1xf32>
    %slice3A_1318 = vector.extract_strided_slice %dot_general3A_102 {offsets = [154, 0], sizes = [22, 160], strides = [1, 1]} : vector<704x160xf32> to vector<22x160xf32>
    %reduce_max3A_1319 = arith.constant dense<0xFF800000> : vector<160xf32>
    %reduce_max3A_1320 = vector.multi_reduction <maximumf>, %slice3A_1318, %reduce_max3A_1319 [0] : vector<22x160xf32> to vector<160xf32>
    %broadcast_in_dim3A_1321 = vector.shape_cast %reduce_max3A_1320 : vector<160xf32> to vector<1x160xf32>
    %sub3A_1322 = vector.broadcast %broadcast_in_dim3A_1321 : vector<1x160xf32> to vector<22x160xf32>
    %sub3A_1323 = arith.subf %slice3A_1318, %sub3A_1322 : vector<22x160xf32>
    %exp3A_1324 = math.exp %sub3A_1323 : vector<22x160xf32>
    %reduce_sum3A_1325 = arith.constant dense<0.000000e+00> : vector<160xf32>
    %reduce_sum3A_1326 = vector.multi_reduction <add>, %exp3A_1324, %reduce_sum3A_1325 [0] : vector<22x160xf32> to vector<160xf32>
    %broadcast_in_dim3A_1327 = vector.shape_cast %reduce_sum3A_1326 : vector<160xf32> to vector<1x160xf32>
    %div3A_1328 = arith.constant 1.000000e+00 : f32
    %div3A_1329 = vector.broadcast %div3A_1328 : f32 to vector<1x160xf32>
    %div3A_1330 = arith.divf %div3A_1329, %broadcast_in_dim3A_1327 : vector<1x160xf32>
    %eq3A_1331 = vector.broadcast %broadcast_in_dim3A_1321 : vector<1x160xf32> to vector<22x160xf32>
    %eq3A_1332 = arith.cmpf oeq, %slice3A_1318, %eq3A_1331 : vector<22x160xf32>
    %jit3A_1333 = arith.constant 22 : i32
    %broadcast_in_dim3A_1334 = vector.broadcast %jit3A_1333 : i32 to vector<22x160xi32>
    %select_n3A_1335 = arith.select %eq3A_1332, %iota3A_103, %broadcast_in_dim3A_1334 : vector<22x160xi1>, vector<22x160xi32>
    %reduce_min3A_1336 = arith.constant dense<2147483647> : vector<160xi32>
    %reduce_min3A_1337 = vector.multi_reduction <minsi>, %select_n3A_1335, %reduce_min3A_1336 [0] : vector<22x160xi32> to vector<160xi32>
    %broadcast_in_dim3A_1338 = vector.shape_cast %reduce_min3A_1337 : vector<160xi32> to vector<1x160xi32>
    %slice3A_1339 = vector.extract_strided_slice %dot_general3A_102 {offsets = [638, 0], sizes = [66, 160], strides = [1, 1]} : vector<704x160xf32> to vector<66x160xf32>
    %mul3A_1340 = arith.constant 3 : i32
    %mul3A_1341 = vector.broadcast %mul3A_1340 : i32 to vector<1x160xi32>
    %mul3A_1342 = arith.muli %mul3A_1341, %broadcast_in_dim3A_1338 : vector<1x160xi32>
    %eq3A_1343 = vector.broadcast %mul3A_1342 : vector<1x160xi32> to vector<66x160xi32>
    %eq3A_1344 = arith.cmpi eq, %iota3A_104, %eq3A_1343 : vector<66x160xi32>
    %jit3A_1345 = arith.constant 0.000000e+00 : f32
    %broadcast_in_dim3A_1346 = vector.broadcast %jit3A_1345 : f32 to vector<66x160xf32>
    %select_n3A_1347 = arith.select %eq3A_1344, %slice3A_1339, %broadcast_in_dim3A_1346 : vector<66x160xi1>, vector<66x160xf32>
    %reduce_sum3A_1348 = arith.constant dense<0.000000e+00> : vector<160xf32>
    %reduce_sum3A_1349 = vector.multi_reduction <add>, %select_n3A_1347, %reduce_sum3A_1348 [0] : vector<66x160xf32> to vector<160xf32>
    %broadcast_in_dim3A_1350 = vector.shape_cast %reduce_sum3A_1349 : vector<160xf32> to vector<1x160xf32>
    %add3A_1351 = arith.constant 1 : i32
    %add3A_1352 = vector.broadcast %add3A_1351 : i32 to vector<1x160xi32>
    %add3A_1353 = arith.addi %mul3A_1342, %add3A_1352 : vector<1x160xi32>
    %eq3A_1354 = vector.broadcast %add3A_1353 : vector<1x160xi32> to vector<66x160xi32>
    %eq3A_1355 = arith.cmpi eq, %iota3A_104, %eq3A_1354 : vector<66x160xi32>
    %jit3A_1356 = arith.constant 0.000000e+00 : f32
    %broadcast_in_dim3A_1357 = vector.broadcast %jit3A_1356 : f32 to vector<66x160xf32>
    %select_n3A_1358 = arith.select %eq3A_1355, %slice3A_1339, %broadcast_in_dim3A_1357 : vector<66x160xi1>, vector<66x160xf32>
    %reduce_sum3A_1359 = arith.constant dense<0.000000e+00> : vector<160xf32>
    %reduce_sum3A_1360 = vector.multi_reduction <add>, %select_n3A_1358, %reduce_sum3A_1359 [0] : vector<66x160xf32> to vector<160xf32>
    %broadcast_in_dim3A_1361 = vector.shape_cast %reduce_sum3A_1360 : vector<160xf32> to vector<1x160xf32>
    %add3A_1362 = arith.constant 2 : i32
    %add3A_1363 = vector.broadcast %add3A_1362 : i32 to vector<1x160xi32>
    %add3A_1364 = arith.addi %mul3A_1342, %add3A_1363 : vector<1x160xi32>
    %eq3A_1365 = vector.broadcast %add3A_1364 : vector<1x160xi32> to vector<66x160xi32>
    %eq3A_1366 = arith.cmpi eq, %iota3A_104, %eq3A_1365 : vector<66x160xi32>
    %jit3A_1367 = arith.constant 0.000000e+00 : f32
    %broadcast_in_dim3A_1368 = vector.broadcast %jit3A_1367 : f32 to vector<66x160xf32>
    %select_n3A_1369 = arith.select %eq3A_1366, %slice3A_1339, %broadcast_in_dim3A_1368 : vector<66x160xi1>, vector<66x160xf32>
    %reduce_sum3A_1370 = arith.constant dense<0.000000e+00> : vector<160xf32>
    %reduce_sum3A_1371 = vector.multi_reduction <add>, %select_n3A_1369, %reduce_sum3A_1370 [0] : vector<66x160xf32> to vector<160xf32>
    %broadcast_in_dim3A_1372 = vector.shape_cast %reduce_sum3A_1371 : vector<160xf32> to vector<1x160xf32>
    %mul3A_1373 = arith.mulf %broadcast_in_dim3A_1350, %broadcast_in_dim3A_1350 : vector<1x160xf32>
    %mul3A_1374 = arith.mulf %broadcast_in_dim3A_1361, %broadcast_in_dim3A_1361 : vector<1x160xf32>
    %add3A_1375 = arith.addf %mul3A_1373, %mul3A_1374 : vector<1x160xf32>
    %sqrt3A_1376 = math.sqrt %add3A_1375 : vector<1x160xf32>
    %add3A_1377 = arith.constant 9.99999997E-7 : f32
    %add3A_1378 = vector.broadcast %add3A_1377 : f32 to vector<1x160xf32>
    %add3A_1379 = arith.addf %sqrt3A_1376, %add3A_1378 : vector<1x160xf32>
    %div3A_1380 = arith.divf %broadcast_in_dim3A_1350, %add3A_1379 : vector<1x160xf32>
    %div3A_1381 = arith.divf %broadcast_in_dim3A_1361, %add3A_1379 : vector<1x160xf32>
    %jit3A_1382 = arith.constant -3.000000e+00 : f32
    %jit3A_1383 = arith.constant 3.000000e+00 : f32
    %max3A_1384 = vector.broadcast %jit3A_1382 : f32 to vector<1x160xf32>
    %max3A_1385 = arith.maximumf %max3A_1384, %broadcast_in_dim3A_1372 : vector<1x160xf32>
    %min3A_1386 = vector.broadcast %jit3A_1383 : f32 to vector<1x160xf32>
    %min3A_1387 = arith.minimumf %min3A_1386, %max3A_1385 : vector<1x160xf32>
    %exp3A_1388 = math.exp %min3A_1387 : vector<1x160xf32>
    %ge3A_1389 = arith.constant 1 : i32
    %ge3A_1390 = vector.broadcast %ge3A_1389 : i32 to vector<1x160xi32>
    %ge3A_1391 = arith.cmpi sge, %broadcast_in_dim3A_1338, %ge3A_1390 : vector<1x160xi32>
    %jit3A_1392 = arith.constant 0.000000e+00 : f32
    %broadcast_in_dim3A_1393 = vector.broadcast %jit3A_1392 : f32 to vector<1x160xf32>
    %select_n3A_1394 = arith.select %ge3A_1391, %div3A_1330, %broadcast_in_dim3A_1393 : vector<1x160xi1>, vector<1x160xf32>
    %broadcast_in_dim3A_1395 = arith.constant 0.000000e+00 : f32
    %broadcast_in_dim3A_1396 = vector.broadcast %broadcast_in_dim3A_1395 : f32 to vector<1x160xf32>
    %mul3A_1397 = arith.constant 32 : i32
    %mul3A_1398 = arith.muli %mul3A_1397, %arg1 : i32
    %add3A_1399 = arith.constant 28 : i32
    %add3A_1400 = arith.addi %mul3A_1398, %add3A_1399 : i32
    %convert_element_type3A_1401 = arith.sitofp %add3A_1400 : i32 to f32
    %add3A_1402 = vector.broadcast %convert_element_type3A_1401 : f32 to vector<1x160xf32>
    %add3A_1403 = arith.addf %broadcast_in_dim3A_1396, %add3A_1402 : vector<1x160xf32>
    %sub3A_1404 = arith.constant 1 : i32
    %sub3A_1405 = vector.broadcast %sub3A_1404 : i32 to vector<1x160xi32>
    %sub3A_1406 = arith.subi %broadcast_in_dim3A_1338, %sub3A_1405 : vector<1x160xi32>
    %max3A_1407 = arith.constant 0 : i32
    %max3A_1408 = vector.broadcast %max3A_1407 : i32 to vector<1x160xi32>
    %max3A_1409 = arith.maxsi %sub3A_1406, %max3A_1408 : vector<1x160xi32>
    %mul3A_1410 = arith.constant 21 : i32
    %mul3A_1411 = arith.muli %arg0, %mul3A_1410 : i32
    %add3A_1412 = vector.broadcast %mul3A_1411 : i32 to vector<1x160xi32>
    %add3A_1413 = arith.addi %add3A_1412, %max3A_1409 : vector<1x160xi32>
    %mul3A_1414 = arith.constant 19200 : i32
    %mul3A_1415 = vector.broadcast %mul3A_1414 : i32 to vector<1x160xi32>
    %mul3A_1416 = arith.muli %add3A_1413, %mul3A_1415 : vector<1x160xi32>
    %mul3A_1417 = vector.broadcast %convert_element_type3A_111 : vector<8x1xf32> to vector<8x160xf32>
    %mul3A_1418 = vector.broadcast %div3A_1380 : vector<1x160xf32> to vector<8x160xf32>
    %mul3A_1419 = arith.mulf %mul3A_1417, %mul3A_1418 : vector<8x160xf32>
    %add3A_1420 = vector.broadcast %convert_element_type3A_116 : vector<1x160xf32> to vector<8x160xf32>
    %add3A_1421 = arith.addf %add3A_1420, %mul3A_1419 : vector<8x160xf32>
    %mul3A_1422 = arith.constant 2.500000e-01 : f32
    %mul3A_1423 = vector.broadcast %mul3A_1422 : f32 to vector<8x160xf32>
    %mul3A_1424 = arith.mulf %add3A_1421, %mul3A_1423 : vector<8x160xf32>
    %convert_element_type3A_1425 = arith.fptosi %mul3A_1424 : vector<8x160xf32> to vector<8x160xi32>
    %jit3A_1426 = arith.constant 0 : i32
    %jit3A_1427 = arith.constant 159 : i32
    %max3A_1428 = vector.broadcast %jit3A_1426 : i32 to vector<8x160xi32>
    %max3A_1429 = arith.maxsi %max3A_1428, %convert_element_type3A_1425 : vector<8x160xi32>
    %min3A_1430 = vector.broadcast %jit3A_1427 : i32 to vector<8x160xi32>
    %min3A_1431 = arith.minsi %min3A_1430, %max3A_1429 : vector<8x160xi32>
    %mul3A_1432 = vector.broadcast %convert_element_type3A_111 : vector<8x1xf32> to vector<8x160xf32>
    %mul3A_1433 = vector.broadcast %div3A_1381 : vector<1x160xf32> to vector<8x160xf32>
    %mul3A_1434 = arith.mulf %mul3A_1432, %mul3A_1433 : vector<8x160xf32>
    %add3A_1435 = vector.broadcast %add3A_1403 : vector<1x160xf32> to vector<8x160xf32>
    %add3A_1436 = arith.addf %add3A_1435, %mul3A_1434 : vector<8x160xf32>
    %mul3A_1437 = arith.constant 2.500000e-01 : f32
    %mul3A_1438 = vector.broadcast %mul3A_1437 : f32 to vector<8x160xf32>
    %mul3A_1439 = arith.mulf %add3A_1436, %mul3A_1438 : vector<8x160xf32>
    %convert_element_type3A_1440 = arith.fptosi %mul3A_1439 : vector<8x160xf32> to vector<8x160xi32>
    %jit3A_1441 = arith.constant 0 : i32
    %jit3A_1442 = arith.constant 119 : i32
    %max3A_1443 = vector.broadcast %jit3A_1441 : i32 to vector<8x160xi32>
    %max3A_1444 = arith.maxsi %max3A_1443, %convert_element_type3A_1440 : vector<8x160xi32>
    %min3A_1445 = vector.broadcast %jit3A_1442 : i32 to vector<8x160xi32>
    %min3A_1446 = arith.minsi %min3A_1445, %max3A_1444 : vector<8x160xi32>
    %mul3A_1447 = arith.constant 160 : i32
    %mul3A_1448 = vector.broadcast %mul3A_1447 : i32 to vector<8x160xi32>
    %mul3A_1449 = arith.muli %min3A_1446, %mul3A_1448 : vector<8x160xi32>
    %add3A_1450 = vector.broadcast %mul3A_1416 : vector<1x160xi32> to vector<8x160xi32>
    %add3A_1451 = arith.addi %add3A_1450, %mul3A_1449 : vector<8x160xi32>
    %add3A_1452 = arith.addi %add3A_1451, %min3A_1431 : vector<8x160xi32>
    %swap3A_1453 = arith.constant 0 : index
    %swap3A_1454 = arith.constant 7 : index
    %swap3A_1455 = arith.constant 0 : index
    %swap3A_1456 = arith.constant 0 : index
    %swap3A_1457 = vector.load %arg4[%swap3A_1453, %swap3A_1454, %swap3A_1455, %swap3A_1456] : memref<1x8x8x160xi32, #tpu.memory_space<vmem>>, vector<1x1x8x160xi32>
    %swap3A_1458 = vector.shape_cast %swap3A_1457 : vector<1x1x8x160xi32> to vector<8x160xi32>
    %swap3A_1459 = vector.shape_cast %add3A_1452 : vector<8x160xi32> to vector<1x1x8x160xi32>
    tpu.vector_store %arg4[%swap3A_1453, %swap3A_1454, %swap3A_1455, %swap3A_1456], %swap3A_1459 {strides = array<i32>} : memref<1x8x8x160xi32, #tpu.memory_space<vmem>>, vector<1x1x8x160xi32>,
    %broadcast_in_dim3A_1460 = vector.shape_cast %select_n3A_1394 : vector<1x160xf32> to vector<1x160xf32>
    %broadcast_in_dim3A_1461 = vector.broadcast %broadcast_in_dim3A_1460 : vector<1x160xf32> to vector<8x160xf32>
    %swap3A_1462 = arith.constant 0 : index
    %swap3A_1463 = arith.constant 7 : index
    %swap3A_1464 = arith.constant 0 : index
    %swap3A_1465 = arith.constant 0 : index
    %swap3A_1466 = vector.load %arg5[%swap3A_1462, %swap3A_1463, %swap3A_1464, %swap3A_1465] : memref<1x8x8x160xf32, #tpu.memory_space<vmem>>, vector<1x1x8x160xf32>
    %swap3A_1467 = vector.shape_cast %swap3A_1466 : vector<1x1x8x160xf32> to vector<8x160xf32>
    %swap3A_1468 = vector.shape_cast %broadcast_in_dim3A_1461 : vector<8x160xf32> to vector<1x1x8x160xf32>
    tpu.vector_store %arg5[%swap3A_1462, %swap3A_1463, %swap3A_1464, %swap3A_1465], %swap3A_1468 {strides = array<i32>} : memref<1x8x8x160xf32, #tpu.memory_space<vmem>>, vector<1x1x8x160xf32>,
    %broadcast_in_dim3A_1469 = vector.shape_cast %broadcast_in_dim3A_1338 : vector<1x160xi32> to vector<1x160xi32>
    %broadcast_in_dim3A_1470 = vector.broadcast %broadcast_in_dim3A_1469 : vector<1x160xi32> to vector<21x160xi32>
    %eq3A_1471 = arith.cmpi eq, %broadcast_in_dim3A_1470, %add3A_120 : vector<21x160xi32>
    %broadcast_in_dim3A_1472 = vector.shape_cast %div3A_1330 : vector<1x160xf32> to vector<1x160xf32>
    %broadcast_in_dim3A_1473 = vector.broadcast %broadcast_in_dim3A_1472 : vector<1x160xf32> to vector<21x160xf32>
    %jit3A_1474 = arith.constant 0.000000e+00 : f32
    %broadcast_in_dim3A_1475 = vector.broadcast %jit3A_1474 : f32 to vector<21x160xf32>
    %select_n3A_1476 = arith.select %eq3A_1471, %broadcast_in_dim3A_1473, %broadcast_in_dim3A_1475 : vector<21x160xi1>, vector<21x160xf32>
    %mul3A_1477 = arith.mulf %div3A_1330, %exp3A_1388 : vector<1x160xf32>
    %broadcast_in_dim3A_1478 = vector.shape_cast %mul3A_1477 : vector<1x160xf32> to vector<1x160xf32>
    %broadcast_in_dim3A_1479 = vector.broadcast %broadcast_in_dim3A_1478 : vector<1x160xf32> to vector<21x160xf32>
    %jit3A_1480 = arith.constant 0.000000e+00 : f32
    %broadcast_in_dim3A_1481 = vector.broadcast %jit3A_1480 : f32 to vector<21x160xf32>
    %select_n3A_1482 = arith.select %eq3A_1471, %broadcast_in_dim3A_1479, %broadcast_in_dim3A_1481 : vector<21x160xi1>, vector<21x160xf32>
    %reduce_sum3A_1483 = arith.constant dense<0.000000e+00> : vector<21xf32>
    %reduce_sum3A_1484 = vector.multi_reduction <add>, %select_n3A_1476, %reduce_sum3A_1483 [1] : vector<21x160xf32> to vector<21xf32>
    %broadcast_in_dim3A_1485 = vector.shape_cast %reduce_sum3A_1484 : vector<21xf32> to vector<21x1xf32>
    %add3A_1486 = arith.addf %add3A_1313, %broadcast_in_dim3A_1485 : vector<21x1xf32>
    %reduce_sum3A_1487 = arith.constant dense<0.000000e+00> : vector<21xf32>
    %reduce_sum3A_1488 = vector.multi_reduction <add>, %select_n3A_1482, %reduce_sum3A_1487 [1] : vector<21x160xf32> to vector<21xf32>
    %broadcast_in_dim3A_1489 = vector.shape_cast %reduce_sum3A_1488 : vector<21xf32> to vector<21x1xf32>
    %add3A_1490 = arith.addf %add3A_1317, %broadcast_in_dim3A_1489 : vector<21x1xf32>
    %eq3A_1491 = arith.constant 0 : i32
    %eq3A_1492 = arith.cmpi eq, %arg1, %eq3A_1491 : i32
    %convert_element_type3A_1493 = arith.extui %eq3A_1492 : i1 to i32
    %cond3A = arith.constant 0 : i32
    %cond3A_1494 = arith.cmpi ne, %convert_element_type3A_1493, %cond3A : i32
    scf.if %cond3A_1494 {
      %swap3A_1499 = arith.constant 0 : index
      %swap3A_1500 = arith.constant 0 : index
      %swap3A_1501 = arith.constant 0 : index
      %swap3A_1502 = vector.load %arg6[%swap3A_1499, %swap3A_1500, %swap3A_1501] : memref<1x21x2xf32, #tpu.memory_space<vmem>>, vector<1x21x1xf32>
      %swap3A_1503 = vector.shape_cast %swap3A_1502 : vector<1x21x1xf32> to vector<21x1xf32>
      %swap3A_1504 = vector.shape_cast %add3A_1486 : vector<21x1xf32> to vector<1x21x1xf32>
      tpu.vector_store %arg6[%swap3A_1499, %swap3A_1500, %swap3A_1501], %swap3A_1504 {strides = array<i32>} : memref<1x21x2xf32, #tpu.memory_space<vmem>>, vector<1x21x1xf32>,
      %swap3A_1505 = arith.constant 0 : index
      %swap3A_1506 = arith.constant 0 : index
      %swap3A_1507 = arith.constant 1 : index
      %swap3A_1508 = vector.load %arg6[%swap3A_1505, %swap3A_1506, %swap3A_1507] : memref<1x21x2xf32, #tpu.memory_space<vmem>>, vector<1x21x1xf32>
      %swap3A_1509 = vector.shape_cast %swap3A_1508 : vector<1x21x1xf32> to vector<21x1xf32>
      %swap3A_1510 = vector.shape_cast %add3A_1490 : vector<21x1xf32> to vector<1x21x1xf32>
      tpu.vector_store %arg6[%swap3A_1505, %swap3A_1506, %swap3A_1507], %swap3A_1510 {strides = array<i32>} : memref<1x21x2xf32, #tpu.memory_space<vmem>>, vector<1x21x1xf32>,
    } else {
    }
    %ne3A = arith.constant 0 : i32
    %ne3A_1495 = arith.cmpi ne, %arg1, %ne3A : i32
    %convert_element_type3A_1496 = arith.extui %ne3A_1495 : i1 to i32
    %cond3A_1497 = arith.constant 0 : i32
    %cond3A_1498 = arith.cmpi ne, %convert_element_type3A_1496, %cond3A_1497 : i32
    scf.if %cond3A_1498 {
      %get3A_1499 = arith.constant 0 : index
      %get3A_1500 = arith.constant 0 : index
      %get3A_1501 = arith.constant 0 : index
      %get3A_1502 = vector.load %arg6[%get3A_1499, %get3A_1500, %get3A_1501] : memref<1x21x2xf32, #tpu.memory_space<vmem>>, vector<1x21x1xf32>
      %get3A_1503 = vector.shape_cast %get3A_1502 : vector<1x21x1xf32> to vector<21x1xf32>
      %add3A_1504 = arith.addf %get3A_1503, %add3A_1486 : vector<21x1xf32>
      %swap3A_1505 = arith.constant 0 : index
      %swap3A_1506 = arith.constant 0 : index
      %swap3A_1507 = arith.constant 0 : index
      %swap3A_1508 = vector.load %arg6[%swap3A_1505, %swap3A_1506, %swap3A_1507] : memref<1x21x2xf32, #tpu.memory_space<vmem>>, vector<1x21x1xf32>
      %swap3A_1509 = vector.shape_cast %swap3A_1508 : vector<1x21x1xf32> to vector<21x1xf32>
      %swap3A_1510 = vector.shape_cast %add3A_1504 : vector<21x1xf32> to vector<1x21x1xf32>
      tpu.vector_store %arg6[%swap3A_1505, %swap3A_1506, %swap3A_1507], %swap3A_1510 {strides = array<i32>} : memref<1x21x2xf32, #tpu.memory_space<vmem>>, vector<1x21x1xf32>,
      %get3A_1511 = arith.constant 0 : index
      %get3A_1512 = arith.constant 0 : index
      %get3A_1513 = arith.constant 1 : index
      %get3A_1514 = vector.load %arg6[%get3A_1511, %get3A_1512, %get3A_1513] : memref<1x21x2xf32, #tpu.memory_space<vmem>>, vector<1x21x1xf32>
      %get3A_1515 = vector.shape_cast %get3A_1514 : vector<1x21x1xf32> to vector<21x1xf32>
      %add3A_1516 = arith.addf %get3A_1515, %add3A_1490 : vector<21x1xf32>
      %swap3A_1517 = arith.constant 0 : index
      %swap3A_1518 = arith.constant 0 : index
      %swap3A_1519 = arith.constant 1 : index
      %swap3A_1520 = vector.load %arg6[%swap3A_1517, %swap3A_1518, %swap3A_1519] : memref<1x21x2xf32, #tpu.memory_space<vmem>>, vector<1x21x1xf32>
      %swap3A_1521 = vector.shape_cast %swap3A_1520 : vector<1x21x1xf32> to vector<21x1xf32>
      %swap3A_1522 = vector.shape_cast %add3A_1516 : vector<21x1xf32> to vector<1x21x1xf32>
      tpu.vector_store %arg6[%swap3A_1517, %swap3A_1518, %swap3A_1519], %swap3A_1522 {strides = array<i32>} : memref<1x21x2xf32, #tpu.memory_space<vmem>>, vector<1x21x1xf32>,
    } else {
    }
    return
  }
  func.func @transform_0(%arg0: i32, %arg1: i32) -> (i32, i32, i32, i32) {
    %c0_i32 = arith.constant 0 : i32
    %c0_i32_0 = arith.constant 0 : i32
    %c0_i32_1 = arith.constant 0 : i32
    return %arg0, %c0_i32, %arg1, %c0_i32_0 : i32, i32, i32, i32
  }
  func.func @transform_1(%arg0: i32, %arg1: i32) -> (i32, i32, i32, i32) {
    %c0_i32 = arith.constant 0 : i32
    %c0_i32_0 = arith.constant 0 : i32
    %c0_i32_1 = arith.constant 0 : i32
    return %arg0, %c0_i32, %arg1, %c0_i32_0 : i32, i32, i32, i32
  }
  func.func @transform_2(%arg0: i32, %arg1: i32) -> (i32, i32, i32, i32) {
    %c0_i32 = arith.constant 0 : i32
    %c0_i32_0 = arith.constant 0 : i32
    %c0_i32_1 = arith.constant 0 : i32
    return %arg0, %arg1, %c0_i32, %c0_i32_0 : i32, i32, i32, i32
  }
  func.func @transform_3(%arg0: i32, %arg1: i32) -> (i32, i32, i32, i32) {
    %c0_i32 = arith.constant 0 : i32
    %c0_i32_0 = arith.constant 0 : i32
    %c0_i32_1 = arith.constant 0 : i32
    return %arg0, %arg1, %c0_i32, %c0_i32_0 : i32, i32, i32, i32
  }
  func.func @transform_4(%arg0: i32, %arg1: i32) -> (i32, i32, i32) {
    %c0_i32 = arith.constant 0 : i32
    %c0_i32_0 = arith.constant 0 : i32
    %c0_i32_1 = arith.constant 0 : i32
    return %arg0, %c0_i32, %c0_i32_0 : i32, i32, i32
  }
}

</mosaic_0001>

<sc_bundles>
// kernel: kernel.5.cloned.1.call-start
scs
__scs_entry_jumppad:
0x0: {  	(pc) =	sbr.rel $0x88, $3  }
0x1: {  	(tag) =	ssettag $0x0;
	lr =	simm.s32 $0x1  }
0x2: {  	[smem:$0x3F9D] =	sst lr;
	_ =	strace $0xD0000000  }
0x3: {  	_ = 	snop  }
0x4: {  	_ = 	snop  }
0x5: {  	_ = 	snop  }
0x6: {  	_ = 	snop  }
0x7: {  	_ = 	snop  }
__scs_overlays_trampoline_lowered:
0x8: {  	[smem:$0x3FAC] =	sst s0  }
0x9: {  	[smem:$0x3FAD] =	sst s1  }
0xa: {  	[smem:$0x3FAE] =	sst s2  }
0xb: {  	[smem:$0x3FAF] =	sst s3  }
0xc: {  	[smem:$0x3FB0] =	sst s4  }
0xd: {  	[smem:$0x3FB1] =	sst s5  }
0xe: {  	[smem:$0x3FB2] =	sst s6  }
0xf: {  	[smem:$0x3FB3] =	sst s7  }
0x10: {  	[smem:$0x3FB4] =	sst s8  }
0x11: {  	[smem:$0x3FB5] =	sst s9;
	s0 =	simm.s32 @!p0 $0x0  }
0x12: {  	s1 =	sld [smem:$0x3F9B];
	s0 =	simm.s32 @p0 $0x1  }
0x13: {  	[smem:$0x3FB6] =	sst s0;
	s0 =	simm.s32 @!p1 $0x0  }
0x14: {  	s2 =	sld [smem:$0x3F9A];
	s0 =	simm.s32 @p1 $0x1  }
0x15: {  	[smem:$0x3FB7] =	sst s0;
	s0 =	simm.s32 @!p2 $0x0  }
0x16: {  	s3 =	sld [smem:$0x3FDB];
	s0 =	simm.s32 @p2 $0x1  }
0x17: {  	s4 =	simm.s32 $0x1BF5;
	[smem:$0x3FB9] =	sst s0  }
0x18: {  	s0 =	sld [smem:$0x3F9C];
	_ =	swait.ge [sflag:s4], $0x0  }
0x19: {  	s7 =	sld [smem:$0x3F9D]  }
0x1a: {  	s8 =	sadd.s32 $0xFFFFE003, lr  }
0x1b: {  	s9 =	sadd.s32 $0xFFFFFEF7, lr;
	s5 =	simm.s32 $0xFFFFFFFF;
	p2 =	slt.u32 s8, $0xFFFFF086  }
0x1c: {  	p1 =	slt.u32 s9, $0xF7A;
	s5 =	simm.s32 @!p2 $0x0  }
0x1d: {  	s5 =	simm.s32 @p1 $0x1;
	p0 =	seq.s32 s7, s2  }
0x1e: {  	s7 =	smul.u32 @!p0 $0xF7A, s2;
	p2 =	seq.s32 @!p0 s5, $0x0  }
0x1f: {  	s9 =	smul.u32 $0xF7A, s1;
	s8 =	simm.s32 @!p0 $0x1BF5;
	p2 =	por !p2, p0  }
0x20: {  	[sflag:s8] =	ssyncset.s32 @!p0 $0xFFFFF086;
	s6 =	sadd.s32 @!p0 s3, s7;
	s7 =	simm.s32 @!p0 $0x108  }
0x21: {  	s3 =	sadd.s32 s3, s9;
	s6 =	sadd.s32 @!p0 $0x88, s6;
	s7 =	simm.s32 @p2 $0x1082  }
0x22: {  	[simem:s7], [sflag:s8] =	dma.local @!p0 [hbm:s6], $0xF7A  }
0x23: {  	s9 =	sor.u32 $0xD0000000, s2;
	s6 =	simm.s32 $0x108;
	_ =	swait.ge @!p0 [sflag:s8], $0x0  }
0x24: {  	s3 =	sadd.s32 $0x88, s3;
	s6 =	simm.s32 @!p1 $0x1082;
	[sflag:s4] =	ssyncset.s32 $0xFFFFF086  }
0x25: {  	[simem:s6], [sflag:s4] =	dma.local [hbm:s3], $0xF7A  }
0x26: {  	[smem:$0x3F9D] =	sst s1;
	(tag) =	ssettag s2;
	_ =	strace s9  }
0x27: {  	s1 =	sld [smem:$0x3FAD]  }
0x28: {  	s2 =	sld [smem:$0x3FAE]  }
0x29: {  	s4 =	sld [smem:$0x3FB0]  }
0x2a: {  	p0 =	seq.s32 s5, $0x0;
	s5 =	sld [smem:$0x3FB1]  }
0x2b: {  	s6 =	sld [smem:$0x3FB2]  }
0x2c: {  	s7 =	sld [smem:$0x3FB3]  }
0x2d: {  	s3 =	simm.s32 $0x108;
	s8 =	sld [smem:$0x3FB4]  }
0x2e: {  	s3 =	simm.s32 @!p0 $0x1082;
	s9 =	sld [smem:$0x3FB5]  }
0x2f: {  	lr =	sadd.s32 s0, s3;
	s0 =	sld [smem:$0x3FAC]  }
0x30: {  	s3 =	sld [smem:$0x3FAF]  }
0x31: {  	[smem:$0x3FB8] =	sst s10  }
0x32: {  	s10 =	sld [smem:$0x3FB6];
	_ =	sdelay $0x3  }
0x33: {  	p0 =	seq.s32 s10, $0x1;
	s10 =	sld [smem:$0x3FB8];
	_ =	sdelay $0x3  }
0x34: {  	[smem:$0x3FB8] =	sst s10  }
0x35: {  	s10 =	sld [smem:$0x3FB7];
	_ =	sdelay $0x3  }
0x36: {  	p1 =	seq.s32 s10, $0x1;
	s10 =	sld [smem:$0x3FB8];
	_ =	sdelay $0x3  }
0x37: {  	[smem:$0x3FB8] =	sst s10  }
0x38: {  	s10 =	sld [smem:$0x3FB9]  }
0x39: {  	_ = 	snop;
	(pc) =	sbr.ind lr, $3  }
0x3a: {  	_ = 	snop  }
0x3b: {  	_ = 	snop  }
0x3c: {  	p2 =	seq.s32 s10, $0x1;
	s10 =	sld [smem:$0x3FB8]  }
0x3d: {  	_ =	shalt  }
0x3e: {  	_ =	shalt  }
0x3f: {  	_ =	shalt  }
0x40: {  	_ =	shalt  }
0x41: {  	_ =	shalt  }
0x42: {  	_ =	shalt  }
0x43: {  	_ =	shalt  }
0x44: {  	_ =	shalt  }
0x45: {  	_ =	shalt  }
0x46: {  	_ =	shalt  }
0x47: {  	_ =	shalt  }
0x48: {  	_ =	shalt  }
0x49: {  	_ =	shalt  }
0x4a: {  	_ =	shalt  }
0x4b: {  	_ =	shalt  }
0x4c: {  	_ =	shalt  }
0x4d: {  	_ =	shalt  }
0x4e: {  	_ =	shalt  }
0x4f: {  	_ =	shalt  }
0x50: {  	_ =	shalt  }
0x51: {  	_ =	shalt  }
0x52: {  	_ =	shalt  }
0x53: {  	_ =	shalt  }
0x54: {  	_ =	shalt  }
0x55: {  	_ =	shalt  }
0x56: {  	_ =	shalt  }
0x57: {  	_ =	shalt  }
0x58: {  	_ =	shalt  }
0x59: {  	_ =	shalt  }
0x5a: {  	_ =	shalt  }
0x5b: {  	_ =	shalt  }
0x5c: {  	_ =	shalt  }
0x5d: {  	_ =	shalt  }
0x5e: {  	_ =	shalt  }
0x5f: {  	_ =	shalt  }
0x60: {  	_ =	shalt  }
0x61: {  	_ =	shalt  }
0x62: {  	_ =	shalt  }
0x63: {  	_ =	shalt  }
0x64: {  	_ =	shalt  }
0x65: {  	_ =	shalt  }
0x66: {  	_ =	shalt  }
0x67: {  	_ =	shalt  }
0x68: {  	_ =	shalt  }
0x69: {  	_ =	shalt  }
0x6a: {  	_ =	shalt  }
0x6b: {  	_ =	shalt  }
0x6c: {  	_ =	shalt  }
0x6d: {  	_ =	shalt  }
0x6e: {  	_ =	shalt  }
0x6f: {  	_ =	shalt  }
0x70: {  	_ =	shalt  }
0x71: {  	_ =	shalt  }
0x72: {  	_ =	shalt  }
0x73: {  	_ =	shalt  }
0x74: {  	_ =	shalt  }
0x75: {  	_ =	shalt  }
0x76: {  	_ =	shalt  }
0x77: {  	_ =	shalt  }
0x78: {  	_ =	shalt  }
0x79: {  	_ =	shalt  }
0x7a: {  	_ =	shalt  }
0x7b: {  	_ =	shalt  }
0x7c: {  	_ =	shalt  }
0x7d: {  	_ =	shalt  }
0x7e: {  	_ =	shalt  }
0x7f: {  	_ =	shalt  }
0x80: {  	_ =	shalt  }
0x81: {  	_ =	shalt  }
0x82: {  	_ =	shalt  }
0x83: {  	_ =	shalt  }
0x84: {  	_ =	shalt  }
0x85: {  	_ =	shalt  }
0x86: {  	_ =	shalt  }
0x87: {  	_ =	shalt  }
.Lfunc_end0:
.L_simem_size_0:
called_computation_lowered:
.L_overlay_start_0:
0x88: {  	s2 =	sld [smem:$0x3FD9]  }
0x89: {  	s3 =	sld [smem:$0x3FFE];
	_ =	sdelay $0x1  }
0x8a: {  	s1 =	srdreg.scid  }
0x8b: {  	s0 =	sand.u32 $0x1, s1  }
0x8c: {  	s16 =	sshll.u32 s0, $0xA;
	s2 =	sadd.s32 s3, s2  }
0x8d: {  	s2 =	sadd.s32 s2, s16  }
0x8e: {  	[smem:$0x3FC4] =	sst s2  }
0x8f: {  	_ = 	snop  }
0x90: {  	(tm) =	ssettm $0x1  }
0x91: {  	s17 =	sld [smem:$0x3FFB];
	_ =	sdelay $0x3  }
0x92: {  	_ =	strace s17  }
0x93: {  	s2 =	sld [smem:$0x3FFC];
	_ =	sdelay $0x3  }
0x94: {  	_ =	strace s2  }
0x95: {  	s2 =	sld [smem:$0x3FFD];
	_ =	sdelay $0x3  }
0x96: {  	_ =	strace s2  }
0x97: {  	_ =	strace $0x8FFFFFFF  }
0x98: {  	s18 =	sld [smem:$0x3FDB];
	_ =	sdelay $0x1  }
0x99: {  	s19 =	simm.s32 $_scs_section_size  }
0x9a: {  	s4 =	simm.s32 $_size__tile_overlayer_lowered;
	s5 =	simm.s32 $_tile_overlayer_lowered  }
0x9b: {  	s22 =	simm.s32 $0x1BFF;
	s21 =	sshll.u32 s5, $0x1;
	s2 =	sadd.s32 s19, s18  }
0x9c: {  	s6 =	simm.s32 $0x0;
	s20 =	sshll.u32 s4, $0x1;
	s4 =	sadd.s32 s21, s2  }
0x9d: {  	[timem:s6], [sflag:s22] =	dma.local [hbm:s4], s20  }
0x9e: {  	_ =	swait.ge [sflag:s22], s20  }
0x9f: {  	s3 =	ssub.s32 $0x0, s20;
	[sflag:s22] =	ssyncset.done $0x0  }
0xa0: {  	[sflag:s22] =	ssyncadd.s32 s3;
	_ =	sdelay $0x1  }
0xa1: {  	s23 =	simm.s32 $0x1B8B  }
0xa2: {  	_ =	swait.ge [sflag:s23], $0x1  }
0xa3: {  	[sflag:s23] =	ssyncset.done $0x0  }
0xa4: {  	s25 =	simm.s32 $0x1B8E;
	s24 =	sld [smem:$0x3FFE];
	[sflag:s23] =	ssyncadd.s32 $0xFFFFFFFF  }
0xa5: {  	s26 =	simm.s32 $execute0_lowered;
	[smem:$0x3FD2] =	sst s25  }
0xa6: {  	s4 =	sshll.u32 s26, $0x1;
	_ =	strace $0x80000046;
	[dreg:$0x1] =	wrdreg $0xFFFFFFFF  }
0xa7: {  	s28 =	simm.s32 $_size_execute0_lowered;
	s2 =	sadd.s32 s2, s4;
	[dreg:$0x0] =	wrdreg $0x0  }
0xa8: {  	s4 =	sshll.u32 s28, $0x1;
	[dreg:$0x2] =	wrdreg s2  }
0xa9: {  	[dreg:$0x3] =	wrdreg s4  }
0xaa: {  	[dreg:$0x4] =	wrdreg $0xC0  }
0xab: {  	_ =	task [dreg:s6], $0x5FFFF  }
0xac: {  	[dreg:$0x1] =	wrdreg $0xFFFFFFFF  }
0xad: {  	[dreg:$0x0] =	wrdreg $0x60  }
0xae: {  	[dreg:$0x2] =	wrdreg s24  }
0xaf: {  	[dreg:$0x3] =	wrdreg $0x69000  }
0xb0: {  	[dreg:$0x4] =	wrdreg $0x9  }
0xb1: {  	_ =	task.clear_ibuf [dreg:s6], $0x5FFFF;
	_ =	strace $0x90000046  }
0xb2: {  	s29 =	simm.s32 $0x9;
	_ =	strace $0x80000048  }
0xb3: {  	_ =	swait.ge [sflag:s29], $0x1  }
0xb4: {  	[sflag:s29] =	ssyncadd.s32 $0xFFFFFFFF  }
0xb5: {  	_ =	strace $0x90000048  }
0xb6: {  	_ =	sfence  }
0xb7: {  	s30 =	sld [smem:$0x0];
	_ =	sdelay $0x2  }
0xb8: {  	s31 =	sshll.u32 s1, $0xD;
	s1 =	sshrl.u32 s1, $0x2  }
0xb9: {  	s3 =	sand.u32 $0x4000, s31;
	s1 =	sadd.s32 s1, s30  }
0xba: {  	s0 =	sor.u32 s3, s0;
	s1 =	sshll.u32 s1, $0x11  }
0xbb: {  	s0 =	sor.u32 s1, s0  }
0xbc: {  	s0 =	sadd.s32 $0x8F2B, s0  }
0xbd: {  	[sflag:s0] =	ssyncadd.remote.s32 $0x1  }
0xbe: {  	_ =	sfence.sel $0xFFFF  }
0xbf: {  	[dreg:$0x0] =	wrdreg $0xFFFFFFFF;
	(pc) =	sbr.abs _section_cstart, $3  }
0xc0: {  	[dreg:$0x1] =	wrdreg $0xFFFFFFFF  }
0xc1: {  	_ =	task.clear_ibuf [dreg:s6], $0x2FFFF;
	_ =	strace $0x9FFFFFFF  }
0xc2: {  	(tm) =	ssettm $0x7FFFFFFF  }
0xc3: {  	_ =	shalt  }
tec
execute0_lowered:
.L_overlay_start_1:
0x0: {  	(tag) =	ssettag $0x1  }
0x1: {  	s0 =	srdreg.scid;
	s5 =	rddreg [dreg:$0x0]  }
0x2: {  	s4 =	stileid.u32;
	s2 =	rddreg [dreg:$0x1];
	s3 =	simm.s32 $0x0  }
0x3: {  	s16 =	simm.s32 $0x5000;
	s17 =	simm.s32 $0x1;
	s18 =	simm.s32 $0x2800  }
0x4: {  	s19 =	simm.s32 $0x80;
	s29 =	simm.s32 $0x2300;
	s30 =	simm.s32 $0x2380  }
0x5: {  	s31 =	simm.s32 $0x4B80;
	s20 =	simm.s32 $0x4C00;
	s21 =	simm.s32 $0x2480  }
0x6: {  	s22 =	simm.s32 $0x4C80;
	s23 =	simm.s32 $0x2500;
	s24 =	simm.s32 $0x4D00  }
0x7: {  	s0 =	sand.u32 $0x1, s0;
	s1 =	sshll.u32 s4, $0x1;
	s4 =	smul.u32 $0xC800, s4  }
0x8: {  	s25 =	simm.s32 $0x0;
	s1 =	sor.u32 s0, s1;
	s6 =	smul.u32 $0xC8000, s0  }
0x9: {  	[smem:$0x7FF] =	sst s3;
	s0 =	ssub.s32 $0x2, s0;
	s1 =	smul.u32 $0x500, s1  }
0xa: {  	_ =	strace $0x80000047;
	s7 =	sshrl.u32 s0, $0x1;
	s6 =	sadd.s32 s4, s6  }
0xb: {  	s4 =	sadd.s32 s4, s2;
	s0 =	ssub.s32 s0, s7;
	s1 =	sadd.s32 s1, s5  }
0xc: {  	s6 =	sshrl.u32 s6, $0x3;
	s7 =	sadd.s32 $0x4B00, s4;
	s8 =	sadd.s32 $0x6400, s4  }
0xd: {  	s9 =	sadd.s32 $0x7D00, s4;
	s10 =	sadd.s32 $0x9600, s4;
	s11 =	sadd.s32 $0xAF00, s4  }
0xe: {  	s15 =	smax.u32 s0, $0x1;
	s0 =	simm.s32 $0x4B00;
	s14 =	sadd.s32 s6, s5  }
0xf: {  	s5 =	sadd.s32 $0x1900, s4;
	s6 =	sadd.s32 $0x3200, s4;
	s12 =	sadd.s32 $0xE00, s1  }
0x10: {  	v0 =	vimm.f32 $0.0e+00;
	s13 =	sadd.s32 $0xAE00, s1;
	s1 =	simm.s32 $0x2400;
	s14 =	sadd.s32 $0x14E00, s14  }
.LBB2_1:
0x11: {  	s26 =	simm.s32 $0x40;
	s28 =	simm.s32 $0x0  }
.LBB2_2:
0x12: {  	p0 =	sne.s32 s26, $0x63C0;
	[tilespmem:s28+$0x5000] =	vst v0;
	s28 =	smov.u32 s26;
	s26 =	sadd.s32 $0x40, s26  }
.Ltmp0:
0x13: {  	(pc) =	sbr.rel @p0 .LBB2_2-.Ltmp0, $2  }
0x14: {  	_ =	sdelay $0x2  }
0x15: {  	s28 =	sshra.s32 s28, $0x2  }
0x16: {  	[tilespmem:s28+$0x5000] =	vst v0  }
0x17: {  	[spmem:s4] =	stream.linear.scatter [tilespmem:s16], [sflag:$0x1], $0x1900, $0x38;
	[tilespmem:$0x13100] =	vst v63  }
0x18: {  	_ =	swait.ge [sflag:s17], $0x1900  }
0x19: {  	[sflag:s17] =	ssyncset.done $0x0  }
0x1a: {  	[sflag:s17] =	ssyncadd.s32 $0xFFFFE700  }
0x1b: {  	[spmem:s5] =	stream.linear.scatter [tilespmem:s16], [sflag:$0x1], $0x1900, $0x38;
	[tilespmem:$0x13100] =	vst v63  }
0x1c: {  	_ =	swait.ge [sflag:s17], $0x1900  }
0x1d: {  	[sflag:s17] =	ssyncset.done $0x0  }
0x1e: {  	[sflag:s17] =	ssyncadd.s32 $0xFFFFE700  }
0x1f: {  	[spmem:s6] =	stream.linear.scatter [tilespmem:s16], [sflag:$0x1], $0x1900, $0x38;
	[tilespmem:$0x13100] =	vst v63  }
0x20: {  	_ =	swait.ge [sflag:s17], $0x1900  }
0x21: {  	[sflag:s17] =	ssyncset.done $0x0  }
0x22: {  	[sflag:s17] =	ssyncadd.s32 $0xFFFFE700  }
0x23: {  	[spmem:s7] =	stream.linear.scatter [tilespmem:s16], [sflag:$0x1], $0x1900, $0x38;
	[tilespmem:$0x13100] =	vst v63  }
0x24: {  	_ =	swait.ge [sflag:s17], $0x1900  }
0x25: {  	[sflag:s17] =	ssyncset.done $0x0  }
0x26: {  	[sflag:s17] =	ssyncadd.s32 $0xFFFFE700  }
0x27: {  	[spmem:s8] =	stream.linear.scatter [tilespmem:s16], [sflag:$0x1], $0x1900, $0x38;
	[tilespmem:$0x13100] =	vst v63  }
0x28: {  	_ =	swait.ge [sflag:s17], $0x1900  }
0x29: {  	[sflag:s17] =	ssyncset.done $0x0  }
0x2a: {  	[sflag:s17] =	ssyncadd.s32 $0xFFFFE700  }
0x2b: {  	[spmem:s9] =	stream.linear.scatter [tilespmem:s16], [sflag:$0x1], $0x1900, $0x38;
	[tilespmem:$0x13100] =	vst v63  }
0x2c: {  	_ =	swait.ge [sflag:s17], $0x1900  }
0x2d: {  	[sflag:s17] =	ssyncset.done $0x0  }
0x2e: {  	[sflag:s17] =	ssyncadd.s32 $0xFFFFE700  }
0x2f: {  	[spmem:s10] =	stream.linear.scatter [tilespmem:s16], [sflag:$0x1], $0x1900, $0x38;
	[tilespmem:$0x13100] =	vst v63  }
0x30: {  	_ =	swait.ge [sflag:s17], $0x1900  }
0x31: {  	[sflag:s17] =	ssyncset.done $0x0  }
0x32: {  	[sflag:s17] =	ssyncadd.s32 $0xFFFFE700  }
0x33: {  	[spmem:s11] =	stream.linear.scatter [tilespmem:s16], [sflag:$0x1], $0x1900, $0x38;
	[tilespmem:$0x13100] =	vst v63  }
0x34: {  	_ =	swait.ge [sflag:s17], $0x1900  }
0x35: {  	[sflag:s17] =	ssyncset.done $0x0  }
0x36: {  	[sflag:s17] =	ssyncadd.s32 $0xFFFFE700  }
0x37: {  	[bflag:$0x0] =	sbarrier.arrive $0xFFFF  }
0x38: {  	[tilespmem:s3], [sflag:$0x1] =	stream.linear.gather [hbm4b:s12+s3], $0x2580, $0x38;
	[tilespmem:$0x13100] =	vst v63  }
0x39: {  	_ =	swait.ge [sflag:s17], $0x2580  }
0x3a: {  	[sflag:s17] =	ssyncset.done $0x0  }
0x3b: {  	[sflag:s17] =	ssyncadd.s32 $0xFFFFDA80  }
0x3c: {  	[tilespmem:s18], [sflag:$0x1] =	stream.linear.gather [hbm4b:s13+s3], $0x2580, $0x38;
	[tilespmem:$0x13100] =	vst v63  }
0x3d: {  	_ =	swait.ge [sflag:s17], $0x2580  }
0x3e: {  	[sflag:s17] =	ssyncset.done $0x0  }
0x3f: {  	[sflag:s17] =	ssyncadd.s32 $0xFFFFDA80  }
0x40: {  	[spmem:s2] =	stream.indirect.scatter.add.f32 [tilespmem:s18], [sflag:$0x1], $0x1, s3, s19, $0xb8;
	[tilespmem:$0x13100] =	vst v63  }
0x41: {  	_ =	swait.ge [sflag:s17], $0x80  }
0x42: {  	[sflag:s17] =	ssyncset.done $0x0  }
0x43: {  	s26 =	simm.s32 $0x2880;
	[sflag:s17] =	ssyncadd.s32 $0xFFFFFF80  }
0x44: {  	[spmem:s2] =	stream.indirect.scatter.add.f32 [tilespmem:s26], [sflag:$0x1], $0x1, s19, s19, $0xb8;
	[tilespmem:$0x13100] =	vst v63  }
0x45: {  	_ =	swait.ge [sflag:s17], $0x80  }
0x46: {  	[sflag:s17] =	ssyncset.done $0x0  }
0x47: {  	s28 =	simm.s32 $0x2900;
	s26 =	simm.s32 $0x100;
	[sflag:s17] =	ssyncadd.s32 $0xFFFFFF80  }
0x48: {  	[spmem:s2] =	stream.indirect.scatter.add.f32 [tilespmem:s28], [sflag:$0x1], $0x1, s26, s19, $0xb8;
	[tilespmem:$0x13100] =	vst v63  }
0x49: {  	_ =	swait.ge [sflag:s17], $0x80  }
0x4a: {  	[sflag:s17] =	ssyncset.done $0x0  }
0x4b: {  	s26 =	simm.s32 $0x180;
	s28 =	simm.s32 $0x2980;
	[sflag:s17] =	ssyncadd.s32 $0xFFFFFF80  }
0x4c: {  	[spmem:s2] =	stream.indirect.scatter.add.f32 [tilespmem:s28], [sflag:$0x1], $0x1, s26, s19, $0xb8;
	[tilespmem:$0x13100] =	vst v63  }
0x4d: {  	_ =	swait.ge [sflag:s17], $0x80  }
0x4e: {  	[sflag:s17] =	ssyncset.done $0x0  }
0x4f: {  	s26 =	simm.s32 $0x200;
	s28 =	simm.s32 $0x2A00;
	[sflag:s17] =	ssyncadd.s32 $0xFFFFFF80  }
0x50: {  	[spmem:s2] =	stream.indirect.scatter.add.f32 [tilespmem:s28], [sflag:$0x1], $0x1, s26, s19, $0xb8;
	[tilespmem:$0x13100] =	vst v63  }
0x51: {  	_ =	swait.ge [sflag:s17], $0x80  }
0x52: {  	[sflag:s17] =	ssyncset.done $0x0  }
0x53: {  	s26 =	simm.s32 $0x280;
	s28 =	simm.s32 $0x2A80;
	[sflag:s17] =	ssyncadd.s32 $0xFFFFFF80  }
0x54: {  	[spmem:s2] =	stream.indirect.scatter.add.f32 [tilespmem:s28], [sflag:$0x1], $0x1, s26, s19, $0xb8;
	[tilespmem:$0x13100] =	vst v63  }
0x55: {  	_ =	swait.ge [sflag:s17], $0x80  }
0x56: {  	[sflag:s17] =	ssyncset.done $0x0  }
0x57: {  	s26 =	simm.s32 $0x300;
	s28 =	simm.s32 $0x2B00;
	[sflag:s17] =	ssyncadd.s32 $0xFFFFFF80  }
0x58: {  	[spmem:s2] =	stream.indirect.scatter.add.f32 [tilespmem:s28], [sflag:$0x1], $0x1, s26, s19, $0xb8;
	[tilespmem:$0x13100] =	vst v63  }
0x59: {  	_ =	swait.ge [sflag:s17], $0x80  }
0x5a: {  	[sflag:s17] =	ssyncset.done $0x0  }
0x5b: {  	s26 =	simm.s32 $0x380;
	s28 =	simm.s32 $0x2B80;
	[sflag:s17] =	ssyncadd.s32 $0xFFFFFF80  }
0x5c: {  	[spmem:s2] =	stream.indirect.scatter.add.f32 [tilespmem:s28], [sflag:$0x1], $0x1, s26, s19, $0xb8;
	[tilespmem:$0x13100] =	vst v63  }
0x5d: {  	_ =	swait.ge [sflag:s17], $0x80  }
0x5e: {  	[sflag:s17] =	ssyncset.done $0x0  }
0x5f: {  	s26 =	simm.s32 $0x400;
	s28 =	simm.s32 $0x2C00;
	[sflag:s17] =	ssyncadd.s32 $0xFFFFFF80  }
0x60: {  	[spmem:s2] =	stream.indirect.scatter.add.f32 [tilespmem:s28], [sflag:$0x1], $0x1, s26, s19, $0xb8;
	[tilespmem:$0x13100] =	vst v63  }
0x61: {  	_ =	swait.ge [sflag:s17], $0x80  }
0x62: {  	[sflag:s17] =	ssyncset.done $0x0  }
0x63: {  	s26 =	simm.s32 $0x480;
	s28 =	simm.s32 $0x2C80;
	[sflag:s17] =	ssyncadd.s32 $0xFFFFFF80  }
0x64: {  	[spmem:s2] =	stream.indirect.scatter.add.f32 [tilespmem:s28], [sflag:$0x1], $0x1, s26, s19, $0xb8;
	[tilespmem:$0x13100] =	vst v63  }
0x65: {  	_ =	swait.ge [sflag:s17], $0x80  }
0x66: {  	[sflag:s17] =	ssyncset.done $0x0  }
0x67: {  	s26 =	simm.s32 $0x500;
	s28 =	simm.s32 $0x2D00;
	[sflag:s17] =	ssyncadd.s32 $0xFFFFFF80  }
0x68: {  	[spmem:s2] =	stream.indirect.scatter.add.f32 [tilespmem:s28], [sflag:$0x1], $0x1, s26, s19, $0xb8;
	[tilespmem:$0x13100] =	vst v63  }
0x69: {  	_ =	swait.ge [sflag:s17], $0x80  }
0x6a: {  	[sflag:s17] =	ssyncset.done $0x0  }
0x6b: {  	s26 =	simm.s32 $0x580;
	s28 =	simm.s32 $0x2D80;
	[sflag:s17] =	ssyncadd.s32 $0xFFFFFF80  }
0x6c: {  	[spmem:s2] =	stream.indirect.scatter.add.f32 [tilespmem:s28], [sflag:$0x1], $0x1, s26, s19, $0xb8;
	[tilespmem:$0x13100] =	vst v63  }
0x6d: {  	_ =	swait.ge [sflag:s17], $0x80  }
0x6e: {  	[sflag:s17] =	ssyncset.done $0x0  }
0x6f: {  	s26 =	simm.s32 $0x600;
	s28 =	simm.s32 $0x2E00;
	[sflag:s17] =	ssyncadd.s32 $0xFFFFFF80  }
0x70: {  	[spmem:s2] =	stream.indirect.scatter.add.f32 [tilespmem:s28], [sflag:$0x1], $0x1, s26, s19, $0xb8;
	[tilespmem:$0x13100] =	vst v63  }
0x71: {  	_ =	swait.ge [sflag:s17], $0x80  }
0x72: {  	[sflag:s17] =	ssyncset.done $0x0  }
0x73: {  	s26 =	simm.s32 $0x680;
	s28 =	simm.s32 $0x2E80;
	[sflag:s17] =	ssyncadd.s32 $0xFFFFFF80  }
0x74: {  	[spmem:s2] =	stream.indirect.scatter.add.f32 [tilespmem:s28], [sflag:$0x1], $0x1, s26, s19, $0xb8;
	[tilespmem:$0x13100] =	vst v63  }
0x75: {  	_ =	swait.ge [sflag:s17], $0x80  }
0x76: {  	[sflag:s17] =	ssyncset.done $0x0  }
0x77: {  	s26 =	simm.s32 $0x700;
	s28 =	simm.s32 $0x2F00;
	[sflag:s17] =	ssyncadd.s32 $0xFFFFFF80  }
0x78: {  	[spmem:s2] =	stream.indirect.scatter.add.f32 [tilespmem:s28], [sflag:$0x1], $0x1, s26, s19, $0xb8;
	[tilespmem:$0x13100] =	vst v63  }
0x79: {  	_ =	swait.ge [sflag:s17], $0x80  }
0x7a: {  	[sflag:s17] =	ssyncset.done $0x0  }
0x7b: {  	s26 =	simm.s32 $0x780;
	s28 =	simm.s32 $0x2F80;
	[sflag:s17] =	ssyncadd.s32 $0xFFFFFF80  }
0x7c: {  	[spmem:s2] =	stream.indirect.scatter.add.f32 [tilespmem:s28], [sflag:$0x1], $0x1, s26, s19, $0xb8;
	[tilespmem:$0x13100] =	vst v63  }
0x7d: {  	_ =	swait.ge [sflag:s17], $0x80  }
0x7e: {  	[sflag:s17] =	ssyncset.done $0x0  }
0x7f: {  	s26 =	simm.s32 $0x800;
	s28 =	simm.s32 $0x3000;
	[sflag:s17] =	ssyncadd.s32 $0xFFFFFF80  }
0x80: {  	[spmem:s2] =	stream.indirect.scatter.add.f32 [tilespmem:s28], [sflag:$0x1], $0x1, s26, s19, $0xb8;
	[tilespmem:$0x13100] =	vst v63  }
0x81: {  	_ =	swait.ge [sflag:s17], $0x80  }
0x82: {  	[sflag:s17] =	ssyncset.done $0x0  }
0x83: {  	s26 =	simm.s32 $0x880;
	s28 =	simm.s32 $0x3080;
	[sflag:s17] =	ssyncadd.s32 $0xFFFFFF80  }
0x84: {  	[spmem:s2] =	stream.indirect.scatter.add.f32 [tilespmem:s28], [sflag:$0x1], $0x1, s26, s19, $0xb8;
	[tilespmem:$0x13100] =	vst v63  }
0x85: {  	_ =	swait.ge [sflag:s17], $0x80  }
0x86: {  	[sflag:s17] =	ssyncset.done $0x0  }
0x87: {  	s26 =	simm.s32 $0x900;
	s28 =	simm.s32 $0x3100;
	[sflag:s17] =	ssyncadd.s32 $0xFFFFFF80  }
0x88: {  	[spmem:s2] =	stream.indirect.scatter.add.f32 [tilespmem:s28], [sflag:$0x1], $0x1, s26, s19, $0xb8;
	[tilespmem:$0x13100] =	vst v63  }
0x89: {  	_ =	swait.ge [sflag:s17], $0x80  }
0x8a: {  	[sflag:s17] =	ssyncset.done $0x0  }
0x8b: {  	s26 =	simm.s32 $0x980;
	s28 =	simm.s32 $0x3180;
	[sflag:s17] =	ssyncadd.s32 $0xFFFFFF80  }
0x8c: {  	[spmem:s2] =	stream.indirect.scatter.add.f32 [tilespmem:s28], [sflag:$0x1], $0x1, s26, s19, $0xb8;
	[tilespmem:$0x13100] =	vst v63  }
0x8d: {  	_ =	swait.ge [sflag:s17], $0x80  }
0x8e: {  	[sflag:s17] =	ssyncset.done $0x0  }
0x8f: {  	s26 =	simm.s32 $0xA00;
	s28 =	simm.s32 $0x3200;
	[sflag:s17] =	ssyncadd.s32 $0xFFFFFF80  }
0x90: {  	[spmem:s2] =	stream.indirect.scatter.add.f32 [tilespmem:s28], [sflag:$0x1], $0x1, s26, s19, $0xb8;
	[tilespmem:$0x13100] =	vst v63  }
0x91: {  	_ =	swait.ge [sflag:s17], $0x80  }
0x92: {  	[sflag:s17] =	ssyncset.done $0x0  }
0x93: {  	s26 =	simm.s32 $0xA80;
	s28 =	simm.s32 $0x3280;
	[sflag:s17] =	ssyncadd.s32 $0xFFFFFF80  }
0x94: {  	[spmem:s2] =	stream.indirect.scatter.add.f32 [tilespmem:s28], [sflag:$0x1], $0x1, s26, s19, $0xb8;
	[tilespmem:$0x13100] =	vst v63  }
0x95: {  	_ =	swait.ge [sflag:s17], $0x80  }
0x96: {  	[sflag:s17] =	ssyncset.done $0x0  }
0x97: {  	s26 =	simm.s32 $0xB00;
	s28 =	simm.s32 $0x3300;
	[sflag:s17] =	ssyncadd.s32 $0xFFFFFF80  }
0x98: {  	[spmem:s2] =	stream.indirect.scatter.add.f32 [tilespmem:s28], [sflag:$0x1], $0x1, s26, s19, $0xb8;
	[tilespmem:$0x13100] =	vst v63  }
0x99: {  	_ =	swait.ge [sflag:s17], $0x80  }
0x9a: {  	[sflag:s17] =	ssyncset.done $0x0  }
0x9b: {  	s26 =	simm.s32 $0xB80;
	s28 =	simm.s32 $0x3380;
	[sflag:s17] =	ssyncadd.s32 $0xFFFFFF80  }
0x9c: {  	[spmem:s2] =	stream.indirect.scatter.add.f32 [tilespmem:s28], [sflag:$0x1], $0x1, s26, s19, $0xb8;
	[tilespmem:$0x13100] =	vst v63  }
0x9d: {  	_ =	swait.ge [sflag:s17], $0x80  }
0x9e: {  	[sflag:s17] =	ssyncset.done $0x0  }
0x9f: {  	s26 =	simm.s32 $0xC00;
	s28 =	simm.s32 $0x3400;
	[sflag:s17] =	ssyncadd.s32 $0xFFFFFF80  }
0xa0: {  	[spmem:s2] =	stream.indirect.scatter.add.f32 [tilespmem:s28], [sflag:$0x1], $0x1, s26, s19, $0xb8;
	[tilespmem:$0x13100] =	vst v63  }
0xa1: {  	_ =	swait.ge [sflag:s17], $0x80  }
0xa2: {  	[sflag:s17] =	ssyncset.done $0x0  }
0xa3: {  	s26 =	simm.s32 $0xC80;
	s28 =	simm.s32 $0x3480;
	[sflag:s17] =	ssyncadd.s32 $0xFFFFFF80  }
0xa4: {  	[spmem:s2] =	stream.indirect.scatter.add.f32 [tilespmem:s28], [sflag:$0x1], $0x1, s26, s19, $0xb8;
	[tilespmem:$0x13100] =	vst v63  }
0xa5: {  	_ =	swait.ge [sflag:s17], $0x80  }
0xa6: {  	[sflag:s17] =	ssyncset.done $0x0  }
0xa7: {  	s26 =	simm.s32 $0xD00;
	s28 =	simm.s32 $0x3500;
	[sflag:s17] =	ssyncadd.s32 $0xFFFFFF80  }
0xa8: {  	[spmem:s2] =	stream.indirect.scatter.add.f32 [tilespmem:s28], [sflag:$0x1], $0x1, s26, s19, $0xb8;
	[tilespmem:$0x13100] =	vst v63  }
0xa9: {  	_ =	swait.ge [sflag:s17], $0x80  }
0xaa: {  	[sflag:s17] =	ssyncset.done $0x0  }
0xab: {  	s26 =	simm.s32 $0xD80;
	s28 =	simm.s32 $0x3580;
	[sflag:s17] =	ssyncadd.s32 $0xFFFFFF80  }
0xac: {  	[spmem:s2] =	stream.indirect.scatter.add.f32 [tilespmem:s28], [sflag:$0x1], $0x1, s26, s19, $0xb8;
	[tilespmem:$0x13100] =	vst v63  }
0xad: {  	_ =	swait.ge [sflag:s17], $0x80  }
0xae: {  	[sflag:s17] =	ssyncset.done $0x0  }
0xaf: {  	s26 =	simm.s32 $0xE00;
	s28 =	simm.s32 $0x3600;
	[sflag:s17] =	ssyncadd.s32 $0xFFFFFF80  }
0xb0: {  	[spmem:s2] =	stream.indirect.scatter.add.f32 [tilespmem:s28], [sflag:$0x1], $0x1, s26, s19, $0xb8;
	[tilespmem:$0x13100] =	vst v63  }
0xb1: {  	_ =	swait.ge [sflag:s17], $0x80  }
0xb2: {  	[sflag:s17] =	ssyncset.done $0x0  }
0xb3: {  	s26 =	simm.s32 $0xE80;
	s28 =	simm.s32 $0x3680;
	[sflag:s17] =	ssyncadd.s32 $0xFFFFFF80  }
0xb4: {  	[spmem:s2] =	stream.indirect.scatter.add.f32 [tilespmem:s28], [sflag:$0x1], $0x1, s26, s19, $0xb8;
	[tilespmem:$0x13100] =	vst v63  }
0xb5: {  	_ =	swait.ge [sflag:s17], $0x80  }
0xb6: {  	[sflag:s17] =	ssyncset.done $0x0  }
0xb7: {  	s26 =	simm.s32 $0xF00;
	s28 =	simm.s32 $0x3700;
	[sflag:s17] =	ssyncadd.s32 $0xFFFFFF80  }
0xb8: {  	[spmem:s2] =	stream.indirect.scatter.add.f32 [tilespmem:s28], [sflag:$0x1], $0x1, s26, s19, $0xb8;
	[tilespmem:$0x13100] =	vst v63  }
0xb9: {  	_ =	swait.ge [sflag:s17], $0x80  }
0xba: {  	[sflag:s17] =	ssyncset.done $0x0  }
0xbb: {  	s26 =	simm.s32 $0xF80;
	s28 =	simm.s32 $0x3780;
	[sflag:s17] =	ssyncadd.s32 $0xFFFFFF80  }
0xbc: {  	[spmem:s2] =	stream.indirect.scatter.add.f32 [tilespmem:s28], [sflag:$0x1], $0x1, s26, s19, $0xb8;
	[tilespmem:$0x13100] =	vst v63  }
0xbd: {  	_ =	swait.ge [sflag:s17], $0x80  }
0xbe: {  	[sflag:s17] =	ssyncset.done $0x0  }
0xbf: {  	s26 =	simm.s32 $0x1000;
	s28 =	simm.s32 $0x3800;
	[sflag:s17] =	ssyncadd.s32 $0xFFFFFF80  }
0xc0: {  	[spmem:s2] =	stream.indirect.scatter.add.f32 [tilespmem:s28], [sflag:$0x1], $0x1, s26, s19, $0xb8;
	[tilespmem:$0x13100] =	vst v63  }
0xc1: {  	_ =	swait.ge [sflag:s17], $0x80  }
0xc2: {  	[sflag:s17] =	ssyncset.done $0x0  }
0xc3: {  	s26 =	simm.s32 $0x1080;
	s28 =	simm.s32 $0x3880;
	[sflag:s17] =	ssyncadd.s32 $0xFFFFFF80  }
0xc4: {  	[spmem:s2] =	stream.indirect.scatter.add.f32 [tilespmem:s28], [sflag:$0x1], $0x1, s26, s19, $0xb8;
	[tilespmem:$0x13100] =	vst v63  }
0xc5: {  	_ =	swait.ge [sflag:s17], $0x80  }
0xc6: {  	[sflag:s17] =	ssyncset.done $0x0  }
0xc7: {  	s26 =	simm.s32 $0x1100;
	s28 =	simm.s32 $0x3900;
	[sflag:s17] =	ssyncadd.s32 $0xFFFFFF80  }
0xc8: {  	[spmem:s2] =	stream.indirect.scatter.add.f32 [tilespmem:s28], [sflag:$0x1], $0x1, s26, s19, $0xb8;
	[tilespmem:$0x13100] =	vst v63  }
0xc9: {  	_ =	swait.ge [sflag:s17], $0x80  }
0xca: {  	[sflag:s17] =	ssyncset.done $0x0  }
0xcb: {  	s26 =	simm.s32 $0x1180;
	s28 =	simm.s32 $0x3980;
	[sflag:s17] =	ssyncadd.s32 $0xFFFFFF80  }
0xcc: {  	[spmem:s2] =	stream.indirect.scatter.add.f32 [tilespmem:s28], [sflag:$0x1], $0x1, s26, s19, $0xb8;
	[tilespmem:$0x13100] =	vst v63  }
0xcd: {  	_ =	swait.ge [sflag:s17], $0x80  }
0xce: {  	[sflag:s17] =	ssyncset.done $0x0  }
0xcf: {  	s26 =	simm.s32 $0x1200;
	s28 =	simm.s32 $0x3A00;
	[sflag:s17] =	ssyncadd.s32 $0xFFFFFF80  }
0xd0: {  	[spmem:s2] =	stream.indirect.scatter.add.f32 [tilespmem:s28], [sflag:$0x1], $0x1, s26, s19, $0xb8;
	[tilespmem:$0x13100] =	vst v63  }
0xd1: {  	_ =	swait.ge [sflag:s17], $0x80  }
0xd2: {  	[sflag:s17] =	ssyncset.done $0x0  }
0xd3: {  	s26 =	simm.s32 $0x1280;
	s28 =	simm.s32 $0x3A80;
	[sflag:s17] =	ssyncadd.s32 $0xFFFFFF80  }
0xd4: {  	[spmem:s2] =	stream.indirect.scatter.add.f32 [tilespmem:s28], [sflag:$0x1], $0x1, s26, s19, $0xb8;
	[tilespmem:$0x13100] =	vst v63  }
0xd5: {  	_ =	swait.ge [sflag:s17], $0x80  }
0xd6: {  	[sflag:s17] =	ssyncset.done $0x0  }
0xd7: {  	s26 =	simm.s32 $0x1300;
	s28 =	simm.s32 $0x3B00;
	[sflag:s17] =	ssyncadd.s32 $0xFFFFFF80  }
0xd8: {  	[spmem:s2] =	stream.indirect.scatter.add.f32 [tilespmem:s28], [sflag:$0x1], $0x1, s26, s19, $0xb8;
	[tilespmem:$0x13100] =	vst v63  }
0xd9: {  	_ =	swait.ge [sflag:s17], $0x80  }
0xda: {  	[sflag:s17] =	ssyncset.done $0x0  }
0xdb: {  	s26 =	simm.s32 $0x1380;
	s28 =	simm.s32 $0x3B80;
	[sflag:s17] =	ssyncadd.s32 $0xFFFFFF80  }
0xdc: {  	[spmem:s2] =	stream.indirect.scatter.add.f32 [tilespmem:s28], [sflag:$0x1], $0x1, s26, s19, $0xb8;
	[tilespmem:$0x13100] =	vst v63  }
0xdd: {  	_ =	swait.ge [sflag:s17], $0x80  }
0xde: {  	[sflag:s17] =	ssyncset.done $0x0  }
0xdf: {  	s26 =	simm.s32 $0x1400;
	s28 =	simm.s32 $0x3C00;
	[sflag:s17] =	ssyncadd.s32 $0xFFFFFF80  }
0xe0: {  	[spmem:s2] =	stream.indirect.scatter.add.f32 [tilespmem:s28], [sflag:$0x1], $0x1, s26, s19, $0xb8;
	[tilespmem:$0x13100] =	vst v63  }
0xe1: {  	_ =	swait.ge [sflag:s17], $0x80  }
0xe2: {  	[sflag:s17] =	ssyncset.done $0x0  }
0xe3: {  	s26 =	simm.s32 $0x1480;
	s28 =	simm.s32 $0x3C80;
	[sflag:s17] =	ssyncadd.s32 $0xFFFFFF80  }
0xe4: {  	[spmem:s2] =	stream.indirect.scatter.add.f32 [tilespmem:s28], [sflag:$0x1], $0x1, s26, s19, $0xb8;
	[tilespmem:$0x13100] =	vst v63  }
0xe5: {  	_ =	swait.ge [sflag:s17], $0x80  }
0xe6: {  	[sflag:s17] =	ssyncset.done $0x0  }
0xe7: {  	s26 =	simm.s32 $0x1500;
	s28 =	simm.s32 $0x3D00;
	[sflag:s17] =	ssyncadd.s32 $0xFFFFFF80  }
0xe8: {  	[spmem:s2] =	stream.indirect.scatter.add.f32 [tilespmem:s28], [sflag:$0x1], $0x1, s26, s19, $0xb8;
	[tilespmem:$0x13100] =	vst v63  }
0xe9: {  	_ =	swait.ge [sflag:s17], $0x80  }
0xea: {  	[sflag:s17] =	ssyncset.done $0x0  }
0xeb: {  	s26 =	simm.s32 $0x1580;
	s28 =	simm.s32 $0x3D80;
	[sflag:s17] =	ssyncadd.s32 $0xFFFFFF80  }
0xec: {  	[spmem:s2] =	stream.indirect.scatter.add.f32 [tilespmem:s28], [sflag:$0x1], $0x1, s26, s19, $0xb8;
	[tilespmem:$0x13100] =	vst v63  }
0xed: {  	_ =	swait.ge [sflag:s17], $0x80  }
0xee: {  	[sflag:s17] =	ssyncset.done $0x0  }
0xef: {  	s26 =	simm.s32 $0x1600;
	s28 =	simm.s32 $0x3E00;
	[sflag:s17] =	ssyncadd.s32 $0xFFFFFF80  }
0xf0: {  	[spmem:s2] =	stream.indirect.scatter.add.f32 [tilespmem:s28], [sflag:$0x1], $0x1, s26, s19, $0xb8;
	[tilespmem:$0x13100] =	vst v63  }
0xf1: {  	_ =	swait.ge [sflag:s17], $0x80  }
0xf2: {  	[sflag:s17] =	ssyncset.done $0x0  }
0xf3: {  	s26 =	simm.s32 $0x1680;
	s28 =	simm.s32 $0x3E80;
	[sflag:s17] =	ssyncadd.s32 $0xFFFFFF80  }
0xf4: {  	[spmem:s2] =	stream.indirect.scatter.add.f32 [tilespmem:s28], [sflag:$0x1], $0x1, s26, s19, $0xb8;
	[tilespmem:$0x13100] =	vst v63  }
0xf5: {  	_ =	swait.ge [sflag:s17], $0x80  }
0xf6: {  	[sflag:s17] =	ssyncset.done $0x0  }
0xf7: {  	s26 =	simm.s32 $0x1700;
	s28 =	simm.s32 $0x3F00;
	[sflag:s17] =	ssyncadd.s32 $0xFFFFFF80  }
0xf8: {  	[spmem:s2] =	stream.indirect.scatter.add.f32 [tilespmem:s28], [sflag:$0x1], $0x1, s26, s19, $0xb8;
	[tilespmem:$0x13100] =	vst v63  }
0xf9: {  	_ =	swait.ge [sflag:s17], $0x80  }
0xfa: {  	[sflag:s17] =	ssyncset.done $0x0  }
0xfb: {  	s26 =	simm.s32 $0x1780;
	s28 =	simm.s32 $0x3F80;
	[sflag:s17] =	ssyncadd.s32 $0xFFFFFF80  }
0xfc: {  	[spmem:s2] =	stream.indirect.scatter.add.f32 [tilespmem:s28], [sflag:$0x1], $0x1, s26, s19, $0xb8;
	[tilespmem:$0x13100] =	vst v63  }
0xfd: {  	_ =	swait.ge [sflag:s17], $0x80  }
0xfe: {  	[sflag:s17] =	ssyncset.done $0x0  }
0xff: {  	s26 =	simm.s32 $0x1800;
	s28 =	simm.s32 $0x4000;
	[sflag:s17] =	ssyncadd.s32 $0xFFFFFF80  }
0x100: {  	[spmem:s2] =	stream.indirect.scatter.add.f32 [tilespmem:s28], [sflag:$0x1], $0x1, s26, s19, $0xb8;
	[tilespmem:$0x13100] =	vst v63  }
0x101: {  	_ =	swait.ge [sflag:s17], $0x80  }
0x102: {  	[sflag:s17] =	ssyncset.done $0x0  }
0x103: {  	s26 =	simm.s32 $0x1880;
	s28 =	simm.s32 $0x4080;
	[sflag:s17] =	ssyncadd.s32 $0xFFFFFF80  }
0x104: {  	[spmem:s2] =	stream.indirect.scatter.add.f32 [tilespmem:s28], [sflag:$0x1], $0x1, s26, s19, $0xb8;
	[tilespmem:$0x13100] =	vst v63  }
0x105: {  	_ =	swait.ge [sflag:s17], $0x80  }
0x106: {  	[sflag:s17] =	ssyncset.done $0x0  }
0x107: {  	s26 =	simm.s32 $0x1900;
	s28 =	simm.s32 $0x4100;
	[sflag:s17] =	ssyncadd.s32 $0xFFFFFF80  }
0x108: {  	[spmem:s2] =	stream.indirect.scatter.add.f32 [tilespmem:s28], [sflag:$0x1], $0x1, s26, s19, $0xb8;
	[tilespmem:$0x13100] =	vst v63  }
0x109: {  	_ =	swait.ge [sflag:s17], $0x80  }
0x10a: {  	[sflag:s17] =	ssyncset.done $0x0  }
0x10b: {  	s26 =	simm.s32 $0x1980;
	s28 =	simm.s32 $0x4180;
	[sflag:s17] =	ssyncadd.s32 $0xFFFFFF80  }
0x10c: {  	[spmem:s2] =	stream.indirect.scatter.add.f32 [tilespmem:s28], [sflag:$0x1], $0x1, s26, s19, $0xb8;
	[tilespmem:$0x13100] =	vst v63  }
0x10d: {  	_ =	swait.ge [sflag:s17], $0x80  }
0x10e: {  	[sflag:s17] =	ssyncset.done $0x0  }
0x10f: {  	s26 =	simm.s32 $0x1A00;
	s28 =	simm.s32 $0x4200;
	[sflag:s17] =	ssyncadd.s32 $0xFFFFFF80  }
0x110: {  	[spmem:s2] =	stream.indirect.scatter.add.f32 [tilespmem:s28], [sflag:$0x1], $0x1, s26, s19, $0xb8;
	[tilespmem:$0x13100] =	vst v63  }
0x111: {  	_ =	swait.ge [sflag:s17], $0x80  }
0x112: {  	[sflag:s17] =	ssyncset.done $0x0  }
0x113: {  	s26 =	simm.s32 $0x1A80;
	s28 =	simm.s32 $0x4280;
	[sflag:s17] =	ssyncadd.s32 $0xFFFFFF80  }
0x114: {  	[spmem:s2] =	stream.indirect.scatter.add.f32 [tilespmem:s28], [sflag:$0x1], $0x1, s26, s19, $0xb8;
	[tilespmem:$0x13100] =	vst v63  }
0x115: {  	_ =	swait.ge [sflag:s17], $0x80  }
0x116: {  	[sflag:s17] =	ssyncset.done $0x0  }
0x117: {  	s26 =	simm.s32 $0x1B00;
	s28 =	simm.s32 $0x4300;
	[sflag:s17] =	ssyncadd.s32 $0xFFFFFF80  }
0x118: {  	[spmem:s2] =	stream.indirect.scatter.add.f32 [tilespmem:s28], [sflag:$0x1], $0x1, s26, s19, $0xb8;
	[tilespmem:$0x13100] =	vst v63  }
0x119: {  	_ =	swait.ge [sflag:s17], $0x80  }
0x11a: {  	[sflag:s17] =	ssyncset.done $0x0  }
0x11b: {  	s26 =	simm.s32 $0x1B80;
	s28 =	simm.s32 $0x4380;
	[sflag:s17] =	ssyncadd.s32 $0xFFFFFF80  }
0x11c: {  	[spmem:s2] =	stream.indirect.scatter.add.f32 [tilespmem:s28], [sflag:$0x1], $0x1, s26, s19, $0xb8;
	[tilespmem:$0x13100] =	vst v63  }
0x11d: {  	_ =	swait.ge [sflag:s17], $0x80  }
0x11e: {  	[sflag:s17] =	ssyncset.done $0x0  }
0x11f: {  	s26 =	simm.s32 $0x1C00;
	s28 =	simm.s32 $0x4400;
	[sflag:s17] =	ssyncadd.s32 $0xFFFFFF80  }
0x120: {  	[spmem:s2] =	stream.indirect.scatter.add.f32 [tilespmem:s28], [sflag:$0x1], $0x1, s26, s19, $0xb8;
	[tilespmem:$0x13100] =	vst v63  }
0x121: {  	_ =	swait.ge [sflag:s17], $0x80  }
0x122: {  	[sflag:s17] =	ssyncset.done $0x0  }
0x123: {  	s26 =	simm.s32 $0x1C80;
	s28 =	simm.s32 $0x4480;
	[sflag:s17] =	ssyncadd.s32 $0xFFFFFF80  }
0x124: {  	[spmem:s2] =	stream.indirect.scatter.add.f32 [tilespmem:s28], [sflag:$0x1], $0x1, s26, s19, $0xb8;
	[tilespmem:$0x13100] =	vst v63  }
0x125: {  	_ =	swait.ge [sflag:s17], $0x80  }
0x126: {  	[sflag:s17] =	ssyncset.done $0x0  }
0x127: {  	s26 =	simm.s32 $0x1D00;
	s28 =	simm.s32 $0x4500;
	[sflag:s17] =	ssyncadd.s32 $0xFFFFFF80  }
0x128: {  	[spmem:s2] =	stream.indirect.scatter.add.f32 [tilespmem:s28], [sflag:$0x1], $0x1, s26, s19, $0xb8;
	[tilespmem:$0x13100] =	vst v63  }
0x129: {  	_ =	swait.ge [sflag:s17], $0x80  }
0x12a: {  	[sflag:s17] =	ssyncset.done $0x0  }
0x12b: {  	s26 =	simm.s32 $0x1D80;
	s28 =	simm.s32 $0x4580;
	[sflag:s17] =	ssyncadd.s32 $0xFFFFFF80  }
0x12c: {  	[spmem:s2] =	stream.indirect.scatter.add.f32 [tilespmem:s28], [sflag:$0x1], $0x1, s26, s19, $0xb8;
	[tilespmem:$0x13100] =	vst v63  }
0x12d: {  	_ =	swait.ge [sflag:s17], $0x80  }
0x12e: {  	[sflag:s17] =	ssyncset.done $0x0  }
0x12f: {  	s26 =	simm.s32 $0x1E00;
	s28 =	simm.s32 $0x4600;
	[sflag:s17] =	ssyncadd.s32 $0xFFFFFF80  }
0x130: {  	[spmem:s2] =	stream.indirect.scatter.add.f32 [tilespmem:s28], [sflag:$0x1], $0x1, s26, s19, $0xb8;
	[tilespmem:$0x13100] =	vst v63  }
0x131: {  	_ =	swait.ge [sflag:s17], $0x80  }
0x132: {  	[sflag:s17] =	ssyncset.done $0x0  }
0x133: {  	s26 =	simm.s32 $0x1E80;
	s28 =	simm.s32 $0x4680;
	[sflag:s17] =	ssyncadd.s32 $0xFFFFFF80  }
0x134: {  	[spmem:s2] =	stream.indirect.scatter.add.f32 [tilespmem:s28], [sflag:$0x1], $0x1, s26, s19, $0xb8;
	[tilespmem:$0x13100] =	vst v63  }
0x135: {  	_ =	swait.ge [sflag:s17], $0x80  }
0x136: {  	[sflag:s17] =	ssyncset.done $0x0  }
0x137: {  	s26 =	simm.s32 $0x1F00;
	s28 =	simm.s32 $0x4700;
	[sflag:s17] =	ssyncadd.s32 $0xFFFFFF80  }
0x138: {  	[spmem:s2] =	stream.indirect.scatter.add.f32 [tilespmem:s28], [sflag:$0x1], $0x1, s26, s19, $0xb8;
	[tilespmem:$0x13100] =	vst v63  }
0x139: {  	_ =	swait.ge [sflag:s17], $0x80  }
0x13a: {  	[sflag:s17] =	ssyncset.done $0x0  }
0x13b: {  	s26 =	simm.s32 $0x1F80;
	s28 =	simm.s32 $0x4780;
	[sflag:s17] =	ssyncadd.s32 $0xFFFFFF80  }
0x13c: {  	[spmem:s2] =	stream.indirect.scatter.add.f32 [tilespmem:s28], [sflag:$0x1], $0x1, s26, s19, $0xb8;
	[tilespmem:$0x13100] =	vst v63  }
0x13d: {  	_ =	swait.ge [sflag:s17], $0x80  }
0x13e: {  	[sflag:s17] =	ssyncset.done $0x0  }
0x13f: {  	s26 =	simm.s32 $0x2000;
	s28 =	simm.s32 $0x4800;
	[sflag:s17] =	ssyncadd.s32 $0xFFFFFF80  }
0x140: {  	[spmem:s2] =	stream.indirect.scatter.add.f32 [tilespmem:s28], [sflag:$0x1], $0x1, s26, s19, $0xb8;
	[tilespmem:$0x13100] =	vst v63  }
0x141: {  	_ =	swait.ge [sflag:s17], $0x80  }
0x142: {  	[sflag:s17] =	ssyncset.done $0x0  }
0x143: {  	s26 =	simm.s32 $0x2080;
	s28 =	simm.s32 $0x4880;
	[sflag:s17] =	ssyncadd.s32 $0xFFFFFF80  }
0x144: {  	[spmem:s2] =	stream.indirect.scatter.add.f32 [tilespmem:s28], [sflag:$0x1], $0x1, s26, s19, $0xb8;
	[tilespmem:$0x13100] =	vst v63  }
0x145: {  	_ =	swait.ge [sflag:s17], $0x80  }
0x146: {  	[sflag:s17] =	ssyncset.done $0x0  }
0x147: {  	s26 =	simm.s32 $0x2100;
	s28 =	simm.s32 $0x4900;
	[sflag:s17] =	ssyncadd.s32 $0xFFFFFF80  }
0x148: {  	[spmem:s2] =	stream.indirect.scatter.add.f32 [tilespmem:s28], [sflag:$0x1], $0x1, s26, s19, $0xb8;
	[tilespmem:$0x13100] =	vst v63  }
0x149: {  	_ =	swait.ge [sflag:s17], $0x80  }
0x14a: {  	[sflag:s17] =	ssyncset.done $0x0  }
0x14b: {  	s26 =	simm.s32 $0x2180;
	s28 =	simm.s32 $0x4980;
	[sflag:s17] =	ssyncadd.s32 $0xFFFFFF80  }
0x14c: {  	[spmem:s2] =	stream.indirect.scatter.add.f32 [tilespmem:s28], [sflag:$0x1], $0x1, s26, s19, $0xb8;
	[tilespmem:$0x13100] =	vst v63  }
0x14d: {  	_ =	swait.ge [sflag:s17], $0x80  }
0x14e: {  	[sflag:s17] =	ssyncset.done $0x0  }
0x14f: {  	s26 =	simm.s32 $0x2200;
	s28 =	simm.s32 $0x4A00;
	[sflag:s17] =	ssyncadd.s32 $0xFFFFFF80  }
0x150: {  	[spmem:s2] =	stream.indirect.scatter.add.f32 [tilespmem:s28], [sflag:$0x1], $0x1, s26, s19, $0xb8;
	[tilespmem:$0x13100] =	vst v63  }
0x151: {  	_ =	swait.ge [sflag:s17], $0x80  }
0x152: {  	[sflag:s17] =	ssyncset.done $0x0  }
0x153: {  	s26 =	simm.s32 $0x2280;
	s28 =	simm.s32 $0x4A80;
	[sflag:s17] =	ssyncadd.s32 $0xFFFFFF80  }
0x154: {  	[spmem:s2] =	stream.indirect.scatter.add.f32 [tilespmem:s28], [sflag:$0x1], $0x1, s26, s19, $0xb8;
	[tilespmem:$0x13100] =	vst v63  }
0x155: {  	_ =	swait.ge [sflag:s17], $0x80  }
0x156: {  	[sflag:s17] =	ssyncset.done $0x0  }
0x157: {  	[sflag:s17] =	ssyncadd.s32 $0xFFFFFF80  }
0x158: {  	[spmem:s2] =	stream.indirect.scatter.add.f32 [tilespmem:s0], [sflag:$0x1], $0x1, s29, s19, $0xb8;
	[tilespmem:$0x13100] =	vst v63  }
0x159: {  	_ =	swait.ge [sflag:s17], $0x80  }
0x15a: {  	[sflag:s17] =	ssyncset.done $0x0  }
0x15b: {  	[sflag:s17] =	ssyncadd.s32 $0xFFFFFF80  }
0x15c: {  	[spmem:s2] =	stream.indirect.scatter.add.f32 [tilespmem:s31], [sflag:$0x1], $0x1, s30, s19, $0xb8;
	[tilespmem:$0x13100] =	vst v63  }
0x15d: {  	_ =	swait.ge [sflag:s17], $0x80  }
0x15e: {  	[sflag:s17] =	ssyncset.done $0x0  }
0x15f: {  	[sflag:s17] =	ssyncadd.s32 $0xFFFFFF80  }
0x160: {  	[spmem:s2] =	stream.indirect.scatter.add.f32 [tilespmem:s20], [sflag:$0x1], $0x1, s1, s19, $0xb8;
	[tilespmem:$0x13100] =	vst v63  }
0x161: {  	_ =	swait.ge [sflag:s17], $0x80  }
0x162: {  	[sflag:s17] =	ssyncset.done $0x0  }
0x163: {  	[sflag:s17] =	ssyncadd.s32 $0xFFFFFF80  }
0x164: {  	[spmem:s2] =	stream.indirect.scatter.add.f32 [tilespmem:s22], [sflag:$0x1], $0x1, s21, s19, $0xb8;
	[tilespmem:$0x13100] =	vst v63  }
0x165: {  	_ =	swait.ge [sflag:s17], $0x80  }
0x166: {  	[sflag:s17] =	ssyncset.done $0x0  }
0x167: {  	[sflag:s17] =	ssyncadd.s32 $0xFFFFFF80  }
0x168: {  	[spmem:s2] =	stream.indirect.scatter.add.f32 [tilespmem:s24], [sflag:$0x1], $0x1, s23, s19, $0xb8;
	[tilespmem:$0x13100] =	vst v63  }
0x169: {  	s25 =	sadd.s32 $0x1, s25;
	_ =	swait.ge [sflag:s17], $0x80  }
0x16a: {  	p0 =	sne.s32 s25, s15;
	s28 =	stileid.u32;
	[sflag:s17] =	ssyncset.done $0x0  }
0x16b: {  	s26 =	sshll.u32 s28, $0x6;
	s28 =	sshrl.u32 s4, $0x3;
	[sflag:s17] =	ssyncadd.s32 $0xFFFFFF80  }
.Ltmp1:
0x16c: {  	s26 =	sor.u32 $0x1C01, s26;
	[bflag:$0x0] =	sbarrier.arrive $0xFFFF;
	(pc) =	sbr.rel @p0 .LBB2_1-.Ltmp1, $4  }
0x16d: {  	[hbm:s14], [sflag:s26] =	dma.local [spmem:s28], $0x1900  }
0x16e: {  	_ =	swait.ge [sflag:s17], $0x1900  }
0x16f: {  	[sflag:s17] =	ssyncset.done $0x0  }
0x170: {  	[sflag:s17] =	ssyncadd.s32 $0xFFFFE700  }
0x171: {  	_ =	sfence.sel $0x180000  }
0x172: {  	[bflag:$0x0] =	sbarrier.arrive $0xFFFF  }
0x173: {  	_ =	strace $0x90000047  }
0x174: {  	s0 =	stileid.u32;
	[bflag:$0x2] =	sbarrier.arrive $0xFFFF  }
0x175: {  	p0 =	sne.s32 s0, $0x0;
	s0 =	rddreg [dreg:$0x2]  }
0x176: {  	s0 =	sadd.s32 @!p0 $0x100000, s0  }
0x177: {  	[sflag:s0] =	ssyncadd.tile.s32 @!p0 $0x1;
	_ =	shalt  }
.Lfunc_end2:
_tile_overlayer_lowered:
.L_overlay_start_2:
0x178: {  	(tag) =	ssettag $0x2  }
0x179: {  	s0 =	rddreg [dreg:$0x0];
	s2 =	stileid.u32  }
0x17a: {  	s1 =	rddreg [dreg:$0x1];
	p0 =	sne.s32 s2, $0x0  }
0x17b: {  	s3 =	rddreg [dreg:$0x2];
	[bflag:$0x3] =	sbarrier.arrive $0xFFFF;
	s2 =	simm.s32 @!p0 $0x1C01  }
0x17c: {  	[timem:s3], [sflag:s2] =	dma.local @!p0 [hbm:s0], s1  }
0x17d: {  	s0 =	simm.s32 @!p0 $0x1  }
0x17e: {  	_ =	swait.ge @!p0 [sflag:s0], s1  }
0x17f: {  	s1 =	ssub.s32 @!p0 $0x0, s1;
	[sflag:s0] =	ssyncset.done @!p0 $0x0  }
0x180: {  	[sflag:s0] =	ssyncadd.s32 @!p0 s1  }
0x181: {  	[bflag:$0x3] =	sbarrier.arrive $0xFFFF  }
0x182: {  	_ =	shalt  }

</sc_bundles>
